<compile_context>
chip_gen: v7x
topology: tpu7x:2x2x1
jax: 0.10.2.dev20260603
libtpu: 0.0.44.dev20260713+nightly
codegen_flags: <defaults>
</compile_context>

<pallas_src>
import functools

import jax
import jax.numpy as jnp
from jax import lax
from jax.experimental import pallas as pl
from jax.experimental.pallas import tpu as pltpu
from jax.experimental.pallas import tpu_sc as plsc

BATCH = 16384
FIELDS = 26
DIM = 64
VOCAB = 1000000
NROWS = BATCH * FIELDS
NPAIR = NROWS // 2

_INFO = plsc.get_sparse_core_info()
NC = _INFO.num_cores
NS = _INFO.num_subcores
NW = NC * NS
NSPLIT = 2
HROWS = NROWS // NSPLIT
HFIELDS = FIELDS // NSPLIT
ROWS_PER_W = HROWS // NW
CHUNK = 256
NCHUNK = ROWS_PER_W // CHUNK


def _project_body(xt_ref, w_ref, b_ref, o_ref):
    y = jax.lax.dot_general(
        xt_ref[...], w_ref[...], (((0,), (0,)), ((), ())),
        preferred_element_type=jnp.float32,
    )
    o_ref[:, 0:DIM] = y + b_ref[...]
    o_ref[:, DIM:2 * DIM] = jnp.zeros_like(y)


def _project_tc(table_t, W, b):
    bkv = 8192
    return pl.pallas_call(
        _project_body,
        grid=(VOCAB // bkv,),
        in_specs=[
            pl.BlockSpec((DIM, bkv), lambda i: (0, i)),
            pl.BlockSpec((DIM, DIM), lambda i: (0, 0)),
            pl.BlockSpec((1, DIM), lambda i: (0, 0)),
        ],
        out_specs=pl.BlockSpec((bkv, 2 * DIM), lambda i: (i, 0)),
        out_shape=jax.ShapeDtypeStruct((VOCAB, 2 * DIM), jnp.float32),
    )(table_t, W, b.reshape(1, DIM))


def _gather_sc(idx_flat, p_pad):
    mesh = plsc.VectorSubcoreMesh(core_axis_name="c", subcore_axis_name="s")

    @functools.partial(
        pl.kernel,
        mesh=mesh,
        compiler_params=pltpu.CompilerParams(use_tc_tiling_on_sc=True),
        out_type=jax.ShapeDtypeStruct((HROWS, 2 * DIM), jnp.float32),
        scratch_types=[
            pltpu.VMEM((ROWS_PER_W,), jnp.int32),
            pltpu.VMEM((CHUNK, 2 * DIM), jnp.float32),
            pltpu.VMEM((CHUNK, 2 * DIM), jnp.float32),
            pltpu.SemaphoreType.DMA,
            pltpu.SemaphoreType.DMA,
            pltpu.SemaphoreType.DMA,
            pltpu.SemaphoreType.DMA,
        ],
    )
    def k(idx_hbm, tab_hbm, out_hbm, idx_v, rows_a, rows_b, ga, gb, wa, wb):
        wid = lax.axis_index("s") * NC + lax.axis_index("c")
        base = wid * ROWS_PER_W
        pltpu.sync_copy(idx_hbm.at[pl.ds(base, ROWS_PER_W)], idx_v)
        bufs = (rows_a, rows_b)
        gsems = (ga, gb)
        wsems = (wa, wb)
        gd = [None, None]
        wd = [None, None]
        for j in range(NCHUNK):
            bsel = j % 2
            if wd[bsel] is not None:
                wd[bsel].wait()
            gd[bsel] = pltpu.async_copy(
                tab_hbm.at[idx_v.at[pl.ds(j * CHUNK, CHUNK)]],
                bufs[bsel], gsems[bsel],
            )
            if j >= 1:
                p = (j - 1) % 2
                gd[p].wait()
                wd[p] = pltpu.async_copy(
                    bufs[p], out_hbm.at[pl.ds(base + (j - 1) * CHUNK, CHUNK)],
                    wsems[p],
                )
        last = NCHUNK - 1
        bsel = last % 2
        gd[bsel].wait()
        pltpu.sync_copy(bufs[bsel], out_hbm.at[pl.ds(base + last * CHUNK, CHUNK)])
        wd[(last - 1) % 2].wait()

    return k(idx_flat, p_pad)


def _transpose_body(x_ref, oa_ref):
    oa_ref[0, :, :] = x_ref[:, 0:DIM].T


def _transpose_body_alias(x_ref, d_ref, oa_ref):
    del d_ref
    oa_ref[0, :, :] = x_ref[:, 0:DIM].T


def _transpose_tc(feats_h, donor, foff):
    bkb = 4096
    nj = BATCH // bkb
    out_shape = jax.ShapeDtypeStruct((FIELDS, DIM, BATCH), jnp.float32)
    x_spec = pl.BlockSpec((bkb, 2 * DIM), lambda k, j: (k * nj + j, 0))
    o_spec = pl.BlockSpec((1, DIM, bkb), lambda k, j: (k + foff, 0, j))
    if donor is None:
        return pl.pallas_call(
            _transpose_body,
            grid=(HFIELDS, nj),
            in_specs=[x_spec],
            out_specs=o_spec,
            out_shape=out_shape,
        )(feats_h)
    return pl.pallas_call(
        _transpose_body_alias,
        grid=(HFIELDS, nj),
        in_specs=[x_spec, pl.BlockSpec(memory_space=pl.ANY)],
        out_specs=o_spec,
        out_shape=out_shape,
        input_output_aliases={1: 0},
    )(feats_h, donor)


def kernel(indices, table, W, b):
    idx_f_major = jnp.transpose(indices).reshape(-1).astype(jnp.int32)
    p_pad = _project_tc(jnp.transpose(table), W, b)
    y = None
    for h in range(NSPLIT):
        idx_h = lax.slice(idx_f_major, (h * HROWS,), ((h + 1) * HROWS,))
        feats_h = _gather_sc(idx_h, p_pad)
        y = _transpose_tc(feats_h, y, h * HFIELDS)
    return jnp.transpose(y, (2, 0, 1))

# --- scband reference (transcript-rebuilt; emitter-appended) ---
"""Pipeline reference for scband-dist-embed-layer-73254962201300 (READ-ONLY COPY).

The authoritative reference and input builder live on the scoring server;
editing this copy changes nothing except your own understanding.
"""

import jax, jax.numpy as jnp
import numpy as np

VOCAB = 1000000
FEAT_DIM = 64
EMBED_SIZE = 64
BATCH = 16384
FIELDS = 26

def setup_inputs(seed: int = 0) -> dict:
    key = jax.random.key(seed)
    k_idx, k_tab, k_w = jax.random.split(key, 3)
    indices = jax.random.randint(k_idx, (BATCH, FIELDS), 0, VOCAB, dtype=jnp.int64 if jax.config.read('jax_enable_x64') else jnp.int32)
    # node feature table, uniform(-1, 1) as in init_emb
    table = jax.random.uniform(k_tab, (VOCAB, FEAT_DIM), dtype=jnp.float32, minval=-1.0, maxval=1.0)
    # xavier-uniform linear projection feat_dim -> embed_size
    limit = float(np.sqrt(6.0 / (FEAT_DIM + EMBED_SIZE)))
    W = jax.random.uniform(k_w, (FEAT_DIM, EMBED_SIZE), dtype=jnp.float32, minval=-limit, maxval=limit)
    b = jnp.zeros((EMBED_SIZE,), dtype=jnp.float32)
    return {"indices": indices, "table": table, "W": W, "b": b}

def reference(indices, table, W, b):
    # DistEmbedLayer forward: fetch node features for requested node ids,
    # then project to embed_size via per-ntype Linear (use_node_projs=True).
    feats = jnp.take(table, indices, axis=0)          # [B, F, feat_dim] gather (memory-bound)
    out = jnp.einsum('bfd,de->bfe', feats, W) + b     # node projection
    return out

if __name__ == "__main__":
    import jax
    _d = setup_inputs()
    print(jax.jit(kernel)(*tuple(_d.values())))

</pallas_src>

<mosaic_0001>
#map = affine_map<(d0, d1) -> (0)>
#map1 = affine_map<(d0, d1) -> (0, 0)>
module attributes {stable_mosaic.version = 14 : i64} {
  func.func @k(%arg0: i32, %arg1: i32, %arg2: memref<212992xi32, #tpu.memory_space<hbm>>, %arg3: memref<1000000x128xf32, #tpu.memory_space<hbm>>, %arg4: memref<212992x128xf32, #tpu.memory_space<hbm>>, %arg5: memref<6656xi32, #tpu.memory_space<vmem>>, %arg6: memref<256x128xf32, #tpu.memory_space<vmem>>, %arg7: memref<256x128xf32, #tpu.memory_space<vmem>>, %arg8: memref<!tpu.dma_semaphore, #tpu.memory_space<semaphore_mem>>, %arg9: memref<!tpu.dma_semaphore, #tpu.memory_space<semaphore_mem>>, %arg10: memref<!tpu.dma_semaphore, #tpu.memory_space<semaphore_mem>>, %arg11: memref<!tpu.dma_semaphore, #tpu.memory_space<semaphore_mem>>) attributes {dimension_semantics = [#tpu.dimension_semantics<core_parallel>, #tpu.dimension_semantics<subcore_parallel>], iteration_bounds = array<i64: 2, 16>, scalar_prefetch = 0 : i64, scratch_operands = 7 : i64, tpu.core_type = #tpu.core_type<sc_vector_subcore>, window_params = [{transform_indices = #map}, {transform_indices = #map1}, {transform_indices = #map1}]} {
    %mul3A = arith.constant 2 : i32
    %mul3A_0 = arith.muli %arg1, %mul3A : i32
    %add3A = arith.addi %mul3A_0, %arg0 : i32
    %mul3A_1 = arith.constant 6656 : i32
    %mul3A_2 = arith.muli %add3A, %mul3A_1 : i32
    "tpu.region"() ({
      %run_scoped3A = tpu.sem_alloc : memref<!tpu.dma_semaphore, #tpu.memory_space<semaphore_mem>>
      %dma_start3A_513 = tpu.memref_slice %arg2[%mul3A_2] : memref<212992xi32, #tpu.memory_space<hbm>> -> memref<6656xi32, #tpu.memory_space<hbm>>
      %dma_start3A_514 = tpu.memref_slice %arg2[%mul3A_2] : memref<212992xi32, #tpu.memory_space<hbm>> -> memref<6656xi32, #tpu.memory_space<hbm>>
      tpu.enqueue_dma source(%dma_start3A_514 : memref<6656xi32, #tpu.memory_space<hbm>>) target(%arg5 : memref<6656xi32, #tpu.memory_space<vmem>>) target_semaphore(%run_scoped3A : memref<!tpu.dma_semaphore, #tpu.memory_space<semaphore_mem>>)
      %dma_wait3A_515 = tpu.memref_slice %arg2[%mul3A_2] : memref<212992xi32, #tpu.memory_space<hbm>> -> memref<6656xi32, #tpu.memory_space<hbm>>
      %dma_wait3A_516 = tpu.memref_slice %arg2[%mul3A_2] : memref<212992xi32, #tpu.memory_space<hbm>> -> memref<6656xi32, #tpu.memory_space<hbm>>
      tpu.wait_dma2 semaphore(%run_scoped3A : memref<!tpu.dma_semaphore, #tpu.memory_space<semaphore_mem>>) src(%dma_wait3A_516 : memref<6656xi32, #tpu.memory_space<hbm>>) dst(%arg5 : memref<6656xi32, #tpu.memory_space<vmem>>)
      tpu.yield
    }) : () -> ()
    %dma_start3A = arith.constant 0 : i32
    %dma_start3A_3 = tpu.memref_slice %arg5[%dma_start3A] : memref<6656xi32, #tpu.memory_space<vmem>> -> memref<256xi32, #tpu.memory_space<vmem>>
    %dma_start3A_4 = arith.constant 0 : i32
    %dma_start3A_5 = arith.constant 0 : i32
    %dma_start3A_6 = tpu.memref_slice %arg3[%dma_start3A_4, %dma_start3A_5] : memref<1000000x128xf32, #tpu.memory_space<hbm>> -> memref<1000000x128xf32, #tpu.memory_space<hbm>>
    tpu.enqueue_indirect_dma source(%dma_start3A_6 : memref<1000000x128xf32, #tpu.memory_space<hbm>>) target(%arg6 : memref<256x128xf32, #tpu.memory_space<vmem>>) offsets(%dma_start3A_3 : memref<256xi32, #tpu.memory_space<vmem>>) semaphore(%arg8 : memref<!tpu.dma_semaphore, #tpu.memory_space<semaphore_mem>>)
    %dma_start3A_7 = arith.constant 256 : i32
    %dma_start3A_8 = tpu.memref_slice %arg5[%dma_start3A_7] : memref<6656xi32, #tpu.memory_space<vmem>> -> memref<256xi32, #tpu.memory_space<vmem>>
    %dma_start3A_9 = arith.constant 0 : i32
    %dma_start3A_10 = arith.constant 0 : i32
    %dma_start3A_11 = tpu.memref_slice %arg3[%dma_start3A_9, %dma_start3A_10] : memref<1000000x128xf32, #tpu.memory_space<hbm>> -> memref<1000000x128xf32, #tpu.memory_space<hbm>>
    tpu.enqueue_indirect_dma source(%dma_start3A_11 : memref<1000000x128xf32, #tpu.memory_space<hbm>>) target(%arg7 : memref<256x128xf32, #tpu.memory_space<vmem>>) offsets(%dma_start3A_8 : memref<256xi32, #tpu.memory_space<vmem>>) semaphore(%arg9 : memref<!tpu.dma_semaphore, #tpu.memory_space<semaphore_mem>>)
    %dma_wait3A = arith.constant 0 : i32
    %dma_wait3A_12 = tpu.memref_slice %arg5[%dma_wait3A] : memref<6656xi32, #tpu.memory_space<vmem>> -> memref<256xi32, #tpu.memory_space<vmem>>
    %dma_wait3A_13 = arith.constant 0 : i32
    %dma_wait3A_14 = arith.constant 0 : i32
    %dma_wait3A_15 = tpu.memref_slice %arg3[%dma_wait3A_13, %dma_wait3A_14] : memref<1000000x128xf32, #tpu.memory_space<hbm>> -> memref<1000000x128xf32, #tpu.memory_space<hbm>>
    tpu.wait_indirect_dma semaphore(%arg8 : memref<!tpu.dma_semaphore, #tpu.memory_space<semaphore_mem>>) src(%dma_wait3A_15 : memref<1000000x128xf32, #tpu.memory_space<hbm>>) dst(%arg6 : memref<256x128xf32, #tpu.memory_space<vmem>>)
    %add3A_16 = arith.constant 0 : i32
    %add3A_17 = arith.addi %mul3A_2, %add3A_16 : i32
    %dma_start3A_18 = arith.constant 0 : i32
    %dma_start3A_19 = tpu.memref_slice %arg4[%add3A_17, %dma_start3A_18] : memref<212992x128xf32, #tpu.memory_space<hbm>> -> memref<256x128xf32, #tpu.memory_space<hbm>>
    %dma_start3A_20 = arith.constant 0 : i32
    %dma_start3A_21 = tpu.memref_slice %arg4[%add3A_17, %dma_start3A_20] : memref<212992x128xf32, #tpu.memory_space<hbm>> -> memref<256x128xf32, #tpu.memory_space<hbm>>
    tpu.enqueue_dma source(%arg6 : memref<256x128xf32, #tpu.memory_space<vmem>>) target(%dma_start3A_21 : memref<256x128xf32, #tpu.memory_space<hbm>>) target_semaphore(%arg10 : memref<!tpu.dma_semaphore, #tpu.memory_space<semaphore_mem>>)
    %dma_wait3A_22 = arith.constant 0 : i32
    %dma_wait3A_23 = tpu.memref_slice %arg4[%add3A_17, %dma_wait3A_22] : memref<212992x128xf32, #tpu.memory_space<hbm>> -> memref<256x128xf32, #tpu.memory_space<hbm>>
    %dma_wait3A_24 = arith.constant 0 : i32
    %dma_wait3A_25 = tpu.memref_slice %arg4[%add3A_17, %dma_wait3A_24] : memref<212992x128xf32, #tpu.memory_space<hbm>> -> memref<256x128xf32, #tpu.memory_space<hbm>>
    tpu.wait_dma2 semaphore(%arg10 : memref<!tpu.dma_semaphore, #tpu.memory_space<semaphore_mem>>) src(%arg6 : memref<256x128xf32, #tpu.memory_space<vmem>>) dst(%dma_wait3A_25 : memref<256x128xf32, #tpu.memory_space<hbm>>)
    %dma_start3A_26 = arith.constant 512 : i32
    %dma_start3A_27 = tpu.memref_slice %arg5[%dma_start3A_26] : memref<6656xi32, #tpu.memory_space<vmem>> -> memref<256xi32, #tpu.memory_space<vmem>>
    %dma_start3A_28 = arith.constant 0 : i32
    %dma_start3A_29 = arith.constant 0 : i32
    %dma_start3A_30 = tpu.memref_slice %arg3[%dma_start3A_28, %dma_start3A_29] : memref<1000000x128xf32, #tpu.memory_space<hbm>> -> memref<1000000x128xf32, #tpu.memory_space<hbm>>
    tpu.enqueue_indirect_dma source(%dma_start3A_30 : memref<1000000x128xf32, #tpu.memory_space<hbm>>) target(%arg6 : memref<256x128xf32, #tpu.memory_space<vmem>>) offsets(%dma_start3A_27 : memref<256xi32, #tpu.memory_space<vmem>>) semaphore(%arg8 : memref<!tpu.dma_semaphore, #tpu.memory_space<semaphore_mem>>)
    %dma_wait3A_31 = arith.constant 256 : i32
    %dma_wait3A_32 = tpu.memref_slice %arg5[%dma_wait3A_31] : memref<6656xi32, #tpu.memory_space<vmem>> -> memref<256xi32, #tpu.memory_space<vmem>>
    %dma_wait3A_33 = arith.constant 0 : i32
    %dma_wait3A_34 = arith.constant 0 : i32
    %dma_wait3A_35 = tpu.memref_slice %arg3[%dma_wait3A_33, %dma_wait3A_34] : memref<1000000x128xf32, #tpu.memory_space<hbm>> -> memref<1000000x128xf32, #tpu.memory_space<hbm>>
    tpu.wait_indirect_dma semaphore(%arg9 : memref<!tpu.dma_semaphore, #tpu.memory_space<semaphore_mem>>) src(%dma_wait3A_35 : memref<1000000x128xf32, #tpu.memory_space<hbm>>) dst(%arg7 : memref<256x128xf32, #tpu.memory_space<vmem>>)
    %add3A_36 = arith.constant 256 : i32
    %add3A_37 = arith.addi %mul3A_2, %add3A_36 : i32
    %dma_start3A_38 = arith.constant 0 : i32
    %dma_start3A_39 = tpu.memref_slice %arg4[%add3A_37, %dma_start3A_38] : memref<212992x128xf32, #tpu.memory_space<hbm>> -> memref<256x128xf32, #tpu.memory_space<hbm>>
    %dma_start3A_40 = arith.constant 0 : i32
    %dma_start3A_41 = tpu.memref_slice %arg4[%add3A_37, %dma_start3A_40] : memref<212992x128xf32, #tpu.memory_space<hbm>> -> memref<256x128xf32, #tpu.memory_space<hbm>>
    tpu.enqueue_dma source(%arg7 : memref<256x128xf32, #tpu.memory_space<vmem>>) target(%dma_start3A_41 : memref<256x128xf32, #tpu.memory_space<hbm>>) target_semaphore(%arg11 : memref<!tpu.dma_semaphore, #tpu.memory_space<semaphore_mem>>)
    %dma_wait3A_42 = arith.constant 0 : i32
    %dma_wait3A_43 = tpu.memref_slice %arg4[%add3A_37, %dma_wait3A_42] : memref<212992x128xf32, #tpu.memory_space<hbm>> -> memref<256x128xf32, #tpu.memory_space<hbm>>
    %dma_wait3A_44 = arith.constant 0 : i32
    %dma_wait3A_45 = tpu.memref_slice %arg4[%add3A_37, %dma_wait3A_44] : memref<212992x128xf32, #tpu.memory_space<hbm>> -> memref<256x128xf32, #tpu.memory_space<hbm>>
    tpu.wait_dma2 semaphore(%arg11 : memref<!tpu.dma_semaphore, #tpu.memory_space<semaphore_mem>>) src(%arg7 : memref<256x128xf32, #tpu.memory_space<vmem>>) dst(%dma_wait3A_45 : memref<256x128xf32, #tpu.memory_space<hbm>>)
    %dma_start3A_46 = arith.constant 768 : i32
    %dma_start3A_47 = tpu.memref_slice %arg5[%dma_start3A_46] : memref<6656xi32, #tpu.memory_space<vmem>> -> memref<256xi32, #tpu.memory_space<vmem>>
    %dma_start3A_48 = arith.constant 0 : i32
    %dma_start3A_49 = arith.constant 0 : i32
    %dma_start3A_50 = tpu.memref_slice %arg3[%dma_start3A_48, %dma_start3A_49] : memref<1000000x128xf32, #tpu.memory_space<hbm>> -> memref<1000000x128xf32, #tpu.memory_space<hbm>>
    tpu.enqueue_indirect_dma source(%dma_start3A_50 : memref<1000000x128xf32, #tpu.memory_space<hbm>>) target(%arg7 : memref<256x128xf32, #tpu.memory_space<vmem>>) offsets(%dma_start3A_47 : memref<256xi32, #tpu.memory_space<vmem>>) semaphore(%arg9 : memref<!tpu.dma_semaphore, #tpu.memory_space<semaphore_mem>>)
    %dma_wait3A_51 = arith.constant 512 : i32
    %dma_wait3A_52 = tpu.memref_slice %arg5[%dma_wait3A_51] : memref<6656xi32, #tpu.memory_space<vmem>> -> memref<256xi32, #tpu.memory_space<vmem>>
    %dma_wait3A_53 = arith.constant 0 : i32
    %dma_wait3A_54 = arith.constant 0 : i32
    %dma_wait3A_55 = tpu.memref_slice %arg3[%dma_wait3A_53, %dma_wait3A_54] : memref<1000000x128xf32, #tpu.memory_space<hbm>> -> memref<1000000x128xf32, #tpu.memory_space<hbm>>
    tpu.wait_indirect_dma semaphore(%arg8 : memref<!tpu.dma_semaphore, #tpu.memory_space<semaphore_mem>>) src(%dma_wait3A_55 : memref<1000000x128xf32, #tpu.memory_space<hbm>>) dst(%arg6 : memref<256x128xf32, #tpu.memory_space<vmem>>)
    %add3A_56 = arith.constant 512 : i32
    %add3A_57 = arith.addi %mul3A_2, %add3A_56 : i32
    %dma_start3A_58 = arith.constant 0 : i32
    %dma_start3A_59 = tpu.memref_slice %arg4[%add3A_57, %dma_start3A_58] : memref<212992x128xf32, #tpu.memory_space<hbm>> -> memref<256x128xf32, #tpu.memory_space<hbm>>
    %dma_start3A_60 = arith.constant 0 : i32
    %dma_start3A_61 = tpu.memref_slice %arg4[%add3A_57, %dma_start3A_60] : memref<212992x128xf32, #tpu.memory_space<hbm>> -> memref<256x128xf32, #tpu.memory_space<hbm>>
    tpu.enqueue_dma source(%arg6 : memref<256x128xf32, #tpu.memory_space<vmem>>) target(%dma_start3A_61 : memref<256x128xf32, #tpu.memory_space<hbm>>) target_semaphore(%arg10 : memref<!tpu.dma_semaphore, #tpu.memory_space<semaphore_mem>>)
    %dma_wait3A_62 = arith.constant 0 : i32
    %dma_wait3A_63 = tpu.memref_slice %arg4[%add3A_57, %dma_wait3A_62] : memref<212992x128xf32, #tpu.memory_space<hbm>> -> memref<256x128xf32, #tpu.memory_space<hbm>>
    %dma_wait3A_64 = arith.constant 0 : i32
    %dma_wait3A_65 = tpu.memref_slice %arg4[%add3A_57, %dma_wait3A_64] : memref<212992x128xf32, #tpu.memory_space<hbm>> -> memref<256x128xf32, #tpu.memory_space<hbm>>
    tpu.wait_dma2 semaphore(%arg10 : memref<!tpu.dma_semaphore, #tpu.memory_space<semaphore_mem>>) src(%arg6 : memref<256x128xf32, #tpu.memory_space<vmem>>) dst(%dma_wait3A_65 : memref<256x128xf32, #tpu.memory_space<hbm>>)
    %dma_start3A_66 = arith.constant 1024 : i32
    %dma_start3A_67 = tpu.memref_slice %arg5[%dma_start3A_66] : memref<6656xi32, #tpu.memory_space<vmem>> -> memref<256xi32, #tpu.memory_space<vmem>>
    %dma_start3A_68 = arith.constant 0 : i32
    %dma_start3A_69 = arith.constant 0 : i32
    %dma_start3A_70 = tpu.memref_slice %arg3[%dma_start3A_68, %dma_start3A_69] : memref<1000000x128xf32, #tpu.memory_space<hbm>> -> memref<1000000x128xf32, #tpu.memory_space<hbm>>
    tpu.enqueue_indirect_dma source(%dma_start3A_70 : memref<1000000x128xf32, #tpu.memory_space<hbm>>) target(%arg6 : memref<256x128xf32, #tpu.memory_space<vmem>>) offsets(%dma_start3A_67 : memref<256xi32, #tpu.memory_space<vmem>>) semaphore(%arg8 : memref<!tpu.dma_semaphore, #tpu.memory_space<semaphore_mem>>)
    %dma_wait3A_71 = arith.constant 768 : i32
    %dma_wait3A_72 = tpu.memref_slice %arg5[%dma_wait3A_71] : memref<6656xi32, #tpu.memory_space<vmem>> -> memref<256xi32, #tpu.memory_space<vmem>>
    %dma_wait3A_73 = arith.constant 0 : i32
    %dma_wait3A_74 = arith.constant 0 : i32
    %dma_wait3A_75 = tpu.memref_slice %arg3[%dma_wait3A_73, %dma_wait3A_74] : memref<1000000x128xf32, #tpu.memory_space<hbm>> -> memref<1000000x128xf32, #tpu.memory_space<hbm>>
    tpu.wait_indirect_dma semaphore(%arg9 : memref<!tpu.dma_semaphore, #tpu.memory_space<semaphore_mem>>) src(%dma_wait3A_75 : memref<1000000x128xf32, #tpu.memory_space<hbm>>) dst(%arg7 : memref<256x128xf32, #tpu.memory_space<vmem>>)
    %add3A_76 = arith.constant 768 : i32
    %add3A_77 = arith.addi %mul3A_2, %add3A_76 : i32
    %dma_start3A_78 = arith.constant 0 : i32
    %dma_start3A_79 = tpu.memref_slice %arg4[%add3A_77, %dma_start3A_78] : memref<212992x128xf32, #tpu.memory_space<hbm>> -> memref<256x128xf32, #tpu.memory_space<hbm>>
    %dma_start3A_80 = arith.constant 0 : i32
    %dma_start3A_81 = tpu.memref_slice %arg4[%add3A_77, %dma_start3A_80] : memref<212992x128xf32, #tpu.memory_space<hbm>> -> memref<256x128xf32, #tpu.memory_space<hbm>>
    tpu.enqueue_dma source(%arg7 : memref<256x128xf32, #tpu.memory_space<vmem>>) target(%dma_start3A_81 : memref<256x128xf32, #tpu.memory_space<hbm>>) target_semaphore(%arg11 : memref<!tpu.dma_semaphore, #tpu.memory_space<semaphore_mem>>)
    %dma_wait3A_82 = arith.constant 0 : i32
    %dma_wait3A_83 = tpu.memref_slice %arg4[%add3A_77, %dma_wait3A_82] : memref<212992x128xf32, #tpu.memory_space<hbm>> -> memref<256x128xf32, #tpu.memory_space<hbm>>
    %dma_wait3A_84 = arith.constant 0 : i32
    %dma_wait3A_85 = tpu.memref_slice %arg4[%add3A_77, %dma_wait3A_84] : memref<212992x128xf32, #tpu.memory_space<hbm>> -> memref<256x128xf32, #tpu.memory_space<hbm>>
    tpu.wait_dma2 semaphore(%arg11 : memref<!tpu.dma_semaphore, #tpu.memory_space<semaphore_mem>>) src(%arg7 : memref<256x128xf32, #tpu.memory_space<vmem>>) dst(%dma_wait3A_85 : memref<256x128xf32, #tpu.memory_space<hbm>>)
    %dma_start3A_86 = arith.constant 1280 : i32
    %dma_start3A_87 = tpu.memref_slice %arg5[%dma_start3A_86] : memref<6656xi32, #tpu.memory_space<vmem>> -> memref<256xi32, #tpu.memory_space<vmem>>
    %dma_start3A_88 = arith.constant 0 : i32
    %dma_start3A_89 = arith.constant 0 : i32
    %dma_start3A_90 = tpu.memref_slice %arg3[%dma_start3A_88, %dma_start3A_89] : memref<1000000x128xf32, #tpu.memory_space<hbm>> -> memref<1000000x128xf32, #tpu.memory_space<hbm>>
    tpu.enqueue_indirect_dma source(%dma_start3A_90 : memref<1000000x128xf32, #tpu.memory_space<hbm>>) target(%arg7 : memref<256x128xf32, #tpu.memory_space<vmem>>) offsets(%dma_start3A_87 : memref<256xi32, #tpu.memory_space<vmem>>) semaphore(%arg9 : memref<!tpu.dma_semaphore, #tpu.memory_space<semaphore_mem>>)
    %dma_wait3A_91 = arith.constant 1024 : i32
    %dma_wait3A_92 = tpu.memref_slice %arg5[%dma_wait3A_91] : memref<6656xi32, #tpu.memory_space<vmem>> -> memref<256xi32, #tpu.memory_space<vmem>>
    %dma_wait3A_93 = arith.constant 0 : i32
    %dma_wait3A_94 = arith.constant 0 : i32
    %dma_wait3A_95 = tpu.memref_slice %arg3[%dma_wait3A_93, %dma_wait3A_94] : memref<1000000x128xf32, #tpu.memory_space<hbm>> -> memref<1000000x128xf32, #tpu.memory_space<hbm>>
    tpu.wait_indirect_dma semaphore(%arg8 : memref<!tpu.dma_semaphore, #tpu.memory_space<semaphore_mem>>) src(%dma_wait3A_95 : memref<1000000x128xf32, #tpu.memory_space<hbm>>) dst(%arg6 : memref<256x128xf32, #tpu.memory_space<vmem>>)
    %add3A_96 = arith.constant 1024 : i32
    %add3A_97 = arith.addi %mul3A_2, %add3A_96 : i32
    %dma_start3A_98 = arith.constant 0 : i32
    %dma_start3A_99 = tpu.memref_slice %arg4[%add3A_97, %dma_start3A_98] : memref<212992x128xf32, #tpu.memory_space<hbm>> -> memref<256x128xf32, #tpu.memory_space<hbm>>
    %dma_start3A_100 = arith.constant 0 : i32
    %dma_start3A_101 = tpu.memref_slice %arg4[%add3A_97, %dma_start3A_100] : memref<212992x128xf32, #tpu.memory_space<hbm>> -> memref<256x128xf32, #tpu.memory_space<hbm>>
    tpu.enqueue_dma source(%arg6 : memref<256x128xf32, #tpu.memory_space<vmem>>) target(%dma_start3A_101 : memref<256x128xf32, #tpu.memory_space<hbm>>) target_semaphore(%arg10 : memref<!tpu.dma_semaphore, #tpu.memory_space<semaphore_mem>>)
    %dma_wait3A_102 = arith.constant 0 : i32
    %dma_wait3A_103 = tpu.memref_slice %arg4[%add3A_97, %dma_wait3A_102] : memref<212992x128xf32, #tpu.memory_space<hbm>> -> memref<256x128xf32, #tpu.memory_space<hbm>>
    %dma_wait3A_104 = arith.constant 0 : i32
    %dma_wait3A_105 = tpu.memref_slice %arg4[%add3A_97, %dma_wait3A_104] : memref<212992x128xf32, #tpu.memory_space<hbm>> -> memref<256x128xf32, #tpu.memory_space<hbm>>
    tpu.wait_dma2 semaphore(%arg10 : memref<!tpu.dma_semaphore, #tpu.memory_space<semaphore_mem>>) src(%arg6 : memref<256x128xf32, #tpu.memory_space<vmem>>) dst(%dma_wait3A_105 : memref<256x128xf32, #tpu.memory_space<hbm>>)
    %dma_start3A_106 = arith.constant 1536 : i32
    %dma_start3A_107 = tpu.memref_slice %arg5[%dma_start3A_106] : memref<6656xi32, #tpu.memory_space<vmem>> -> memref<256xi32, #tpu.memory_space<vmem>>
    %dma_start3A_108 = arith.constant 0 : i32
    %dma_start3A_109 = arith.constant 0 : i32
    %dma_start3A_110 = tpu.memref_slice %arg3[%dma_start3A_108, %dma_start3A_109] : memref<1000000x128xf32, #tpu.memory_space<hbm>> -> memref<1000000x128xf32, #tpu.memory_space<hbm>>
    tpu.enqueue_indirect_dma source(%dma_start3A_110 : memref<1000000x128xf32, #tpu.memory_space<hbm>>) target(%arg6 : memref<256x128xf32, #tpu.memory_space<vmem>>) offsets(%dma_start3A_107 : memref<256xi32, #tpu.memory_space<vmem>>) semaphore(%arg8 : memref<!tpu.dma_semaphore, #tpu.memory_space<semaphore_mem>>)
    %dma_wait3A_111 = arith.constant 1280 : i32
    %dma_wait3A_112 = tpu.memref_slice %arg5[%dma_wait3A_111] : memref<6656xi32, #tpu.memory_space<vmem>> -> memref<256xi32, #tpu.memory_space<vmem>>
    %dma_wait3A_113 = arith.constant 0 : i32
    %dma_wait3A_114 = arith.constant 0 : i32
    %dma_wait3A_115 = tpu.memref_slice %arg3[%dma_wait3A_113, %dma_wait3A_114] : memref<1000000x128xf32, #tpu.memory_space<hbm>> -> memref<1000000x128xf32, #tpu.memory_space<hbm>>
    tpu.wait_indirect_dma semaphore(%arg9 : memref<!tpu.dma_semaphore, #tpu.memory_space<semaphore_mem>>) src(%dma_wait3A_115 : memref<1000000x128xf32, #tpu.memory_space<hbm>>) dst(%arg7 : memref<256x128xf32, #tpu.memory_space<vmem>>)
    %add3A_116 = arith.constant 1280 : i32
    %add3A_117 = arith.addi %mul3A_2, %add3A_116 : i32
    %dma_start3A_118 = arith.constant 0 : i32
    %dma_start3A_119 = tpu.memref_slice %arg4[%add3A_117, %dma_start3A_118] : memref<212992x128xf32, #tpu.memory_space<hbm>> -> memref<256x128xf32, #tpu.memory_space<hbm>>
    %dma_start3A_120 = arith.constant 0 : i32
    %dma_start3A_121 = tpu.memref_slice %arg4[%add3A_117, %dma_start3A_120] : memref<212992x128xf32, #tpu.memory_space<hbm>> -> memref<256x128xf32, #tpu.memory_space<hbm>>
    tpu.enqueue_dma source(%arg7 : memref<256x128xf32, #tpu.memory_space<vmem>>) target(%dma_start3A_121 : memref<256x128xf32, #tpu.memory_space<hbm>>) target_semaphore(%arg11 : memref<!tpu.dma_semaphore, #tpu.memory_space<semaphore_mem>>)
    %dma_wait3A_122 = arith.constant 0 : i32
    %dma_wait3A_123 = tpu.memref_slice %arg4[%add3A_117, %dma_wait3A_122] : memref<212992x128xf32, #tpu.memory_space<hbm>> -> memref<256x128xf32, #tpu.memory_space<hbm>>
    %dma_wait3A_124 = arith.constant 0 : i32
    %dma_wait3A_125 = tpu.memref_slice %arg4[%add3A_117, %dma_wait3A_124] : memref<212992x128xf32, #tpu.memory_space<hbm>> -> memref<256x128xf32, #tpu.memory_space<hbm>>
    tpu.wait_dma2 semaphore(%arg11 : memref<!tpu.dma_semaphore, #tpu.memory_space<semaphore_mem>>) src(%arg7 : memref<256x128xf32, #tpu.memory_space<vmem>>) dst(%dma_wait3A_125 : memref<256x128xf32, #tpu.memory_space<hbm>>)
    %dma_start3A_126 = arith.constant 1792 : i32
    %dma_start3A_127 = tpu.memref_slice %arg5[%dma_start3A_126] : memref<6656xi32, #tpu.memory_space<vmem>> -> memref<256xi32, #tpu.memory_space<vmem>>
    %dma_start3A_128 = arith.constant 0 : i32
    %dma_start3A_129 = arith.constant 0 : i32
    %dma_start3A_130 = tpu.memref_slice %arg3[%dma_start3A_128, %dma_start3A_129] : memref<1000000x128xf32, #tpu.memory_space<hbm>> -> memref<1000000x128xf32, #tpu.memory_space<hbm>>
    tpu.enqueue_indirect_dma source(%dma_start3A_130 : memref<1000000x128xf32, #tpu.memory_space<hbm>>) target(%arg7 : memref<256x128xf32, #tpu.memory_space<vmem>>) offsets(%dma_start3A_127 : memref<256xi32, #tpu.memory_space<vmem>>) semaphore(%arg9 : memref<!tpu.dma_semaphore, #tpu.memory_space<semaphore_mem>>)
    %dma_wait3A_131 = arith.constant 1536 : i32
    %dma_wait3A_132 = tpu.memref_slice %arg5[%dma_wait3A_131] : memref<6656xi32, #tpu.memory_space<vmem>> -> memref<256xi32, #tpu.memory_space<vmem>>
    %dma_wait3A_133 = arith.constant 0 : i32
    %dma_wait3A_134 = arith.constant 0 : i32
    %dma_wait3A_135 = tpu.memref_slice %arg3[%dma_wait3A_133, %dma_wait3A_134] : memref<1000000x128xf32, #tpu.memory_space<hbm>> -> memref<1000000x128xf32, #tpu.memory_space<hbm>>
    tpu.wait_indirect_dma semaphore(%arg8 : memref<!tpu.dma_semaphore, #tpu.memory_space<semaphore_mem>>) src(%dma_wait3A_135 : memref<1000000x128xf32, #tpu.memory_space<hbm>>) dst(%arg6 : memref<256x128xf32, #tpu.memory_space<vmem>>)
    %add3A_136 = arith.constant 1536 : i32
    %add3A_137 = arith.addi %mul3A_2, %add3A_136 : i32
    %dma_start3A_138 = arith.constant 0 : i32
    %dma_start3A_139 = tpu.memref_slice %arg4[%add3A_137, %dma_start3A_138] : memref<212992x128xf32, #tpu.memory_space<hbm>> -> memref<256x128xf32, #tpu.memory_space<hbm>>
    %dma_start3A_140 = arith.constant 0 : i32
    %dma_start3A_141 = tpu.memref_slice %arg4[%add3A_137, %dma_start3A_140] : memref<212992x128xf32, #tpu.memory_space<hbm>> -> memref<256x128xf32, #tpu.memory_space<hbm>>
    tpu.enqueue_dma source(%arg6 : memref<256x128xf32, #tpu.memory_space<vmem>>) target(%dma_start3A_141 : memref<256x128xf32, #tpu.memory_space<hbm>>) target_semaphore(%arg10 : memref<!tpu.dma_semaphore, #tpu.memory_space<semaphore_mem>>)
    %dma_wait3A_142 = arith.constant 0 : i32
    %dma_wait3A_143 = tpu.memref_slice %arg4[%add3A_137, %dma_wait3A_142] : memref<212992x128xf32, #tpu.memory_space<hbm>> -> memref<256x128xf32, #tpu.memory_space<hbm>>
    %dma_wait3A_144 = arith.constant 0 : i32
    %dma_wait3A_145 = tpu.memref_slice %arg4[%add3A_137, %dma_wait3A_144] : memref<212992x128xf32, #tpu.memory_space<hbm>> -> memref<256x128xf32, #tpu.memory_space<hbm>>
    tpu.wait_dma2 semaphore(%arg10 : memref<!tpu.dma_semaphore, #tpu.memory_space<semaphore_mem>>) src(%arg6 : memref<256x128xf32, #tpu.memory_space<vmem>>) dst(%dma_wait3A_145 : memref<256x128xf32, #tpu.memory_space<hbm>>)
    %dma_start3A_146 = arith.constant 2048 : i32
    %dma_start3A_147 = tpu.memref_slice %arg5[%dma_start3A_146] : memref<6656xi32, #tpu.memory_space<vmem>> -> memref<256xi32, #tpu.memory_space<vmem>>
    %dma_start3A_148 = arith.constant 0 : i32
    %dma_start3A_149 = arith.constant 0 : i32
    %dma_start3A_150 = tpu.memref_slice %arg3[%dma_start3A_148, %dma_start3A_149] : memref<1000000x128xf32, #tpu.memory_space<hbm>> -> memref<1000000x128xf32, #tpu.memory_space<hbm>>
    tpu.enqueue_indirect_dma source(%dma_start3A_150 : memref<1000000x128xf32, #tpu.memory_space<hbm>>) target(%arg6 : memref<256x128xf32, #tpu.memory_space<vmem>>) offsets(%dma_start3A_147 : memref<256xi32, #tpu.memory_space<vmem>>) semaphore(%arg8 : memref<!tpu.dma_semaphore, #tpu.memory_space<semaphore_mem>>)
    %dma_wait3A_151 = arith.constant 1792 : i32
    %dma_wait3A_152 = tpu.memref_slice %arg5[%dma_wait3A_151] : memref<6656xi32, #tpu.memory_space<vmem>> -> memref<256xi32, #tpu.memory_space<vmem>>
    %dma_wait3A_153 = arith.constant 0 : i32
    %dma_wait3A_154 = arith.constant 0 : i32
    %dma_wait3A_155 = tpu.memref_slice %arg3[%dma_wait3A_153, %dma_wait3A_154] : memref<1000000x128xf32, #tpu.memory_space<hbm>> -> memref<1000000x128xf32, #tpu.memory_space<hbm>>
    tpu.wait_indirect_dma semaphore(%arg9 : memref<!tpu.dma_semaphore, #tpu.memory_space<semaphore_mem>>) src(%dma_wait3A_155 : memref<1000000x128xf32, #tpu.memory_space<hbm>>) dst(%arg7 : memref<256x128xf32, #tpu.memory_space<vmem>>)
    %add3A_156 = arith.constant 1792 : i32
    %add3A_157 = arith.addi %mul3A_2, %add3A_156 : i32
    %dma_start3A_158 = arith.constant 0 : i32
    %dma_start3A_159 = tpu.memref_slice %arg4[%add3A_157, %dma_start3A_158] : memref<212992x128xf32, #tpu.memory_space<hbm>> -> memref<256x128xf32, #tpu.memory_space<hbm>>
    %dma_start3A_160 = arith.constant 0 : i32
    %dma_start3A_161 = tpu.memref_slice %arg4[%add3A_157, %dma_start3A_160] : memref<212992x128xf32, #tpu.memory_space<hbm>> -> memref<256x128xf32, #tpu.memory_space<hbm>>
    tpu.enqueue_dma source(%arg7 : memref<256x128xf32, #tpu.memory_space<vmem>>) target(%dma_start3A_161 : memref<256x128xf32, #tpu.memory_space<hbm>>) target_semaphore(%arg11 : memref<!tpu.dma_semaphore, #tpu.memory_space<semaphore_mem>>)
    %dma_wait3A_162 = arith.constant 0 : i32
    %dma_wait3A_163 = tpu.memref_slice %arg4[%add3A_157, %dma_wait3A_162] : memref<212992x128xf32, #tpu.memory_space<hbm>> -> memref<256x128xf32, #tpu.memory_space<hbm>>
    %dma_wait3A_164 = arith.constant 0 : i32
    %dma_wait3A_165 = tpu.memref_slice %arg4[%add3A_157, %dma_wait3A_164] : memref<212992x128xf32, #tpu.memory_space<hbm>> -> memref<256x128xf32, #tpu.memory_space<hbm>>
    tpu.wait_dma2 semaphore(%arg11 : memref<!tpu.dma_semaphore, #tpu.memory_space<semaphore_mem>>) src(%arg7 : memref<256x128xf32, #tpu.memory_space<vmem>>) dst(%dma_wait3A_165 : memref<256x128xf32, #tpu.memory_space<hbm>>)
    %dma_start3A_166 = arith.constant 2304 : i32
    %dma_start3A_167 = tpu.memref_slice %arg5[%dma_start3A_166] : memref<6656xi32, #tpu.memory_space<vmem>> -> memref<256xi32, #tpu.memory_space<vmem>>
    %dma_start3A_168 = arith.constant 0 : i32
    %dma_start3A_169 = arith.constant 0 : i32
    %dma_start3A_170 = tpu.memref_slice %arg3[%dma_start3A_168, %dma_start3A_169] : memref<1000000x128xf32, #tpu.memory_space<hbm>> -> memref<1000000x128xf32, #tpu.memory_space<hbm>>
    tpu.enqueue_indirect_dma source(%dma_start3A_170 : memref<1000000x128xf32, #tpu.memory_space<hbm>>) target(%arg7 : memref<256x128xf32, #tpu.memory_space<vmem>>) offsets(%dma_start3A_167 : memref<256xi32, #tpu.memory_space<vmem>>) semaphore(%arg9 : memref<!tpu.dma_semaphore, #tpu.memory_space<semaphore_mem>>)
    %dma_wait3A_171 = arith.constant 2048 : i32
    %dma_wait3A_172 = tpu.memref_slice %arg5[%dma_wait3A_171] : memref<6656xi32, #tpu.memory_space<vmem>> -> memref<256xi32, #tpu.memory_space<vmem>>
    %dma_wait3A_173 = arith.constant 0 : i32
    %dma_wait3A_174 = arith.constant 0 : i32
    %dma_wait3A_175 = tpu.memref_slice %arg3[%dma_wait3A_173, %dma_wait3A_174] : memref<1000000x128xf32, #tpu.memory_space<hbm>> -> memref<1000000x128xf32, #tpu.memory_space<hbm>>
    tpu.wait_indirect_dma semaphore(%arg8 : memref<!tpu.dma_semaphore, #tpu.memory_space<semaphore_mem>>) src(%dma_wait3A_175 : memref<1000000x128xf32, #tpu.memory_space<hbm>>) dst(%arg6 : memref<256x128xf32, #tpu.memory_space<vmem>>)
    %add3A_176 = arith.constant 2048 : i32
    %add3A_177 = arith.addi %mul3A_2, %add3A_176 : i32
    %dma_start3A_178 = arith.constant 0 : i32
    %dma_start3A_179 = tpu.memref_slice %arg4[%add3A_177, %dma_start3A_178] : memref<212992x128xf32, #tpu.memory_space<hbm>> -> memref<256x128xf32, #tpu.memory_space<hbm>>
    %dma_start3A_180 = arith.constant 0 : i32
    %dma_start3A_181 = tpu.memref_slice %arg4[%add3A_177, %dma_start3A_180] : memref<212992x128xf32, #tpu.memory_space<hbm>> -> memref<256x128xf32, #tpu.memory_space<hbm>>
    tpu.enqueue_dma source(%arg6 : memref<256x128xf32, #tpu.memory_space<vmem>>) target(%dma_start3A_181 : memref<256x128xf32, #tpu.memory_space<hbm>>) target_semaphore(%arg10 : memref<!tpu.dma_semaphore, #tpu.memory_space<semaphore_mem>>)
    %dma_wait3A_182 = arith.constant 0 : i32
    %dma_wait3A_183 = tpu.memref_slice %arg4[%add3A_177, %dma_wait3A_182] : memref<212992x128xf32, #tpu.memory_space<hbm>> -> memref<256x128xf32, #tpu.memory_space<hbm>>
    %dma_wait3A_184 = arith.constant 0 : i32
    %dma_wait3A_185 = tpu.memref_slice %arg4[%add3A_177, %dma_wait3A_184] : memref<212992x128xf32, #tpu.memory_space<hbm>> -> memref<256x128xf32, #tpu.memory_space<hbm>>
    tpu.wait_dma2 semaphore(%arg10 : memref<!tpu.dma_semaphore, #tpu.memory_space<semaphore_mem>>) src(%arg6 : memref<256x128xf32, #tpu.memory_space<vmem>>) dst(%dma_wait3A_185 : memref<256x128xf32, #tpu.memory_space<hbm>>)
    %dma_start3A_186 = arith.constant 2560 : i32
    %dma_start3A_187 = tpu.memref_slice %arg5[%dma_start3A_186] : memref<6656xi32, #tpu.memory_space<vmem>> -> memref<256xi32, #tpu.memory_space<vmem>>
    %dma_start3A_188 = arith.constant 0 : i32
    %dma_start3A_189 = arith.constant 0 : i32
    %dma_start3A_190 = tpu.memref_slice %arg3[%dma_start3A_188, %dma_start3A_189] : memref<1000000x128xf32, #tpu.memory_space<hbm>> -> memref<1000000x128xf32, #tpu.memory_space<hbm>>
    tpu.enqueue_indirect_dma source(%dma_start3A_190 : memref<1000000x128xf32, #tpu.memory_space<hbm>>) target(%arg6 : memref<256x128xf32, #tpu.memory_space<vmem>>) offsets(%dma_start3A_187 : memref<256xi32, #tpu.memory_space<vmem>>) semaphore(%arg8 : memref<!tpu.dma_semaphore, #tpu.memory_space<semaphore_mem>>)
    %dma_wait3A_191 = arith.constant 2304 : i32
    %dma_wait3A_192 = tpu.memref_slice %arg5[%dma_wait3A_191] : memref<6656xi32, #tpu.memory_space<vmem>> -> memref<256xi32, #tpu.memory_space<vmem>>
    %dma_wait3A_193 = arith.constant 0 : i32
    %dma_wait3A_194 = arith.constant 0 : i32
    %dma_wait3A_195 = tpu.memref_slice %arg3[%dma_wait3A_193, %dma_wait3A_194] : memref<1000000x128xf32, #tpu.memory_space<hbm>> -> memref<1000000x128xf32, #tpu.memory_space<hbm>>
    tpu.wait_indirect_dma semaphore(%arg9 : memref<!tpu.dma_semaphore, #tpu.memory_space<semaphore_mem>>) src(%dma_wait3A_195 : memref<1000000x128xf32, #tpu.memory_space<hbm>>) dst(%arg7 : memref<256x128xf32, #tpu.memory_space<vmem>>)
    %add3A_196 = arith.constant 2304 : i32
    %add3A_197 = arith.addi %mul3A_2, %add3A_196 : i32
    %dma_start3A_198 = arith.constant 0 : i32
    %dma_start3A_199 = tpu.memref_slice %arg4[%add3A_197, %dma_start3A_198] : memref<212992x128xf32, #tpu.memory_space<hbm>> -> memref<256x128xf32, #tpu.memory_space<hbm>>
    %dma_start3A_200 = arith.constant 0 : i32
    %dma_start3A_201 = tpu.memref_slice %arg4[%add3A_197, %dma_start3A_200] : memref<212992x128xf32, #tpu.memory_space<hbm>> -> memref<256x128xf32, #tpu.memory_space<hbm>>
    tpu.enqueue_dma source(%arg7 : memref<256x128xf32, #tpu.memory_space<vmem>>) target(%dma_start3A_201 : memref<256x128xf32, #tpu.memory_space<hbm>>) target_semaphore(%arg11 : memref<!tpu.dma_semaphore, #tpu.memory_space<semaphore_mem>>)
    %dma_wait3A_202 = arith.constant 0 : i32
    %dma_wait3A_203 = tpu.memref_slice %arg4[%add3A_197, %dma_wait3A_202] : memref<212992x128xf32, #tpu.memory_space<hbm>> -> memref<256x128xf32, #tpu.memory_space<hbm>>
    %dma_wait3A_204 = arith.constant 0 : i32
    %dma_wait3A_205 = tpu.memref_slice %arg4[%add3A_197, %dma_wait3A_204] : memref<212992x128xf32, #tpu.memory_space<hbm>> -> memref<256x128xf32, #tpu.memory_space<hbm>>
    tpu.wait_dma2 semaphore(%arg11 : memref<!tpu.dma_semaphore, #tpu.memory_space<semaphore_mem>>) src(%arg7 : memref<256x128xf32, #tpu.memory_space<vmem>>) dst(%dma_wait3A_205 : memref<256x128xf32, #tpu.memory_space<hbm>>)
    %dma_start3A_206 = arith.constant 2816 : i32
    %dma_start3A_207 = tpu.memref_slice %arg5[%dma_start3A_206] : memref<6656xi32, #tpu.memory_space<vmem>> -> memref<256xi32, #tpu.memory_space<vmem>>
    %dma_start3A_208 = arith.constant 0 : i32
    %dma_start3A_209 = arith.constant 0 : i32
    %dma_start3A_210 = tpu.memref_slice %arg3[%dma_start3A_208, %dma_start3A_209] : memref<1000000x128xf32, #tpu.memory_space<hbm>> -> memref<1000000x128xf32, #tpu.memory_space<hbm>>
    tpu.enqueue_indirect_dma source(%dma_start3A_210 : memref<1000000x128xf32, #tpu.memory_space<hbm>>) target(%arg7 : memref<256x128xf32, #tpu.memory_space<vmem>>) offsets(%dma_start3A_207 : memref<256xi32, #tpu.memory_space<vmem>>) semaphore(%arg9 : memref<!tpu.dma_semaphore, #tpu.memory_space<semaphore_mem>>)
    %dma_wait3A_211 = arith.constant 2560 : i32
    %dma_wait3A_212 = tpu.memref_slice %arg5[%dma_wait3A_211] : memref<6656xi32, #tpu.memory_space<vmem>> -> memref<256xi32, #tpu.memory_space<vmem>>
    %dma_wait3A_213 = arith.constant 0 : i32
    %dma_wait3A_214 = arith.constant 0 : i32
    %dma_wait3A_215 = tpu.memref_slice %arg3[%dma_wait3A_213, %dma_wait3A_214] : memref<1000000x128xf32, #tpu.memory_space<hbm>> -> memref<1000000x128xf32, #tpu.memory_space<hbm>>
    tpu.wait_indirect_dma semaphore(%arg8 : memref<!tpu.dma_semaphore, #tpu.memory_space<semaphore_mem>>) src(%dma_wait3A_215 : memref<1000000x128xf32, #tpu.memory_space<hbm>>) dst(%arg6 : memref<256x128xf32, #tpu.memory_space<vmem>>)
    %add3A_216 = arith.constant 2560 : i32
    %add3A_217 = arith.addi %mul3A_2, %add3A_216 : i32
    %dma_start3A_218 = arith.constant 0 : i32
    %dma_start3A_219 = tpu.memref_slice %arg4[%add3A_217, %dma_start3A_218] : memref<212992x128xf32, #tpu.memory_space<hbm>> -> memref<256x128xf32, #tpu.memory_space<hbm>>
    %dma_start3A_220 = arith.constant 0 : i32
    %dma_start3A_221 = tpu.memref_slice %arg4[%add3A_217, %dma_start3A_220] : memref<212992x128xf32, #tpu.memory_space<hbm>> -> memref<256x128xf32, #tpu.memory_space<hbm>>
    tpu.enqueue_dma source(%arg6 : memref<256x128xf32, #tpu.memory_space<vmem>>) target(%dma_start3A_221 : memref<256x128xf32, #tpu.memory_space<hbm>>) target_semaphore(%arg10 : memref<!tpu.dma_semaphore, #tpu.memory_space<semaphore_mem>>)
    %dma_wait3A_222 = arith.constant 0 : i32
    %dma_wait3A_223 = tpu.memref_slice %arg4[%add3A_217, %dma_wait3A_222] : memref<212992x128xf32, #tpu.memory_space<hbm>> -> memref<256x128xf32, #tpu.memory_space<hbm>>
    %dma_wait3A_224 = arith.constant 0 : i32
    %dma_wait3A_225 = tpu.memref_slice %arg4[%add3A_217, %dma_wait3A_224] : memref<212992x128xf32, #tpu.memory_space<hbm>> -> memref<256x128xf32, #tpu.memory_space<hbm>>
    tpu.wait_dma2 semaphore(%arg10 : memref<!tpu.dma_semaphore, #tpu.memory_space<semaphore_mem>>) src(%arg6 : memref<256x128xf32, #tpu.memory_space<vmem>>) dst(%dma_wait3A_225 : memref<256x128xf32, #tpu.memory_space<hbm>>)
    %dma_start3A_226 = arith.constant 3072 : i32
    %dma_start3A_227 = tpu.memref_slice %arg5[%dma_start3A_226] : memref<6656xi32, #tpu.memory_space<vmem>> -> memref<256xi32, #tpu.memory_space<vmem>>
    %dma_start3A_228 = arith.constant 0 : i32
    %dma_start3A_229 = arith.constant 0 : i32
    %dma_start3A_230 = tpu.memref_slice %arg3[%dma_start3A_228, %dma_start3A_229] : memref<1000000x128xf32, #tpu.memory_space<hbm>> -> memref<1000000x128xf32, #tpu.memory_space<hbm>>
    tpu.enqueue_indirect_dma source(%dma_start3A_230 : memref<1000000x128xf32, #tpu.memory_space<hbm>>) target(%arg6 : memref<256x128xf32, #tpu.memory_space<vmem>>) offsets(%dma_start3A_227 : memref<256xi32, #tpu.memory_space<vmem>>) semaphore(%arg8 : memref<!tpu.dma_semaphore, #tpu.memory_space<semaphore_mem>>)
    %dma_wait3A_231 = arith.constant 2816 : i32
    %dma_wait3A_232 = tpu.memref_slice %arg5[%dma_wait3A_231] : memref<6656xi32, #tpu.memory_space<vmem>> -> memref<256xi32, #tpu.memory_space<vmem>>
    %dma_wait3A_233 = arith.constant 0 : i32
    %dma_wait3A_234 = arith.constant 0 : i32
    %dma_wait3A_235 = tpu.memref_slice %arg3[%dma_wait3A_233, %dma_wait3A_234] : memref<1000000x128xf32, #tpu.memory_space<hbm>> -> memref<1000000x128xf32, #tpu.memory_space<hbm>>
    tpu.wait_indirect_dma semaphore(%arg9 : memref<!tpu.dma_semaphore, #tpu.memory_space<semaphore_mem>>) src(%dma_wait3A_235 : memref<1000000x128xf32, #tpu.memory_space<hbm>>) dst(%arg7 : memref<256x128xf32, #tpu.memory_space<vmem>>)
    %add3A_236 = arith.constant 2816 : i32
    %add3A_237 = arith.addi %mul3A_2, %add3A_236 : i32
    %dma_start3A_238 = arith.constant 0 : i32
    %dma_start3A_239 = tpu.memref_slice %arg4[%add3A_237, %dma_start3A_238] : memref<212992x128xf32, #tpu.memory_space<hbm>> -> memref<256x128xf32, #tpu.memory_space<hbm>>
    %dma_start3A_240 = arith.constant 0 : i32
    %dma_start3A_241 = tpu.memref_slice %arg4[%add3A_237, %dma_start3A_240] : memref<212992x128xf32, #tpu.memory_space<hbm>> -> memref<256x128xf32, #tpu.memory_space<hbm>>
    tpu.enqueue_dma source(%arg7 : memref<256x128xf32, #tpu.memory_space<vmem>>) target(%dma_start3A_241 : memref<256x128xf32, #tpu.memory_space<hbm>>) target_semaphore(%arg11 : memref<!tpu.dma_semaphore, #tpu.memory_space<semaphore_mem>>)
    %dma_wait3A_242 = arith.constant 0 : i32
    %dma_wait3A_243 = tpu.memref_slice %arg4[%add3A_237, %dma_wait3A_242] : memref<212992x128xf32, #tpu.memory_space<hbm>> -> memref<256x128xf32, #tpu.memory_space<hbm>>
    %dma_wait3A_244 = arith.constant 0 : i32
    %dma_wait3A_245 = tpu.memref_slice %arg4[%add3A_237, %dma_wait3A_244] : memref<212992x128xf32, #tpu.memory_space<hbm>> -> memref<256x128xf32, #tpu.memory_space<hbm>>
    tpu.wait_dma2 semaphore(%arg11 : memref<!tpu.dma_semaphore, #tpu.memory_space<semaphore_mem>>) src(%arg7 : memref<256x128xf32, #tpu.memory_space<vmem>>) dst(%dma_wait3A_245 : memref<256x128xf32, #tpu.memory_space<hbm>>)
    %dma_start3A_246 = arith.constant 3328 : i32
    %dma_start3A_247 = tpu.memref_slice %arg5[%dma_start3A_246] : memref<6656xi32, #tpu.memory_space<vmem>> -> memref<256xi32, #tpu.memory_space<vmem>>
    %dma_start3A_248 = arith.constant 0 : i32
    %dma_start3A_249 = arith.constant 0 : i32
    %dma_start3A_250 = tpu.memref_slice %arg3[%dma_start3A_248, %dma_start3A_249] : memref<1000000x128xf32, #tpu.memory_space<hbm>> -> memref<1000000x128xf32, #tpu.memory_space<hbm>>
    tpu.enqueue_indirect_dma source(%dma_start3A_250 : memref<1000000x128xf32, #tpu.memory_space<hbm>>) target(%arg7 : memref<256x128xf32, #tpu.memory_space<vmem>>) offsets(%dma_start3A_247 : memref<256xi32, #tpu.memory_space<vmem>>) semaphore(%arg9 : memref<!tpu.dma_semaphore, #tpu.memory_space<semaphore_mem>>)
    %dma_wait3A_251 = arith.constant 3072 : i32
    %dma_wait3A_252 = tpu.memref_slice %arg5[%dma_wait3A_251] : memref<6656xi32, #tpu.memory_space<vmem>> -> memref<256xi32, #tpu.memory_space<vmem>>
    %dma_wait3A_253 = arith.constant 0 : i32
    %dma_wait3A_254 = arith.constant 0 : i32
    %dma_wait3A_255 = tpu.memref_slice %arg3[%dma_wait3A_253, %dma_wait3A_254] : memref<1000000x128xf32, #tpu.memory_space<hbm>> -> memref<1000000x128xf32, #tpu.memory_space<hbm>>
    tpu.wait_indirect_dma semaphore(%arg8 : memref<!tpu.dma_semaphore, #tpu.memory_space<semaphore_mem>>) src(%dma_wait3A_255 : memref<1000000x128xf32, #tpu.memory_space<hbm>>) dst(%arg6 : memref<256x128xf32, #tpu.memory_space<vmem>>)
    %add3A_256 = arith.constant 3072 : i32
    %add3A_257 = arith.addi %mul3A_2, %add3A_256 : i32
    %dma_start3A_258 = arith.constant 0 : i32
    %dma_start3A_259 = tpu.memref_slice %arg4[%add3A_257, %dma_start3A_258] : memref<212992x128xf32, #tpu.memory_space<hbm>> -> memref<256x128xf32, #tpu.memory_space<hbm>>
    %dma_start3A_260 = arith.constant 0 : i32
    %dma_start3A_261 = tpu.memref_slice %arg4[%add3A_257, %dma_start3A_260] : memref<212992x128xf32, #tpu.memory_space<hbm>> -> memref<256x128xf32, #tpu.memory_space<hbm>>
    tpu.enqueue_dma source(%arg6 : memref<256x128xf32, #tpu.memory_space<vmem>>) target(%dma_start3A_261 : memref<256x128xf32, #tpu.memory_space<hbm>>) target_semaphore(%arg10 : memref<!tpu.dma_semaphore, #tpu.memory_space<semaphore_mem>>)
    %dma_wait3A_262 = arith.constant 0 : i32
    %dma_wait3A_263 = tpu.memref_slice %arg4[%add3A_257, %dma_wait3A_262] : memref<212992x128xf32, #tpu.memory_space<hbm>> -> memref<256x128xf32, #tpu.memory_space<hbm>>
    %dma_wait3A_264 = arith.constant 0 : i32
    %dma_wait3A_265 = tpu.memref_slice %arg4[%add3A_257, %dma_wait3A_264] : memref<212992x128xf32, #tpu.memory_space<hbm>> -> memref<256x128xf32, #tpu.memory_space<hbm>>
    tpu.wait_dma2 semaphore(%arg10 : memref<!tpu.dma_semaphore, #tpu.memory_space<semaphore_mem>>) src(%arg6 : memref<256x128xf32, #tpu.memory_space<vmem>>) dst(%dma_wait3A_265 : memref<256x128xf32, #tpu.memory_space<hbm>>)
    %dma_start3A_266 = arith.constant 3584 : i32
    %dma_start3A_267 = tpu.memref_slice %arg5[%dma_start3A_266] : memref<6656xi32, #tpu.memory_space<vmem>> -> memref<256xi32, #tpu.memory_space<vmem>>
    %dma_start3A_268 = arith.constant 0 : i32
    %dma_start3A_269 = arith.constant 0 : i32
    %dma_start3A_270 = tpu.memref_slice %arg3[%dma_start3A_268, %dma_start3A_269] : memref<1000000x128xf32, #tpu.memory_space<hbm>> -> memref<1000000x128xf32, #tpu.memory_space<hbm>>
    tpu.enqueue_indirect_dma source(%dma_start3A_270 : memref<1000000x128xf32, #tpu.memory_space<hbm>>) target(%arg6 : memref<256x128xf32, #tpu.memory_space<vmem>>) offsets(%dma_start3A_267 : memref<256xi32, #tpu.memory_space<vmem>>) semaphore(%arg8 : memref<!tpu.dma_semaphore, #tpu.memory_space<semaphore_mem>>)
    %dma_wait3A_271 = arith.constant 3328 : i32
    %dma_wait3A_272 = tpu.memref_slice %arg5[%dma_wait3A_271] : memref<6656xi32, #tpu.memory_space<vmem>> -> memref<256xi32, #tpu.memory_space<vmem>>
    %dma_wait3A_273 = arith.constant 0 : i32
    %dma_wait3A_274 = arith.constant 0 : i32
    %dma_wait3A_275 = tpu.memref_slice %arg3[%dma_wait3A_273, %dma_wait3A_274] : memref<1000000x128xf32, #tpu.memory_space<hbm>> -> memref<1000000x128xf32, #tpu.memory_space<hbm>>
    tpu.wait_indirect_dma semaphore(%arg9 : memref<!tpu.dma_semaphore, #tpu.memory_space<semaphore_mem>>) src(%dma_wait3A_275 : memref<1000000x128xf32, #tpu.memory_space<hbm>>) dst(%arg7 : memref<256x128xf32, #tpu.memory_space<vmem>>)
    %add3A_276 = arith.constant 3328 : i32
    %add3A_277 = arith.addi %mul3A_2, %add3A_276 : i32
    %dma_start3A_278 = arith.constant 0 : i32
    %dma_start3A_279 = tpu.memref_slice %arg4[%add3A_277, %dma_start3A_278] : memref<212992x128xf32, #tpu.memory_space<hbm>> -> memref<256x128xf32, #tpu.memory_space<hbm>>
    %dma_start3A_280 = arith.constant 0 : i32
    %dma_start3A_281 = tpu.memref_slice %arg4[%add3A_277, %dma_start3A_280] : memref<212992x128xf32, #tpu.memory_space<hbm>> -> memref<256x128xf32, #tpu.memory_space<hbm>>
    tpu.enqueue_dma source(%arg7 : memref<256x128xf32, #tpu.memory_space<vmem>>) target(%dma_start3A_281 : memref<256x128xf32, #tpu.memory_space<hbm>>) target_semaphore(%arg11 : memref<!tpu.dma_semaphore, #tpu.memory_space<semaphore_mem>>)
    %dma_wait3A_282 = arith.constant 0 : i32
    %dma_wait3A_283 = tpu.memref_slice %arg4[%add3A_277, %dma_wait3A_282] : memref<212992x128xf32, #tpu.memory_space<hbm>> -> memref<256x128xf32, #tpu.memory_space<hbm>>
    %dma_wait3A_284 = arith.constant 0 : i32
    %dma_wait3A_285 = tpu.memref_slice %arg4[%add3A_277, %dma_wait3A_284] : memref<212992x128xf32, #tpu.memory_space<hbm>> -> memref<256x128xf32, #tpu.memory_space<hbm>>
    tpu.wait_dma2 semaphore(%arg11 : memref<!tpu.dma_semaphore, #tpu.memory_space<semaphore_mem>>) src(%arg7 : memref<256x128xf32, #tpu.memory_space<vmem>>) dst(%dma_wait3A_285 : memref<256x128xf32, #tpu.memory_space<hbm>>)
    %dma_start3A_286 = arith.constant 3840 : i32
    %dma_start3A_287 = tpu.memref_slice %arg5[%dma_start3A_286] : memref<6656xi32, #tpu.memory_space<vmem>> -> memref<256xi32, #tpu.memory_space<vmem>>
    %dma_start3A_288 = arith.constant 0 : i32
    %dma_start3A_289 = arith.constant 0 : i32
    %dma_start3A_290 = tpu.memref_slice %arg3[%dma_start3A_288, %dma_start3A_289] : memref<1000000x128xf32, #tpu.memory_space<hbm>> -> memref<1000000x128xf32, #tpu.memory_space<hbm>>
    tpu.enqueue_indirect_dma source(%dma_start3A_290 : memref<1000000x128xf32, #tpu.memory_space<hbm>>) target(%arg7 : memref<256x128xf32, #tpu.memory_space<vmem>>) offsets(%dma_start3A_287 : memref<256xi32, #tpu.memory_space<vmem>>) semaphore(%arg9 : memref<!tpu.dma_semaphore, #tpu.memory_space<semaphore_mem>>)
    %dma_wait3A_291 = arith.constant 3584 : i32
    %dma_wait3A_292 = tpu.memref_slice %arg5[%dma_wait3A_291] : memref<6656xi32, #tpu.memory_space<vmem>> -> memref<256xi32, #tpu.memory_space<vmem>>
    %dma_wait3A_293 = arith.constant 0 : i32
    %dma_wait3A_294 = arith.constant 0 : i32
    %dma_wait3A_295 = tpu.memref_slice %arg3[%dma_wait3A_293, %dma_wait3A_294] : memref<1000000x128xf32, #tpu.memory_space<hbm>> -> memref<1000000x128xf32, #tpu.memory_space<hbm>>
    tpu.wait_indirect_dma semaphore(%arg8 : memref<!tpu.dma_semaphore, #tpu.memory_space<semaphore_mem>>) src(%dma_wait3A_295 : memref<1000000x128xf32, #tpu.memory_space<hbm>>) dst(%arg6 : memref<256x128xf32, #tpu.memory_space<vmem>>)
    %add3A_296 = arith.constant 3584 : i32
    %add3A_297 = arith.addi %mul3A_2, %add3A_296 : i32
    %dma_start3A_298 = arith.constant 0 : i32
    %dma_start3A_299 = tpu.memref_slice %arg4[%add3A_297, %dma_start3A_298] : memref<212992x128xf32, #tpu.memory_space<hbm>> -> memref<256x128xf32, #tpu.memory_space<hbm>>
    %dma_start3A_300 = arith.constant 0 : i32
    %dma_start3A_301 = tpu.memref_slice %arg4[%add3A_297, %dma_start3A_300] : memref<212992x128xf32, #tpu.memory_space<hbm>> -> memref<256x128xf32, #tpu.memory_space<hbm>>
    tpu.enqueue_dma source(%arg6 : memref<256x128xf32, #tpu.memory_space<vmem>>) target(%dma_start3A_301 : memref<256x128xf32, #tpu.memory_space<hbm>>) target_semaphore(%arg10 : memref<!tpu.dma_semaphore, #tpu.memory_space<semaphore_mem>>)
    %dma_wait3A_302 = arith.constant 0 : i32
    %dma_wait3A_303 = tpu.memref_slice %arg4[%add3A_297, %dma_wait3A_302] : memref<212992x128xf32, #tpu.memory_space<hbm>> -> memref<256x128xf32, #tpu.memory_space<hbm>>
    %dma_wait3A_304 = arith.constant 0 : i32
    %dma_wait3A_305 = tpu.memref_slice %arg4[%add3A_297, %dma_wait3A_304] : memref<212992x128xf32, #tpu.memory_space<hbm>> -> memref<256x128xf32, #tpu.memory_space<hbm>>
    tpu.wait_dma2 semaphore(%arg10 : memref<!tpu.dma_semaphore, #tpu.memory_space<semaphore_mem>>) src(%arg6 : memref<256x128xf32, #tpu.memory_space<vmem>>) dst(%dma_wait3A_305 : memref<256x128xf32, #tpu.memory_space<hbm>>)
    %dma_start3A_306 = arith.constant 4096 : i32
    %dma_start3A_307 = tpu.memref_slice %arg5[%dma_start3A_306] : memref<6656xi32, #tpu.memory_space<vmem>> -> memref<256xi32, #tpu.memory_space<vmem>>
    %dma_start3A_308 = arith.constant 0 : i32
    %dma_start3A_309 = arith.constant 0 : i32
    %dma_start3A_310 = tpu.memref_slice %arg3[%dma_start3A_308, %dma_start3A_309] : memref<1000000x128xf32, #tpu.memory_space<hbm>> -> memref<1000000x128xf32, #tpu.memory_space<hbm>>
    tpu.enqueue_indirect_dma source(%dma_start3A_310 : memref<1000000x128xf32, #tpu.memory_space<hbm>>) target(%arg6 : memref<256x128xf32, #tpu.memory_space<vmem>>) offsets(%dma_start3A_307 : memref<256xi32, #tpu.memory_space<vmem>>) semaphore(%arg8 : memref<!tpu.dma_semaphore, #tpu.memory_space<semaphore_mem>>)
    %dma_wait3A_311 = arith.constant 3840 : i32
    %dma_wait3A_312 = tpu.memref_slice %arg5[%dma_wait3A_311] : memref<6656xi32, #tpu.memory_space<vmem>> -> memref<256xi32, #tpu.memory_space<vmem>>
    %dma_wait3A_313 = arith.constant 0 : i32
    %dma_wait3A_314 = arith.constant 0 : i32
    %dma_wait3A_315 = tpu.memref_slice %arg3[%dma_wait3A_313, %dma_wait3A_314] : memref<1000000x128xf32, #tpu.memory_space<hbm>> -> memref<1000000x128xf32, #tpu.memory_space<hbm>>
    tpu.wait_indirect_dma semaphore(%arg9 : memref<!tpu.dma_semaphore, #tpu.memory_space<semaphore_mem>>) src(%dma_wait3A_315 : memref<1000000x128xf32, #tpu.memory_space<hbm>>) dst(%arg7 : memref<256x128xf32, #tpu.memory_space<vmem>>)
    %add3A_316 = arith.constant 3840 : i32
    %add3A_317 = arith.addi %mul3A_2, %add3A_316 : i32
    %dma_start3A_318 = arith.constant 0 : i32
    %dma_start3A_319 = tpu.memref_slice %arg4[%add3A_317, %dma_start3A_318] : memref<212992x128xf32, #tpu.memory_space<hbm>> -> memref<256x128xf32, #tpu.memory_space<hbm>>
    %dma_start3A_320 = arith.constant 0 : i32
    %dma_start3A_321 = tpu.memref_slice %arg4[%add3A_317, %dma_start3A_320] : memref<212992x128xf32, #tpu.memory_space<hbm>> -> memref<256x128xf32, #tpu.memory_space<hbm>>
    tpu.enqueue_dma source(%arg7 : memref<256x128xf32, #tpu.memory_space<vmem>>) target(%dma_start3A_321 : memref<256x128xf32, #tpu.memory_space<hbm>>) target_semaphore(%arg11 : memref<!tpu.dma_semaphore, #tpu.memory_space<semaphore_mem>>)
    %dma_wait3A_322 = arith.constant 0 : i32
    %dma_wait3A_323 = tpu.memref_slice %arg4[%add3A_317, %dma_wait3A_322] : memref<212992x128xf32, #tpu.memory_space<hbm>> -> memref<256x128xf32, #tpu.memory_space<hbm>>
    %dma_wait3A_324 = arith.constant 0 : i32
    %dma_wait3A_325 = tpu.memref_slice %arg4[%add3A_317, %dma_wait3A_324] : memref<212992x128xf32, #tpu.memory_space<hbm>> -> memref<256x128xf32, #tpu.memory_space<hbm>>
    tpu.wait_dma2 semaphore(%arg11 : memref<!tpu.dma_semaphore, #tpu.memory_space<semaphore_mem>>) src(%arg7 : memref<256x128xf32, #tpu.memory_space<vmem>>) dst(%dma_wait3A_325 : memref<256x128xf32, #tpu.memory_space<hbm>>)
    %dma_start3A_326 = arith.constant 4352 : i32
    %dma_start3A_327 = tpu.memref_slice %arg5[%dma_start3A_326] : memref<6656xi32, #tpu.memory_space<vmem>> -> memref<256xi32, #tpu.memory_space<vmem>>
    %dma_start3A_328 = arith.constant 0 : i32
    %dma_start3A_329 = arith.constant 0 : i32
    %dma_start3A_330 = tpu.memref_slice %arg3[%dma_start3A_328, %dma_start3A_329] : memref<1000000x128xf32, #tpu.memory_space<hbm>> -> memref<1000000x128xf32, #tpu.memory_space<hbm>>
    tpu.enqueue_indirect_dma source(%dma_start3A_330 : memref<1000000x128xf32, #tpu.memory_space<hbm>>) target(%arg7 : memref<256x128xf32, #tpu.memory_space<vmem>>) offsets(%dma_start3A_327 : memref<256xi32, #tpu.memory_space<vmem>>) semaphore(%arg9 : memref<!tpu.dma_semaphore, #tpu.memory_space<semaphore_mem>>)
    %dma_wait3A_331 = arith.constant 4096 : i32
    %dma_wait3A_332 = tpu.memref_slice %arg5[%dma_wait3A_331] : memref<6656xi32, #tpu.memory_space<vmem>> -> memref<256xi32, #tpu.memory_space<vmem>>
    %dma_wait3A_333 = arith.constant 0 : i32
    %dma_wait3A_334 = arith.constant 0 : i32
    %dma_wait3A_335 = tpu.memref_slice %arg3[%dma_wait3A_333, %dma_wait3A_334] : memref<1000000x128xf32, #tpu.memory_space<hbm>> -> memref<1000000x128xf32, #tpu.memory_space<hbm>>
    tpu.wait_indirect_dma semaphore(%arg8 : memref<!tpu.dma_semaphore, #tpu.memory_space<semaphore_mem>>) src(%dma_wait3A_335 : memref<1000000x128xf32, #tpu.memory_space<hbm>>) dst(%arg6 : memref<256x128xf32, #tpu.memory_space<vmem>>)
    %add3A_336 = arith.constant 4096 : i32
    %add3A_337 = arith.addi %mul3A_2, %add3A_336 : i32
    %dma_start3A_338 = arith.constant 0 : i32
    %dma_start3A_339 = tpu.memref_slice %arg4[%add3A_337, %dma_start3A_338] : memref<212992x128xf32, #tpu.memory_space<hbm>> -> memref<256x128xf32, #tpu.memory_space<hbm>>
    %dma_start3A_340 = arith.constant 0 : i32
    %dma_start3A_341 = tpu.memref_slice %arg4[%add3A_337, %dma_start3A_340] : memref<212992x128xf32, #tpu.memory_space<hbm>> -> memref<256x128xf32, #tpu.memory_space<hbm>>
    tpu.enqueue_dma source(%arg6 : memref<256x128xf32, #tpu.memory_space<vmem>>) target(%dma_start3A_341 : memref<256x128xf32, #tpu.memory_space<hbm>>) target_semaphore(%arg10 : memref<!tpu.dma_semaphore, #tpu.memory_space<semaphore_mem>>)
    %dma_wait3A_342 = arith.constant 0 : i32
    %dma_wait3A_343 = tpu.memref_slice %arg4[%add3A_337, %dma_wait3A_342] : memref<212992x128xf32, #tpu.memory_space<hbm>> -> memref<256x128xf32, #tpu.memory_space<hbm>>
    %dma_wait3A_344 = arith.constant 0 : i32
    %dma_wait3A_345 = tpu.memref_slice %arg4[%add3A_337, %dma_wait3A_344] : memref<212992x128xf32, #tpu.memory_space<hbm>> -> memref<256x128xf32, #tpu.memory_space<hbm>>
    tpu.wait_dma2 semaphore(%arg10 : memref<!tpu.dma_semaphore, #tpu.memory_space<semaphore_mem>>) src(%arg6 : memref<256x128xf32, #tpu.memory_space<vmem>>) dst(%dma_wait3A_345 : memref<256x128xf32, #tpu.memory_space<hbm>>)
    %dma_start3A_346 = arith.constant 4608 : i32
    %dma_start3A_347 = tpu.memref_slice %arg5[%dma_start3A_346] : memref<6656xi32, #tpu.memory_space<vmem>> -> memref<256xi32, #tpu.memory_space<vmem>>
    %dma_start3A_348 = arith.constant 0 : i32
    %dma_start3A_349 = arith.constant 0 : i32
    %dma_start3A_350 = tpu.memref_slice %arg3[%dma_start3A_348, %dma_start3A_349] : memref<1000000x128xf32, #tpu.memory_space<hbm>> -> memref<1000000x128xf32, #tpu.memory_space<hbm>>
    tpu.enqueue_indirect_dma source(%dma_start3A_350 : memref<1000000x128xf32, #tpu.memory_space<hbm>>) target(%arg6 : memref<256x128xf32, #tpu.memory_space<vmem>>) offsets(%dma_start3A_347 : memref<256xi32, #tpu.memory_space<vmem>>) semaphore(%arg8 : memref<!tpu.dma_semaphore, #tpu.memory_space<semaphore_mem>>)
    %dma_wait3A_351 = arith.constant 4352 : i32
    %dma_wait3A_352 = tpu.memref_slice %arg5[%dma_wait3A_351] : memref<6656xi32, #tpu.memory_space<vmem>> -> memref<256xi32, #tpu.memory_space<vmem>>
    %dma_wait3A_353 = arith.constant 0 : i32
    %dma_wait3A_354 = arith.constant 0 : i32
    %dma_wait3A_355 = tpu.memref_slice %arg3[%dma_wait3A_353, %dma_wait3A_354] : memref<1000000x128xf32, #tpu.memory_space<hbm>> -> memref<1000000x128xf32, #tpu.memory_space<hbm>>
    tpu.wait_indirect_dma semaphore(%arg9 : memref<!tpu.dma_semaphore, #tpu.memory_space<semaphore_mem>>) src(%dma_wait3A_355 : memref<1000000x128xf32, #tpu.memory_space<hbm>>) dst(%arg7 : memref<256x128xf32, #tpu.memory_space<vmem>>)
    %add3A_356 = arith.constant 4352 : i32
    %add3A_357 = arith.addi %mul3A_2, %add3A_356 : i32
    %dma_start3A_358 = arith.constant 0 : i32
    %dma_start3A_359 = tpu.memref_slice %arg4[%add3A_357, %dma_start3A_358] : memref<212992x128xf32, #tpu.memory_space<hbm>> -> memref<256x128xf32, #tpu.memory_space<hbm>>
    %dma_start3A_360 = arith.constant 0 : i32
    %dma_start3A_361 = tpu.memref_slice %arg4[%add3A_357, %dma_start3A_360] : memref<212992x128xf32, #tpu.memory_space<hbm>> -> memref<256x128xf32, #tpu.memory_space<hbm>>
    tpu.enqueue_dma source(%arg7 : memref<256x128xf32, #tpu.memory_space<vmem>>) target(%dma_start3A_361 : memref<256x128xf32, #tpu.memory_space<hbm>>) target_semaphore(%arg11 : memref<!tpu.dma_semaphore, #tpu.memory_space<semaphore_mem>>)
    %dma_wait3A_362 = arith.constant 0 : i32
    %dma_wait3A_363 = tpu.memref_slice %arg4[%add3A_357, %dma_wait3A_362] : memref<212992x128xf32, #tpu.memory_space<hbm>> -> memref<256x128xf32, #tpu.memory_space<hbm>>
    %dma_wait3A_364 = arith.constant 0 : i32
    %dma_wait3A_365 = tpu.memref_slice %arg4[%add3A_357, %dma_wait3A_364] : memref<212992x128xf32, #tpu.memory_space<hbm>> -> memref<256x128xf32, #tpu.memory_space<hbm>>
    tpu.wait_dma2 semaphore(%arg11 : memref<!tpu.dma_semaphore, #tpu.memory_space<semaphore_mem>>) src(%arg7 : memref<256x128xf32, #tpu.memory_space<vmem>>) dst(%dma_wait3A_365 : memref<256x128xf32, #tpu.memory_space<hbm>>)
    %dma_start3A_366 = arith.constant 4864 : i32
    %dma_start3A_367 = tpu.memref_slice %arg5[%dma_start3A_366] : memref<6656xi32, #tpu.memory_space<vmem>> -> memref<256xi32, #tpu.memory_space<vmem>>
    %dma_start3A_368 = arith.constant 0 : i32
    %dma_start3A_369 = arith.constant 0 : i32
    %dma_start3A_370 = tpu.memref_slice %arg3[%dma_start3A_368, %dma_start3A_369] : memref<1000000x128xf32, #tpu.memory_space<hbm>> -> memref<1000000x128xf32, #tpu.memory_space<hbm>>
    tpu.enqueue_indirect_dma source(%dma_start3A_370 : memref<1000000x128xf32, #tpu.memory_space<hbm>>) target(%arg7 : memref<256x128xf32, #tpu.memory_space<vmem>>) offsets(%dma_start3A_367 : memref<256xi32, #tpu.memory_space<vmem>>) semaphore(%arg9 : memref<!tpu.dma_semaphore, #tpu.memory_space<semaphore_mem>>)
    %dma_wait3A_371 = arith.constant 4608 : i32
    %dma_wait3A_372 = tpu.memref_slice %arg5[%dma_wait3A_371] : memref<6656xi32, #tpu.memory_space<vmem>> -> memref<256xi32, #tpu.memory_space<vmem>>
    %dma_wait3A_373 = arith.constant 0 : i32
    %dma_wait3A_374 = arith.constant 0 : i32
    %dma_wait3A_375 = tpu.memref_slice %arg3[%dma_wait3A_373, %dma_wait3A_374] : memref<1000000x128xf32, #tpu.memory_space<hbm>> -> memref<1000000x128xf32, #tpu.memory_space<hbm>>
    tpu.wait_indirect_dma semaphore(%arg8 : memref<!tpu.dma_semaphore, #tpu.memory_space<semaphore_mem>>) src(%dma_wait3A_375 : memref<1000000x128xf32, #tpu.memory_space<hbm>>) dst(%arg6 : memref<256x128xf32, #tpu.memory_space<vmem>>)
    %add3A_376 = arith.constant 4608 : i32
    %add3A_377 = arith.addi %mul3A_2, %add3A_376 : i32
    %dma_start3A_378 = arith.constant 0 : i32
    %dma_start3A_379 = tpu.memref_slice %arg4[%add3A_377, %dma_start3A_378] : memref<212992x128xf32, #tpu.memory_space<hbm>> -> memref<256x128xf32, #tpu.memory_space<hbm>>
    %dma_start3A_380 = arith.constant 0 : i32
    %dma_start3A_381 = tpu.memref_slice %arg4[%add3A_377, %dma_start3A_380] : memref<212992x128xf32, #tpu.memory_space<hbm>> -> memref<256x128xf32, #tpu.memory_space<hbm>>
    tpu.enqueue_dma source(%arg6 : memref<256x128xf32, #tpu.memory_space<vmem>>) target(%dma_start3A_381 : memref<256x128xf32, #tpu.memory_space<hbm>>) target_semaphore(%arg10 : memref<!tpu.dma_semaphore, #tpu.memory_space<semaphore_mem>>)
    %dma_wait3A_382 = arith.constant 0 : i32
    %dma_wait3A_383 = tpu.memref_slice %arg4[%add3A_377, %dma_wait3A_382] : memref<212992x128xf32, #tpu.memory_space<hbm>> -> memref<256x128xf32, #tpu.memory_space<hbm>>
    %dma_wait3A_384 = arith.constant 0 : i32
    %dma_wait3A_385 = tpu.memref_slice %arg4[%add3A_377, %dma_wait3A_384] : memref<212992x128xf32, #tpu.memory_space<hbm>> -> memref<256x128xf32, #tpu.memory_space<hbm>>
    tpu.wait_dma2 semaphore(%arg10 : memref<!tpu.dma_semaphore, #tpu.memory_space<semaphore_mem>>) src(%arg6 : memref<256x128xf32, #tpu.memory_space<vmem>>) dst(%dma_wait3A_385 : memref<256x128xf32, #tpu.memory_space<hbm>>)
    %dma_start3A_386 = arith.constant 5120 : i32
    %dma_start3A_387 = tpu.memref_slice %arg5[%dma_start3A_386] : memref<6656xi32, #tpu.memory_space<vmem>> -> memref<256xi32, #tpu.memory_space<vmem>>
    %dma_start3A_388 = arith.constant 0 : i32
    %dma_start3A_389 = arith.constant 0 : i32
    %dma_start3A_390 = tpu.memref_slice %arg3[%dma_start3A_388, %dma_start3A_389] : memref<1000000x128xf32, #tpu.memory_space<hbm>> -> memref<1000000x128xf32, #tpu.memory_space<hbm>>
    tpu.enqueue_indirect_dma source(%dma_start3A_390 : memref<1000000x128xf32, #tpu.memory_space<hbm>>) target(%arg6 : memref<256x128xf32, #tpu.memory_space<vmem>>) offsets(%dma_start3A_387 : memref<256xi32, #tpu.memory_space<vmem>>) semaphore(%arg8 : memref<!tpu.dma_semaphore, #tpu.memory_space<semaphore_mem>>)
    %dma_wait3A_391 = arith.constant 4864 : i32
    %dma_wait3A_392 = tpu.memref_slice %arg5[%dma_wait3A_391] : memref<6656xi32, #tpu.memory_space<vmem>> -> memref<256xi32, #tpu.memory_space<vmem>>
    %dma_wait3A_393 = arith.constant 0 : i32
    %dma_wait3A_394 = arith.constant 0 : i32
    %dma_wait3A_395 = tpu.memref_slice %arg3[%dma_wait3A_393, %dma_wait3A_394] : memref<1000000x128xf32, #tpu.memory_space<hbm>> -> memref<1000000x128xf32, #tpu.memory_space<hbm>>
    tpu.wait_indirect_dma semaphore(%arg9 : memref<!tpu.dma_semaphore, #tpu.memory_space<semaphore_mem>>) src(%dma_wait3A_395 : memref<1000000x128xf32, #tpu.memory_space<hbm>>) dst(%arg7 : memref<256x128xf32, #tpu.memory_space<vmem>>)
    %add3A_396 = arith.constant 4864 : i32
    %add3A_397 = arith.addi %mul3A_2, %add3A_396 : i32
    %dma_start3A_398 = arith.constant 0 : i32
    %dma_start3A_399 = tpu.memref_slice %arg4[%add3A_397, %dma_start3A_398] : memref<212992x128xf32, #tpu.memory_space<hbm>> -> memref<256x128xf32, #tpu.memory_space<hbm>>
    %dma_start3A_400 = arith.constant 0 : i32
    %dma_start3A_401 = tpu.memref_slice %arg4[%add3A_397, %dma_start3A_400] : memref<212992x128xf32, #tpu.memory_space<hbm>> -> memref<256x128xf32, #tpu.memory_space<hbm>>
    tpu.enqueue_dma source(%arg7 : memref<256x128xf32, #tpu.memory_space<vmem>>) target(%dma_start3A_401 : memref<256x128xf32, #tpu.memory_space<hbm>>) target_semaphore(%arg11 : memref<!tpu.dma_semaphore, #tpu.memory_space<semaphore_mem>>)
    %dma_wait3A_402 = arith.constant 0 : i32
    %dma_wait3A_403 = tpu.memref_slice %arg4[%add3A_397, %dma_wait3A_402] : memref<212992x128xf32, #tpu.memory_space<hbm>> -> memref<256x128xf32, #tpu.memory_space<hbm>>
    %dma_wait3A_404 = arith.constant 0 : i32
    %dma_wait3A_405 = tpu.memref_slice %arg4[%add3A_397, %dma_wait3A_404] : memref<212992x128xf32, #tpu.memory_space<hbm>> -> memref<256x128xf32, #tpu.memory_space<hbm>>
    tpu.wait_dma2 semaphore(%arg11 : memref<!tpu.dma_semaphore, #tpu.memory_space<semaphore_mem>>) src(%arg7 : memref<256x128xf32, #tpu.memory_space<vmem>>) dst(%dma_wait3A_405 : memref<256x128xf32, #tpu.memory_space<hbm>>)
    %dma_start3A_406 = arith.constant 5376 : i32
    %dma_start3A_407 = tpu.memref_slice %arg5[%dma_start3A_406] : memref<6656xi32, #tpu.memory_space<vmem>> -> memref<256xi32, #tpu.memory_space<vmem>>
    %dma_start3A_408 = arith.constant 0 : i32
    %dma_start3A_409 = arith.constant 0 : i32
    %dma_start3A_410 = tpu.memref_slice %arg3[%dma_start3A_408, %dma_start3A_409] : memref<1000000x128xf32, #tpu.memory_space<hbm>> -> memref<1000000x128xf32, #tpu.memory_space<hbm>>
    tpu.enqueue_indirect_dma source(%dma_start3A_410 : memref<1000000x128xf32, #tpu.memory_space<hbm>>) target(%arg7 : memref<256x128xf32, #tpu.memory_space<vmem>>) offsets(%dma_start3A_407 : memref<256xi32, #tpu.memory_space<vmem>>) semaphore(%arg9 : memref<!tpu.dma_semaphore, #tpu.memory_space<semaphore_mem>>)
    %dma_wait3A_411 = arith.constant 5120 : i32
    %dma_wait3A_412 = tpu.memref_slice %arg5[%dma_wait3A_411] : memref<6656xi32, #tpu.memory_space<vmem>> -> memref<256xi32, #tpu.memory_space<vmem>>
    %dma_wait3A_413 = arith.constant 0 : i32
    %dma_wait3A_414 = arith.constant 0 : i32
    %dma_wait3A_415 = tpu.memref_slice %arg3[%dma_wait3A_413, %dma_wait3A_414] : memref<1000000x128xf32, #tpu.memory_space<hbm>> -> memref<1000000x128xf32, #tpu.memory_space<hbm>>
    tpu.wait_indirect_dma semaphore(%arg8 : memref<!tpu.dma_semaphore, #tpu.memory_space<semaphore_mem>>) src(%dma_wait3A_415 : memref<1000000x128xf32, #tpu.memory_space<hbm>>) dst(%arg6 : memref<256x128xf32, #tpu.memory_space<vmem>>)
    %add3A_416 = arith.constant 5120 : i32
    %add3A_417 = arith.addi %mul3A_2, %add3A_416 : i32
    %dma_start3A_418 = arith.constant 0 : i32
    %dma_start3A_419 = tpu.memref_slice %arg4[%add3A_417, %dma_start3A_418] : memref<212992x128xf32, #tpu.memory_space<hbm>> -> memref<256x128xf32, #tpu.memory_space<hbm>>
    %dma_start3A_420 = arith.constant 0 : i32
    %dma_start3A_421 = tpu.memref_slice %arg4[%add3A_417, %dma_start3A_420] : memref<212992x128xf32, #tpu.memory_space<hbm>> -> memref<256x128xf32, #tpu.memory_space<hbm>>
    tpu.enqueue_dma source(%arg6 : memref<256x128xf32, #tpu.memory_space<vmem>>) target(%dma_start3A_421 : memref<256x128xf32, #tpu.memory_space<hbm>>) target_semaphore(%arg10 : memref<!tpu.dma_semaphore, #tpu.memory_space<semaphore_mem>>)
    %dma_wait3A_422 = arith.constant 0 : i32
    %dma_wait3A_423 = tpu.memref_slice %arg4[%add3A_417, %dma_wait3A_422] : memref<212992x128xf32, #tpu.memory_space<hbm>> -> memref<256x128xf32, #tpu.memory_space<hbm>>
    %dma_wait3A_424 = arith.constant 0 : i32
    %dma_wait3A_425 = tpu.memref_slice %arg4[%add3A_417, %dma_wait3A_424] : memref<212992x128xf32, #tpu.memory_space<hbm>> -> memref<256x128xf32, #tpu.memory_space<hbm>>
    tpu.wait_dma2 semaphore(%arg10 : memref<!tpu.dma_semaphore, #tpu.memory_space<semaphore_mem>>) src(%arg6 : memref<256x128xf32, #tpu.memory_space<vmem>>) dst(%dma_wait3A_425 : memref<256x128xf32, #tpu.memory_space<hbm>>)
    %dma_start3A_426 = arith.constant 5632 : i32
    %dma_start3A_427 = tpu.memref_slice %arg5[%dma_start3A_426] : memref<6656xi32, #tpu.memory_space<vmem>> -> memref<256xi32, #tpu.memory_space<vmem>>
    %dma_start3A_428 = arith.constant 0 : i32
    %dma_start3A_429 = arith.constant 0 : i32
    %dma_start3A_430 = tpu.memref_slice %arg3[%dma_start3A_428, %dma_start3A_429] : memref<1000000x128xf32, #tpu.memory_space<hbm>> -> memref<1000000x128xf32, #tpu.memory_space<hbm>>
    tpu.enqueue_indirect_dma source(%dma_start3A_430 : memref<1000000x128xf32, #tpu.memory_space<hbm>>) target(%arg6 : memref<256x128xf32, #tpu.memory_space<vmem>>) offsets(%dma_start3A_427 : memref<256xi32, #tpu.memory_space<vmem>>) semaphore(%arg8 : memref<!tpu.dma_semaphore, #tpu.memory_space<semaphore_mem>>)
    %dma_wait3A_431 = arith.constant 5376 : i32
    %dma_wait3A_432 = tpu.memref_slice %arg5[%dma_wait3A_431] : memref<6656xi32, #tpu.memory_space<vmem>> -> memref<256xi32, #tpu.memory_space<vmem>>
    %dma_wait3A_433 = arith.constant 0 : i32
    %dma_wait3A_434 = arith.constant 0 : i32
    %dma_wait3A_435 = tpu.memref_slice %arg3[%dma_wait3A_433, %dma_wait3A_434] : memref<1000000x128xf32, #tpu.memory_space<hbm>> -> memref<1000000x128xf32, #tpu.memory_space<hbm>>
    tpu.wait_indirect_dma semaphore(%arg9 : memref<!tpu.dma_semaphore, #tpu.memory_space<semaphore_mem>>) src(%dma_wait3A_435 : memref<1000000x128xf32, #tpu.memory_space<hbm>>) dst(%arg7 : memref<256x128xf32, #tpu.memory_space<vmem>>)
    %add3A_436 = arith.constant 5376 : i32
    %add3A_437 = arith.addi %mul3A_2, %add3A_436 : i32
    %dma_start3A_438 = arith.constant 0 : i32
    %dma_start3A_439 = tpu.memref_slice %arg4[%add3A_437, %dma_start3A_438] : memref<212992x128xf32, #tpu.memory_space<hbm>> -> memref<256x128xf32, #tpu.memory_space<hbm>>
    %dma_start3A_440 = arith.constant 0 : i32
    %dma_start3A_441 = tpu.memref_slice %arg4[%add3A_437, %dma_start3A_440] : memref<212992x128xf32, #tpu.memory_space<hbm>> -> memref<256x128xf32, #tpu.memory_space<hbm>>
    tpu.enqueue_dma source(%arg7 : memref<256x128xf32, #tpu.memory_space<vmem>>) target(%dma_start3A_441 : memref<256x128xf32, #tpu.memory_space<hbm>>) target_semaphore(%arg11 : memref<!tpu.dma_semaphore, #tpu.memory_space<semaphore_mem>>)
    %dma_wait3A_442 = arith.constant 0 : i32
    %dma_wait3A_443 = tpu.memref_slice %arg4[%add3A_437, %dma_wait3A_442] : memref<212992x128xf32, #tpu.memory_space<hbm>> -> memref<256x128xf32, #tpu.memory_space<hbm>>
    %dma_wait3A_444 = arith.constant 0 : i32
    %dma_wait3A_445 = tpu.memref_slice %arg4[%add3A_437, %dma_wait3A_444] : memref<212992x128xf32, #tpu.memory_space<hbm>> -> memref<256x128xf32, #tpu.memory_space<hbm>>
    tpu.wait_dma2 semaphore(%arg11 : memref<!tpu.dma_semaphore, #tpu.memory_space<semaphore_mem>>) src(%arg7 : memref<256x128xf32, #tpu.memory_space<vmem>>) dst(%dma_wait3A_445 : memref<256x128xf32, #tpu.memory_space<hbm>>)
    %dma_start3A_446 = arith.constant 5888 : i32
    %dma_start3A_447 = tpu.memref_slice %arg5[%dma_start3A_446] : memref<6656xi32, #tpu.memory_space<vmem>> -> memref<256xi32, #tpu.memory_space<vmem>>
    %dma_start3A_448 = arith.constant 0 : i32
    %dma_start3A_449 = arith.constant 0 : i32
    %dma_start3A_450 = tpu.memref_slice %arg3[%dma_start3A_448, %dma_start3A_449] : memref<1000000x128xf32, #tpu.memory_space<hbm>> -> memref<1000000x128xf32, #tpu.memory_space<hbm>>
    tpu.enqueue_indirect_dma source(%dma_start3A_450 : memref<1000000x128xf32, #tpu.memory_space<hbm>>) target(%arg7 : memref<256x128xf32, #tpu.memory_space<vmem>>) offsets(%dma_start3A_447 : memref<256xi32, #tpu.memory_space<vmem>>) semaphore(%arg9 : memref<!tpu.dma_semaphore, #tpu.memory_space<semaphore_mem>>)
    %dma_wait3A_451 = arith.constant 5632 : i32
    %dma_wait3A_452 = tpu.memref_slice %arg5[%dma_wait3A_451] : memref<6656xi32, #tpu.memory_space<vmem>> -> memref<256xi32, #tpu.memory_space<vmem>>
    %dma_wait3A_453 = arith.constant 0 : i32
    %dma_wait3A_454 = arith.constant 0 : i32
    %dma_wait3A_455 = tpu.memref_slice %arg3[%dma_wait3A_453, %dma_wait3A_454] : memref<1000000x128xf32, #tpu.memory_space<hbm>> -> memref<1000000x128xf32, #tpu.memory_space<hbm>>
    tpu.wait_indirect_dma semaphore(%arg8 : memref<!tpu.dma_semaphore, #tpu.memory_space<semaphore_mem>>) src(%dma_wait3A_455 : memref<1000000x128xf32, #tpu.memory_space<hbm>>) dst(%arg6 : memref<256x128xf32, #tpu.memory_space<vmem>>)
    %add3A_456 = arith.constant 5632 : i32
    %add3A_457 = arith.addi %mul3A_2, %add3A_456 : i32
    %dma_start3A_458 = arith.constant 0 : i32
    %dma_start3A_459 = tpu.memref_slice %arg4[%add3A_457, %dma_start3A_458] : memref<212992x128xf32, #tpu.memory_space<hbm>> -> memref<256x128xf32, #tpu.memory_space<hbm>>
    %dma_start3A_460 = arith.constant 0 : i32
    %dma_start3A_461 = tpu.memref_slice %arg4[%add3A_457, %dma_start3A_460] : memref<212992x128xf32, #tpu.memory_space<hbm>> -> memref<256x128xf32, #tpu.memory_space<hbm>>
    tpu.enqueue_dma source(%arg6 : memref<256x128xf32, #tpu.memory_space<vmem>>) target(%dma_start3A_461 : memref<256x128xf32, #tpu.memory_space<hbm>>) target_semaphore(%arg10 : memref<!tpu.dma_semaphore, #tpu.memory_space<semaphore_mem>>)
    %dma_wait3A_462 = arith.constant 0 : i32
    %dma_wait3A_463 = tpu.memref_slice %arg4[%add3A_457, %dma_wait3A_462] : memref<212992x128xf32, #tpu.memory_space<hbm>> -> memref<256x128xf32, #tpu.memory_space<hbm>>
    %dma_wait3A_464 = arith.constant 0 : i32
    %dma_wait3A_465 = tpu.memref_slice %arg4[%add3A_457, %dma_wait3A_464] : memref<212992x128xf32, #tpu.memory_space<hbm>> -> memref<256x128xf32, #tpu.memory_space<hbm>>
    tpu.wait_dma2 semaphore(%arg10 : memref<!tpu.dma_semaphore, #tpu.memory_space<semaphore_mem>>) src(%arg6 : memref<256x128xf32, #tpu.memory_space<vmem>>) dst(%dma_wait3A_465 : memref<256x128xf32, #tpu.memory_space<hbm>>)
    %dma_start3A_466 = arith.constant 6144 : i32
    %dma_start3A_467 = tpu.memref_slice %arg5[%dma_start3A_466] : memref<6656xi32, #tpu.memory_space<vmem>> -> memref<256xi32, #tpu.memory_space<vmem>>
    %dma_start3A_468 = arith.constant 0 : i32
    %dma_start3A_469 = arith.constant 0 : i32
    %dma_start3A_470 = tpu.memref_slice %arg3[%dma_start3A_468, %dma_start3A_469] : memref<1000000x128xf32, #tpu.memory_space<hbm>> -> memref<1000000x128xf32, #tpu.memory_space<hbm>>
    tpu.enqueue_indirect_dma source(%dma_start3A_470 : memref<1000000x128xf32, #tpu.memory_space<hbm>>) target(%arg6 : memref<256x128xf32, #tpu.memory_space<vmem>>) offsets(%dma_start3A_467 : memref<256xi32, #tpu.memory_space<vmem>>) semaphore(%arg8 : memref<!tpu.dma_semaphore, #tpu.memory_space<semaphore_mem>>)
    %dma_wait3A_471 = arith.constant 5888 : i32
    %dma_wait3A_472 = tpu.memref_slice %arg5[%dma_wait3A_471] : memref<6656xi32, #tpu.memory_space<vmem>> -> memref<256xi32, #tpu.memory_space<vmem>>
    %dma_wait3A_473 = arith.constant 0 : i32
    %dma_wait3A_474 = arith.constant 0 : i32
    %dma_wait3A_475 = tpu.memref_slice %arg3[%dma_wait3A_473, %dma_wait3A_474] : memref<1000000x128xf32, #tpu.memory_space<hbm>> -> memref<1000000x128xf32, #tpu.memory_space<hbm>>
    tpu.wait_indirect_dma semaphore(%arg9 : memref<!tpu.dma_semaphore, #tpu.memory_space<semaphore_mem>>) src(%dma_wait3A_475 : memref<1000000x128xf32, #tpu.memory_space<hbm>>) dst(%arg7 : memref<256x128xf32, #tpu.memory_space<vmem>>)
    %add3A_476 = arith.constant 5888 : i32
    %add3A_477 = arith.addi %mul3A_2, %add3A_476 : i32
    %dma_start3A_478 = arith.constant 0 : i32
    %dma_start3A_479 = tpu.memref_slice %arg4[%add3A_477, %dma_start3A_478] : memref<212992x128xf32, #tpu.memory_space<hbm>> -> memref<256x128xf32, #tpu.memory_space<hbm>>
    %dma_start3A_480 = arith.constant 0 : i32
    %dma_start3A_481 = tpu.memref_slice %arg4[%add3A_477, %dma_start3A_480] : memref<212992x128xf32, #tpu.memory_space<hbm>> -> memref<256x128xf32, #tpu.memory_space<hbm>>
    tpu.enqueue_dma source(%arg7 : memref<256x128xf32, #tpu.memory_space<vmem>>) target(%dma_start3A_481 : memref<256x128xf32, #tpu.memory_space<hbm>>) target_semaphore(%arg11 : memref<!tpu.dma_semaphore, #tpu.memory_space<semaphore_mem>>)
    %dma_wait3A_482 = arith.constant 0 : i32
    %dma_wait3A_483 = tpu.memref_slice %arg4[%add3A_477, %dma_wait3A_482] : memref<212992x128xf32, #tpu.memory_space<hbm>> -> memref<256x128xf32, #tpu.memory_space<hbm>>
    %dma_wait3A_484 = arith.constant 0 : i32
    %dma_wait3A_485 = tpu.memref_slice %arg4[%add3A_477, %dma_wait3A_484] : memref<212992x128xf32, #tpu.memory_space<hbm>> -> memref<256x128xf32, #tpu.memory_space<hbm>>
    tpu.wait_dma2 semaphore(%arg11 : memref<!tpu.dma_semaphore, #tpu.memory_space<semaphore_mem>>) src(%arg7 : memref<256x128xf32, #tpu.memory_space<vmem>>) dst(%dma_wait3A_485 : memref<256x128xf32, #tpu.memory_space<hbm>>)
    %dma_start3A_486 = arith.constant 6400 : i32
    %dma_start3A_487 = tpu.memref_slice %arg5[%dma_start3A_486] : memref<6656xi32, #tpu.memory_space<vmem>> -> memref<256xi32, #tpu.memory_space<vmem>>
    %dma_start3A_488 = arith.constant 0 : i32
    %dma_start3A_489 = arith.constant 0 : i32
    %dma_start3A_490 = tpu.memref_slice %arg3[%dma_start3A_488, %dma_start3A_489] : memref<1000000x128xf32, #tpu.memory_space<hbm>> -> memref<1000000x128xf32, #tpu.memory_space<hbm>>
    tpu.enqueue_indirect_dma source(%dma_start3A_490 : memref<1000000x128xf32, #tpu.memory_space<hbm>>) target(%arg7 : memref<256x128xf32, #tpu.memory_space<vmem>>) offsets(%dma_start3A_487 : memref<256xi32, #tpu.memory_space<vmem>>) semaphore(%arg9 : memref<!tpu.dma_semaphore, #tpu.memory_space<semaphore_mem>>)
    %dma_wait3A_491 = arith.constant 6144 : i32
    %dma_wait3A_492 = tpu.memref_slice %arg5[%dma_wait3A_491] : memref<6656xi32, #tpu.memory_space<vmem>> -> memref<256xi32, #tpu.memory_space<vmem>>
    %dma_wait3A_493 = arith.constant 0 : i32
    %dma_wait3A_494 = arith.constant 0 : i32
    %dma_wait3A_495 = tpu.memref_slice %arg3[%dma_wait3A_493, %dma_wait3A_494] : memref<1000000x128xf32, #tpu.memory_space<hbm>> -> memref<1000000x128xf32, #tpu.memory_space<hbm>>
    tpu.wait_indirect_dma semaphore(%arg8 : memref<!tpu.dma_semaphore, #tpu.memory_space<semaphore_mem>>) src(%dma_wait3A_495 : memref<1000000x128xf32, #tpu.memory_space<hbm>>) dst(%arg6 : memref<256x128xf32, #tpu.memory_space<vmem>>)
    %add3A_496 = arith.constant 6144 : i32
    %add3A_497 = arith.addi %mul3A_2, %add3A_496 : i32
    %dma_start3A_498 = arith.constant 0 : i32
    %dma_start3A_499 = tpu.memref_slice %arg4[%add3A_497, %dma_start3A_498] : memref<212992x128xf32, #tpu.memory_space<hbm>> -> memref<256x128xf32, #tpu.memory_space<hbm>>
    %dma_start3A_500 = arith.constant 0 : i32
    %dma_start3A_501 = tpu.memref_slice %arg4[%add3A_497, %dma_start3A_500] : memref<212992x128xf32, #tpu.memory_space<hbm>> -> memref<256x128xf32, #tpu.memory_space<hbm>>
    tpu.enqueue_dma source(%arg6 : memref<256x128xf32, #tpu.memory_space<vmem>>) target(%dma_start3A_501 : memref<256x128xf32, #tpu.memory_space<hbm>>) target_semaphore(%arg10 : memref<!tpu.dma_semaphore, #tpu.memory_space<semaphore_mem>>)
    %dma_wait3A_502 = arith.constant 6400 : i32
    %dma_wait3A_503 = tpu.memref_slice %arg5[%dma_wait3A_502] : memref<6656xi32, #tpu.memory_space<vmem>> -> memref<256xi32, #tpu.memory_space<vmem>>
    %dma_wait3A_504 = arith.constant 0 : i32
    %dma_wait3A_505 = arith.constant 0 : i32
    %dma_wait3A_506 = tpu.memref_slice %arg3[%dma_wait3A_504, %dma_wait3A_505] : memref<1000000x128xf32, #tpu.memory_space<hbm>> -> memref<1000000x128xf32, #tpu.memory_space<hbm>>
    tpu.wait_indirect_dma semaphore(%arg9 : memref<!tpu.dma_semaphore, #tpu.memory_space<semaphore_mem>>) src(%dma_wait3A_506 : memref<1000000x128xf32, #tpu.memory_space<hbm>>) dst(%arg7 : memref<256x128xf32, #tpu.memory_space<vmem>>)
    %add3A_507 = arith.constant 6400 : i32
    %add3A_508 = arith.addi %mul3A_2, %add3A_507 : i32
    "tpu.region"() ({
      %run_scoped3A = tpu.sem_alloc : memref<!tpu.dma_semaphore, #tpu.memory_space<semaphore_mem>>
      %dma_start3A_513 = arith.constant 0 : i32
      %dma_start3A_514 = tpu.memref_slice %arg4[%add3A_508, %dma_start3A_513] : memref<212992x128xf32, #tpu.memory_space<hbm>> -> memref<256x128xf32, #tpu.memory_space<hbm>>
      %dma_start3A_515 = arith.constant 0 : i32
      %dma_start3A_516 = tpu.memref_slice %arg4[%add3A_508, %dma_start3A_515] : memref<212992x128xf32, #tpu.memory_space<hbm>> -> memref<256x128xf32, #tpu.memory_space<hbm>>
      tpu.enqueue_dma source(%arg7 : memref<256x128xf32, #tpu.memory_space<vmem>>) target(%dma_start3A_516 : memref<256x128xf32, #tpu.memory_space<hbm>>) target_semaphore(%run_scoped3A : memref<!tpu.dma_semaphore, #tpu.memory_space<semaphore_mem>>)
      %dma_wait3A_517 = arith.constant 0 : i32
      %dma_wait3A_518 = tpu.memref_slice %arg4[%add3A_508, %dma_wait3A_517] : memref<212992x128xf32, #tpu.memory_space<hbm>> -> memref<256x128xf32, #tpu.memory_space<hbm>>
      %dma_wait3A_519 = arith.constant 0 : i32
      %dma_wait3A_520 = tpu.memref_slice %arg4[%add3A_508, %dma_wait3A_519] : memref<212992x128xf32, #tpu.memory_space<hbm>> -> memref<256x128xf32, #tpu.memory_space<hbm>>
      tpu.wait_dma2 semaphore(%run_scoped3A : memref<!tpu.dma_semaphore, #tpu.memory_space<semaphore_mem>>) src(%arg7 : memref<256x128xf32, #tpu.memory_space<vmem>>) dst(%dma_wait3A_520 : memref<256x128xf32, #tpu.memory_space<hbm>>)
      tpu.yield
    }) : () -> ()
    %dma_wait3A_509 = arith.constant 0 : i32
    %dma_wait3A_510 = tpu.memref_slice %arg4[%add3A_497, %dma_wait3A_509] : memref<212992x128xf32, #tpu.memory_space<hbm>> -> memref<256x128xf32, #tpu.memory_space<hbm>>
    %dma_wait3A_511 = arith.constant 0 : i32
    %dma_wait3A_512 = tpu.memref_slice %arg4[%add3A_497, %dma_wait3A_511] : memref<212992x128xf32, #tpu.memory_space<hbm>> -> memref<256x128xf32, #tpu.memory_space<hbm>>
    tpu.wait_dma2 semaphore(%arg10 : memref<!tpu.dma_semaphore, #tpu.memory_space<semaphore_mem>>) src(%arg6 : memref<256x128xf32, #tpu.memory_space<vmem>>) dst(%dma_wait3A_512 : memref<256x128xf32, #tpu.memory_space<hbm>>)
    return
  }
}

#map = affine_map<(d0, d1) -> (0)>
#map1 = affine_map<(d0, d1) -> (0, 0)>
module attributes {stable_mosaic.version = 14 : i64} {
  func.func @k(%arg0: i32, %arg1: i32, %arg2: memref<212992xi32, #tpu.memory_space<hbm>>, %arg3: memref<1000000x128xf32, #tpu.memory_space<hbm>>, %arg4: memref<212992x128xf32, #tpu.memory_space<hbm>>, %arg5: memref<6656xi32, #tpu.memory_space<vmem>>, %arg6: memref<256x128xf32, #tpu.memory_space<vmem>>, %arg7: memref<256x128xf32, #tpu.memory_space<vmem>>, %arg8: memref<!tpu.dma_semaphore, #tpu.memory_space<semaphore_mem>>, %arg9: memref<!tpu.dma_semaphore, #tpu.memory_space<semaphore_mem>>, %arg10: memref<!tpu.dma_semaphore, #tpu.memory_space<semaphore_mem>>, %arg11: memref<!tpu.dma_semaphore, #tpu.memory_space<semaphore_mem>>) attributes {dimension_semantics = [#tpu.dimension_semantics<core_parallel>, #tpu.dimension_semantics<subcore_parallel>], iteration_bounds = array<i64: 2, 16>, scalar_prefetch = 0 : i64, scratch_operands = 7 : i64, tpu.core_type = #tpu.core_type<sc_vector_subcore>, window_params = [{transform_indices = #map}, {transform_indices = #map1}, {transform_indices = #map1}]} {
    %mul3A = arith.constant 2 : i32
    %mul3A_0 = arith.muli %arg1, %mul3A : i32
    %add3A = arith.addi %mul3A_0, %arg0 : i32
    %mul3A_1 = arith.constant 6656 : i32
    %mul3A_2 = arith.muli %add3A, %mul3A_1 : i32
    "tpu.region"() ({
      %run_scoped3A = tpu.sem_alloc : memref<!tpu.dma_semaphore, #tpu.memory_space<semaphore_mem>>
      %dma_start3A_513 = tpu.memref_slice %arg2[%mul3A_2] : memref<212992xi32, #tpu.memory_space<hbm>> -> memref<6656xi32, #tpu.memory_space<hbm>>
      %dma_start3A_514 = tpu.memref_slice %arg2[%mul3A_2] : memref<212992xi32, #tpu.memory_space<hbm>> -> memref<6656xi32, #tpu.memory_space<hbm>>
      tpu.enqueue_dma source(%dma_start3A_514 : memref<6656xi32, #tpu.memory_space<hbm>>) target(%arg5 : memref<6656xi32, #tpu.memory_space<vmem>>) target_semaphore(%run_scoped3A : memref<!tpu.dma_semaphore, #tpu.memory_space<semaphore_mem>>)
      %dma_wait3A_515 = tpu.memref_slice %arg2[%mul3A_2] : memref<212992xi32, #tpu.memory_space<hbm>> -> memref<6656xi32, #tpu.memory_space<hbm>>
      %dma_wait3A_516 = tpu.memref_slice %arg2[%mul3A_2] : memref<212992xi32, #tpu.memory_space<hbm>> -> memref<6656xi32, #tpu.memory_space<hbm>>
      tpu.wait_dma2 semaphore(%run_scoped3A : memref<!tpu.dma_semaphore, #tpu.memory_space<semaphore_mem>>) src(%dma_wait3A_516 : memref<6656xi32, #tpu.memory_space<hbm>>) dst(%arg5 : memref<6656xi32, #tpu.memory_space<vmem>>)
      tpu.yield
    }) : () -> ()
    %dma_start3A = arith.constant 0 : i32
    %dma_start3A_3 = tpu.memref_slice %arg5[%dma_start3A] : memref<6656xi32, #tpu.memory_space<vmem>> -> memref<256xi32, #tpu.memory_space<vmem>>
    %dma_start3A_4 = arith.constant 0 : i32
    %dma_start3A_5 = arith.constant 0 : i32
    %dma_start3A_6 = tpu.memref_slice %arg3[%dma_start3A_4, %dma_start3A_5] : memref<1000000x128xf32, #tpu.memory_space<hbm>> -> memref<1000000x128xf32, #tpu.memory_space<hbm>>
    tpu.enqueue_indirect_dma source(%dma_start3A_6 : memref<1000000x128xf32, #tpu.memory_space<hbm>>) target(%arg6 : memref<256x128xf32, #tpu.memory_space<vmem>>) offsets(%dma_start3A_3 : memref<256xi32, #tpu.memory_space<vmem>>) semaphore(%arg8 : memref<!tpu.dma_semaphore, #tpu.memory_space<semaphore_mem>>)
    %dma_start3A_7 = arith.constant 256 : i32
    %dma_start3A_8 = tpu.memref_slice %arg5[%dma_start3A_7] : memref<6656xi32, #tpu.memory_space<vmem>> -> memref<256xi32, #tpu.memory_space<vmem>>
    %dma_start3A_9 = arith.constant 0 : i32
    %dma_start3A_10 = arith.constant 0 : i32
    %dma_start3A_11 = tpu.memref_slice %arg3[%dma_start3A_9, %dma_start3A_10] : memref<1000000x128xf32, #tpu.memory_space<hbm>> -> memref<1000000x128xf32, #tpu.memory_space<hbm>>
    tpu.enqueue_indirect_dma source(%dma_start3A_11 : memref<1000000x128xf32, #tpu.memory_space<hbm>>) target(%arg7 : memref<256x128xf32, #tpu.memory_space<vmem>>) offsets(%dma_start3A_8 : memref<256xi32, #tpu.memory_space<vmem>>) semaphore(%arg9 : memref<!tpu.dma_semaphore, #tpu.memory_space<semaphore_mem>>)
    %dma_wait3A = arith.constant 0 : i32
    %dma_wait3A_12 = tpu.memref_slice %arg5[%dma_wait3A] : memref<6656xi32, #tpu.memory_space<vmem>> -> memref<256xi32, #tpu.memory_space<vmem>>
    %dma_wait3A_13 = arith.constant 0 : i32
    %dma_wait3A_14 = arith.constant 0 : i32
    %dma_wait3A_15 = tpu.memref_slice %arg3[%dma_wait3A_13, %dma_wait3A_14] : memref<1000000x128xf32, #tpu.memory_space<hbm>> -> memref<1000000x128xf32, #tpu.memory_space<hbm>>
    tpu.wait_indirect_dma semaphore(%arg8 : memref<!tpu.dma_semaphore, #tpu.memory_space<semaphore_mem>>) src(%dma_wait3A_15 : memref<1000000x128xf32, #tpu.memory_space<hbm>>) dst(%arg6 : memref<256x128xf32, #tpu.memory_space<vmem>>)
    %add3A_16 = arith.constant 0 : i32
    %add3A_17 = arith.addi %mul3A_2, %add3A_16 : i32
    %dma_start3A_18 = arith.constant 0 : i32
    %dma_start3A_19 = tpu.memref_slice %arg4[%add3A_17, %dma_start3A_18] : memref<212992x128xf32, #tpu.memory_space<hbm>> -> memref<256x128xf32, #tpu.memory_space<hbm>>
    %dma_start3A_20 = arith.constant 0 : i32
    %dma_start3A_21 = tpu.memref_slice %arg4[%add3A_17, %dma_start3A_20] : memref<212992x128xf32, #tpu.memory_space<hbm>> -> memref<256x128xf32, #tpu.memory_space<hbm>>
    tpu.enqueue_dma source(%arg6 : memref<256x128xf32, #tpu.memory_space<vmem>>) target(%dma_start3A_21 : memref<256x128xf32, #tpu.memory_space<hbm>>) target_semaphore(%arg10 : memref<!tpu.dma_semaphore, #tpu.memory_space<semaphore_mem>>)
    %dma_wait3A_22 = arith.constant 0 : i32
    %dma_wait3A_23 = tpu.memref_slice %arg4[%add3A_17, %dma_wait3A_22] : memref<212992x128xf32, #tpu.memory_space<hbm>> -> memref<256x128xf32, #tpu.memory_space<hbm>>
    %dma_wait3A_24 = arith.constant 0 : i32
    %dma_wait3A_25 = tpu.memref_slice %arg4[%add3A_17, %dma_wait3A_24] : memref<212992x128xf32, #tpu.memory_space<hbm>> -> memref<256x128xf32, #tpu.memory_space<hbm>>
    tpu.wait_dma2 semaphore(%arg10 : memref<!tpu.dma_semaphore, #tpu.memory_space<semaphore_mem>>) src(%arg6 : memref<256x128xf32, #tpu.memory_space<vmem>>) dst(%dma_wait3A_25 : memref<256x128xf32, #tpu.memory_space<hbm>>)
    %dma_start3A_26 = arith.constant 512 : i32
    %dma_start3A_27 = tpu.memref_slice %arg5[%dma_start3A_26] : memref<6656xi32, #tpu.memory_space<vmem>> -> memref<256xi32, #tpu.memory_space<vmem>>
    %dma_start3A_28 = arith.constant 0 : i32
    %dma_start3A_29 = arith.constant 0 : i32
    %dma_start3A_30 = tpu.memref_slice %arg3[%dma_start3A_28, %dma_start3A_29] : memref<1000000x128xf32, #tpu.memory_space<hbm>> -> memref<1000000x128xf32, #tpu.memory_space<hbm>>
    tpu.enqueue_indirect_dma source(%dma_start3A_30 : memref<1000000x128xf32, #tpu.memory_space<hbm>>) target(%arg6 : memref<256x128xf32, #tpu.memory_space<vmem>>) offsets(%dma_start3A_27 : memref<256xi32, #tpu.memory_space<vmem>>) semaphore(%arg8 : memref<!tpu.dma_semaphore, #tpu.memory_space<semaphore_mem>>)
    %dma_wait3A_31 = arith.constant 256 : i32
    %dma_wait3A_32 = tpu.memref_slice %arg5[%dma_wait3A_31] : memref<6656xi32, #tpu.memory_space<vmem>> -> memref<256xi32, #tpu.memory_space<vmem>>
    %dma_wait3A_33 = arith.constant 0 : i32
    %dma_wait3A_34 = arith.constant 0 : i32
    %dma_wait3A_35 = tpu.memref_slice %arg3[%dma_wait3A_33, %dma_wait3A_34] : memref<1000000x128xf32, #tpu.memory_space<hbm>> -> memref<1000000x128xf32, #tpu.memory_space<hbm>>
    tpu.wait_indirect_dma semaphore(%arg9 : memref<!tpu.dma_semaphore, #tpu.memory_space<semaphore_mem>>) src(%dma_wait3A_35 : memref<1000000x128xf32, #tpu.memory_space<hbm>>) dst(%arg7 : memref<256x128xf32, #tpu.memory_space<vmem>>)
    %add3A_36 = arith.constant 256 : i32
    %add3A_37 = arith.addi %mul3A_2, %add3A_36 : i32
    %dma_start3A_38 = arith.constant 0 : i32
    %dma_start3A_39 = tpu.memref_slice %arg4[%add3A_37, %dma_start3A_38] : memref<212992x128xf32, #tpu.memory_space<hbm>> -> memref<256x128xf32, #tpu.memory_space<hbm>>
    %dma_start3A_40 = arith.constant 0 : i32
    %dma_start3A_41 = tpu.memref_slice %arg4[%add3A_37, %dma_start3A_40] : memref<212992x128xf32, #tpu.memory_space<hbm>> -> memref<256x128xf32, #tpu.memory_space<hbm>>
    tpu.enqueue_dma source(%arg7 : memref<256x128xf32, #tpu.memory_space<vmem>>) target(%dma_start3A_41 : memref<256x128xf32, #tpu.memory_space<hbm>>) target_semaphore(%arg11 : memref<!tpu.dma_semaphore, #tpu.memory_space<semaphore_mem>>)
    %dma_wait3A_42 = arith.constant 0 : i32
    %dma_wait3A_43 = tpu.memref_slice %arg4[%add3A_37, %dma_wait3A_42] : memref<212992x128xf32, #tpu.memory_space<hbm>> -> memref<256x128xf32, #tpu.memory_space<hbm>>
    %dma_wait3A_44 = arith.constant 0 : i32
    %dma_wait3A_45 = tpu.memref_slice %arg4[%add3A_37, %dma_wait3A_44] : memref<212992x128xf32, #tpu.memory_space<hbm>> -> memref<256x128xf32, #tpu.memory_space<hbm>>
    tpu.wait_dma2 semaphore(%arg11 : memref<!tpu.dma_semaphore, #tpu.memory_space<semaphore_mem>>) src(%arg7 : memref<256x128xf32, #tpu.memory_space<vmem>>) dst(%dma_wait3A_45 : memref<256x128xf32, #tpu.memory_space<hbm>>)
    %dma_start3A_46 = arith.constant 768 : i32
    %dma_start3A_47 = tpu.memref_slice %arg5[%dma_start3A_46] : memref<6656xi32, #tpu.memory_space<vmem>> -> memref<256xi32, #tpu.memory_space<vmem>>
    %dma_start3A_48 = arith.constant 0 : i32
    %dma_start3A_49 = arith.constant 0 : i32
    %dma_start3A_50 = tpu.memref_slice %arg3[%dma_start3A_48, %dma_start3A_49] : memref<1000000x128xf32, #tpu.memory_space<hbm>> -> memref<1000000x128xf32, #tpu.memory_space<hbm>>
    tpu.enqueue_indirect_dma source(%dma_start3A_50 : memref<1000000x128xf32, #tpu.memory_space<hbm>>) target(%arg7 : memref<256x128xf32, #tpu.memory_space<vmem>>) offsets(%dma_start3A_47 : memref<256xi32, #tpu.memory_space<vmem>>) semaphore(%arg9 : memref<!tpu.dma_semaphore, #tpu.memory_space<semaphore_mem>>)
    %dma_wait3A_51 = arith.constant 512 : i32
    %dma_wait3A_52 = tpu.memref_slice %arg5[%dma_wait3A_51] : memref<6656xi32, #tpu.memory_space<vmem>> -> memref<256xi32, #tpu.memory_space<vmem>>
    %dma_wait3A_53 = arith.constant 0 : i32
    %dma_wait3A_54 = arith.constant 0 : i32
    %dma_wait3A_55 = tpu.memref_slice %arg3[%dma_wait3A_53, %dma_wait3A_54] : memref<1000000x128xf32, #tpu.memory_space<hbm>> -> memref<1000000x128xf32, #tpu.memory_space<hbm>>
    tpu.wait_indirect_dma semaphore(%arg8 : memref<!tpu.dma_semaphore, #tpu.memory_space<semaphore_mem>>) src(%dma_wait3A_55 : memref<1000000x128xf32, #tpu.memory_space<hbm>>) dst(%arg6 : memref<256x128xf32, #tpu.memory_space<vmem>>)
    %add3A_56 = arith.constant 512 : i32
    %add3A_57 = arith.addi %mul3A_2, %add3A_56 : i32
    %dma_start3A_58 = arith.constant 0 : i32
    %dma_start3A_59 = tpu.memref_slice %arg4[%add3A_57, %dma_start3A_58] : memref<212992x128xf32, #tpu.memory_space<hbm>> -> memref<256x128xf32, #tpu.memory_space<hbm>>
    %dma_start3A_60 = arith.constant 0 : i32
    %dma_start3A_61 = tpu.memref_slice %arg4[%add3A_57, %dma_start3A_60] : memref<212992x128xf32, #tpu.memory_space<hbm>> -> memref<256x128xf32, #tpu.memory_space<hbm>>
    tpu.enqueue_dma source(%arg6 : memref<256x128xf32, #tpu.memory_space<vmem>>) target(%dma_start3A_61 : memref<256x128xf32, #tpu.memory_space<hbm>>) target_semaphore(%arg10 : memref<!tpu.dma_semaphore, #tpu.memory_space<semaphore_mem>>)
    %dma_wait3A_62 = arith.constant 0 : i32
    %dma_wait3A_63 = tpu.memref_slice %arg4[%add3A_57, %dma_wait3A_62] : memref<212992x128xf32, #tpu.memory_space<hbm>> -> memref<256x128xf32, #tpu.memory_space<hbm>>
    %dma_wait3A_64 = arith.constant 0 : i32
    %dma_wait3A_65 = tpu.memref_slice %arg4[%add3A_57, %dma_wait3A_64] : memref<212992x128xf32, #tpu.memory_space<hbm>> -> memref<256x128xf32, #tpu.memory_space<hbm>>
    tpu.wait_dma2 semaphore(%arg10 : memref<!tpu.dma_semaphore, #tpu.memory_space<semaphore_mem>>) src(%arg6 : memref<256x128xf32, #tpu.memory_space<vmem>>) dst(%dma_wait3A_65 : memref<256x128xf32, #tpu.memory_space<hbm>>)
    %dma_start3A_66 = arith.constant 1024 : i32
    %dma_start3A_67 = tpu.memref_slice %arg5[%dma_start3A_66] : memref<6656xi32, #tpu.memory_space<vmem>> -> memref<256xi32, #tpu.memory_space<vmem>>
    %dma_start3A_68 = arith.constant 0 : i32
    %dma_start3A_69 = arith.constant 0 : i32
    %dma_start3A_70 = tpu.memref_slice %arg3[%dma_start3A_68, %dma_start3A_69] : memref<1000000x128xf32, #tpu.memory_space<hbm>> -> memref<1000000x128xf32, #tpu.memory_space<hbm>>
    tpu.enqueue_indirect_dma source(%dma_start3A_70 : memref<1000000x128xf32, #tpu.memory_space<hbm>>) target(%arg6 : memref<256x128xf32, #tpu.memory_space<vmem>>) offsets(%dma_start3A_67 : memref<256xi32, #tpu.memory_space<vmem>>) semaphore(%arg8 : memref<!tpu.dma_semaphore, #tpu.memory_space<semaphore_mem>>)
    %dma_wait3A_71 = arith.constant 768 : i32
    %dma_wait3A_72 = tpu.memref_slice %arg5[%dma_wait3A_71] : memref<6656xi32, #tpu.memory_space<vmem>> -> memref<256xi32, #tpu.memory_space<vmem>>
    %dma_wait3A_73 = arith.constant 0 : i32
    %dma_wait3A_74 = arith.constant 0 : i32
    %dma_wait3A_75 = tpu.memref_slice %arg3[%dma_wait3A_73, %dma_wait3A_74] : memref<1000000x128xf32, #tpu.memory_space<hbm>> -> memref<1000000x128xf32, #tpu.memory_space<hbm>>
    tpu.wait_indirect_dma semaphore(%arg9 : memref<!tpu.dma_semaphore, #tpu.memory_space<semaphore_mem>>) src(%dma_wait3A_75 : memref<1000000x128xf32, #tpu.memory_space<hbm>>) dst(%arg7 : memref<256x128xf32, #tpu.memory_space<vmem>>)
    %add3A_76 = arith.constant 768 : i32
    %add3A_77 = arith.addi %mul3A_2, %add3A_76 : i32
    %dma_start3A_78 = arith.constant 0 : i32
    %dma_start3A_79 = tpu.memref_slice %arg4[%add3A_77, %dma_start3A_78] : memref<212992x128xf32, #tpu.memory_space<hbm>> -> memref<256x128xf32, #tpu.memory_space<hbm>>
    %dma_start3A_80 = arith.constant 0 : i32
    %dma_start3A_81 = tpu.memref_slice %arg4[%add3A_77, %dma_start3A_80] : memref<212992x128xf32, #tpu.memory_space<hbm>> -> memref<256x128xf32, #tpu.memory_space<hbm>>
    tpu.enqueue_dma source(%arg7 : memref<256x128xf32, #tpu.memory_space<vmem>>) target(%dma_start3A_81 : memref<256x128xf32, #tpu.memory_space<hbm>>) target_semaphore(%arg11 : memref<!tpu.dma_semaphore, #tpu.memory_space<semaphore_mem>>)
    %dma_wait3A_82 = arith.constant 0 : i32
    %dma_wait3A_83 = tpu.memref_slice %arg4[%add3A_77, %dma_wait3A_82] : memref<212992x128xf32, #tpu.memory_space<hbm>> -> memref<256x128xf32, #tpu.memory_space<hbm>>
    %dma_wait3A_84 = arith.constant 0 : i32
    %dma_wait3A_85 = tpu.memref_slice %arg4[%add3A_77, %dma_wait3A_84] : memref<212992x128xf32, #tpu.memory_space<hbm>> -> memref<256x128xf32, #tpu.memory_space<hbm>>
    tpu.wait_dma2 semaphore(%arg11 : memref<!tpu.dma_semaphore, #tpu.memory_space<semaphore_mem>>) src(%arg7 : memref<256x128xf32, #tpu.memory_space<vmem>>) dst(%dma_wait3A_85 : memref<256x128xf32, #tpu.memory_space<hbm>>)
    %dma_start3A_86 = arith.constant 1280 : i32
    %dma_start3A_87 = tpu.memref_slice %arg5[%dma_start3A_86] : memref<6656xi32, #tpu.memory_space<vmem>> -> memref<256xi32, #tpu.memory_space<vmem>>
    %dma_start3A_88 = arith.constant 0 : i32
    %dma_start3A_89 = arith.constant 0 : i32
    %dma_start3A_90 = tpu.memref_slice %arg3[%dma_start3A_88, %dma_start3A_89] : memref<1000000x128xf32, #tpu.memory_space<hbm>> -> memref<1000000x128xf32, #tpu.memory_space<hbm>>
    tpu.enqueue_indirect_dma source(%dma_start3A_90 : memref<1000000x128xf32, #tpu.memory_space<hbm>>) target(%arg7 : memref<256x128xf32, #tpu.memory_space<vmem>>) offsets(%dma_start3A_87 : memref<256xi32, #tpu.memory_space<vmem>>) semaphore(%arg9 : memref<!tpu.dma_semaphore, #tpu.memory_space<semaphore_mem>>)
    %dma_wait3A_91 = arith.constant 1024 : i32
    %dma_wait3A_92 = tpu.memref_slice %arg5[%dma_wait3A_91] : memref<6656xi32, #tpu.memory_space<vmem>> -> memref<256xi32, #tpu.memory_space<vmem>>
    %dma_wait3A_93 = arith.constant 0 : i32
    %dma_wait3A_94 = arith.constant 0 : i32
    %dma_wait3A_95 = tpu.memref_slice %arg3[%dma_wait3A_93, %dma_wait3A_94] : memref<1000000x128xf32, #tpu.memory_space<hbm>> -> memref<1000000x128xf32, #tpu.memory_space<hbm>>
    tpu.wait_indirect_dma semaphore(%arg8 : memref<!tpu.dma_semaphore, #tpu.memory_space<semaphore_mem>>) src(%dma_wait3A_95 : memref<1000000x128xf32, #tpu.memory_space<hbm>>) dst(%arg6 : memref<256x128xf32, #tpu.memory_space<vmem>>)
    %add3A_96 = arith.constant 1024 : i32
    %add3A_97 = arith.addi %mul3A_2, %add3A_96 : i32
    %dma_start3A_98 = arith.constant 0 : i32
    %dma_start3A_99 = tpu.memref_slice %arg4[%add3A_97, %dma_start3A_98] : memref<212992x128xf32, #tpu.memory_space<hbm>> -> memref<256x128xf32, #tpu.memory_space<hbm>>
    %dma_start3A_100 = arith.constant 0 : i32
    %dma_start3A_101 = tpu.memref_slice %arg4[%add3A_97, %dma_start3A_100] : memref<212992x128xf32, #tpu.memory_space<hbm>> -> memref<256x128xf32, #tpu.memory_space<hbm>>
    tpu.enqueue_dma source(%arg6 : memref<256x128xf32, #tpu.memory_space<vmem>>) target(%dma_start3A_101 : memref<256x128xf32, #tpu.memory_space<hbm>>) target_semaphore(%arg10 : memref<!tpu.dma_semaphore, #tpu.memory_space<semaphore_mem>>)
    %dma_wait3A_102 = arith.constant 0 : i32
    %dma_wait3A_103 = tpu.memref_slice %arg4[%add3A_97, %dma_wait3A_102] : memref<212992x128xf32, #tpu.memory_space<hbm>> -> memref<256x128xf32, #tpu.memory_space<hbm>>
    %dma_wait3A_104 = arith.constant 0 : i32
    %dma_wait3A_105 = tpu.memref_slice %arg4[%add3A_97, %dma_wait3A_104] : memref<212992x128xf32, #tpu.memory_space<hbm>> -> memref<256x128xf32, #tpu.memory_space<hbm>>
    tpu.wait_dma2 semaphore(%arg10 : memref<!tpu.dma_semaphore, #tpu.memory_space<semaphore_mem>>) src(%arg6 : memref<256x128xf32, #tpu.memory_space<vmem>>) dst(%dma_wait3A_105 : memref<256x128xf32, #tpu.memory_space<hbm>>)
    %dma_start3A_106 = arith.constant 1536 : i32
    %dma_start3A_107 = tpu.memref_slice %arg5[%dma_start3A_106] : memref<6656xi32, #tpu.memory_space<vmem>> -> memref<256xi32, #tpu.memory_space<vmem>>
    %dma_start3A_108 = arith.constant 0 : i32
    %dma_start3A_109 = arith.constant 0 : i32
    %dma_start3A_110 = tpu.memref_slice %arg3[%dma_start3A_108, %dma_start3A_109] : memref<1000000x128xf32, #tpu.memory_space<hbm>> -> memref<1000000x128xf32, #tpu.memory_space<hbm>>
    tpu.enqueue_indirect_dma source(%dma_start3A_110 : memref<1000000x128xf32, #tpu.memory_space<hbm>>) target(%arg6 : memref<256x128xf32, #tpu.memory_space<vmem>>) offsets(%dma_start3A_107 : memref<256xi32, #tpu.memory_space<vmem>>) semaphore(%arg8 : memref<!tpu.dma_semaphore, #tpu.memory_space<semaphore_mem>>)
    %dma_wait3A_111 = arith.constant 1280 : i32
    %dma_wait3A_112 = tpu.memref_slice %arg5[%dma_wait3A_111] : memref<6656xi32, #tpu.memory_space<vmem>> -> memref<256xi32, #tpu.memory_space<vmem>>
    %dma_wait3A_113 = arith.constant 0 : i32
    %dma_wait3A_114 = arith.constant 0 : i32
    %dma_wait3A_115 = tpu.memref_slice %arg3[%dma_wait3A_113, %dma_wait3A_114] : memref<1000000x128xf32, #tpu.memory_space<hbm>> -> memref<1000000x128xf32, #tpu.memory_space<hbm>>
    tpu.wait_indirect_dma semaphore(%arg9 : memref<!tpu.dma_semaphore, #tpu.memory_space<semaphore_mem>>) src(%dma_wait3A_115 : memref<1000000x128xf32, #tpu.memory_space<hbm>>) dst(%arg7 : memref<256x128xf32, #tpu.memory_space<vmem>>)
    %add3A_116 = arith.constant 1280 : i32
    %add3A_117 = arith.addi %mul3A_2, %add3A_116 : i32
    %dma_start3A_118 = arith.constant 0 : i32
    %dma_start3A_119 = tpu.memref_slice %arg4[%add3A_117, %dma_start3A_118] : memref<212992x128xf32, #tpu.memory_space<hbm>> -> memref<256x128xf32, #tpu.memory_space<hbm>>
    %dma_start3A_120 = arith.constant 0 : i32
    %dma_start3A_121 = tpu.memref_slice %arg4[%add3A_117, %dma_start3A_120] : memref<212992x128xf32, #tpu.memory_space<hbm>> -> memref<256x128xf32, #tpu.memory_space<hbm>>
    tpu.enqueue_dma source(%arg7 : memref<256x128xf32, #tpu.memory_space<vmem>>) target(%dma_start3A_121 : memref<256x128xf32, #tpu.memory_space<hbm>>) target_semaphore(%arg11 : memref<!tpu.dma_semaphore, #tpu.memory_space<semaphore_mem>>)
    %dma_wait3A_122 = arith.constant 0 : i32
    %dma_wait3A_123 = tpu.memref_slice %arg4[%add3A_117, %dma_wait3A_122] : memref<212992x128xf32, #tpu.memory_space<hbm>> -> memref<256x128xf32, #tpu.memory_space<hbm>>
    %dma_wait3A_124 = arith.constant 0 : i32
    %dma_wait3A_125 = tpu.memref_slice %arg4[%add3A_117, %dma_wait3A_124] : memref<212992x128xf32, #tpu.memory_space<hbm>> -> memref<256x128xf32, #tpu.memory_space<hbm>>
    tpu.wait_dma2 semaphore(%arg11 : memref<!tpu.dma_semaphore, #tpu.memory_space<semaphore_mem>>) src(%arg7 : memref<256x128xf32, #tpu.memory_space<vmem>>) dst(%dma_wait3A_125 : memref<256x128xf32, #tpu.memory_space<hbm>>)
    %dma_start3A_126 = arith.constant 1792 : i32
    %dma_start3A_127 = tpu.memref_slice %arg5[%dma_start3A_126] : memref<6656xi32, #tpu.memory_space<vmem>> -> memref<256xi32, #tpu.memory_space<vmem>>
    %dma_start3A_128 = arith.constant 0 : i32
    %dma_start3A_129 = arith.constant 0 : i32
    %dma_start3A_130 = tpu.memref_slice %arg3[%dma_start3A_128, %dma_start3A_129] : memref<1000000x128xf32, #tpu.memory_space<hbm>> -> memref<1000000x128xf32, #tpu.memory_space<hbm>>
    tpu.enqueue_indirect_dma source(%dma_start3A_130 : memref<1000000x128xf32, #tpu.memory_space<hbm>>) target(%arg7 : memref<256x128xf32, #tpu.memory_space<vmem>>) offsets(%dma_start3A_127 : memref<256xi32, #tpu.memory_space<vmem>>) semaphore(%arg9 : memref<!tpu.dma_semaphore, #tpu.memory_space<semaphore_mem>>)
    %dma_wait3A_131 = arith.constant 1536 : i32
    %dma_wait3A_132 = tpu.memref_slice %arg5[%dma_wait3A_131] : memref<6656xi32, #tpu.memory_space<vmem>> -> memref<256xi32, #tpu.memory_space<vmem>>
    %dma_wait3A_133 = arith.constant 0 : i32
    %dma_wait3A_134 = arith.constant 0 : i32
    %dma_wait3A_135 = tpu.memref_slice %arg3[%dma_wait3A_133, %dma_wait3A_134] : memref<1000000x128xf32, #tpu.memory_space<hbm>> -> memref<1000000x128xf32, #tpu.memory_space<hbm>>
    tpu.wait_indirect_dma semaphore(%arg8 : memref<!tpu.dma_semaphore, #tpu.memory_space<semaphore_mem>>) src(%dma_wait3A_135 : memref<1000000x128xf32, #tpu.memory_space<hbm>>) dst(%arg6 : memref<256x128xf32, #tpu.memory_space<vmem>>)
    %add3A_136 = arith.constant 1536 : i32
    %add3A_137 = arith.addi %mul3A_2, %add3A_136 : i32
    %dma_start3A_138 = arith.constant 0 : i32
    %dma_start3A_139 = tpu.memref_slice %arg4[%add3A_137, %dma_start3A_138] : memref<212992x128xf32, #tpu.memory_space<hbm>> -> memref<256x128xf32, #tpu.memory_space<hbm>>
    %dma_start3A_140 = arith.constant 0 : i32
    %dma_start3A_141 = tpu.memref_slice %arg4[%add3A_137, %dma_start3A_140] : memref<212992x128xf32, #tpu.memory_space<hbm>> -> memref<256x128xf32, #tpu.memory_space<hbm>>
    tpu.enqueue_dma source(%arg6 : memref<256x128xf32, #tpu.memory_space<vmem>>) target(%dma_start3A_141 : memref<256x128xf32, #tpu.memory_space<hbm>>) target_semaphore(%arg10 : memref<!tpu.dma_semaphore, #tpu.memory_space<semaphore_mem>>)
    %dma_wait3A_142 = arith.constant 0 : i32
    %dma_wait3A_143 = tpu.memref_slice %arg4[%add3A_137, %dma_wait3A_142] : memref<212992x128xf32, #tpu.memory_space<hbm>> -> memref<256x128xf32, #tpu.memory_space<hbm>>
    %dma_wait3A_144 = arith.constant 0 : i32
    %dma_wait3A_145 = tpu.memref_slice %arg4[%add3A_137, %dma_wait3A_144] : memref<212992x128xf32, #tpu.memory_space<hbm>> -> memref<256x128xf32, #tpu.memory_space<hbm>>
    tpu.wait_dma2 semaphore(%arg10 : memref<!tpu.dma_semaphore, #tpu.memory_space<semaphore_mem>>) src(%arg6 : memref<256x128xf32, #tpu.memory_space<vmem>>) dst(%dma_wait3A_145 : memref<256x128xf32, #tpu.memory_space<hbm>>)
    %dma_start3A_146 = arith.constant 2048 : i32
    %dma_start3A_147 = tpu.memref_slice %arg5[%dma_start3A_146] : memref<6656xi32, #tpu.memory_space<vmem>> -> memref<256xi32, #tpu.memory_space<vmem>>
    %dma_start3A_148 = arith.constant 0 : i32
    %dma_start3A_149 = arith.constant 0 : i32
    %dma_start3A_150 = tpu.memref_slice %arg3[%dma_start3A_148, %dma_start3A_149] : memref<1000000x128xf32, #tpu.memory_space<hbm>> -> memref<1000000x128xf32, #tpu.memory_space<hbm>>
    tpu.enqueue_indirect_dma source(%dma_start3A_150 : memref<1000000x128xf32, #tpu.memory_space<hbm>>) target(%arg6 : memref<256x128xf32, #tpu.memory_space<vmem>>) offsets(%dma_start3A_147 : memref<256xi32, #tpu.memory_space<vmem>>) semaphore(%arg8 : memref<!tpu.dma_semaphore, #tpu.memory_space<semaphore_mem>>)
    %dma_wait3A_151 = arith.constant 1792 : i32
    %dma_wait3A_152 = tpu.memref_slice %arg5[%dma_wait3A_151] : memref<6656xi32, #tpu.memory_space<vmem>> -> memref<256xi32, #tpu.memory_space<vmem>>
    %dma_wait3A_153 = arith.constant 0 : i32
    %dma_wait3A_154 = arith.constant 0 : i32
    %dma_wait3A_155 = tpu.memref_slice %arg3[%dma_wait3A_153, %dma_wait3A_154] : memref<1000000x128xf32, #tpu.memory_space<hbm>> -> memref<1000000x128xf32, #tpu.memory_space<hbm>>
    tpu.wait_indirect_dma semaphore(%arg9 : memref<!tpu.dma_semaphore, #tpu.memory_space<semaphore_mem>>) src(%dma_wait3A_155 : memref<1000000x128xf32, #tpu.memory_space<hbm>>) dst(%arg7 : memref<256x128xf32, #tpu.memory_space<vmem>>)
    %add3A_156 = arith.constant 1792 : i32
    %add3A_157 = arith.addi %mul3A_2, %add3A_156 : i32
    %dma_start3A_158 = arith.constant 0 : i32
    %dma_start3A_159 = tpu.memref_slice %arg4[%add3A_157, %dma_start3A_158] : memref<212992x128xf32, #tpu.memory_space<hbm>> -> memref<256x128xf32, #tpu.memory_space<hbm>>
    %dma_start3A_160 = arith.constant 0 : i32
    %dma_start3A_161 = tpu.memref_slice %arg4[%add3A_157, %dma_start3A_160] : memref<212992x128xf32, #tpu.memory_space<hbm>> -> memref<256x128xf32, #tpu.memory_space<hbm>>
    tpu.enqueue_dma source(%arg7 : memref<256x128xf32, #tpu.memory_space<vmem>>) target(%dma_start3A_161 : memref<256x128xf32, #tpu.memory_space<hbm>>) target_semaphore(%arg11 : memref<!tpu.dma_semaphore, #tpu.memory_space<semaphore_mem>>)
    %dma_wait3A_162 = arith.constant 0 : i32
    %dma_wait3A_163 = tpu.memref_slice %arg4[%add3A_157, %dma_wait3A_162] : memref<212992x128xf32, #tpu.memory_space<hbm>> -> memref<256x128xf32, #tpu.memory_space<hbm>>
    %dma_wait3A_164 = arith.constant 0 : i32
    %dma_wait3A_165 = tpu.memref_slice %arg4[%add3A_157, %dma_wait3A_164] : memref<212992x128xf32, #tpu.memory_space<hbm>> -> memref<256x128xf32, #tpu.memory_space<hbm>>
    tpu.wait_dma2 semaphore(%arg11 : memref<!tpu.dma_semaphore, #tpu.memory_space<semaphore_mem>>) src(%arg7 : memref<256x128xf32, #tpu.memory_space<vmem>>) dst(%dma_wait3A_165 : memref<256x128xf32, #tpu.memory_space<hbm>>)
    %dma_start3A_166 = arith.constant 2304 : i32
    %dma_start3A_167 = tpu.memref_slice %arg5[%dma_start3A_166] : memref<6656xi32, #tpu.memory_space<vmem>> -> memref<256xi32, #tpu.memory_space<vmem>>
    %dma_start3A_168 = arith.constant 0 : i32
    %dma_start3A_169 = arith.constant 0 : i32
    %dma_start3A_170 = tpu.memref_slice %arg3[%dma_start3A_168, %dma_start3A_169] : memref<1000000x128xf32, #tpu.memory_space<hbm>> -> memref<1000000x128xf32, #tpu.memory_space<hbm>>
    tpu.enqueue_indirect_dma source(%dma_start3A_170 : memref<1000000x128xf32, #tpu.memory_space<hbm>>) target(%arg7 : memref<256x128xf32, #tpu.memory_space<vmem>>) offsets(%dma_start3A_167 : memref<256xi32, #tpu.memory_space<vmem>>) semaphore(%arg9 : memref<!tpu.dma_semaphore, #tpu.memory_space<semaphore_mem>>)
    %dma_wait3A_171 = arith.constant 2048 : i32
    %dma_wait3A_172 = tpu.memref_slice %arg5[%dma_wait3A_171] : memref<6656xi32, #tpu.memory_space<vmem>> -> memref<256xi32, #tpu.memory_space<vmem>>
    %dma_wait3A_173 = arith.constant 0 : i32
    %dma_wait3A_174 = arith.constant 0 : i32
    %dma_wait3A_175 = tpu.memref_slice %arg3[%dma_wait3A_173, %dma_wait3A_174] : memref<1000000x128xf32, #tpu.memory_space<hbm>> -> memref<1000000x128xf32, #tpu.memory_space<hbm>>
    tpu.wait_indirect_dma semaphore(%arg8 : memref<!tpu.dma_semaphore, #tpu.memory_space<semaphore_mem>>) src(%dma_wait3A_175 : memref<1000000x128xf32, #tpu.memory_space<hbm>>) dst(%arg6 : memref<256x128xf32, #tpu.memory_space<vmem>>)
    %add3A_176 = arith.constant 2048 : i32
    %add3A_177 = arith.addi %mul3A_2, %add3A_176 : i32
    %dma_start3A_178 = arith.constant 0 : i32
    %dma_start3A_179 = tpu.memref_slice %arg4[%add3A_177, %dma_start3A_178] : memref<212992x128xf32, #tpu.memory_space<hbm>> -> memref<256x128xf32, #tpu.memory_space<hbm>>
    %dma_start3A_180 = arith.constant 0 : i32
    %dma_start3A_181 = tpu.memref_slice %arg4[%add3A_177, %dma_start3A_180] : memref<212992x128xf32, #tpu.memory_space<hbm>> -> memref<256x128xf32, #tpu.memory_space<hbm>>
    tpu.enqueue_dma source(%arg6 : memref<256x128xf32, #tpu.memory_space<vmem>>) target(%dma_start3A_181 : memref<256x128xf32, #tpu.memory_space<hbm>>) target_semaphore(%arg10 : memref<!tpu.dma_semaphore, #tpu.memory_space<semaphore_mem>>)
    %dma_wait3A_182 = arith.constant 0 : i32
    %dma_wait3A_183 = tpu.memref_slice %arg4[%add3A_177, %dma_wait3A_182] : memref<212992x128xf32, #tpu.memory_space<hbm>> -> memref<256x128xf32, #tpu.memory_space<hbm>>
    %dma_wait3A_184 = arith.constant 0 : i32
    %dma_wait3A_185 = tpu.memref_slice %arg4[%add3A_177, %dma_wait3A_184] : memref<212992x128xf32, #tpu.memory_space<hbm>> -> memref<256x128xf32, #tpu.memory_space<hbm>>
    tpu.wait_dma2 semaphore(%arg10 : memref<!tpu.dma_semaphore, #tpu.memory_space<semaphore_mem>>) src(%arg6 : memref<256x128xf32, #tpu.memory_space<vmem>>) dst(%dma_wait3A_185 : memref<256x128xf32, #tpu.memory_space<hbm>>)
    %dma_start3A_186 = arith.constant 2560 : i32
    %dma_start3A_187 = tpu.memref_slice %arg5[%dma_start3A_186] : memref<6656xi32, #tpu.memory_space<vmem>> -> memref<256xi32, #tpu.memory_space<vmem>>
    %dma_start3A_188 = arith.constant 0 : i32
    %dma_start3A_189 = arith.constant 0 : i32
    %dma_start3A_190 = tpu.memref_slice %arg3[%dma_start3A_188, %dma_start3A_189] : memref<1000000x128xf32, #tpu.memory_space<hbm>> -> memref<1000000x128xf32, #tpu.memory_space<hbm>>
    tpu.enqueue_indirect_dma source(%dma_start3A_190 : memref<1000000x128xf32, #tpu.memory_space<hbm>>) target(%arg6 : memref<256x128xf32, #tpu.memory_space<vmem>>) offsets(%dma_start3A_187 : memref<256xi32, #tpu.memory_space<vmem>>) semaphore(%arg8 : memref<!tpu.dma_semaphore, #tpu.memory_space<semaphore_mem>>)
    %dma_wait3A_191 = arith.constant 2304 : i32
    %dma_wait3A_192 = tpu.memref_slice %arg5[%dma_wait3A_191] : memref<6656xi32, #tpu.memory_space<vmem>> -> memref<256xi32, #tpu.memory_space<vmem>>
    %dma_wait3A_193 = arith.constant 0 : i32
    %dma_wait3A_194 = arith.constant 0 : i32
    %dma_wait3A_195 = tpu.memref_slice %arg3[%dma_wait3A_193, %dma_wait3A_194] : memref<1000000x128xf32, #tpu.memory_space<hbm>> -> memref<1000000x128xf32, #tpu.memory_space<hbm>>
    tpu.wait_indirect_dma semaphore(%arg9 : memref<!tpu.dma_semaphore, #tpu.memory_space<semaphore_mem>>) src(%dma_wait3A_195 : memref<1000000x128xf32, #tpu.memory_space<hbm>>) dst(%arg7 : memref<256x128xf32, #tpu.memory_space<vmem>>)
    %add3A_196 = arith.constant 2304 : i32
    %add3A_197 = arith.addi %mul3A_2, %add3A_196 : i32
    %dma_start3A_198 = arith.constant 0 : i32
    %dma_start3A_199 = tpu.memref_slice %arg4[%add3A_197, %dma_start3A_198] : memref<212992x128xf32, #tpu.memory_space<hbm>> -> memref<256x128xf32, #tpu.memory_space<hbm>>
    %dma_start3A_200 = arith.constant 0 : i32
    %dma_start3A_201 = tpu.memref_slice %arg4[%add3A_197, %dma_start3A_200] : memref<212992x128xf32, #tpu.memory_space<hbm>> -> memref<256x128xf32, #tpu.memory_space<hbm>>
    tpu.enqueue_dma source(%arg7 : memref<256x128xf32, #tpu.memory_space<vmem>>) target(%dma_start3A_201 : memref<256x128xf32, #tpu.memory_space<hbm>>) target_semaphore(%arg11 : memref<!tpu.dma_semaphore, #tpu.memory_space<semaphore_mem>>)
    %dma_wait3A_202 = arith.constant 0 : i32
    %dma_wait3A_203 = tpu.memref_slice %arg4[%add3A_197, %dma_wait3A_202] : memref<212992x128xf32, #tpu.memory_space<hbm>> -> memref<256x128xf32, #tpu.memory_space<hbm>>
    %dma_wait3A_204 = arith.constant 0 : i32
    %dma_wait3A_205 = tpu.memref_slice %arg4[%add3A_197, %dma_wait3A_204] : memref<212992x128xf32, #tpu.memory_space<hbm>> -> memref<256x128xf32, #tpu.memory_space<hbm>>
    tpu.wait_dma2 semaphore(%arg11 : memref<!tpu.dma_semaphore, #tpu.memory_space<semaphore_mem>>) src(%arg7 : memref<256x128xf32, #tpu.memory_space<vmem>>) dst(%dma_wait3A_205 : memref<256x128xf32, #tpu.memory_space<hbm>>)
    %dma_start3A_206 = arith.constant 2816 : i32
    %dma_start3A_207 = tpu.memref_slice %arg5[%dma_start3A_206] : memref<6656xi32, #tpu.memory_space<vmem>> -> memref<256xi32, #tpu.memory_space<vmem>>
    %dma_start3A_208 = arith.constant 0 : i32
    %dma_start3A_209 = arith.constant 0 : i32
    %dma_start3A_210 = tpu.memref_slice %arg3[%dma_start3A_208, %dma_start3A_209] : memref<1000000x128xf32, #tpu.memory_space<hbm>> -> memref<1000000x128xf32, #tpu.memory_space<hbm>>
    tpu.enqueue_indirect_dma source(%dma_start3A_210 : memref<1000000x128xf32, #tpu.memory_space<hbm>>) target(%arg7 : memref<256x128xf32, #tpu.memory_space<vmem>>) offsets(%dma_start3A_207 : memref<256xi32, #tpu.memory_space<vmem>>) semaphore(%arg9 : memref<!tpu.dma_semaphore, #tpu.memory_space<semaphore_mem>>)
    %dma_wait3A_211 = arith.constant 2560 : i32
    %dma_wait3A_212 = tpu.memref_slice %arg5[%dma_wait3A_211] : memref<6656xi32, #tpu.memory_space<vmem>> -> memref<256xi32, #tpu.memory_space<vmem>>
    %dma_wait3A_213 = arith.constant 0 : i32
    %dma_wait3A_214 = arith.constant 0 : i32
    %dma_wait3A_215 = tpu.memref_slice %arg3[%dma_wait3A_213, %dma_wait3A_214] : memref<1000000x128xf32, #tpu.memory_space<hbm>> -> memref<1000000x128xf32, #tpu.memory_space<hbm>>
    tpu.wait_indirect_dma semaphore(%arg8 : memref<!tpu.dma_semaphore, #tpu.memory_space<semaphore_mem>>) src(%dma_wait3A_215 : memref<1000000x128xf32, #tpu.memory_space<hbm>>) dst(%arg6 : memref<256x128xf32, #tpu.memory_space<vmem>>)
    %add3A_216 = arith.constant 2560 : i32
    %add3A_217 = arith.addi %mul3A_2, %add3A_216 : i32
    %dma_start3A_218 = arith.constant 0 : i32
    %dma_start3A_219 = tpu.memref_slice %arg4[%add3A_217, %dma_start3A_218] : memref<212992x128xf32, #tpu.memory_space<hbm>> -> memref<256x128xf32, #tpu.memory_space<hbm>>
    %dma_start3A_220 = arith.constant 0 : i32
    %dma_start3A_221 = tpu.memref_slice %arg4[%add3A_217, %dma_start3A_220] : memref<212992x128xf32, #tpu.memory_space<hbm>> -> memref<256x128xf32, #tpu.memory_space<hbm>>
    tpu.enqueue_dma source(%arg6 : memref<256x128xf32, #tpu.memory_space<vmem>>) target(%dma_start3A_221 : memref<256x128xf32, #tpu.memory_space<hbm>>) target_semaphore(%arg10 : memref<!tpu.dma_semaphore, #tpu.memory_space<semaphore_mem>>)
    %dma_wait3A_222 = arith.constant 0 : i32
    %dma_wait3A_223 = tpu.memref_slice %arg4[%add3A_217, %dma_wait3A_222] : memref<212992x128xf32, #tpu.memory_space<hbm>> -> memref<256x128xf32, #tpu.memory_space<hbm>>
    %dma_wait3A_224 = arith.constant 0 : i32
    %dma_wait3A_225 = tpu.memref_slice %arg4[%add3A_217, %dma_wait3A_224] : memref<212992x128xf32, #tpu.memory_space<hbm>> -> memref<256x128xf32, #tpu.memory_space<hbm>>
    tpu.wait_dma2 semaphore(%arg10 : memref<!tpu.dma_semaphore, #tpu.memory_space<semaphore_mem>>) src(%arg6 : memref<256x128xf32, #tpu.memory_space<vmem>>) dst(%dma_wait3A_225 : memref<256x128xf32, #tpu.memory_space<hbm>>)
    %dma_start3A_226 = arith.constant 3072 : i32
    %dma_start3A_227 = tpu.memref_slice %arg5[%dma_start3A_226] : memref<6656xi32, #tpu.memory_space<vmem>> -> memref<256xi32, #tpu.memory_space<vmem>>
    %dma_start3A_228 = arith.constant 0 : i32
    %dma_start3A_229 = arith.constant 0 : i32
    %dma_start3A_230 = tpu.memref_slice %arg3[%dma_start3A_228, %dma_start3A_229] : memref<1000000x128xf32, #tpu.memory_space<hbm>> -> memref<1000000x128xf32, #tpu.memory_space<hbm>>
    tpu.enqueue_indirect_dma source(%dma_start3A_230 : memref<1000000x128xf32, #tpu.memory_space<hbm>>) target(%arg6 : memref<256x128xf32, #tpu.memory_space<vmem>>) offsets(%dma_start3A_227 : memref<256xi32, #tpu.memory_space<vmem>>) semaphore(%arg8 : memref<!tpu.dma_semaphore, #tpu.memory_space<semaphore_mem>>)
    %dma_wait3A_231 = arith.constant 2816 : i32
    %dma_wait3A_232 = tpu.memref_slice %arg5[%dma_wait3A_231] : memref<6656xi32, #tpu.memory_space<vmem>> -> memref<256xi32, #tpu.memory_space<vmem>>
    %dma_wait3A_233 = arith.constant 0 : i32
    %dma_wait3A_234 = arith.constant 0 : i32
    %dma_wait3A_235 = tpu.memref_slice %arg3[%dma_wait3A_233, %dma_wait3A_234] : memref<1000000x128xf32, #tpu.memory_space<hbm>> -> memref<1000000x128xf32, #tpu.memory_space<hbm>>
    tpu.wait_indirect_dma semaphore(%arg9 : memref<!tpu.dma_semaphore, #tpu.memory_space<semaphore_mem>>) src(%dma_wait3A_235 : memref<1000000x128xf32, #tpu.memory_space<hbm>>) dst(%arg7 : memref<256x128xf32, #tpu.memory_space<vmem>>)
    %add3A_236 = arith.constant 2816 : i32
    %add3A_237 = arith.addi %mul3A_2, %add3A_236 : i32
    %dma_start3A_238 = arith.constant 0 : i32
    %dma_start3A_239 = tpu.memref_slice %arg4[%add3A_237, %dma_start3A_238] : memref<212992x128xf32, #tpu.memory_space<hbm>> -> memref<256x128xf32, #tpu.memory_space<hbm>>
    %dma_start3A_240 = arith.constant 0 : i32
    %dma_start3A_241 = tpu.memref_slice %arg4[%add3A_237, %dma_start3A_240] : memref<212992x128xf32, #tpu.memory_space<hbm>> -> memref<256x128xf32, #tpu.memory_space<hbm>>
    tpu.enqueue_dma source(%arg7 : memref<256x128xf32, #tpu.memory_space<vmem>>) target(%dma_start3A_241 : memref<256x128xf32, #tpu.memory_space<hbm>>) target_semaphore(%arg11 : memref<!tpu.dma_semaphore, #tpu.memory_space<semaphore_mem>>)
    %dma_wait3A_242 = arith.constant 0 : i32
    %dma_wait3A_243 = tpu.memref_slice %arg4[%add3A_237, %dma_wait3A_242] : memref<212992x128xf32, #tpu.memory_space<hbm>> -> memref<256x128xf32, #tpu.memory_space<hbm>>
    %dma_wait3A_244 = arith.constant 0 : i32
    %dma_wait3A_245 = tpu.memref_slice %arg4[%add3A_237, %dma_wait3A_244] : memref<212992x128xf32, #tpu.memory_space<hbm>> -> memref<256x128xf32, #tpu.memory_space<hbm>>
    tpu.wait_dma2 semaphore(%arg11 : memref<!tpu.dma_semaphore, #tpu.memory_space<semaphore_mem>>) src(%arg7 : memref<256x128xf32, #tpu.memory_space<vmem>>) dst(%dma_wait3A_245 : memref<256x128xf32, #tpu.memory_space<hbm>>)
    %dma_start3A_246 = arith.constant 3328 : i32
    %dma_start3A_247 = tpu.memref_slice %arg5[%dma_start3A_246] : memref<6656xi32, #tpu.memory_space<vmem>> -> memref<256xi32, #tpu.memory_space<vmem>>
    %dma_start3A_248 = arith.constant 0 : i32
    %dma_start3A_249 = arith.constant 0 : i32
    %dma_start3A_250 = tpu.memref_slice %arg3[%dma_start3A_248, %dma_start3A_249] : memref<1000000x128xf32, #tpu.memory_space<hbm>> -> memref<1000000x128xf32, #tpu.memory_space<hbm>>
    tpu.enqueue_indirect_dma source(%dma_start3A_250 : memref<1000000x128xf32, #tpu.memory_space<hbm>>) target(%arg7 : memref<256x128xf32, #tpu.memory_space<vmem>>) offsets(%dma_start3A_247 : memref<256xi32, #tpu.memory_space<vmem>>) semaphore(%arg9 : memref<!tpu.dma_semaphore, #tpu.memory_space<semaphore_mem>>)
    %dma_wait3A_251 = arith.constant 3072 : i32
    %dma_wait3A_252 = tpu.memref_slice %arg5[%dma_wait3A_251] : memref<6656xi32, #tpu.memory_space<vmem>> -> memref<256xi32, #tpu.memory_space<vmem>>
    %dma_wait3A_253 = arith.constant 0 : i32
    %dma_wait3A_254 = arith.constant 0 : i32
    %dma_wait3A_255 = tpu.memref_slice %arg3[%dma_wait3A_253, %dma_wait3A_254] : memref<1000000x128xf32, #tpu.memory_space<hbm>> -> memref<1000000x128xf32, #tpu.memory_space<hbm>>
    tpu.wait_indirect_dma semaphore(%arg8 : memref<!tpu.dma_semaphore, #tpu.memory_space<semaphore_mem>>) src(%dma_wait3A_255 : memref<1000000x128xf32, #tpu.memory_space<hbm>>) dst(%arg6 : memref<256x128xf32, #tpu.memory_space<vmem>>)
    %add3A_256 = arith.constant 3072 : i32
    %add3A_257 = arith.addi %mul3A_2, %add3A_256 : i32
    %dma_start3A_258 = arith.constant 0 : i32
    %dma_start3A_259 = tpu.memref_slice %arg4[%add3A_257, %dma_start3A_258] : memref<212992x128xf32, #tpu.memory_space<hbm>> -> memref<256x128xf32, #tpu.memory_space<hbm>>
    %dma_start3A_260 = arith.constant 0 : i32
    %dma_start3A_261 = tpu.memref_slice %arg4[%add3A_257, %dma_start3A_260] : memref<212992x128xf32, #tpu.memory_space<hbm>> -> memref<256x128xf32, #tpu.memory_space<hbm>>
    tpu.enqueue_dma source(%arg6 : memref<256x128xf32, #tpu.memory_space<vmem>>) target(%dma_start3A_261 : memref<256x128xf32, #tpu.memory_space<hbm>>) target_semaphore(%arg10 : memref<!tpu.dma_semaphore, #tpu.memory_space<semaphore_mem>>)
    %dma_wait3A_262 = arith.constant 0 : i32
    %dma_wait3A_263 = tpu.memref_slice %arg4[%add3A_257, %dma_wait3A_262] : memref<212992x128xf32, #tpu.memory_space<hbm>> -> memref<256x128xf32, #tpu.memory_space<hbm>>
    %dma_wait3A_264 = arith.constant 0 : i32
    %dma_wait3A_265 = tpu.memref_slice %arg4[%add3A_257, %dma_wait3A_264] : memref<212992x128xf32, #tpu.memory_space<hbm>> -> memref<256x128xf32, #tpu.memory_space<hbm>>
    tpu.wait_dma2 semaphore(%arg10 : memref<!tpu.dma_semaphore, #tpu.memory_space<semaphore_mem>>) src(%arg6 : memref<256x128xf32, #tpu.memory_space<vmem>>) dst(%dma_wait3A_265 : memref<256x128xf32, #tpu.memory_space<hbm>>)
    %dma_start3A_266 = arith.constant 3584 : i32
    %dma_start3A_267 = tpu.memref_slice %arg5[%dma_start3A_266] : memref<6656xi32, #tpu.memory_space<vmem>> -> memref<256xi32, #tpu.memory_space<vmem>>
    %dma_start3A_268 = arith.constant 0 : i32
    %dma_start3A_269 = arith.constant 0 : i32
    %dma_start3A_270 = tpu.memref_slice %arg3[%dma_start3A_268, %dma_start3A_269] : memref<1000000x128xf32, #tpu.memory_space<hbm>> -> memref<1000000x128xf32, #tpu.memory_space<hbm>>
    tpu.enqueue_indirect_dma source(%dma_start3A_270 : memref<1000000x128xf32, #tpu.memory_space<hbm>>) target(%arg6 : memref<256x128xf32, #tpu.memory_space<vmem>>) offsets(%dma_start3A_267 : memref<256xi32, #tpu.memory_space<vmem>>) semaphore(%arg8 : memref<!tpu.dma_semaphore, #tpu.memory_space<semaphore_mem>>)
    %dma_wait3A_271 = arith.constant 3328 : i32
    %dma_wait3A_272 = tpu.memref_slice %arg5[%dma_wait3A_271] : memref<6656xi32, #tpu.memory_space<vmem>> -> memref<256xi32, #tpu.memory_space<vmem>>
    %dma_wait3A_273 = arith.constant 0 : i32
    %dma_wait3A_274 = arith.constant 0 : i32
    %dma_wait3A_275 = tpu.memref_slice %arg3[%dma_wait3A_273, %dma_wait3A_274] : memref<1000000x128xf32, #tpu.memory_space<hbm>> -> memref<1000000x128xf32, #tpu.memory_space<hbm>>
    tpu.wait_indirect_dma semaphore(%arg9 : memref<!tpu.dma_semaphore, #tpu.memory_space<semaphore_mem>>) src(%dma_wait3A_275 : memref<1000000x128xf32, #tpu.memory_space<hbm>>) dst(%arg7 : memref<256x128xf32, #tpu.memory_space<vmem>>)
    %add3A_276 = arith.constant 3328 : i32
    %add3A_277 = arith.addi %mul3A_2, %add3A_276 : i32
    %dma_start3A_278 = arith.constant 0 : i32
    %dma_start3A_279 = tpu.memref_slice %arg4[%add3A_277, %dma_start3A_278] : memref<212992x128xf32, #tpu.memory_space<hbm>> -> memref<256x128xf32, #tpu.memory_space<hbm>>
    %dma_start3A_280 = arith.constant 0 : i32
    %dma_start3A_281 = tpu.memref_slice %arg4[%add3A_277, %dma_start3A_280] : memref<212992x128xf32, #tpu.memory_space<hbm>> -> memref<256x128xf32, #tpu.memory_space<hbm>>
    tpu.enqueue_dma source(%arg7 : memref<256x128xf32, #tpu.memory_space<vmem>>) target(%dma_start3A_281 : memref<256x128xf32, #tpu.memory_space<hbm>>) target_semaphore(%arg11 : memref<!tpu.dma_semaphore, #tpu.memory_space<semaphore_mem>>)
    %dma_wait3A_282 = arith.constant 0 : i32
    %dma_wait3A_283 = tpu.memref_slice %arg4[%add3A_277, %dma_wait3A_282] : memref<212992x128xf32, #tpu.memory_space<hbm>> -> memref<256x128xf32, #tpu.memory_space<hbm>>
    %dma_wait3A_284 = arith.constant 0 : i32
    %dma_wait3A_285 = tpu.memref_slice %arg4[%add3A_277, %dma_wait3A_284] : memref<212992x128xf32, #tpu.memory_space<hbm>> -> memref<256x128xf32, #tpu.memory_space<hbm>>
    tpu.wait_dma2 semaphore(%arg11 : memref<!tpu.dma_semaphore, #tpu.memory_space<semaphore_mem>>) src(%arg7 : memref<256x128xf32, #tpu.memory_space<vmem>>) dst(%dma_wait3A_285 : memref<256x128xf32, #tpu.memory_space<hbm>>)
    %dma_start3A_286 = arith.constant 3840 : i32
    %dma_start3A_287 = tpu.memref_slice %arg5[%dma_start3A_286] : memref<6656xi32, #tpu.memory_space<vmem>> -> memref<256xi32, #tpu.memory_space<vmem>>
    %dma_start3A_288 = arith.constant 0 : i32
    %dma_start3A_289 = arith.constant 0 : i32
    %dma_start3A_290 = tpu.memref_slice %arg3[%dma_start3A_288, %dma_start3A_289] : memref<1000000x128xf32, #tpu.memory_space<hbm>> -> memref<1000000x128xf32, #tpu.memory_space<hbm>>
    tpu.enqueue_indirect_dma source(%dma_start3A_290 : memref<1000000x128xf32, #tpu.memory_space<hbm>>) target(%arg7 : memref<256x128xf32, #tpu.memory_space<vmem>>) offsets(%dma_start3A_287 : memref<256xi32, #tpu.memory_space<vmem>>) semaphore(%arg9 : memref<!tpu.dma_semaphore, #tpu.memory_space<semaphore_mem>>)
    %dma_wait3A_291 = arith.constant 3584 : i32
    %dma_wait3A_292 = tpu.memref_slice %arg5[%dma_wait3A_291] : memref<6656xi32, #tpu.memory_space<vmem>> -> memref<256xi32, #tpu.memory_space<vmem>>
    %dma_wait3A_293 = arith.constant 0 : i32
    %dma_wait3A_294 = arith.constant 0 : i32
    %dma_wait3A_295 = tpu.memref_slice %arg3[%dma_wait3A_293, %dma_wait3A_294] : memref<1000000x128xf32, #tpu.memory_space<hbm>> -> memref<1000000x128xf32, #tpu.memory_space<hbm>>
    tpu.wait_indirect_dma semaphore(%arg8 : memref<!tpu.dma_semaphore, #tpu.memory_space<semaphore_mem>>) src(%dma_wait3A_295 : memref<1000000x128xf32, #tpu.memory_space<hbm>>) dst(%arg6 : memref<256x128xf32, #tpu.memory_space<vmem>>)
    %add3A_296 = arith.constant 3584 : i32
    %add3A_297 = arith.addi %mul3A_2, %add3A_296 : i32
    %dma_start3A_298 = arith.constant 0 : i32
    %dma_start3A_299 = tpu.memref_slice %arg4[%add3A_297, %dma_start3A_298] : memref<212992x128xf32, #tpu.memory_space<hbm>> -> memref<256x128xf32, #tpu.memory_space<hbm>>
    %dma_start3A_300 = arith.constant 0 : i32
    %dma_start3A_301 = tpu.memref_slice %arg4[%add3A_297, %dma_start3A_300] : memref<212992x128xf32, #tpu.memory_space<hbm>> -> memref<256x128xf32, #tpu.memory_space<hbm>>
    tpu.enqueue_dma source(%arg6 : memref<256x128xf32, #tpu.memory_space<vmem>>) target(%dma_start3A_301 : memref<256x128xf32, #tpu.memory_space<hbm>>) target_semaphore(%arg10 : memref<!tpu.dma_semaphore, #tpu.memory_space<semaphore_mem>>)
    %dma_wait3A_302 = arith.constant 0 : i32
    %dma_wait3A_303 = tpu.memref_slice %arg4[%add3A_297, %dma_wait3A_302] : memref<212992x128xf32, #tpu.memory_space<hbm>> -> memref<256x128xf32, #tpu.memory_space<hbm>>
    %dma_wait3A_304 = arith.constant 0 : i32
    %dma_wait3A_305 = tpu.memref_slice %arg4[%add3A_297, %dma_wait3A_304] : memref<212992x128xf32, #tpu.memory_space<hbm>> -> memref<256x128xf32, #tpu.memory_space<hbm>>
    tpu.wait_dma2 semaphore(%arg10 : memref<!tpu.dma_semaphore, #tpu.memory_space<semaphore_mem>>) src(%arg6 : memref<256x128xf32, #tpu.memory_space<vmem>>) dst(%dma_wait3A_305 : memref<256x128xf32, #tpu.memory_space<hbm>>)
    %dma_start3A_306 = arith.constant 4096 : i32
    %dma_start3A_307 = tpu.memref_slice %arg5[%dma_start3A_306] : memref<6656xi32, #tpu.memory_space<vmem>> -> memref<256xi32, #tpu.memory_space<vmem>>
    %dma_start3A_308 = arith.constant 0 : i32
    %dma_start3A_309 = arith.constant 0 : i32
    %dma_start3A_310 = tpu.memref_slice %arg3[%dma_start3A_308, %dma_start3A_309] : memref<1000000x128xf32, #tpu.memory_space<hbm>> -> memref<1000000x128xf32, #tpu.memory_space<hbm>>
    tpu.enqueue_indirect_dma source(%dma_start3A_310 : memref<1000000x128xf32, #tpu.memory_space<hbm>>) target(%arg6 : memref<256x128xf32, #tpu.memory_space<vmem>>) offsets(%dma_start3A_307 : memref<256xi32, #tpu.memory_space<vmem>>) semaphore(%arg8 : memref<!tpu.dma_semaphore, #tpu.memory_space<semaphore_mem>>)
    %dma_wait3A_311 = arith.constant 3840 : i32
    %dma_wait3A_312 = tpu.memref_slice %arg5[%dma_wait3A_311] : memref<6656xi32, #tpu.memory_space<vmem>> -> memref<256xi32, #tpu.memory_space<vmem>>
    %dma_wait3A_313 = arith.constant 0 : i32
    %dma_wait3A_314 = arith.constant 0 : i32
    %dma_wait3A_315 = tpu.memref_slice %arg3[%dma_wait3A_313, %dma_wait3A_314] : memref<1000000x128xf32, #tpu.memory_space<hbm>> -> memref<1000000x128xf32, #tpu.memory_space<hbm>>
    tpu.wait_indirect_dma semaphore(%arg9 : memref<!tpu.dma_semaphore, #tpu.memory_space<semaphore_mem>>) src(%dma_wait3A_315 : memref<1000000x128xf32, #tpu.memory_space<hbm>>) dst(%arg7 : memref<256x128xf32, #tpu.memory_space<vmem>>)
    %add3A_316 = arith.constant 3840 : i32
    %add3A_317 = arith.addi %mul3A_2, %add3A_316 : i32
    %dma_start3A_318 = arith.constant 0 : i32
    %dma_start3A_319 = tpu.memref_slice %arg4[%add3A_317, %dma_start3A_318] : memref<212992x128xf32, #tpu.memory_space<hbm>> -> memref<256x128xf32, #tpu.memory_space<hbm>>
    %dma_start3A_320 = arith.constant 0 : i32
    %dma_start3A_321 = tpu.memref_slice %arg4[%add3A_317, %dma_start3A_320] : memref<212992x128xf32, #tpu.memory_space<hbm>> -> memref<256x128xf32, #tpu.memory_space<hbm>>
    tpu.enqueue_dma source(%arg7 : memref<256x128xf32, #tpu.memory_space<vmem>>) target(%dma_start3A_321 : memref<256x128xf32, #tpu.memory_space<hbm>>) target_semaphore(%arg11 : memref<!tpu.dma_semaphore, #tpu.memory_space<semaphore_mem>>)
    %dma_wait3A_322 = arith.constant 0 : i32
    %dma_wait3A_323 = tpu.memref_slice %arg4[%add3A_317, %dma_wait3A_322] : memref<212992x128xf32, #tpu.memory_space<hbm>> -> memref<256x128xf32, #tpu.memory_space<hbm>>
    %dma_wait3A_324 = arith.constant 0 : i32
    %dma_wait3A_325 = tpu.memref_slice %arg4[%add3A_317, %dma_wait3A_324] : memref<212992x128xf32, #tpu.memory_space<hbm>> -> memref<256x128xf32, #tpu.memory_space<hbm>>
    tpu.wait_dma2 semaphore(%arg11 : memref<!tpu.dma_semaphore, #tpu.memory_space<semaphore_mem>>) src(%arg7 : memref<256x128xf32, #tpu.memory_space<vmem>>) dst(%dma_wait3A_325 : memref<256x128xf32, #tpu.memory_space<hbm>>)
    %dma_start3A_326 = arith.constant 4352 : i32
    %dma_start3A_327 = tpu.memref_slice %arg5[%dma_start3A_326] : memref<6656xi32, #tpu.memory_space<vmem>> -> memref<256xi32, #tpu.memory_space<vmem>>
    %dma_start3A_328 = arith.constant 0 : i32
    %dma_start3A_329 = arith.constant 0 : i32
    %dma_start3A_330 = tpu.memref_slice %arg3[%dma_start3A_328, %dma_start3A_329] : memref<1000000x128xf32, #tpu.memory_space<hbm>> -> memref<1000000x128xf32, #tpu.memory_space<hbm>>
    tpu.enqueue_indirect_dma source(%dma_start3A_330 : memref<1000000x128xf32, #tpu.memory_space<hbm>>) target(%arg7 : memref<256x128xf32, #tpu.memory_space<vmem>>) offsets(%dma_start3A_327 : memref<256xi32, #tpu.memory_space<vmem>>) semaphore(%arg9 : memref<!tpu.dma_semaphore, #tpu.memory_space<semaphore_mem>>)
    %dma_wait3A_331 = arith.constant 4096 : i32
    %dma_wait3A_332 = tpu.memref_slice %arg5[%dma_wait3A_331] : memref<6656xi32, #tpu.memory_space<vmem>> -> memref<256xi32, #tpu.memory_space<vmem>>
    %dma_wait3A_333 = arith.constant 0 : i32
    %dma_wait3A_334 = arith.constant 0 : i32
    %dma_wait3A_335 = tpu.memref_slice %arg3[%dma_wait3A_333, %dma_wait3A_334] : memref<1000000x128xf32, #tpu.memory_space<hbm>> -> memref<1000000x128xf32, #tpu.memory_space<hbm>>
    tpu.wait_indirect_dma semaphore(%arg8 : memref<!tpu.dma_semaphore, #tpu.memory_space<semaphore_mem>>) src(%dma_wait3A_335 : memref<1000000x128xf32, #tpu.memory_space<hbm>>) dst(%arg6 : memref<256x128xf32, #tpu.memory_space<vmem>>)
    %add3A_336 = arith.constant 4096 : i32
    %add3A_337 = arith.addi %mul3A_2, %add3A_336 : i32
    %dma_start3A_338 = arith.constant 0 : i32
    %dma_start3A_339 = tpu.memref_slice %arg4[%add3A_337, %dma_start3A_338] : memref<212992x128xf32, #tpu.memory_space<hbm>> -> memref<256x128xf32, #tpu.memory_space<hbm>>
    %dma_start3A_340 = arith.constant 0 : i32
    %dma_start3A_341 = tpu.memref_slice %arg4[%add3A_337, %dma_start3A_340] : memref<212992x128xf32, #tpu.memory_space<hbm>> -> memref<256x128xf32, #tpu.memory_space<hbm>>
    tpu.enqueue_dma source(%arg6 : memref<256x128xf32, #tpu.memory_space<vmem>>) target(%dma_start3A_341 : memref<256x128xf32, #tpu.memory_space<hbm>>) target_semaphore(%arg10 : memref<!tpu.dma_semaphore, #tpu.memory_space<semaphore_mem>>)
    %dma_wait3A_342 = arith.constant 0 : i32
    %dma_wait3A_343 = tpu.memref_slice %arg4[%add3A_337, %dma_wait3A_342] : memref<212992x128xf32, #tpu.memory_space<hbm>> -> memref<256x128xf32, #tpu.memory_space<hbm>>
    %dma_wait3A_344 = arith.constant 0 : i32
    %dma_wait3A_345 = tpu.memref_slice %arg4[%add3A_337, %dma_wait3A_344] : memref<212992x128xf32, #tpu.memory_space<hbm>> -> memref<256x128xf32, #tpu.memory_space<hbm>>
    tpu.wait_dma2 semaphore(%arg10 : memref<!tpu.dma_semaphore, #tpu.memory_space<semaphore_mem>>) src(%arg6 : memref<256x128xf32, #tpu.memory_space<vmem>>) dst(%dma_wait3A_345 : memref<256x128xf32, #tpu.memory_space<hbm>>)
    %dma_start3A_346 = arith.constant 4608 : i32
    %dma_start3A_347 = tpu.memref_slice %arg5[%dma_start3A_346] : memref<6656xi32, #tpu.memory_space<vmem>> -> memref<256xi32, #tpu.memory_space<vmem>>
    %dma_start3A_348 = arith.constant 0 : i32
    %dma_start3A_349 = arith.constant 0 : i32
    %dma_start3A_350 = tpu.memref_slice %arg3[%dma_start3A_348, %dma_start3A_349] : memref<1000000x128xf32, #tpu.memory_space<hbm>> -> memref<1000000x128xf32, #tpu.memory_space<hbm>>
    tpu.enqueue_indirect_dma source(%dma_start3A_350 : memref<1000000x128xf32, #tpu.memory_space<hbm>>) target(%arg6 : memref<256x128xf32, #tpu.memory_space<vmem>>) offsets(%dma_start3A_347 : memref<256xi32, #tpu.memory_space<vmem>>) semaphore(%arg8 : memref<!tpu.dma_semaphore, #tpu.memory_space<semaphore_mem>>)
    %dma_wait3A_351 = arith.constant 4352 : i32
    %dma_wait3A_352 = tpu.memref_slice %arg5[%dma_wait3A_351] : memref<6656xi32, #tpu.memory_space<vmem>> -> memref<256xi32, #tpu.memory_space<vmem>>
    %dma_wait3A_353 = arith.constant 0 : i32
    %dma_wait3A_354 = arith.constant 0 : i32
    %dma_wait3A_355 = tpu.memref_slice %arg3[%dma_wait3A_353, %dma_wait3A_354] : memref<1000000x128xf32, #tpu.memory_space<hbm>> -> memref<1000000x128xf32, #tpu.memory_space<hbm>>
    tpu.wait_indirect_dma semaphore(%arg9 : memref<!tpu.dma_semaphore, #tpu.memory_space<semaphore_mem>>) src(%dma_wait3A_355 : memref<1000000x128xf32, #tpu.memory_space<hbm>>) dst(%arg7 : memref<256x128xf32, #tpu.memory_space<vmem>>)
    %add3A_356 = arith.constant 4352 : i32
    %add3A_357 = arith.addi %mul3A_2, %add3A_356 : i32
    %dma_start3A_358 = arith.constant 0 : i32
    %dma_start3A_359 = tpu.memref_slice %arg4[%add3A_357, %dma_start3A_358] : memref<212992x128xf32, #tpu.memory_space<hbm>> -> memref<256x128xf32, #tpu.memory_space<hbm>>
    %dma_start3A_360 = arith.constant 0 : i32
    %dma_start3A_361 = tpu.memref_slice %arg4[%add3A_357, %dma_start3A_360] : memref<212992x128xf32, #tpu.memory_space<hbm>> -> memref<256x128xf32, #tpu.memory_space<hbm>>
    tpu.enqueue_dma source(%arg7 : memref<256x128xf32, #tpu.memory_space<vmem>>) target(%dma_start3A_361 : memref<256x128xf32, #tpu.memory_space<hbm>>) target_semaphore(%arg11 : memref<!tpu.dma_semaphore, #tpu.memory_space<semaphore_mem>>)
    %dma_wait3A_362 = arith.constant 0 : i32
    %dma_wait3A_363 = tpu.memref_slice %arg4[%add3A_357, %dma_wait3A_362] : memref<212992x128xf32, #tpu.memory_space<hbm>> -> memref<256x128xf32, #tpu.memory_space<hbm>>
    %dma_wait3A_364 = arith.constant 0 : i32
    %dma_wait3A_365 = tpu.memref_slice %arg4[%add3A_357, %dma_wait3A_364] : memref<212992x128xf32, #tpu.memory_space<hbm>> -> memref<256x128xf32, #tpu.memory_space<hbm>>
    tpu.wait_dma2 semaphore(%arg11 : memref<!tpu.dma_semaphore, #tpu.memory_space<semaphore_mem>>) src(%arg7 : memref<256x128xf32, #tpu.memory_space<vmem>>) dst(%dma_wait3A_365 : memref<256x128xf32, #tpu.memory_space<hbm>>)
    %dma_start3A_366 = arith.constant 4864 : i32
    %dma_start3A_367 = tpu.memref_slice %arg5[%dma_start3A_366] : memref<6656xi32, #tpu.memory_space<vmem>> -> memref<256xi32, #tpu.memory_space<vmem>>
    %dma_start3A_368 = arith.constant 0 : i32
    %dma_start3A_369 = arith.constant 0 : i32
    %dma_start3A_370 = tpu.memref_slice %arg3[%dma_start3A_368, %dma_start3A_369] : memref<1000000x128xf32, #tpu.memory_space<hbm>> -> memref<1000000x128xf32, #tpu.memory_space<hbm>>
    tpu.enqueue_indirect_dma source(%dma_start3A_370 : memref<1000000x128xf32, #tpu.memory_space<hbm>>) target(%arg7 : memref<256x128xf32, #tpu.memory_space<vmem>>) offsets(%dma_start3A_367 : memref<256xi32, #tpu.memory_space<vmem>>) semaphore(%arg9 : memref<!tpu.dma_semaphore, #tpu.memory_space<semaphore_mem>>)
    %dma_wait3A_371 = arith.constant 4608 : i32
    %dma_wait3A_372 = tpu.memref_slice %arg5[%dma_wait3A_371] : memref<6656xi32, #tpu.memory_space<vmem>> -> memref<256xi32, #tpu.memory_space<vmem>>
    %dma_wait3A_373 = arith.constant 0 : i32
    %dma_wait3A_374 = arith.constant 0 : i32
    %dma_wait3A_375 = tpu.memref_slice %arg3[%dma_wait3A_373, %dma_wait3A_374] : memref<1000000x128xf32, #tpu.memory_space<hbm>> -> memref<1000000x128xf32, #tpu.memory_space<hbm>>
    tpu.wait_indirect_dma semaphore(%arg8 : memref<!tpu.dma_semaphore, #tpu.memory_space<semaphore_mem>>) src(%dma_wait3A_375 : memref<1000000x128xf32, #tpu.memory_space<hbm>>) dst(%arg6 : memref<256x128xf32, #tpu.memory_space<vmem>>)
    %add3A_376 = arith.constant 4608 : i32
    %add3A_377 = arith.addi %mul3A_2, %add3A_376 : i32
    %dma_start3A_378 = arith.constant 0 : i32
    %dma_start3A_379 = tpu.memref_slice %arg4[%add3A_377, %dma_start3A_378] : memref<212992x128xf32, #tpu.memory_space<hbm>> -> memref<256x128xf32, #tpu.memory_space<hbm>>
    %dma_start3A_380 = arith.constant 0 : i32
    %dma_start3A_381 = tpu.memref_slice %arg4[%add3A_377, %dma_start3A_380] : memref<212992x128xf32, #tpu.memory_space<hbm>> -> memref<256x128xf32, #tpu.memory_space<hbm>>
    tpu.enqueue_dma source(%arg6 : memref<256x128xf32, #tpu.memory_space<vmem>>) target(%dma_start3A_381 : memref<256x128xf32, #tpu.memory_space<hbm>>) target_semaphore(%arg10 : memref<!tpu.dma_semaphore, #tpu.memory_space<semaphore_mem>>)
    %dma_wait3A_382 = arith.constant 0 : i32
    %dma_wait3A_383 = tpu.memref_slice %arg4[%add3A_377, %dma_wait3A_382] : memref<212992x128xf32, #tpu.memory_space<hbm>> -> memref<256x128xf32, #tpu.memory_space<hbm>>
    %dma_wait3A_384 = arith.constant 0 : i32
    %dma_wait3A_385 = tpu.memref_slice %arg4[%add3A_377, %dma_wait3A_384] : memref<212992x128xf32, #tpu.memory_space<hbm>> -> memref<256x128xf32, #tpu.memory_space<hbm>>
    tpu.wait_dma2 semaphore(%arg10 : memref<!tpu.dma_semaphore, #tpu.memory_space<semaphore_mem>>) src(%arg6 : memref<256x128xf32, #tpu.memory_space<vmem>>) dst(%dma_wait3A_385 : memref<256x128xf32, #tpu.memory_space<hbm>>)
    %dma_start3A_386 = arith.constant 5120 : i32
    %dma_start3A_387 = tpu.memref_slice %arg5[%dma_start3A_386] : memref<6656xi32, #tpu.memory_space<vmem>> -> memref<256xi32, #tpu.memory_space<vmem>>
    %dma_start3A_388 = arith.constant 0 : i32
    %dma_start3A_389 = arith.constant 0 : i32
    %dma_start3A_390 = tpu.memref_slice %arg3[%dma_start3A_388, %dma_start3A_389] : memref<1000000x128xf32, #tpu.memory_space<hbm>> -> memref<1000000x128xf32, #tpu.memory_space<hbm>>
    tpu.enqueue_indirect_dma source(%dma_start3A_390 : memref<1000000x128xf32, #tpu.memory_space<hbm>>) target(%arg6 : memref<256x128xf32, #tpu.memory_space<vmem>>) offsets(%dma_start3A_387 : memref<256xi32, #tpu.memory_space<vmem>>) semaphore(%arg8 : memref<!tpu.dma_semaphore, #tpu.memory_space<semaphore_mem>>)
    %dma_wait3A_391 = arith.constant 4864 : i32
    %dma_wait3A_392 = tpu.memref_slice %arg5[%dma_wait3A_391] : memref<6656xi32, #tpu.memory_space<vmem>> -> memref<256xi32, #tpu.memory_space<vmem>>
    %dma_wait3A_393 = arith.constant 0 : i32
    %dma_wait3A_394 = arith.constant 0 : i32
    %dma_wait3A_395 = tpu.memref_slice %arg3[%dma_wait3A_393, %dma_wait3A_394] : memref<1000000x128xf32, #tpu.memory_space<hbm>> -> memref<1000000x128xf32, #tpu.memory_space<hbm>>
    tpu.wait_indirect_dma semaphore(%arg9 : memref<!tpu.dma_semaphore, #tpu.memory_space<semaphore_mem>>) src(%dma_wait3A_395 : memref<1000000x128xf32, #tpu.memory_space<hbm>>) dst(%arg7 : memref<256x128xf32, #tpu.memory_space<vmem>>)
    %add3A_396 = arith.constant 4864 : i32
    %add3A_397 = arith.addi %mul3A_2, %add3A_396 : i32
    %dma_start3A_398 = arith.constant 0 : i32
    %dma_start3A_399 = tpu.memref_slice %arg4[%add3A_397, %dma_start3A_398] : memref<212992x128xf32, #tpu.memory_space<hbm>> -> memref<256x128xf32, #tpu.memory_space<hbm>>
    %dma_start3A_400 = arith.constant 0 : i32
    %dma_start3A_401 = tpu.memref_slice %arg4[%add3A_397, %dma_start3A_400] : memref<212992x128xf32, #tpu.memory_space<hbm>> -> memref<256x128xf32, #tpu.memory_space<hbm>>
    tpu.enqueue_dma source(%arg7 : memref<256x128xf32, #tpu.memory_space<vmem>>) target(%dma_start3A_401 : memref<256x128xf32, #tpu.memory_space<hbm>>) target_semaphore(%arg11 : memref<!tpu.dma_semaphore, #tpu.memory_space<semaphore_mem>>)
    %dma_wait3A_402 = arith.constant 0 : i32
    %dma_wait3A_403 = tpu.memref_slice %arg4[%add3A_397, %dma_wait3A_402] : memref<212992x128xf32, #tpu.memory_space<hbm>> -> memref<256x128xf32, #tpu.memory_space<hbm>>
    %dma_wait3A_404 = arith.constant 0 : i32
    %dma_wait3A_405 = tpu.memref_slice %arg4[%add3A_397, %dma_wait3A_404] : memref<212992x128xf32, #tpu.memory_space<hbm>> -> memref<256x128xf32, #tpu.memory_space<hbm>>
    tpu.wait_dma2 semaphore(%arg11 : memref<!tpu.dma_semaphore, #tpu.memory_space<semaphore_mem>>) src(%arg7 : memref<256x128xf32, #tpu.memory_space<vmem>>) dst(%dma_wait3A_405 : memref<256x128xf32, #tpu.memory_space<hbm>>)
    %dma_start3A_406 = arith.constant 5376 : i32
    %dma_start3A_407 = tpu.memref_slice %arg5[%dma_start3A_406] : memref<6656xi32, #tpu.memory_space<vmem>> -> memref<256xi32, #tpu.memory_space<vmem>>
    %dma_start3A_408 = arith.constant 0 : i32
    %dma_start3A_409 = arith.constant 0 : i32
    %dma_start3A_410 = tpu.memref_slice %arg3[%dma_start3A_408, %dma_start3A_409] : memref<1000000x128xf32, #tpu.memory_space<hbm>> -> memref<1000000x128xf32, #tpu.memory_space<hbm>>
    tpu.enqueue_indirect_dma source(%dma_start3A_410 : memref<1000000x128xf32, #tpu.memory_space<hbm>>) target(%arg7 : memref<256x128xf32, #tpu.memory_space<vmem>>) offsets(%dma_start3A_407 : memref<256xi32, #tpu.memory_space<vmem>>) semaphore(%arg9 : memref<!tpu.dma_semaphore, #tpu.memory_space<semaphore_mem>>)
    %dma_wait3A_411 = arith.constant 5120 : i32
    %dma_wait3A_412 = tpu.memref_slice %arg5[%dma_wait3A_411] : memref<6656xi32, #tpu.memory_space<vmem>> -> memref<256xi32, #tpu.memory_space<vmem>>
    %dma_wait3A_413 = arith.constant 0 : i32
    %dma_wait3A_414 = arith.constant 0 : i32
    %dma_wait3A_415 = tpu.memref_slice %arg3[%dma_wait3A_413, %dma_wait3A_414] : memref<1000000x128xf32, #tpu.memory_space<hbm>> -> memref<1000000x128xf32, #tpu.memory_space<hbm>>
    tpu.wait_indirect_dma semaphore(%arg8 : memref<!tpu.dma_semaphore, #tpu.memory_space<semaphore_mem>>) src(%dma_wait3A_415 : memref<1000000x128xf32, #tpu.memory_space<hbm>>) dst(%arg6 : memref<256x128xf32, #tpu.memory_space<vmem>>)
    %add3A_416 = arith.constant 5120 : i32
    %add3A_417 = arith.addi %mul3A_2, %add3A_416 : i32
    %dma_start3A_418 = arith.constant 0 : i32
    %dma_start3A_419 = tpu.memref_slice %arg4[%add3A_417, %dma_start3A_418] : memref<212992x128xf32, #tpu.memory_space<hbm>> -> memref<256x128xf32, #tpu.memory_space<hbm>>
    %dma_start3A_420 = arith.constant 0 : i32
    %dma_start3A_421 = tpu.memref_slice %arg4[%add3A_417, %dma_start3A_420] : memref<212992x128xf32, #tpu.memory_space<hbm>> -> memref<256x128xf32, #tpu.memory_space<hbm>>
    tpu.enqueue_dma source(%arg6 : memref<256x128xf32, #tpu.memory_space<vmem>>) target(%dma_start3A_421 : memref<256x128xf32, #tpu.memory_space<hbm>>) target_semaphore(%arg10 : memref<!tpu.dma_semaphore, #tpu.memory_space<semaphore_mem>>)
    %dma_wait3A_422 = arith.constant 0 : i32
    %dma_wait3A_423 = tpu.memref_slice %arg4[%add3A_417, %dma_wait3A_422] : memref<212992x128xf32, #tpu.memory_space<hbm>> -> memref<256x128xf32, #tpu.memory_space<hbm>>
    %dma_wait3A_424 = arith.constant 0 : i32
    %dma_wait3A_425 = tpu.memref_slice %arg4[%add3A_417, %dma_wait3A_424] : memref<212992x128xf32, #tpu.memory_space<hbm>> -> memref<256x128xf32, #tpu.memory_space<hbm>>
    tpu.wait_dma2 semaphore(%arg10 : memref<!tpu.dma_semaphore, #tpu.memory_space<semaphore_mem>>) src(%arg6 : memref<256x128xf32, #tpu.memory_space<vmem>>) dst(%dma_wait3A_425 : memref<256x128xf32, #tpu.memory_space<hbm>>)
    %dma_start3A_426 = arith.constant 5632 : i32
    %dma_start3A_427 = tpu.memref_slice %arg5[%dma_start3A_426] : memref<6656xi32, #tpu.memory_space<vmem>> -> memref<256xi32, #tpu.memory_space<vmem>>
    %dma_start3A_428 = arith.constant 0 : i32
    %dma_start3A_429 = arith.constant 0 : i32
    %dma_start3A_430 = tpu.memref_slice %arg3[%dma_start3A_428, %dma_start3A_429] : memref<1000000x128xf32, #tpu.memory_space<hbm>> -> memref<1000000x128xf32, #tpu.memory_space<hbm>>
    tpu.enqueue_indirect_dma source(%dma_start3A_430 : memref<1000000x128xf32, #tpu.memory_space<hbm>>) target(%arg6 : memref<256x128xf32, #tpu.memory_space<vmem>>) offsets(%dma_start3A_427 : memref<256xi32, #tpu.memory_space<vmem>>) semaphore(%arg8 : memref<!tpu.dma_semaphore, #tpu.memory_space<semaphore_mem>>)
    %dma_wait3A_431 = arith.constant 5376 : i32
    %dma_wait3A_432 = tpu.memref_slice %arg5[%dma_wait3A_431] : memref<6656xi32, #tpu.memory_space<vmem>> -> memref<256xi32, #tpu.memory_space<vmem>>
    %dma_wait3A_433 = arith.constant 0 : i32
    %dma_wait3A_434 = arith.constant 0 : i32
    %dma_wait3A_435 = tpu.memref_slice %arg3[%dma_wait3A_433, %dma_wait3A_434] : memref<1000000x128xf32, #tpu.memory_space<hbm>> -> memref<1000000x128xf32, #tpu.memory_space<hbm>>
    tpu.wait_indirect_dma semaphore(%arg9 : memref<!tpu.dma_semaphore, #tpu.memory_space<semaphore_mem>>) src(%dma_wait3A_435 : memref<1000000x128xf32, #tpu.memory_space<hbm>>) dst(%arg7 : memref<256x128xf32, #tpu.memory_space<vmem>>)
    %add3A_436 = arith.constant 5376 : i32
    %add3A_437 = arith.addi %mul3A_2, %add3A_436 : i32
    %dma_start3A_438 = arith.constant 0 : i32
    %dma_start3A_439 = tpu.memref_slice %arg4[%add3A_437, %dma_start3A_438] : memref<212992x128xf32, #tpu.memory_space<hbm>> -> memref<256x128xf32, #tpu.memory_space<hbm>>
    %dma_start3A_440 = arith.constant 0 : i32
    %dma_start3A_441 = tpu.memref_slice %arg4[%add3A_437, %dma_start3A_440] : memref<212992x128xf32, #tpu.memory_space<hbm>> -> memref<256x128xf32, #tpu.memory_space<hbm>>
    tpu.enqueue_dma source(%arg7 : memref<256x128xf32, #tpu.memory_space<vmem>>) target(%dma_start3A_441 : memref<256x128xf32, #tpu.memory_space<hbm>>) target_semaphore(%arg11 : memref<!tpu.dma_semaphore, #tpu.memory_space<semaphore_mem>>)
    %dma_wait3A_442 = arith.constant 0 : i32
    %dma_wait3A_443 = tpu.memref_slice %arg4[%add3A_437, %dma_wait3A_442] : memref<212992x128xf32, #tpu.memory_space<hbm>> -> memref<256x128xf32, #tpu.memory_space<hbm>>
    %dma_wait3A_444 = arith.constant 0 : i32
    %dma_wait3A_445 = tpu.memref_slice %arg4[%add3A_437, %dma_wait3A_444] : memref<212992x128xf32, #tpu.memory_space<hbm>> -> memref<256x128xf32, #tpu.memory_space<hbm>>
    tpu.wait_dma2 semaphore(%arg11 : memref<!tpu.dma_semaphore, #tpu.memory_space<semaphore_mem>>) src(%arg7 : memref<256x128xf32, #tpu.memory_space<vmem>>) dst(%dma_wait3A_445 : memref<256x128xf32, #tpu.memory_space<hbm>>)
    %dma_start3A_446 = arith.constant 5888 : i32
    %dma_start3A_447 = tpu.memref_slice %arg5[%dma_start3A_446] : memref<6656xi32, #tpu.memory_space<vmem>> -> memref<256xi32, #tpu.memory_space<vmem>>
    %dma_start3A_448 = arith.constant 0 : i32
    %dma_start3A_449 = arith.constant 0 : i32
    %dma_start3A_450 = tpu.memref_slice %arg3[%dma_start3A_448, %dma_start3A_449] : memref<1000000x128xf32, #tpu.memory_space<hbm>> -> memref<1000000x128xf32, #tpu.memory_space<hbm>>
    tpu.enqueue_indirect_dma source(%dma_start3A_450 : memref<1000000x128xf32, #tpu.memory_space<hbm>>) target(%arg7 : memref<256x128xf32, #tpu.memory_space<vmem>>) offsets(%dma_start3A_447 : memref<256xi32, #tpu.memory_space<vmem>>) semaphore(%arg9 : memref<!tpu.dma_semaphore, #tpu.memory_space<semaphore_mem>>)
    %dma_wait3A_451 = arith.constant 5632 : i32
    %dma_wait3A_452 = tpu.memref_slice %arg5[%dma_wait3A_451] : memref<6656xi32, #tpu.memory_space<vmem>> -> memref<256xi32, #tpu.memory_space<vmem>>
    %dma_wait3A_453 = arith.constant 0 : i32
    %dma_wait3A_454 = arith.constant 0 : i32
    %dma_wait3A_455 = tpu.memref_slice %arg3[%dma_wait3A_453, %dma_wait3A_454] : memref<1000000x128xf32, #tpu.memory_space<hbm>> -> memref<1000000x128xf32, #tpu.memory_space<hbm>>
    tpu.wait_indirect_dma semaphore(%arg8 : memref<!tpu.dma_semaphore, #tpu.memory_space<semaphore_mem>>) src(%dma_wait3A_455 : memref<1000000x128xf32, #tpu.memory_space<hbm>>) dst(%arg6 : memref<256x128xf32, #tpu.memory_space<vmem>>)
    %add3A_456 = arith.constant 5632 : i32
    %add3A_457 = arith.addi %mul3A_2, %add3A_456 : i32
    %dma_start3A_458 = arith.constant 0 : i32
    %dma_start3A_459 = tpu.memref_slice %arg4[%add3A_457, %dma_start3A_458] : memref<212992x128xf32, #tpu.memory_space<hbm>> -> memref<256x128xf32, #tpu.memory_space<hbm>>
    %dma_start3A_460 = arith.constant 0 : i32
    %dma_start3A_461 = tpu.memref_slice %arg4[%add3A_457, %dma_start3A_460] : memref<212992x128xf32, #tpu.memory_space<hbm>> -> memref<256x128xf32, #tpu.memory_space<hbm>>
    tpu.enqueue_dma source(%arg6 : memref<256x128xf32, #tpu.memory_space<vmem>>) target(%dma_start3A_461 : memref<256x128xf32, #tpu.memory_space<hbm>>) target_semaphore(%arg10 : memref<!tpu.dma_semaphore, #tpu.memory_space<semaphore_mem>>)
    %dma_wait3A_462 = arith.constant 0 : i32
    %dma_wait3A_463 = tpu.memref_slice %arg4[%add3A_457, %dma_wait3A_462] : memref<212992x128xf32, #tpu.memory_space<hbm>> -> memref<256x128xf32, #tpu.memory_space<hbm>>
    %dma_wait3A_464 = arith.constant 0 : i32
    %dma_wait3A_465 = tpu.memref_slice %arg4[%add3A_457, %dma_wait3A_464] : memref<212992x128xf32, #tpu.memory_space<hbm>> -> memref<256x128xf32, #tpu.memory_space<hbm>>
    tpu.wait_dma2 semaphore(%arg10 : memref<!tpu.dma_semaphore, #tpu.memory_space<semaphore_mem>>) src(%arg6 : memref<256x128xf32, #tpu.memory_space<vmem>>) dst(%dma_wait3A_465 : memref<256x128xf32, #tpu.memory_space<hbm>>)
    %dma_start3A_466 = arith.constant 6144 : i32
    %dma_start3A_467 = tpu.memref_slice %arg5[%dma_start3A_466] : memref<6656xi32, #tpu.memory_space<vmem>> -> memref<256xi32, #tpu.memory_space<vmem>>
    %dma_start3A_468 = arith.constant 0 : i32
    %dma_start3A_469 = arith.constant 0 : i32
    %dma_start3A_470 = tpu.memref_slice %arg3[%dma_start3A_468, %dma_start3A_469] : memref<1000000x128xf32, #tpu.memory_space<hbm>> -> memref<1000000x128xf32, #tpu.memory_space<hbm>>
    tpu.enqueue_indirect_dma source(%dma_start3A_470 : memref<1000000x128xf32, #tpu.memory_space<hbm>>) target(%arg6 : memref<256x128xf32, #tpu.memory_space<vmem>>) offsets(%dma_start3A_467 : memref<256xi32, #tpu.memory_space<vmem>>) semaphore(%arg8 : memref<!tpu.dma_semaphore, #tpu.memory_space<semaphore_mem>>)
    %dma_wait3A_471 = arith.constant 5888 : i32
    %dma_wait3A_472 = tpu.memref_slice %arg5[%dma_wait3A_471] : memref<6656xi32, #tpu.memory_space<vmem>> -> memref<256xi32, #tpu.memory_space<vmem>>
    %dma_wait3A_473 = arith.constant 0 : i32
    %dma_wait3A_474 = arith.constant 0 : i32
    %dma_wait3A_475 = tpu.memref_slice %arg3[%dma_wait3A_473, %dma_wait3A_474] : memref<1000000x128xf32, #tpu.memory_space<hbm>> -> memref<1000000x128xf32, #tpu.memory_space<hbm>>
    tpu.wait_indirect_dma semaphore(%arg9 : memref<!tpu.dma_semaphore, #tpu.memory_space<semaphore_mem>>) src(%dma_wait3A_475 : memref<1000000x128xf32, #tpu.memory_space<hbm>>) dst(%arg7 : memref<256x128xf32, #tpu.memory_space<vmem>>)
    %add3A_476 = arith.constant 5888 : i32
    %add3A_477 = arith.addi %mul3A_2, %add3A_476 : i32
    %dma_start3A_478 = arith.constant 0 : i32
    %dma_start3A_479 = tpu.memref_slice %arg4[%add3A_477, %dma_start3A_478] : memref<212992x128xf32, #tpu.memory_space<hbm>> -> memref<256x128xf32, #tpu.memory_space<hbm>>
    %dma_start3A_480 = arith.constant 0 : i32
    %dma_start3A_481 = tpu.memref_slice %arg4[%add3A_477, %dma_start3A_480] : memref<212992x128xf32, #tpu.memory_space<hbm>> -> memref<256x128xf32, #tpu.memory_space<hbm>>
    tpu.enqueue_dma source(%arg7 : memref<256x128xf32, #tpu.memory_space<vmem>>) target(%dma_start3A_481 : memref<256x128xf32, #tpu.memory_space<hbm>>) target_semaphore(%arg11 : memref<!tpu.dma_semaphore, #tpu.memory_space<semaphore_mem>>)
    %dma_wait3A_482 = arith.constant 0 : i32
    %dma_wait3A_483 = tpu.memref_slice %arg4[%add3A_477, %dma_wait3A_482] : memref<212992x128xf32, #tpu.memory_space<hbm>> -> memref<256x128xf32, #tpu.memory_space<hbm>>
    %dma_wait3A_484 = arith.constant 0 : i32
    %dma_wait3A_485 = tpu.memref_slice %arg4[%add3A_477, %dma_wait3A_484] : memref<212992x128xf32, #tpu.memory_space<hbm>> -> memref<256x128xf32, #tpu.memory_space<hbm>>
    tpu.wait_dma2 semaphore(%arg11 : memref<!tpu.dma_semaphore, #tpu.memory_space<semaphore_mem>>) src(%arg7 : memref<256x128xf32, #tpu.memory_space<vmem>>) dst(%dma_wait3A_485 : memref<256x128xf32, #tpu.memory_space<hbm>>)
    %dma_start3A_486 = arith.constant 6400 : i32
    %dma_start3A_487 = tpu.memref_slice %arg5[%dma_start3A_486] : memref<6656xi32, #tpu.memory_space<vmem>> -> memref<256xi32, #tpu.memory_space<vmem>>
    %dma_start3A_488 = arith.constant 0 : i32
    %dma_start3A_489 = arith.constant 0 : i32
    %dma_start3A_490 = tpu.memref_slice %arg3[%dma_start3A_488, %dma_start3A_489] : memref<1000000x128xf32, #tpu.memory_space<hbm>> -> memref<1000000x128xf32, #tpu.memory_space<hbm>>
    tpu.enqueue_indirect_dma source(%dma_start3A_490 : memref<1000000x128xf32, #tpu.memory_space<hbm>>) target(%arg7 : memref<256x128xf32, #tpu.memory_space<vmem>>) offsets(%dma_start3A_487 : memref<256xi32, #tpu.memory_space<vmem>>) semaphore(%arg9 : memref<!tpu.dma_semaphore, #tpu.memory_space<semaphore_mem>>)
    %dma_wait3A_491 = arith.constant 6144 : i32
    %dma_wait3A_492 = tpu.memref_slice %arg5[%dma_wait3A_491] : memref<6656xi32, #tpu.memory_space<vmem>> -> memref<256xi32, #tpu.memory_space<vmem>>
    %dma_wait3A_493 = arith.constant 0 : i32
    %dma_wait3A_494 = arith.constant 0 : i32
    %dma_wait3A_495 = tpu.memref_slice %arg3[%dma_wait3A_493, %dma_wait3A_494] : memref<1000000x128xf32, #tpu.memory_space<hbm>> -> memref<1000000x128xf32, #tpu.memory_space<hbm>>
    tpu.wait_indirect_dma semaphore(%arg8 : memref<!tpu.dma_semaphore, #tpu.memory_space<semaphore_mem>>) src(%dma_wait3A_495 : memref<1000000x128xf32, #tpu.memory_space<hbm>>) dst(%arg6 : memref<256x128xf32, #tpu.memory_space<vmem>>)
    %add3A_496 = arith.constant 6144 : i32
    %add3A_497 = arith.addi %mul3A_2, %add3A_496 : i32
    %dma_start3A_498 = arith.constant 0 : i32
    %dma_start3A_499 = tpu.memref_slice %arg4[%add3A_497, %dma_start3A_498] : memref<212992x128xf32, #tpu.memory_space<hbm>> -> memref<256x128xf32, #tpu.memory_space<hbm>>
    %dma_start3A_500 = arith.constant 0 : i32
    %dma_start3A_501 = tpu.memref_slice %arg4[%add3A_497, %dma_start3A_500] : memref<212992x128xf32, #tpu.memory_space<hbm>> -> memref<256x128xf32, #tpu.memory_space<hbm>>
    tpu.enqueue_dma source(%arg6 : memref<256x128xf32, #tpu.memory_space<vmem>>) target(%dma_start3A_501 : memref<256x128xf32, #tpu.memory_space<hbm>>) target_semaphore(%arg10 : memref<!tpu.dma_semaphore, #tpu.memory_space<semaphore_mem>>)
    %dma_wait3A_502 = arith.constant 6400 : i32
    %dma_wait3A_503 = tpu.memref_slice %arg5[%dma_wait3A_502] : memref<6656xi32, #tpu.memory_space<vmem>> -> memref<256xi32, #tpu.memory_space<vmem>>
    %dma_wait3A_504 = arith.constant 0 : i32
    %dma_wait3A_505 = arith.constant 0 : i32
    %dma_wait3A_506 = tpu.memref_slice %arg3[%dma_wait3A_504, %dma_wait3A_505] : memref<1000000x128xf32, #tpu.memory_space<hbm>> -> memref<1000000x128xf32, #tpu.memory_space<hbm>>
    tpu.wait_indirect_dma semaphore(%arg9 : memref<!tpu.dma_semaphore, #tpu.memory_space<semaphore_mem>>) src(%dma_wait3A_506 : memref<1000000x128xf32, #tpu.memory_space<hbm>>) dst(%arg7 : memref<256x128xf32, #tpu.memory_space<vmem>>)
    %add3A_507 = arith.constant 6400 : i32
    %add3A_508 = arith.addi %mul3A_2, %add3A_507 : i32
    "tpu.region"() ({
      %run_scoped3A = tpu.sem_alloc : memref<!tpu.dma_semaphore, #tpu.memory_space<semaphore_mem>>
      %dma_start3A_513 = arith.constant 0 : i32
      %dma_start3A_514 = tpu.memref_slice %arg4[%add3A_508, %dma_start3A_513] : memref<212992x128xf32, #tpu.memory_space<hbm>> -> memref<256x128xf32, #tpu.memory_space<hbm>>
      %dma_start3A_515 = arith.constant 0 : i32
      %dma_start3A_516 = tpu.memref_slice %arg4[%add3A_508, %dma_start3A_515] : memref<212992x128xf32, #tpu.memory_space<hbm>> -> memref<256x128xf32, #tpu.memory_space<hbm>>
      tpu.enqueue_dma source(%arg7 : memref<256x128xf32, #tpu.memory_space<vmem>>) target(%dma_start3A_516 : memref<256x128xf32, #tpu.memory_space<hbm>>) target_semaphore(%run_scoped3A : memref<!tpu.dma_semaphore, #tpu.memory_space<semaphore_mem>>)
      %dma_wait3A_517 = arith.constant 0 : i32
      %dma_wait3A_518 = tpu.memref_slice %arg4[%add3A_508, %dma_wait3A_517] : memref<212992x128xf32, #tpu.memory_space<hbm>> -> memref<256x128xf32, #tpu.memory_space<hbm>>
      %dma_wait3A_519 = arith.constant 0 : i32
      %dma_wait3A_520 = tpu.memref_slice %arg4[%add3A_508, %dma_wait3A_519] : memref<212992x128xf32, #tpu.memory_space<hbm>> -> memref<256x128xf32, #tpu.memory_space<hbm>>
      tpu.wait_dma2 semaphore(%run_scoped3A : memref<!tpu.dma_semaphore, #tpu.memory_space<semaphore_mem>>) src(%arg7 : memref<256x128xf32, #tpu.memory_space<vmem>>) dst(%dma_wait3A_520 : memref<256x128xf32, #tpu.memory_space<hbm>>)
      tpu.yield
    }) : () -> ()
    %dma_wait3A_509 = arith.constant 0 : i32
    %dma_wait3A_510 = tpu.memref_slice %arg4[%add3A_497, %dma_wait3A_509] : memref<212992x128xf32, #tpu.memory_space<hbm>> -> memref<256x128xf32, #tpu.memory_space<hbm>>
    %dma_wait3A_511 = arith.constant 0 : i32
    %dma_wait3A_512 = tpu.memref_slice %arg4[%add3A_497, %dma_wait3A_511] : memref<212992x128xf32, #tpu.memory_space<hbm>> -> memref<256x128xf32, #tpu.memory_space<hbm>>
    tpu.wait_dma2 semaphore(%arg10 : memref<!tpu.dma_semaphore, #tpu.memory_space<semaphore_mem>>) src(%arg6 : memref<256x128xf32, #tpu.memory_space<vmem>>) dst(%dma_wait3A_512 : memref<256x128xf32, #tpu.memory_space<hbm>>)
    return
  }
}

module attributes {stable_mosaic.version = 14 : i64} {
  func.func @_project_body(%arg0: i32, %arg1: memref<64x8192xf32, #tpu.memory_space<vmem>>, %arg2: memref<64x64xf32, #tpu.memory_space<vmem>>, %arg3: memref<1x64xf32, #tpu.memory_space<vmem>>, %arg4: memref<8192x128xf32, #tpu.memory_space<vmem>>) attributes {dimension_semantics = [#tpu.dimension_semantics<arbitrary>], iteration_bounds = array<i64: 122>, scalar_prefetch = 0 : i64, scratch_operands = 0 : i64, tpu.core_type = #tpu.core_type<tc>, window_params = [{transform_indices = @transform_0, window_bounds = array<i64: 64, 8192>}, {pipeline_mode = #tpu.pipeline_mode<synchronous>, transform_indices = @transform_1, window_bounds = array<i64: 64, 64>}, {pipeline_mode = #tpu.pipeline_mode<synchronous>, transform_indices = @transform_2, window_bounds = array<i64: 1, 64>}, {transform_indices = @transform_3, window_bounds = array<i64: 8192, 128>}]} {
    %get3A = arith.constant 0 : index
    %get3A_0 = arith.constant 0 : index
    %get3A_1 = vector.load %arg1[%get3A, %get3A_0] : memref<64x8192xf32, #tpu.memory_space<vmem>>, vector<64x8192xf32>
    %get3A_2 = arith.constant 0 : index
    %get3A_3 = arith.constant 0 : index
    %get3A_4 = vector.load %arg2[%get3A_2, %get3A_3] : memref<64x64xf32, #tpu.memory_space<vmem>>, vector<64x64xf32>
    %dot_general3A = arith.constant dense<0.000000e+00> : vector<8192x64xf32>
    %dot_general3A_5 = tpu.matmul %get3A_1, %get3A_4, %dot_general3A {dimension_numbers = #tpu.dot_dimension_numbers<[0], [0], [1], [1], [0, 1, 1, 1], [], []>, transpose_lhs_hint = false} : vector<64x8192xf32>, vector<64x64xf32>, vector<8192x64xf32> -> vector<8192x64xf32>
    %get3A_6 = arith.constant 0 : index
    %get3A_7 = arith.constant 0 : index
    %get3A_8 = vector.load %arg3[%get3A_6, %get3A_7] : memref<1x64xf32, #tpu.memory_space<vmem>>, vector<1x64xf32>
    %add3A = vector.broadcast %get3A_8 : vector<1x64xf32> to vector<8192x64xf32>
    %add3A_9 = arith.addf %dot_general3A_5, %add3A : vector<8192x64xf32>
    %swap3A = arith.constant 0 : index
    %swap3A_10 = arith.constant 0 : index
    %swap3A_11 = vector.load %arg4[%swap3A, %swap3A_10] : memref<8192x128xf32, #tpu.memory_space<vmem>>, vector<8192x64xf32>
    tpu.vector_store %arg4[%swap3A, %swap3A_10], %add3A_9 {strides = array<i32>} : memref<8192x128xf32, #tpu.memory_space<vmem>>, vector<8192x64xf32>,
    %broadcast_in_dim3A = arith.constant 0.000000e+00 : f32
    %broadcast_in_dim3A_12 = vector.broadcast %broadcast_in_dim3A : f32 to vector<8192x64xf32>
    %swap3A_13 = arith.constant 0 : index
    %swap3A_14 = arith.constant 64 : index
    %swap3A_15 = vector.load %arg4[%swap3A_13, %swap3A_14] : memref<8192x128xf32, #tpu.memory_space<vmem>>, vector<8192x64xf32>
    tpu.vector_store %arg4[%swap3A_13, %swap3A_14], %broadcast_in_dim3A_12 {strides = array<i32>} : memref<8192x128xf32, #tpu.memory_space<vmem>>, vector<8192x64xf32>,
    return
  }
  func.func @transform_0(%arg0: i32) -> (i32, i32) {
    %c0_i32 = arith.constant 0 : i32
    %c0_i32_0 = arith.constant 0 : i32
    return %c0_i32, %arg0 : i32, i32
  }
  func.func @transform_1(%arg0: i32) -> (i32, i32) {
    %c0_i32 = arith.constant 0 : i32
    %c0_i32_0 = arith.constant 0 : i32
    %c0_i32_1 = arith.constant 0 : i32
    return %c0_i32, %c0_i32_0 : i32, i32
  }
  func.func @transform_2(%arg0: i32) -> (i32, i32) {
    %c0_i32 = arith.constant 0 : i32
    %c0_i32_0 = arith.constant 0 : i32
    %c0_i32_1 = arith.constant 0 : i32
    return %c0_i32, %c0_i32_0 : i32, i32
  }
  func.func @transform_3(%arg0: i32) -> (i32, i32) {
    %c0_i32 = arith.constant 0 : i32
    %c0_i32_0 = arith.constant 0 : i32
    return %arg0, %c0_i32 : i32, i32
  }
}

module attributes {stable_mosaic.version = 14 : i64} {
  func.func @_transpose_body(%arg0: i32, %arg1: i32, %arg2: memref<4096x128xf32, #tpu.memory_space<vmem>>, %arg3: memref<1x64x4096xf32, #tpu.memory_space<vmem>>) attributes {dimension_semantics = [#tpu.dimension_semantics<arbitrary>, #tpu.dimension_semantics<arbitrary>], iteration_bounds = array<i64: 13, 4>, scalar_prefetch = 0 : i64, scratch_operands = 0 : i64, tpu.core_type = #tpu.core_type<tc>, window_params = [{transform_indices = @transform_0, window_bounds = array<i64: 4096, 128>}, {transform_indices = @transform_1, window_bounds = array<i64: 1, 64, 4096>}]} {
    %get3A = arith.constant 0 : index
    %get3A_0 = arith.constant 0 : index
    %get3A_1 = vector.load %arg2[%get3A, %get3A_0] : memref<4096x128xf32, #tpu.memory_space<vmem>>, vector<4096x64xf32>
    %transpose3A = tpu.transpose %get3A_1, [1, 0] : vector<4096x64xf32> -> vector<64x4096xf32>
    %swap3A = arith.constant 0 : index
    %swap3A_2 = arith.constant 0 : index
    %swap3A_3 = arith.constant 0 : index
    %swap3A_4 = vector.load %arg3[%swap3A, %swap3A_2, %swap3A_3] : memref<1x64x4096xf32, #tpu.memory_space<vmem>>, vector<1x64x4096xf32>
    %swap3A_5 = vector.shape_cast %swap3A_4 : vector<1x64x4096xf32> to vector<64x4096xf32>
    %swap3A_6 = vector.shape_cast %transpose3A : vector<64x4096xf32> to vector<1x64x4096xf32>
    tpu.vector_store %arg3[%swap3A, %swap3A_2, %swap3A_3], %swap3A_6 {strides = array<i32>} : memref<1x64x4096xf32, #tpu.memory_space<vmem>>, vector<1x64x4096xf32>,
    return
  }
  func.func @transform_0(%arg0: i32, %arg1: i32) -> (i32, i32) {
    %mul3A = arith.constant 4 : i32
    %mul3A_0 = arith.muli %arg0, %mul3A : i32
    %add3A = arith.addi %mul3A_0, %arg1 : i32
    %c0_i32 = arith.constant 0 : i32
    %c0_i32_1 = arith.constant 0 : i32
    return %add3A, %c0_i32 : i32, i32
  }
  func.func @transform_1(%arg0: i32, %arg1: i32) -> (i32, i32, i32) {
    %add3A = arith.constant 0 : i32
    %add3A_0 = arith.addi %arg0, %add3A : i32
    %c0_i32 = arith.constant 0 : i32
    %c0_i32_1 = arith.constant 0 : i32
    return %add3A_0, %c0_i32, %arg1 : i32, i32, i32
  }
}

module attributes {stable_mosaic.version = 14 : i64} {
  func.func @_transpose_body_alias(%arg0: i32, %arg1: i32, %arg2: memref<4096x128xf32, #tpu.memory_space<vmem>>, %arg3: memref<26x64x16384xf32, #tpu.memory_space<any>>, %arg4: memref<1x64x4096xf32, #tpu.memory_space<vmem>>) attributes {dimension_semantics = [#tpu.dimension_semantics<arbitrary>, #tpu.dimension_semantics<arbitrary>], iteration_bounds = array<i64: 13, 4>, scalar_prefetch = 0 : i64, scratch_operands = 0 : i64, tpu.core_type = #tpu.core_type<tc>, window_params = [{transform_indices = @transform_0, window_bounds = array<i64: 4096, 128>}, {}, {transform_indices = @transform_2, window_bounds = array<i64: 1, 64, 4096>}]} {
    %get3A = arith.constant 0 : index
    %get3A_0 = arith.constant 0 : index
    %get3A_1 = vector.load %arg2[%get3A, %get3A_0] : memref<4096x128xf32, #tpu.memory_space<vmem>>, vector<4096x64xf32>
    %transpose3A = tpu.transpose %get3A_1, [1, 0] : vector<4096x64xf32> -> vector<64x4096xf32>
    %swap3A = arith.constant 0 : index
    %swap3A_2 = arith.constant 0 : index
    %swap3A_3 = arith.constant 0 : index
    %swap3A_4 = vector.load %arg4[%swap3A, %swap3A_2, %swap3A_3] : memref<1x64x4096xf32, #tpu.memory_space<vmem>>, vector<1x64x4096xf32>
    %swap3A_5 = vector.shape_cast %swap3A_4 : vector<1x64x4096xf32> to vector<64x4096xf32>
    %swap3A_6 = vector.shape_cast %transpose3A : vector<64x4096xf32> to vector<1x64x4096xf32>
    tpu.vector_store %arg4[%swap3A, %swap3A_2, %swap3A_3], %swap3A_6 {strides = array<i32>} : memref<1x64x4096xf32, #tpu.memory_space<vmem>>, vector<1x64x4096xf32>,
    return
  }
  func.func @transform_0(%arg0: i32, %arg1: i32) -> (i32, i32) {
    %mul3A = arith.constant 4 : i32
    %mul3A_0 = arith.muli %arg0, %mul3A : i32
    %add3A = arith.addi %mul3A_0, %arg1 : i32
    %c0_i32 = arith.constant 0 : i32
    %c0_i32_1 = arith.constant 0 : i32
    return %add3A, %c0_i32 : i32, i32
  }
  func.func @transform_2(%arg0: i32, %arg1: i32) -> (i32, i32, i32) {
    %add3A = arith.constant 13 : i32
    %add3A_0 = arith.addi %arg0, %add3A : i32
    %c0_i32 = arith.constant 0 : i32
    %c0_i32_1 = arith.constant 0 : i32
    return %add3A_0, %c0_i32, %arg1 : i32, i32, i32
  }
}

</mosaic_0001>

<sc_bundles>
// kernel: kernel.10.cloned.1.call-start
scs
__scs_entry_jumppad:
0x0: {  	(pc) =	sbr.rel $0x88, $3  }
0x1: {  	(tag) =	ssettag $0x0;
	lr =	simm.s32 $0x1  }
0x2: {  	[smem:$0x3F9D] =	sst lr;
	_ =	strace $0xD0000000  }
0x3: {  	_ = 	snop  }
0x4: {  	_ = 	snop  }
0x5: {  	_ = 	snop  }
0x6: {  	_ = 	snop  }
0x7: {  	_ = 	snop  }
__scs_overlays_trampoline_lowered:
0x8: {  	[smem:$0x3FAC] =	sst s0  }
0x9: {  	[smem:$0x3FAD] =	sst s1  }
0xa: {  	[smem:$0x3FAE] =	sst s2  }
0xb: {  	[smem:$0x3FAF] =	sst s3  }
0xc: {  	[smem:$0x3FB0] =	sst s4  }
0xd: {  	[smem:$0x3FB1] =	sst s5  }
0xe: {  	[smem:$0x3FB2] =	sst s6  }
0xf: {  	[smem:$0x3FB3] =	sst s7  }
0x10: {  	[smem:$0x3FB4] =	sst s8  }
0x11: {  	[smem:$0x3FB5] =	sst s9;
	s0 =	simm.s32 @!p0 $0x0  }
0x12: {  	s1 =	sld [smem:$0x3F9B];
	s0 =	simm.s32 @p0 $0x1  }
0x13: {  	[smem:$0x3FB6] =	sst s0;
	s0 =	simm.s32 @!p1 $0x0  }
0x14: {  	s2 =	sld [smem:$0x3F9A];
	s0 =	simm.s32 @p1 $0x1  }
0x15: {  	[smem:$0x3FB7] =	sst s0;
	s0 =	simm.s32 @!p2 $0x0  }
0x16: {  	s3 =	sld [smem:$0x3FDB];
	s0 =	simm.s32 @p2 $0x1  }
0x17: {  	s4 =	simm.s32 $0x1BF5;
	[smem:$0x3FB9] =	sst s0  }
0x18: {  	s0 =	sld [smem:$0x3F9C];
	_ =	swait.ge [sflag:s4], $0x0  }
0x19: {  	s7 =	sld [smem:$0x3F9D]  }
0x1a: {  	s8 =	sadd.s32 $0xFFFFE003, lr  }
0x1b: {  	s9 =	sadd.s32 $0xFFFFFEF7, lr;
	s5 =	simm.s32 $0xFFFFFFFF;
	p2 =	slt.u32 s8, $0xFFFFF086  }
0x1c: {  	p1 =	slt.u32 s9, $0xF7A;
	s5 =	simm.s32 @!p2 $0x0  }
0x1d: {  	s5 =	simm.s32 @p1 $0x1;
	p0 =	seq.s32 s7, s2  }
0x1e: {  	s7 =	smul.u32 @!p0 $0xF7A, s2;
	p2 =	seq.s32 @!p0 s5, $0x0  }
0x1f: {  	s9 =	smul.u32 $0xF7A, s1;
	s8 =	simm.s32 @!p0 $0x1BF5;
	p2 =	por !p2, p0  }
0x20: {  	[sflag:s8] =	ssyncset.s32 @!p0 $0xFFFFF086;
	s6 =	sadd.s32 @!p0 s3, s7;
	s7 =	simm.s32 @!p0 $0x108  }
0x21: {  	s3 =	sadd.s32 s3, s9;
	s6 =	sadd.s32 @!p0 $0x88, s6;
	s7 =	simm.s32 @p2 $0x1082  }
0x22: {  	[simem:s7], [sflag:s8] =	dma.local @!p0 [hbm:s6], $0xF7A  }
0x23: {  	s9 =	sor.u32 $0xD0000000, s2;
	s6 =	simm.s32 $0x108;
	_ =	swait.ge @!p0 [sflag:s8], $0x0  }
0x24: {  	s3 =	sadd.s32 $0x88, s3;
	s6 =	simm.s32 @!p1 $0x1082;
	[sflag:s4] =	ssyncset.s32 $0xFFFFF086  }
0x25: {  	[simem:s6], [sflag:s4] =	dma.local [hbm:s3], $0xF7A  }
0x26: {  	[smem:$0x3F9D] =	sst s1;
	(tag) =	ssettag s2;
	_ =	strace s9  }
0x27: {  	s1 =	sld [smem:$0x3FAD]  }
0x28: {  	s2 =	sld [smem:$0x3FAE]  }
0x29: {  	s4 =	sld [smem:$0x3FB0]  }
0x2a: {  	p0 =	seq.s32 s5, $0x0;
	s5 =	sld [smem:$0x3FB1]  }
0x2b: {  	s6 =	sld [smem:$0x3FB2]  }
0x2c: {  	s7 =	sld [smem:$0x3FB3]  }
0x2d: {  	s3 =	simm.s32 $0x108;
	s8 =	sld [smem:$0x3FB4]  }
0x2e: {  	s3 =	simm.s32 @!p0 $0x1082;
	s9 =	sld [smem:$0x3FB5]  }
0x2f: {  	lr =	sadd.s32 s0, s3;
	s0 =	sld [smem:$0x3FAC]  }
0x30: {  	s3 =	sld [smem:$0x3FAF]  }
0x31: {  	[smem:$0x3FB8] =	sst s10  }
0x32: {  	s10 =	sld [smem:$0x3FB6];
	_ =	sdelay $0x3  }
0x33: {  	p0 =	seq.s32 s10, $0x1;
	s10 =	sld [smem:$0x3FB8];
	_ =	sdelay $0x3  }
0x34: {  	[smem:$0x3FB8] =	sst s10  }
0x35: {  	s10 =	sld [smem:$0x3FB7];
	_ =	sdelay $0x3  }
0x36: {  	p1 =	seq.s32 s10, $0x1;
	s10 =	sld [smem:$0x3FB8];
	_ =	sdelay $0x3  }
0x37: {  	[smem:$0x3FB8] =	sst s10  }
0x38: {  	s10 =	sld [smem:$0x3FB9]  }
0x39: {  	_ = 	snop;
	(pc) =	sbr.ind lr, $3  }
0x3a: {  	_ = 	snop  }
0x3b: {  	_ = 	snop  }
0x3c: {  	p2 =	seq.s32 s10, $0x1;
	s10 =	sld [smem:$0x3FB8]  }
0x3d: {  	_ =	shalt  }
0x3e: {  	_ =	shalt  }
0x3f: {  	_ =	shalt  }
0x40: {  	_ =	shalt  }
0x41: {  	_ =	shalt  }
0x42: {  	_ =	shalt  }
0x43: {  	_ =	shalt  }
0x44: {  	_ =	shalt  }
0x45: {  	_ =	shalt  }
0x46: {  	_ =	shalt  }
0x47: {  	_ =	shalt  }
0x48: {  	_ =	shalt  }
0x49: {  	_ =	shalt  }
0x4a: {  	_ =	shalt  }
0x4b: {  	_ =	shalt  }
0x4c: {  	_ =	shalt  }
0x4d: {  	_ =	shalt  }
0x4e: {  	_ =	shalt  }
0x4f: {  	_ =	shalt  }
0x50: {  	_ =	shalt  }
0x51: {  	_ =	shalt  }
0x52: {  	_ =	shalt  }
0x53: {  	_ =	shalt  }
0x54: {  	_ =	shalt  }
0x55: {  	_ =	shalt  }
0x56: {  	_ =	shalt  }
0x57: {  	_ =	shalt  }
0x58: {  	_ =	shalt  }
0x59: {  	_ =	shalt  }
0x5a: {  	_ =	shalt  }
0x5b: {  	_ =	shalt  }
0x5c: {  	_ =	shalt  }
0x5d: {  	_ =	shalt  }
0x5e: {  	_ =	shalt  }
0x5f: {  	_ =	shalt  }
0x60: {  	_ =	shalt  }
0x61: {  	_ =	shalt  }
0x62: {  	_ =	shalt  }
0x63: {  	_ =	shalt  }
0x64: {  	_ =	shalt  }
0x65: {  	_ =	shalt  }
0x66: {  	_ =	shalt  }
0x67: {  	_ =	shalt  }
0x68: {  	_ =	shalt  }
0x69: {  	_ =	shalt  }
0x6a: {  	_ =	shalt  }
0x6b: {  	_ =	shalt  }
0x6c: {  	_ =	shalt  }
0x6d: {  	_ =	shalt  }
0x6e: {  	_ =	shalt  }
0x6f: {  	_ =	shalt  }
0x70: {  	_ =	shalt  }
0x71: {  	_ =	shalt  }
0x72: {  	_ =	shalt  }
0x73: {  	_ =	shalt  }
0x74: {  	_ =	shalt  }
0x75: {  	_ =	shalt  }
0x76: {  	_ =	shalt  }
0x77: {  	_ =	shalt  }
0x78: {  	_ =	shalt  }
0x79: {  	_ =	shalt  }
0x7a: {  	_ =	shalt  }
0x7b: {  	_ =	shalt  }
0x7c: {  	_ =	shalt  }
0x7d: {  	_ =	shalt  }
0x7e: {  	_ =	shalt  }
0x7f: {  	_ =	shalt  }
0x80: {  	_ =	shalt  }
0x81: {  	_ =	shalt  }
0x82: {  	_ =	shalt  }
0x83: {  	_ =	shalt  }
0x84: {  	_ =	shalt  }
0x85: {  	_ =	shalt  }
0x86: {  	_ =	shalt  }
0x87: {  	_ =	shalt  }
.Lfunc_end0:
.L_simem_size_0:
called_computation.1_lowered:
.L_overlay_start_0:
0x88: {  	s2 =	sld [smem:$0x3FD9]  }
0x89: {  	s3 =	sld [smem:$0x3FFE];
	_ =	sdelay $0x1  }
0x8a: {  	s1 =	srdreg.scid  }
0x8b: {  	s0 =	sand.u32 $0x1, s1  }
0x8c: {  	s17 =	sshll.u32 s0, $0xA;
	s2 =	sadd.s32 s3, s2  }
0x8d: {  	s2 =	sadd.s32 s2, s17  }
0x8e: {  	[smem:$0x3FC4] =	sst s2  }
0x8f: {  	_ = 	snop  }
0x90: {  	(tm) =	ssettm $0x1  }
0x91: {  	s18 =	sld [smem:$0x3FFB];
	_ =	sdelay $0x3  }
0x92: {  	_ =	strace s18  }
0x93: {  	s2 =	sld [smem:$0x3FFC];
	_ =	sdelay $0x3  }
0x94: {  	_ =	strace s2  }
0x95: {  	s2 =	sld [smem:$0x3FFD];
	_ =	sdelay $0x3  }
0x96: {  	_ =	strace s2  }
0x97: {  	_ =	strace $0x8FFFFFFF  }
0x98: {  	s19 =	sld [smem:$0x3FDB];
	_ =	sdelay $0x1  }
0x99: {  	s20 =	simm.s32 $_scs_section_size  }
0x9a: {  	s4 =	simm.s32 $_size__tile_overlayer_lowered;
	s5 =	simm.s32 $_tile_overlayer_lowered  }
0x9b: {  	s6 =	simm.s32 $0x1BFF;
	s21 =	sshll.u32 s5, $0x1;
	s3 =	sadd.s32 s20, s19  }
0x9c: {  	s22 =	simm.s32 $0x0;
	s4 =	sshll.u32 s4, $0x1;
	s5 =	sadd.s32 s21, s3  }
0x9d: {  	[timem:s22], [sflag:s6] =	dma.local [hbm:s5], s4  }
0x9e: {  	_ =	swait.ge [sflag:s6], s4  }
0x9f: {  	s4 =	ssub.s32 $0x0, s4;
	[sflag:s6] =	ssyncset.done $0x0  }
0xa0: {  	[sflag:s6] =	ssyncadd.s32 s4;
	_ =	sdelay $0x1  }
0xa1: {  	s23 =	simm.s32 $0x1B8B  }
0xa2: {  	_ =	swait.ge [sflag:s23], $0x1  }
0xa3: {  	[sflag:s23] =	ssyncset.done $0x0  }
0xa4: {  	[sflag:s23] =	ssyncadd.s32 $0xFFFFFFFF  }
0xa5: {  	s4 =	sld [smem:$0x0]  }
0xa6: {  	s5 =	sand.u32 $0xFFFFFFFE, s1  }
0xa7: {  	p0 =	sne.s32 s1, s5  }
0xa8: {  	s5 =	sshll.u32 @p0 s5, $0xE  }
0xa9: {  	s5 =	sadd.s32 @p0 $0x11B8D, s5;
	s6 =	sshll.u32 @p0 s4, $0x11  }
0xaa: {  	s5 =	sor.u32 @p0 s6, s5  }
0xab: {  	[sflag:s5] =	ssyncadd.remote.s32 @p0 $0x1;
	_ =	sdelay $0x1  }
0xac: {  	s5 =	simm.s32 @p0 $0x1B8D  }
0xad: {  	_ =	swait.eq @p0 [sflag:s5], $0x1  }
0xae: {  	[sflag:s5] =	ssyncadd.s32 @p0 $0xFFFFFFFF  }
0xaf: {  	s6 =	sshll.u32 @!p0 s1, $0xE  }
0xb0: {  	s6 =	sor.u32 @!p0 $0x4000, s6;
	s5 =	simm.s32 @!p0 $0x1B8D  }
0xb1: {  	s4 =	sshll.u32 @!p0 s4, $0x11;
	s6 =	sadd.s32 @!p0 $0x11B8D, s6;
	_ =	swait.eq @!p0 [sflag:s5], $0x1  }
0xb2: {  	s4 =	sor.u32 @!p0 s4, s6;
	[sflag:s5] =	ssyncadd.s32 @!p0 $0xFFFFFFFF  }
0xb3: {  	s25 =	simm.s32 $0x1B8E;
	s24 =	sld [smem:$0x3FFE];
	[sflag:s4] =	ssyncadd.remote.s32 @!p0 $0x1  }
0xb4: {  	s26 =	simm.s32 $execute0_lowered;
	[smem:$0x3FD2] =	sst s25  }
0xb5: {  	s5 =	sshll.u32 s26, $0x1;
	_ =	strace $0x80000049;
	[dreg:$0x1] =	wrdreg $0xFFFFFFFF  }
0xb6: {  	s28 =	simm.s32 $_size_execute0_lowered;
	s3 =	sadd.s32 s3, s5;
	[dreg:$0x0] =	wrdreg $0x0  }
0xb7: {  	s5 =	sshll.u32 s28, $0x1;
	[dreg:$0x2] =	wrdreg s3  }
0xb8: {  	[dreg:$0x3] =	wrdreg s5  }
0xb9: {  	[dreg:$0x4] =	wrdreg $0xC0  }
0xba: {  	_ =	task [dreg:s22], $0x5FFFF  }
0xbb: {  	[dreg:$0x1] =	wrdreg $0xFFFFFFFF  }
0xbc: {  	[dreg:$0x0] =	wrdreg $0x60  }
0xbd: {  	[dreg:$0x2] =	wrdreg s24  }
0xbe: {  	[dreg:$0x3] =	wrdreg $0xA  }
0xbf: {  	_ =	task.clear_ibuf [dreg:s22], $0x4FFFF;
	_ =	strace $0x90000049  }
0xc0: {  	s29 =	simm.s32 $0xA;
	_ =	strace $0x8000004B  }
0xc1: {  	_ =	swait.ge [sflag:s29], $0x1  }
0xc2: {  	[sflag:s29] =	ssyncadd.s32 $0xFFFFFFFF  }
0xc3: {  	_ =	strace $0x9000004B  }
0xc4: {  	_ =	sfence  }
0xc5: {  	s30 =	sld [smem:$0x0];
	_ =	sdelay $0x2  }
0xc6: {  	s31 =	sshll.u32 s1, $0xD;
	s1 =	sshrl.u32 s1, $0x2  }
0xc7: {  	s4 =	sand.u32 $0x4000, s31;
	s1 =	sadd.s32 s1, s30  }
0xc8: {  	s0 =	sor.u32 s4, s0;
	s1 =	sshll.u32 s1, $0x11  }
0xc9: {  	s0 =	sor.u32 s1, s0  }
0xca: {  	s0 =	sadd.s32 $0x8F2B, s0  }
0xcb: {  	[sflag:s0] =	ssyncadd.remote.s32 $0x1  }
0xcc: {  	_ =	sfence.sel $0xFFFF  }
0xcd: {  	[dreg:$0x0] =	wrdreg $0xFFFFFFFF;
	(pc) =	sbr.abs _section_cstart, $3  }
0xce: {  	[dreg:$0x1] =	wrdreg $0xFFFFFFFF  }
0xcf: {  	_ =	task.clear_ibuf [dreg:s22], $0x2FFFF;
	_ =	strace $0x9FFFFFFF  }
0xd0: {  	(tm) =	ssettm $0x7FFFFFFF  }
0xd1: {  	_ =	shalt  }
tec
execute0_lowered:
.L_overlay_start_1:
0x0: {  	(tag) =	ssettag $0x1  }
0x1: {  	s0 =	srdreg.scid;
	s1 =	stileid.u32  }
0x2: {  	s0 =	sand.u32 $0x1, s0;
	s1 =	sshll.u32 s1, $0x1  }
0x3: {  	s3 =	sor.u32 s0, s1  }
0x4: {  	s2 =	simm.s32 $0x0;
	s4 =	smul.u32 $0x340, s3  }
0x5: {  	[smem:$0x7FF] =	sst s2;
	s5 =	smul.u32 $0x1A000, s3  }
0x6: {  	s1 =	rddreg [dreg:$0x0];
	s3 =	smul.u32 $0xD0000, s3  }
0x7: {  	_ =	strace $0x8000004A;
	s6 =	sadd.s32 $0x1289A00, s1;
	s4 =	sadd.s32 s4, s1  }
0x8: {  	s29 =	sadd.s32 s6, s5;
	s3 =	sshrl.u32 s3, $0x3;
	s4 =	sadd.s32 $0x1283200, s4  }
0x9: {  	s18 =	sadd.s32 $0x1000, s29;
	s3 =	sadd.s32 s6, s3;
	[dreg:$0x2] =	wrdreg s4  }
0xa: {  	[dreg:$0x3] =	wrdreg s18;
	s19 =	sadd.s32 $0x2000, s3  }
0xb: {  	s20 =	sadd.s32 $0x3000, s3;
	[dreg:$0x4] =	wrdreg s19  }
0xc: {  	s21 =	sadd.s32 $0x4000, s3;
	[dreg:$0x5] =	wrdreg s20  }
0xd: {  	s22 =	sadd.s32 $0x5000, s3;
	[dreg:$0x6] =	wrdreg s21  }
0xe: {  	s23 =	sadd.s32 $0x6000, s3;
	[dreg:$0x7] =	wrdreg s22  }
0xf: {  	s24 =	sadd.s32 $0x7000, s3;
	[dreg:$0x8] =	wrdreg s23  }
0x10: {  	s25 =	sadd.s32 $0x8000, s3;
	[dreg:$0x9] =	wrdreg s24  }
0x11: {  	s26 =	sadd.s32 $0x9000, s3;
	[dreg:$0xa] =	wrdreg s25  }
0x12: {  	s5 =	sadd.s32 $0xA000, s3;
	[dreg:$0xb] =	wrdreg s26  }
0x13: {  	s6 =	sadd.s32 $0xB000, s3;
	[dreg:$0xc] =	wrdreg s5  }
0x14: {  	s7 =	sadd.s32 $0xC000, s3;
	[dreg:$0xd] =	wrdreg s6  }
0x15: {  	s8 =	sadd.s32 $0xD000, s3;
	[dreg:$0xe] =	wrdreg s7  }
0x16: {  	s9 =	sadd.s32 $0xE000, s3;
	[dreg:$0xf] =	wrdreg s8  }
0x17: {  	s10 =	sadd.s32 $0xF000, s3;
	[dreg:$0x10] =	wrdreg s9  }
0x18: {  	s11 =	sadd.s32 $0x10000, s3;
	[dreg:$0x11] =	wrdreg s10  }
0x19: {  	s12 =	sadd.s32 $0x11000, s3;
	[dreg:$0x12] =	wrdreg s11  }
0x1a: {  	s13 =	sadd.s32 $0x12000, s3;
	[dreg:$0x13] =	wrdreg s12  }
0x1b: {  	s31 =	simm.s32 $0x800;
	s14 =	sadd.s32 $0x13000, s3;
	[dreg:$0x14] =	wrdreg s13  }
0x1c: {  	s30 =	simm.s32 $0x900;
	s15 =	sadd.s32 $0x14000, s3;
	[dreg:$0x15] =	wrdreg s14  }
0x1d: {  	s28 =	simm.s32 $0xA00;
	s16 =	sadd.s32 $0x15000, s3;
	[dreg:$0x16] =	wrdreg s15  }
0x1e: {  	p0 =	por $0x0, $0x0;
	s17 =	sadd.s32 $0x16000, s3;
	[dreg:$0x17] =	wrdreg s16  }
0x1f: {  	s0 =	ssub.s32 $0x2, s0;
	s18 =	sadd.s32 $0x17000, s3;
	[dreg:$0x18] =	wrdreg s17  }
0x20: {  	s4 =	simm.s32 $0x9A00;
	s19 =	sshrl.u32 s0, $0x1;
	[dreg:$0x19] =	wrdreg s18  }
0x21: {  	s20 =	sadd.s32 $0x18000, s3;
	s3 =	sadd.s32 $0x19000, s3;
	s6 =	sadd.s32 $0xE00, s1  }
0x22: {  	s8 =	simm.s32 $0x100;
	s21 =	simm.s32 $0x200;
	s7 =	simm.s32 $0x1A00  }
0x23: {  	s22 =	simm.s32 $0x300;
	s23 =	simm.s32 $0x400;
	s9 =	simm.s32 $0x1  }
0x24: {  	s24 =	simm.s32 $0x500;
	s5 =	simm.s32 $0x3;
	s25 =	simm.s32 $0x600  }
0x25: {  	s10 =	simm.s32 $0x2;
	s26 =	simm.s32 $0x700;
	[dreg:$0x1a] =	wrdreg s20  }
0x26: {  	s11 =	simm.s32 $0x4;
	s18 =	simm.s32 $0x1300;
	[dreg:$0x1b] =	wrdreg s3  }
0x27: {  	s17 =	simm.s32 $0x1400;
	s16 =	simm.s32 $0x1500;
	[dreg:$0x1c] =	wrdreg s21  }
0x28: {  	s15 =	simm.s32 $0x1600;
	s0 =	ssub.s32 s0, s19;
	[dreg:$0x1d] =	wrdreg s22  }
0x29: {  	s14 =	simm.s32 $0x1700;
	[dreg:$0x1e] =	wrdreg s23;
	s0 =	smax.u32 s0, $0x1  }
0x2a: {  	s13 =	simm.s32 $0x1800;
	[dreg:$0x1f] =	wrdreg s24;
	p1 =	sne.s32 s0, $0x1  }
.Ltmp0:
0x2b: {  	s12 =	simm.s32 $0x1900;
	[smem:$0x7FC] =	sst s25;
	(pc) =	sbr.rel @!p1 .LBB2_3-.Ltmp0, $4  }
0x2c: {  	s3 =	simm.s32 $0x5;
	[smem:$0x7FD] =	sst s26;
	s26 =	simm.s32 $0xB00  }
0x2d: {  	s25 =	simm.s32 $0xC00;
	s24 =	simm.s32 $0xD00;
	s23 =	simm.s32 $0xE00  }
0x2e: {  	s22 =	simm.s32 $0xF00;
	s21 =	simm.s32 $0x1000;
	s20 =	simm.s32 $0x1100  }
0x2f: {  	s19 =	simm.s32 $0x1200;
	s1 =	sadd.s32 $0xFFFFFFFF, s0;
	s0 =	rddreg [dreg:$0x2]  }
0x30: {  	[tilespmem:s2], [sflag:$0x5] =	stream.linear.gather [hbm4b:s0+s2], $0x1A00, $0x38;
	[tilespmem:$0x11A00] =	vst v63  }
0x31: {  	_ =	swait.ge [sflag:s3], $0x1A00  }
0x32: {  	[sflag:s3] =	ssyncset.done $0x0  }
0x33: {  	[sflag:s3] =	ssyncadd.s32 $0xFFFFE600  }
0x34: {  	[tilespmem:s7], [sflag:$0x1] =	stream.indirect.gather [hbm4b:s6+s8], $0x80, s2, s8, $0xb8;
	[tilespmem:$0x11A00] =	vst v63  }
0x35: {  	_ = 	snop  }
0x36: {  	[tilespmem:s4], [sflag:$0x2] =	stream.indirect.gather [hbm4b:s6+s8], $0x80, s8, s8, $0xb8;
	[tilespmem:$0x11A00] =	vst v63  }
0x37: {  	_ =	swait.ge [sflag:s9], $0x8000  }
0x38: {  	[sflag:s9] =	ssyncset.done $0x0  }
0x39: {  	[sflag:s9] =	ssyncadd.s32 $0xFFFF8000  }
0x3a: {  	[hbm4b:s29+s2] =	stream.linear.scatter [tilespmem:s7], [sflag:$0x3], $0x8000, $0x38;
	[tilespmem:$0x11A00] =	vst v63  }
0x3b: {  	_ =	swait.ge [sflag:s5], $0x8000  }
0x3c: {  	[sflag:s5] =	ssyncset.done $0x0  }
0x3d: {  	s0 =	rddreg [dreg:$0x1c];
	[sflag:s5] =	ssyncadd.s32 $0xFFFF8000  }
0x3e: {  	[tilespmem:s7], [sflag:$0x1] =	stream.indirect.gather [hbm4b:s6+s8], $0x80, s0, s8, $0xb8;
	[tilespmem:$0x11A00] =	vst v63  }
0x3f: {  	_ =	swait.ge [sflag:s10], $0x8000  }
0x40: {  	[sflag:s10] =	ssyncset.done $0x0  }
0x41: {  	s0 =	rddreg [dreg:$0x3];
	[sflag:s10] =	ssyncadd.s32 $0xFFFF8000  }
0x42: {  	[hbm4b:s0+s2] =	stream.linear.scatter [tilespmem:s4], [sflag:$0x4], $0x8000, $0x38;
	[tilespmem:$0x11A00] =	vst v63  }
0x43: {  	_ =	swait.ge [sflag:s11], $0x8000  }
0x44: {  	[sflag:s11] =	ssyncset.done $0x0  }
0x45: {  	s0 =	rddreg [dreg:$0x1d];
	[sflag:s11] =	ssyncadd.s32 $0xFFFF8000  }
0x46: {  	[tilespmem:s4], [sflag:$0x2] =	stream.indirect.gather [hbm4b:s6+s8], $0x80, s0, s8, $0xb8;
	[tilespmem:$0x11A00] =	vst v63  }
0x47: {  	_ =	swait.ge [sflag:s9], $0x8000  }
0x48: {  	[sflag:s9] =	ssyncset.done $0x0  }
0x49: {  	s0 =	rddreg [dreg:$0x4];
	[sflag:s9] =	ssyncadd.s32 $0xFFFF8000  }
0x4a: {  	[hbm4b:s0+s2] =	stream.linear.scatter [tilespmem:s7], [sflag:$0x3], $0x8000, $0x38;
	[tilespmem:$0x11A00] =	vst v63  }
0x4b: {  	_ =	swait.ge [sflag:s5], $0x8000  }
0x4c: {  	[sflag:s5] =	ssyncset.done $0x0  }
0x4d: {  	s0 =	rddreg [dreg:$0x1e];
	[sflag:s5] =	ssyncadd.s32 $0xFFFF8000  }
0x4e: {  	[tilespmem:s7], [sflag:$0x1] =	stream.indirect.gather [hbm4b:s6+s8], $0x80, s0, s8, $0xb8;
	[tilespmem:$0x11A00] =	vst v63  }
0x4f: {  	_ =	swait.ge [sflag:s10], $0x8000  }
0x50: {  	[sflag:s10] =	ssyncset.done $0x0  }
0x51: {  	s0 =	rddreg [dreg:$0x5];
	[sflag:s10] =	ssyncadd.s32 $0xFFFF8000  }
0x52: {  	[hbm4b:s0+s2] =	stream.linear.scatter [tilespmem:s4], [sflag:$0x4], $0x8000, $0x38;
	[tilespmem:$0x11A00] =	vst v63  }
0x53: {  	_ =	swait.ge [sflag:s11], $0x8000  }
0x54: {  	[sflag:s11] =	ssyncset.done $0x0  }
0x55: {  	s0 =	rddreg [dreg:$0x1f];
	[sflag:s11] =	ssyncadd.s32 $0xFFFF8000  }
0x56: {  	[tilespmem:s4], [sflag:$0x2] =	stream.indirect.gather [hbm4b:s6+s8], $0x80, s0, s8, $0xb8;
	[tilespmem:$0x11A00] =	vst v63  }
0x57: {  	_ =	swait.ge [sflag:s9], $0x8000  }
0x58: {  	[sflag:s9] =	ssyncset.done $0x0  }
0x59: {  	s0 =	rddreg [dreg:$0x6];
	[sflag:s9] =	ssyncadd.s32 $0xFFFF8000  }
0x5a: {  	[hbm4b:s0+s2] =	stream.linear.scatter [tilespmem:s7], [sflag:$0x3], $0x8000, $0x38;
	[tilespmem:$0x11A00] =	vst v63  }
0x5b: {  	_ =	swait.ge [sflag:s5], $0x8000  }
0x5c: {  	s0 =	sld [smem:$0x7FC]  }
0x5d: {  	[sflag:s5] =	ssyncset.done $0x0  }
0x5e: {  	[sflag:s5] =	ssyncadd.s32 $0xFFFF8000  }
0x5f: {  	[tilespmem:s7], [sflag:$0x1] =	stream.indirect.gather [hbm4b:s6+s8], $0x80, s0, s8, $0xb8;
	[tilespmem:$0x11A00] =	vst v63  }
0x60: {  	_ =	swait.ge [sflag:s10], $0x8000  }
0x61: {  	[sflag:s10] =	ssyncset.done $0x0  }
0x62: {  	s0 =	rddreg [dreg:$0x7];
	[sflag:s10] =	ssyncadd.s32 $0xFFFF8000  }
0x63: {  	[hbm4b:s0+s2] =	stream.linear.scatter [tilespmem:s4], [sflag:$0x4], $0x8000, $0x38;
	[tilespmem:$0x11A00] =	vst v63  }
0x64: {  	_ =	swait.ge [sflag:s11], $0x8000  }
0x65: {  	s0 =	sld [smem:$0x7FD]  }
0x66: {  	[sflag:s11] =	ssyncset.done $0x0  }
0x67: {  	[sflag:s11] =	ssyncadd.s32 $0xFFFF8000  }
0x68: {  	[tilespmem:s4], [sflag:$0x2] =	stream.indirect.gather [hbm4b:s6+s8], $0x80, s0, s8, $0xb8;
	[tilespmem:$0x11A00] =	vst v63  }
0x69: {  	_ =	swait.ge [sflag:s9], $0x8000  }
0x6a: {  	[sflag:s9] =	ssyncset.done $0x0  }
0x6b: {  	s0 =	rddreg [dreg:$0x8];
	[sflag:s9] =	ssyncadd.s32 $0xFFFF8000  }
0x6c: {  	[hbm4b:s0+s2] =	stream.linear.scatter [tilespmem:s7], [sflag:$0x3], $0x8000, $0x38;
	[tilespmem:$0x11A00] =	vst v63  }
0x6d: {  	_ =	swait.ge [sflag:s5], $0x8000  }
0x6e: {  	[sflag:s5] =	ssyncset.done $0x0  }
0x6f: {  	[sflag:s5] =	ssyncadd.s32 $0xFFFF8000  }
0x70: {  	[tilespmem:s7], [sflag:$0x1] =	stream.indirect.gather [hbm4b:s6+s8], $0x80, s31, s8, $0xb8;
	[tilespmem:$0x11A00] =	vst v63  }
0x71: {  	_ =	swait.ge [sflag:s10], $0x8000  }
0x72: {  	[sflag:s10] =	ssyncset.done $0x0  }
0x73: {  	s0 =	rddreg [dreg:$0x9];
	[sflag:s10] =	ssyncadd.s32 $0xFFFF8000  }
0x74: {  	[hbm4b:s0+s2] =	stream.linear.scatter [tilespmem:s4], [sflag:$0x4], $0x8000, $0x38;
	[tilespmem:$0x11A00] =	vst v63  }
0x75: {  	_ =	swait.ge [sflag:s11], $0x8000  }
0x76: {  	[sflag:s11] =	ssyncset.done $0x0  }
0x77: {  	[sflag:s11] =	ssyncadd.s32 $0xFFFF8000  }
0x78: {  	[tilespmem:s4], [sflag:$0x2] =	stream.indirect.gather [hbm4b:s6+s8], $0x80, s30, s8, $0xb8;
	[tilespmem:$0x11A00] =	vst v63  }
0x79: {  	_ =	swait.ge [sflag:s9], $0x8000  }
0x7a: {  	[sflag:s9] =	ssyncset.done $0x0  }
0x7b: {  	s0 =	rddreg [dreg:$0xa];
	[sflag:s9] =	ssyncadd.s32 $0xFFFF8000  }
0x7c: {  	[hbm4b:s0+s2] =	stream.linear.scatter [tilespmem:s7], [sflag:$0x3], $0x8000, $0x38;
	[tilespmem:$0x11A00] =	vst v63  }
0x7d: {  	_ =	swait.ge [sflag:s5], $0x8000  }
0x7e: {  	[sflag:s5] =	ssyncset.done $0x0  }
0x7f: {  	[sflag:s5] =	ssyncadd.s32 $0xFFFF8000  }
0x80: {  	[tilespmem:s7], [sflag:$0x1] =	stream.indirect.gather [hbm4b:s6+s8], $0x80, s28, s8, $0xb8;
	[tilespmem:$0x11A00] =	vst v63  }
0x81: {  	_ =	swait.ge [sflag:s10], $0x8000  }
0x82: {  	[sflag:s10] =	ssyncset.done $0x0  }
0x83: {  	s0 =	rddreg [dreg:$0xb];
	[sflag:s10] =	ssyncadd.s32 $0xFFFF8000  }
0x84: {  	[hbm4b:s0+s2] =	stream.linear.scatter [tilespmem:s4], [sflag:$0x4], $0x8000, $0x38;
	[tilespmem:$0x11A00] =	vst v63  }
0x85: {  	_ =	swait.ge [sflag:s11], $0x8000  }
0x86: {  	[sflag:s11] =	ssyncset.done $0x0  }
0x87: {  	[sflag:s11] =	ssyncadd.s32 $0xFFFF8000  }
0x88: {  	[tilespmem:s4], [sflag:$0x2] =	stream.indirect.gather [hbm4b:s6+s8], $0x80, s26, s8, $0xb8;
	[tilespmem:$0x11A00] =	vst v63  }
0x89: {  	_ =	swait.ge [sflag:s9], $0x8000  }
0x8a: {  	[sflag:s9] =	ssyncset.done $0x0  }
0x8b: {  	s0 =	rddreg [dreg:$0xc];
	[sflag:s9] =	ssyncadd.s32 $0xFFFF8000  }
0x8c: {  	[hbm4b:s0+s2] =	stream.linear.scatter [tilespmem:s7], [sflag:$0x3], $0x8000, $0x38;
	[tilespmem:$0x11A00] =	vst v63  }
0x8d: {  	_ =	swait.ge [sflag:s5], $0x8000  }
0x8e: {  	[sflag:s5] =	ssyncset.done $0x0  }
0x8f: {  	[sflag:s5] =	ssyncadd.s32 $0xFFFF8000  }
0x90: {  	[tilespmem:s7], [sflag:$0x1] =	stream.indirect.gather [hbm4b:s6+s8], $0x80, s25, s8, $0xb8;
	[tilespmem:$0x11A00] =	vst v63  }
0x91: {  	_ =	swait.ge [sflag:s10], $0x8000  }
0x92: {  	[sflag:s10] =	ssyncset.done $0x0  }
0x93: {  	s0 =	rddreg [dreg:$0xd];
	[sflag:s10] =	ssyncadd.s32 $0xFFFF8000  }
0x94: {  	[hbm4b:s0+s2] =	stream.linear.scatter [tilespmem:s4], [sflag:$0x4], $0x8000, $0x38;
	[tilespmem:$0x11A00] =	vst v63  }
0x95: {  	_ =	swait.ge [sflag:s11], $0x8000  }
0x96: {  	[sflag:s11] =	ssyncset.done $0x0  }
0x97: {  	[sflag:s11] =	ssyncadd.s32 $0xFFFF8000  }
0x98: {  	[tilespmem:s4], [sflag:$0x2] =	stream.indirect.gather [hbm4b:s6+s8], $0x80, s24, s8, $0xb8;
	[tilespmem:$0x11A00] =	vst v63  }
0x99: {  	_ =	swait.ge [sflag:s9], $0x8000  }
0x9a: {  	[sflag:s9] =	ssyncset.done $0x0  }
0x9b: {  	s0 =	rddreg [dreg:$0xe];
	[sflag:s9] =	ssyncadd.s32 $0xFFFF8000  }
0x9c: {  	[hbm4b:s0+s2] =	stream.linear.scatter [tilespmem:s7], [sflag:$0x3], $0x8000, $0x38;
	[tilespmem:$0x11A00] =	vst v63  }
0x9d: {  	_ =	swait.ge [sflag:s5], $0x8000  }
0x9e: {  	[sflag:s5] =	ssyncset.done $0x0  }
0x9f: {  	[sflag:s5] =	ssyncadd.s32 $0xFFFF8000  }
0xa0: {  	[tilespmem:s7], [sflag:$0x1] =	stream.indirect.gather [hbm4b:s6+s8], $0x80, s23, s8, $0xb8;
	[tilespmem:$0x11A00] =	vst v63  }
0xa1: {  	_ =	swait.ge [sflag:s10], $0x8000  }
0xa2: {  	[sflag:s10] =	ssyncset.done $0x0  }
0xa3: {  	s0 =	rddreg [dreg:$0xf];
	[sflag:s10] =	ssyncadd.s32 $0xFFFF8000  }
0xa4: {  	[hbm4b:s0+s2] =	stream.linear.scatter [tilespmem:s4], [sflag:$0x4], $0x8000, $0x38;
	[tilespmem:$0x11A00] =	vst v63  }
0xa5: {  	_ =	swait.ge [sflag:s11], $0x8000  }
0xa6: {  	[sflag:s11] =	ssyncset.done $0x0  }
0xa7: {  	[sflag:s11] =	ssyncadd.s32 $0xFFFF8000  }
0xa8: {  	[tilespmem:s4], [sflag:$0x2] =	stream.indirect.gather [hbm4b:s6+s8], $0x80, s22, s8, $0xb8;
	[tilespmem:$0x11A00] =	vst v63  }
0xa9: {  	_ =	swait.ge [sflag:s9], $0x8000  }
0xaa: {  	[sflag:s9] =	ssyncset.done $0x0  }
0xab: {  	s0 =	rddreg [dreg:$0x10];
	[sflag:s9] =	ssyncadd.s32 $0xFFFF8000  }
0xac: {  	[hbm4b:s0+s2] =	stream.linear.scatter [tilespmem:s7], [sflag:$0x3], $0x8000, $0x38;
	[tilespmem:$0x11A00] =	vst v63  }
0xad: {  	_ =	swait.ge [sflag:s5], $0x8000  }
0xae: {  	[sflag:s5] =	ssyncset.done $0x0  }
0xaf: {  	[sflag:s5] =	ssyncadd.s32 $0xFFFF8000  }
0xb0: {  	[tilespmem:s7], [sflag:$0x1] =	stream.indirect.gather [hbm4b:s6+s8], $0x80, s21, s8, $0xb8;
	[tilespmem:$0x11A00] =	vst v63  }
0xb1: {  	_ =	swait.ge [sflag:s10], $0x8000  }
0xb2: {  	[sflag:s10] =	ssyncset.done $0x0  }
0xb3: {  	s0 =	rddreg [dreg:$0x11];
	[sflag:s10] =	ssyncadd.s32 $0xFFFF8000  }
0xb4: {  	[hbm4b:s0+s2] =	stream.linear.scatter [tilespmem:s4], [sflag:$0x4], $0x8000, $0x38;
	[tilespmem:$0x11A00] =	vst v63  }
0xb5: {  	_ =	swait.ge [sflag:s11], $0x8000  }
0xb6: {  	[sflag:s11] =	ssyncset.done $0x0  }
0xb7: {  	[sflag:s11] =	ssyncadd.s32 $0xFFFF8000  }
0xb8: {  	[tilespmem:s4], [sflag:$0x2] =	stream.indirect.gather [hbm4b:s6+s8], $0x80, s20, s8, $0xb8;
	[tilespmem:$0x11A00] =	vst v63  }
0xb9: {  	_ =	swait.ge [sflag:s9], $0x8000  }
0xba: {  	[sflag:s9] =	ssyncset.done $0x0  }
0xbb: {  	s0 =	rddreg [dreg:$0x12];
	[sflag:s9] =	ssyncadd.s32 $0xFFFF8000  }
0xbc: {  	[hbm4b:s0+s2] =	stream.linear.scatter [tilespmem:s7], [sflag:$0x3], $0x8000, $0x38;
	[tilespmem:$0x11A00] =	vst v63  }
0xbd: {  	_ =	swait.ge [sflag:s5], $0x8000  }
0xbe: {  	[sflag:s5] =	ssyncset.done $0x0  }
0xbf: {  	[sflag:s5] =	ssyncadd.s32 $0xFFFF8000  }
0xc0: {  	[tilespmem:s7], [sflag:$0x1] =	stream.indirect.gather [hbm4b:s6+s8], $0x80, s19, s8, $0xb8;
	[tilespmem:$0x11A00] =	vst v63  }
0xc1: {  	_ =	swait.ge [sflag:s10], $0x8000  }
0xc2: {  	[sflag:s10] =	ssyncset.done $0x0  }
0xc3: {  	s0 =	rddreg [dreg:$0x13];
	[sflag:s10] =	ssyncadd.s32 $0xFFFF8000  }
0xc4: {  	[hbm4b:s0+s2] =	stream.linear.scatter [tilespmem:s4], [sflag:$0x4], $0x8000, $0x38;
	[tilespmem:$0x11A00] =	vst v63  }
0xc5: {  	_ =	swait.ge [sflag:s11], $0x8000  }
0xc6: {  	[sflag:s11] =	ssyncset.done $0x0  }
0xc7: {  	[sflag:s11] =	ssyncadd.s32 $0xFFFF8000  }
0xc8: {  	[tilespmem:s4], [sflag:$0x2] =	stream.indirect.gather [hbm4b:s6+s8], $0x80, s18, s8, $0xb8;
	[tilespmem:$0x11A00] =	vst v63  }
0xc9: {  	_ =	swait.ge [sflag:s9], $0x8000  }
0xca: {  	[sflag:s9] =	ssyncset.done $0x0  }
0xcb: {  	s0 =	rddreg [dreg:$0x14];
	[sflag:s9] =	ssyncadd.s32 $0xFFFF8000  }
0xcc: {  	[hbm4b:s0+s2] =	stream.linear.scatter [tilespmem:s7], [sflag:$0x3], $0x8000, $0x38;
	[tilespmem:$0x11A00] =	vst v63  }
0xcd: {  	_ =	swait.ge [sflag:s5], $0x8000  }
0xce: {  	[sflag:s5] =	ssyncset.done $0x0  }
0xcf: {  	[sflag:s5] =	ssyncadd.s32 $0xFFFF8000  }
0xd0: {  	[tilespmem:s7], [sflag:$0x1] =	stream.indirect.gather [hbm4b:s6+s8], $0x80, s17, s8, $0xb8;
	[tilespmem:$0x11A00] =	vst v63  }
0xd1: {  	_ =	swait.ge [sflag:s10], $0x8000  }
0xd2: {  	[sflag:s10] =	ssyncset.done $0x0  }
0xd3: {  	s0 =	rddreg [dreg:$0x15];
	[sflag:s10] =	ssyncadd.s32 $0xFFFF8000  }
0xd4: {  	[hbm4b:s0+s2] =	stream.linear.scatter [tilespmem:s4], [sflag:$0x4], $0x8000, $0x38;
	[tilespmem:$0x11A00] =	vst v63  }
0xd5: {  	_ =	swait.ge [sflag:s11], $0x8000  }
0xd6: {  	[sflag:s11] =	ssyncset.done $0x0  }
0xd7: {  	[sflag:s11] =	ssyncadd.s32 $0xFFFF8000  }
0xd8: {  	[tilespmem:s4], [sflag:$0x2] =	stream.indirect.gather [hbm4b:s6+s8], $0x80, s16, s8, $0xb8;
	[tilespmem:$0x11A00] =	vst v63  }
0xd9: {  	_ =	swait.ge [sflag:s9], $0x8000  }
0xda: {  	[sflag:s9] =	ssyncset.done $0x0  }
0xdb: {  	s0 =	rddreg [dreg:$0x16];
	[sflag:s9] =	ssyncadd.s32 $0xFFFF8000  }
0xdc: {  	[hbm4b:s0+s2] =	stream.linear.scatter [tilespmem:s7], [sflag:$0x3], $0x8000, $0x38;
	[tilespmem:$0x11A00] =	vst v63  }
0xdd: {  	_ =	swait.ge [sflag:s5], $0x8000  }
0xde: {  	[sflag:s5] =	ssyncset.done $0x0  }
0xdf: {  	[sflag:s5] =	ssyncadd.s32 $0xFFFF8000  }
0xe0: {  	[tilespmem:s7], [sflag:$0x1] =	stream.indirect.gather [hbm4b:s6+s8], $0x80, s15, s8, $0xb8;
	[tilespmem:$0x11A00] =	vst v63  }
0xe1: {  	_ =	swait.ge [sflag:s10], $0x8000  }
0xe2: {  	[sflag:s10] =	ssyncset.done $0x0  }
0xe3: {  	s0 =	rddreg [dreg:$0x17];
	[sflag:s10] =	ssyncadd.s32 $0xFFFF8000  }
0xe4: {  	[hbm4b:s0+s2] =	stream.linear.scatter [tilespmem:s4], [sflag:$0x4], $0x8000, $0x38;
	[tilespmem:$0x11A00] =	vst v63  }
0xe5: {  	_ =	swait.ge [sflag:s11], $0x8000  }
0xe6: {  	[sflag:s11] =	ssyncset.done $0x0  }
0xe7: {  	[sflag:s11] =	ssyncadd.s32 $0xFFFF8000  }
0xe8: {  	[tilespmem:s4], [sflag:$0x2] =	stream.indirect.gather [hbm4b:s6+s8], $0x80, s14, s8, $0xb8;
	[tilespmem:$0x11A00] =	vst v63  }
0xe9: {  	_ =	swait.ge [sflag:s9], $0x8000  }
0xea: {  	[sflag:s9] =	ssyncset.done $0x0  }
0xeb: {  	s0 =	rddreg [dreg:$0x18];
	[sflag:s9] =	ssyncadd.s32 $0xFFFF8000  }
0xec: {  	[hbm4b:s0+s2] =	stream.linear.scatter [tilespmem:s7], [sflag:$0x3], $0x8000, $0x38;
	[tilespmem:$0x11A00] =	vst v63  }
0xed: {  	_ =	swait.ge [sflag:s5], $0x8000  }
0xee: {  	[sflag:s5] =	ssyncset.done $0x0  }
0xef: {  	[sflag:s5] =	ssyncadd.s32 $0xFFFF8000  }
0xf0: {  	[tilespmem:s7], [sflag:$0x1] =	stream.indirect.gather [hbm4b:s6+s8], $0x80, s13, s8, $0xb8;
	[tilespmem:$0x11A00] =	vst v63  }
0xf1: {  	_ =	swait.ge [sflag:s10], $0x8000  }
0xf2: {  	[sflag:s10] =	ssyncset.done $0x0  }
0xf3: {  	s0 =	rddreg [dreg:$0x19];
	[sflag:s10] =	ssyncadd.s32 $0xFFFF8000  }
0xf4: {  	[hbm4b:s0+s2] =	stream.linear.scatter [tilespmem:s4], [sflag:$0x4], $0x8000, $0x38;
	[tilespmem:$0x11A00] =	vst v63  }
0xf5: {  	_ =	swait.ge [sflag:s11], $0x8000  }
0xf6: {  	[sflag:s11] =	ssyncset.done $0x0  }
0xf7: {  	[sflag:s11] =	ssyncadd.s32 $0xFFFF8000  }
0xf8: {  	[tilespmem:s4], [sflag:$0x2] =	stream.indirect.gather [hbm4b:s6+s8], $0x80, s12, s8, $0xb8;
	[tilespmem:$0x11A00] =	vst v63  }
0xf9: {  	_ =	swait.ge [sflag:s9], $0x8000  }
0xfa: {  	[sflag:s9] =	ssyncset.done $0x0  }
0xfb: {  	s0 =	rddreg [dreg:$0x1a];
	[sflag:s9] =	ssyncadd.s32 $0xFFFF8000  }
0xfc: {  	[hbm4b:s0+s2] =	stream.linear.scatter [tilespmem:s7], [sflag:$0x3], $0x8000, $0x38;
	[tilespmem:$0x11A00] =	vst v63  }
0xfd: {  	_ =	swait.ge [sflag:s10], $0x8000  }
0xfe: {  	[sflag:s10] =	ssyncset.done $0x0  }
0xff: {  	p1 =	sne.s32 s1, $0x1;
	s0 =	rddreg [dreg:$0x1b];
	[sflag:s10] =	ssyncadd.s32 $0xFFFF8000  }
0x100: {  	[hbm4b:s0+s2] =	stream.linear.scatter [tilespmem:s4], [sflag:$0x5], $0x8000, $0x38;
	[tilespmem:$0x11A00] =	vst v63  }
.Ltmp1:
0x101: {  	_ =	swait.ge [sflag:s3], $0x8000;
	(pc) =	sbr.rel @!p1 .LBB2_3-.Ltmp1, $4  }
0x102: {  	[sflag:s3] =	ssyncset.done $0x0  }
0x103: {  	[sflag:s3] =	ssyncadd.s32 $0xFFFF8000  }
0x104: {  	s1 =	sadd.s32 $0xFFFFFFFF, s1;
	_ =	swait.ge [sflag:s5], $0x8000  }
0x105: {  	p0 =	por $0x1, $0x1;
	s0 =	rddreg [dreg:$0x2];
	[sflag:s5] =	ssyncset.done $0x0  }
.LBB2_2:
0x106: {  	[sflag:s5] =	ssyncadd.s32 $0xFFFF8000  }
0x107: {  	[tilespmem:s2], [sflag:$0x5] =	stream.linear.gather [hbm4b:s0+s2], $0x1A00, $0x38;
	[tilespmem:$0x11A00] =	vst v63  }
0x108: {  	_ =	swait.ge [sflag:s3], $0x1A00  }
0x109: {  	[sflag:s3] =	ssyncset.done $0x0  }
0x10a: {  	[sflag:s3] =	ssyncadd.s32 $0xFFFFE600  }
0x10b: {  	[tilespmem:s7], [sflag:$0x1] =	stream.indirect.gather [hbm4b:s6+s8], $0x80, s2, s8, $0xb8;
	[tilespmem:$0x11A00] =	vst v63  }
0x10c: {  	_ = 	snop  }
0x10d: {  	[tilespmem:s4], [sflag:$0x2] =	stream.indirect.gather [hbm4b:s6+s8], $0x80, s8, s8, $0xb8;
	[tilespmem:$0x11A00] =	vst v63  }
0x10e: {  	_ =	swait.ge [sflag:s9], $0x8000  }
0x10f: {  	[sflag:s9] =	ssyncset.done $0x0  }
0x110: {  	[sflag:s9] =	ssyncadd.s32 $0xFFFF8000  }
0x111: {  	[hbm4b:s29+s2] =	stream.linear.scatter [tilespmem:s7], [sflag:$0x3], $0x8000, $0x38;
	[tilespmem:$0x11A00] =	vst v63  }
0x112: {  	_ =	swait.ge [sflag:s5], $0x8000  }
0x113: {  	[sflag:s5] =	ssyncset.done $0x0  }
0x114: {  	s0 =	rddreg [dreg:$0x1c];
	[sflag:s5] =	ssyncadd.s32 $0xFFFF8000  }
0x115: {  	[tilespmem:s7], [sflag:$0x1] =	stream.indirect.gather [hbm4b:s6+s8], $0x80, s0, s8, $0xb8;
	[tilespmem:$0x11A00] =	vst v63  }
0x116: {  	_ =	swait.ge [sflag:s10], $0x8000  }
0x117: {  	[sflag:s10] =	ssyncset.done $0x0  }
0x118: {  	s0 =	rddreg [dreg:$0x3];
	[sflag:s10] =	ssyncadd.s32 $0xFFFF8000  }
0x119: {  	[hbm4b:s0+s2] =	stream.linear.scatter [tilespmem:s4], [sflag:$0x4], $0x8000, $0x38;
	[tilespmem:$0x11A00] =	vst v63  }
0x11a: {  	_ =	swait.ge [sflag:s11], $0x8000  }
0x11b: {  	[sflag:s11] =	ssyncset.done $0x0  }
0x11c: {  	s0 =	rddreg [dreg:$0x1d];
	[sflag:s11] =	ssyncadd.s32 $0xFFFF8000  }
0x11d: {  	[tilespmem:s4], [sflag:$0x2] =	stream.indirect.gather [hbm4b:s6+s8], $0x80, s0, s8, $0xb8;
	[tilespmem:$0x11A00] =	vst v63  }
0x11e: {  	_ =	swait.ge [sflag:s9], $0x8000  }
0x11f: {  	[sflag:s9] =	ssyncset.done $0x0  }
0x120: {  	s0 =	rddreg [dreg:$0x4];
	[sflag:s9] =	ssyncadd.s32 $0xFFFF8000  }
0x121: {  	[hbm4b:s0+s2] =	stream.linear.scatter [tilespmem:s7], [sflag:$0x3], $0x8000, $0x38;
	[tilespmem:$0x11A00] =	vst v63  }
0x122: {  	_ =	swait.ge [sflag:s5], $0x8000  }
0x123: {  	[sflag:s5] =	ssyncset.done $0x0  }
0x124: {  	s0 =	rddreg [dreg:$0x1e];
	[sflag:s5] =	ssyncadd.s32 $0xFFFF8000  }
0x125: {  	[tilespmem:s7], [sflag:$0x1] =	stream.indirect.gather [hbm4b:s6+s8], $0x80, s0, s8, $0xb8;
	[tilespmem:$0x11A00] =	vst v63  }
0x126: {  	_ =	swait.ge [sflag:s10], $0x8000  }
0x127: {  	[sflag:s10] =	ssyncset.done $0x0  }
0x128: {  	s0 =	rddreg [dreg:$0x5];
	[sflag:s10] =	ssyncadd.s32 $0xFFFF8000  }
0x129: {  	[hbm4b:s0+s2] =	stream.linear.scatter [tilespmem:s4], [sflag:$0x4], $0x8000, $0x38;
	[tilespmem:$0x11A00] =	vst v63  }
0x12a: {  	_ =	swait.ge [sflag:s11], $0x8000  }
0x12b: {  	[sflag:s11] =	ssyncset.done $0x0  }
0x12c: {  	s0 =	rddreg [dreg:$0x1f];
	[sflag:s11] =	ssyncadd.s32 $0xFFFF8000  }
0x12d: {  	[tilespmem:s4], [sflag:$0x2] =	stream.indirect.gather [hbm4b:s6+s8], $0x80, s0, s8, $0xb8;
	[tilespmem:$0x11A00] =	vst v63  }
0x12e: {  	_ =	swait.ge [sflag:s9], $0x8000  }
0x12f: {  	[sflag:s9] =	ssyncset.done $0x0  }
0x130: {  	s0 =	rddreg [dreg:$0x6];
	[sflag:s9] =	ssyncadd.s32 $0xFFFF8000  }
0x131: {  	[hbm4b:s0+s2] =	stream.linear.scatter [tilespmem:s7], [sflag:$0x3], $0x8000, $0x38;
	[tilespmem:$0x11A00] =	vst v63  }
0x132: {  	_ =	swait.ge [sflag:s5], $0x8000  }
0x133: {  	s0 =	sld [smem:$0x7FC]  }
0x134: {  	[sflag:s5] =	ssyncset.done $0x0  }
0x135: {  	[sflag:s5] =	ssyncadd.s32 $0xFFFF8000  }
0x136: {  	[tilespmem:s7], [sflag:$0x1] =	stream.indirect.gather [hbm4b:s6+s8], $0x80, s0, s8, $0xb8;
	[tilespmem:$0x11A00] =	vst v63  }
0x137: {  	_ =	swait.ge [sflag:s10], $0x8000  }
0x138: {  	[sflag:s10] =	ssyncset.done $0x0  }
0x139: {  	s0 =	rddreg [dreg:$0x7];
	[sflag:s10] =	ssyncadd.s32 $0xFFFF8000  }
0x13a: {  	[hbm4b:s0+s2] =	stream.linear.scatter [tilespmem:s4], [sflag:$0x4], $0x8000, $0x38;
	[tilespmem:$0x11A00] =	vst v63  }
0x13b: {  	_ =	swait.ge [sflag:s11], $0x8000  }
0x13c: {  	s0 =	sld [smem:$0x7FD]  }
0x13d: {  	[sflag:s11] =	ssyncset.done $0x0  }
0x13e: {  	[sflag:s11] =	ssyncadd.s32 $0xFFFF8000  }
0x13f: {  	[tilespmem:s4], [sflag:$0x2] =	stream.indirect.gather [hbm4b:s6+s8], $0x80, s0, s8, $0xb8;
	[tilespmem:$0x11A00] =	vst v63  }
0x140: {  	_ =	swait.ge [sflag:s9], $0x8000  }
0x141: {  	[sflag:s9] =	ssyncset.done $0x0  }
0x142: {  	s0 =	rddreg [dreg:$0x8];
	[sflag:s9] =	ssyncadd.s32 $0xFFFF8000  }
0x143: {  	[hbm4b:s0+s2] =	stream.linear.scatter [tilespmem:s7], [sflag:$0x3], $0x8000, $0x38;
	[tilespmem:$0x11A00] =	vst v63  }
0x144: {  	_ =	swait.ge [sflag:s5], $0x8000  }
0x145: {  	[sflag:s5] =	ssyncset.done $0x0  }
0x146: {  	[sflag:s5] =	ssyncadd.s32 $0xFFFF8000  }
0x147: {  	[tilespmem:s7], [sflag:$0x1] =	stream.indirect.gather [hbm4b:s6+s8], $0x80, s31, s8, $0xb8;
	[tilespmem:$0x11A00] =	vst v63  }
0x148: {  	_ =	swait.ge [sflag:s10], $0x8000  }
0x149: {  	[sflag:s10] =	ssyncset.done $0x0  }
0x14a: {  	s0 =	rddreg [dreg:$0x9];
	[sflag:s10] =	ssyncadd.s32 $0xFFFF8000  }
0x14b: {  	[hbm4b:s0+s2] =	stream.linear.scatter [tilespmem:s4], [sflag:$0x4], $0x8000, $0x38;
	[tilespmem:$0x11A00] =	vst v63  }
0x14c: {  	_ =	swait.ge [sflag:s11], $0x8000  }
0x14d: {  	[sflag:s11] =	ssyncset.done $0x0  }
0x14e: {  	[sflag:s11] =	ssyncadd.s32 $0xFFFF8000  }
0x14f: {  	[tilespmem:s4], [sflag:$0x2] =	stream.indirect.gather [hbm4b:s6+s8], $0x80, s30, s8, $0xb8;
	[tilespmem:$0x11A00] =	vst v63  }
0x150: {  	_ =	swait.ge [sflag:s9], $0x8000  }
0x151: {  	[sflag:s9] =	ssyncset.done $0x0  }
0x152: {  	s0 =	rddreg [dreg:$0xa];
	[sflag:s9] =	ssyncadd.s32 $0xFFFF8000  }
0x153: {  	[hbm4b:s0+s2] =	stream.linear.scatter [tilespmem:s7], [sflag:$0x3], $0x8000, $0x38;
	[tilespmem:$0x11A00] =	vst v63  }
0x154: {  	_ =	swait.ge [sflag:s5], $0x8000  }
0x155: {  	[sflag:s5] =	ssyncset.done $0x0  }
0x156: {  	[sflag:s5] =	ssyncadd.s32 $0xFFFF8000  }
0x157: {  	[tilespmem:s7], [sflag:$0x1] =	stream.indirect.gather [hbm4b:s6+s8], $0x80, s28, s8, $0xb8;
	[tilespmem:$0x11A00] =	vst v63  }
0x158: {  	_ =	swait.ge [sflag:s10], $0x8000  }
0x159: {  	[sflag:s10] =	ssyncset.done $0x0  }
0x15a: {  	s0 =	rddreg [dreg:$0xb];
	[sflag:s10] =	ssyncadd.s32 $0xFFFF8000  }
0x15b: {  	[hbm4b:s0+s2] =	stream.linear.scatter [tilespmem:s4], [sflag:$0x4], $0x8000, $0x38;
	[tilespmem:$0x11A00] =	vst v63  }
0x15c: {  	_ =	swait.ge [sflag:s11], $0x8000  }
0x15d: {  	[sflag:s11] =	ssyncset.done $0x0  }
0x15e: {  	[sflag:s11] =	ssyncadd.s32 $0xFFFF8000  }
0x15f: {  	[tilespmem:s4], [sflag:$0x2] =	stream.indirect.gather [hbm4b:s6+s8], $0x80, s26, s8, $0xb8;
	[tilespmem:$0x11A00] =	vst v63  }
0x160: {  	_ =	swait.ge [sflag:s9], $0x8000  }
0x161: {  	[sflag:s9] =	ssyncset.done $0x0  }
0x162: {  	s0 =	rddreg [dreg:$0xc];
	[sflag:s9] =	ssyncadd.s32 $0xFFFF8000  }
0x163: {  	[hbm4b:s0+s2] =	stream.linear.scatter [tilespmem:s7], [sflag:$0x3], $0x8000, $0x38;
	[tilespmem:$0x11A00] =	vst v63  }
0x164: {  	_ =	swait.ge [sflag:s5], $0x8000  }
0x165: {  	[sflag:s5] =	ssyncset.done $0x0  }
0x166: {  	[sflag:s5] =	ssyncadd.s32 $0xFFFF8000  }
0x167: {  	[tilespmem:s7], [sflag:$0x1] =	stream.indirect.gather [hbm4b:s6+s8], $0x80, s25, s8, $0xb8;
	[tilespmem:$0x11A00] =	vst v63  }
0x168: {  	_ =	swait.ge [sflag:s10], $0x8000  }
0x169: {  	[sflag:s10] =	ssyncset.done $0x0  }
0x16a: {  	s0 =	rddreg [dreg:$0xd];
	[sflag:s10] =	ssyncadd.s32 $0xFFFF8000  }
0x16b: {  	[hbm4b:s0+s2] =	stream.linear.scatter [tilespmem:s4], [sflag:$0x4], $0x8000, $0x38;
	[tilespmem:$0x11A00] =	vst v63  }
0x16c: {  	_ =	swait.ge [sflag:s11], $0x8000  }
0x16d: {  	[sflag:s11] =	ssyncset.done $0x0  }
0x16e: {  	[sflag:s11] =	ssyncadd.s32 $0xFFFF8000  }
0x16f: {  	[tilespmem:s4], [sflag:$0x2] =	stream.indirect.gather [hbm4b:s6+s8], $0x80, s24, s8, $0xb8;
	[tilespmem:$0x11A00] =	vst v63  }
0x170: {  	_ =	swait.ge [sflag:s9], $0x8000  }
0x171: {  	[sflag:s9] =	ssyncset.done $0x0  }
0x172: {  	s0 =	rddreg [dreg:$0xe];
	[sflag:s9] =	ssyncadd.s32 $0xFFFF8000  }
0x173: {  	[hbm4b:s0+s2] =	stream.linear.scatter [tilespmem:s7], [sflag:$0x3], $0x8000, $0x38;
	[tilespmem:$0x11A00] =	vst v63  }
0x174: {  	_ =	swait.ge [sflag:s5], $0x8000  }
0x175: {  	[sflag:s5] =	ssyncset.done $0x0  }
0x176: {  	[sflag:s5] =	ssyncadd.s32 $0xFFFF8000  }
0x177: {  	[tilespmem:s7], [sflag:$0x1] =	stream.indirect.gather [hbm4b:s6+s8], $0x80, s23, s8, $0xb8;
	[tilespmem:$0x11A00] =	vst v63  }
0x178: {  	_ =	swait.ge [sflag:s10], $0x8000  }
0x179: {  	[sflag:s10] =	ssyncset.done $0x0  }
0x17a: {  	s0 =	rddreg [dreg:$0xf];
	[sflag:s10] =	ssyncadd.s32 $0xFFFF8000  }
0x17b: {  	[hbm4b:s0+s2] =	stream.linear.scatter [tilespmem:s4], [sflag:$0x4], $0x8000, $0x38;
	[tilespmem:$0x11A00] =	vst v63  }
0x17c: {  	_ =	swait.ge [sflag:s11], $0x8000  }
0x17d: {  	[sflag:s11] =	ssyncset.done $0x0  }
0x17e: {  	[sflag:s11] =	ssyncadd.s32 $0xFFFF8000  }
0x17f: {  	[tilespmem:s4], [sflag:$0x2] =	stream.indirect.gather [hbm4b:s6+s8], $0x80, s22, s8, $0xb8;
	[tilespmem:$0x11A00] =	vst v63  }
0x180: {  	_ =	swait.ge [sflag:s9], $0x8000  }
0x181: {  	[sflag:s9] =	ssyncset.done $0x0  }
0x182: {  	s0 =	rddreg [dreg:$0x10];
	[sflag:s9] =	ssyncadd.s32 $0xFFFF8000  }
0x183: {  	[hbm4b:s0+s2] =	stream.linear.scatter [tilespmem:s7], [sflag:$0x3], $0x8000, $0x38;
	[tilespmem:$0x11A00] =	vst v63  }
0x184: {  	_ =	swait.ge [sflag:s5], $0x8000  }
0x185: {  	[sflag:s5] =	ssyncset.done $0x0  }
0x186: {  	[sflag:s5] =	ssyncadd.s32 $0xFFFF8000  }
0x187: {  	[tilespmem:s7], [sflag:$0x1] =	stream.indirect.gather [hbm4b:s6+s8], $0x80, s21, s8, $0xb8;
	[tilespmem:$0x11A00] =	vst v63  }
0x188: {  	_ =	swait.ge [sflag:s10], $0x8000  }
0x189: {  	[sflag:s10] =	ssyncset.done $0x0  }
0x18a: {  	s0 =	rddreg [dreg:$0x11];
	[sflag:s10] =	ssyncadd.s32 $0xFFFF8000  }
0x18b: {  	[hbm4b:s0+s2] =	stream.linear.scatter [tilespmem:s4], [sflag:$0x4], $0x8000, $0x38;
	[tilespmem:$0x11A00] =	vst v63  }
0x18c: {  	_ =	swait.ge [sflag:s11], $0x8000  }
0x18d: {  	[sflag:s11] =	ssyncset.done $0x0  }
0x18e: {  	[sflag:s11] =	ssyncadd.s32 $0xFFFF8000  }
0x18f: {  	[tilespmem:s4], [sflag:$0x2] =	stream.indirect.gather [hbm4b:s6+s8], $0x80, s20, s8, $0xb8;
	[tilespmem:$0x11A00] =	vst v63  }
0x190: {  	_ =	swait.ge [sflag:s9], $0x8000  }
0x191: {  	[sflag:s9] =	ssyncset.done $0x0  }
0x192: {  	s0 =	rddreg [dreg:$0x12];
	[sflag:s9] =	ssyncadd.s32 $0xFFFF8000  }
0x193: {  	[hbm4b:s0+s2] =	stream.linear.scatter [tilespmem:s7], [sflag:$0x3], $0x8000, $0x38;
	[tilespmem:$0x11A00] =	vst v63  }
0x194: {  	_ =	swait.ge [sflag:s5], $0x8000  }
0x195: {  	[sflag:s5] =	ssyncset.done $0x0  }
0x196: {  	[sflag:s5] =	ssyncadd.s32 $0xFFFF8000  }
0x197: {  	[tilespmem:s7], [sflag:$0x1] =	stream.indirect.gather [hbm4b:s6+s8], $0x80, s19, s8, $0xb8;
	[tilespmem:$0x11A00] =	vst v63  }
0x198: {  	_ =	swait.ge [sflag:s10], $0x8000  }
0x199: {  	[sflag:s10] =	ssyncset.done $0x0  }
0x19a: {  	s0 =	rddreg [dreg:$0x13];
	[sflag:s10] =	ssyncadd.s32 $0xFFFF8000  }
0x19b: {  	[hbm4b:s0+s2] =	stream.linear.scatter [tilespmem:s4], [sflag:$0x4], $0x8000, $0x38;
	[tilespmem:$0x11A00] =	vst v63  }
0x19c: {  	_ =	swait.ge [sflag:s11], $0x8000  }
0x19d: {  	[sflag:s11] =	ssyncset.done $0x0  }
0x19e: {  	[sflag:s11] =	ssyncadd.s32 $0xFFFF8000  }
0x19f: {  	[tilespmem:s4], [sflag:$0x2] =	stream.indirect.gather [hbm4b:s6+s8], $0x80, s18, s8, $0xb8;
	[tilespmem:$0x11A00] =	vst v63  }
0x1a0: {  	_ =	swait.ge [sflag:s9], $0x8000  }
0x1a1: {  	[sflag:s9] =	ssyncset.done $0x0  }
0x1a2: {  	s0 =	rddreg [dreg:$0x14];
	[sflag:s9] =	ssyncadd.s32 $0xFFFF8000  }
0x1a3: {  	[hbm4b:s0+s2] =	stream.linear.scatter [tilespmem:s7], [sflag:$0x3], $0x8000, $0x38;
	[tilespmem:$0x11A00] =	vst v63  }
0x1a4: {  	_ =	swait.ge [sflag:s5], $0x8000  }
0x1a5: {  	[sflag:s5] =	ssyncset.done $0x0  }
0x1a6: {  	[sflag:s5] =	ssyncadd.s32 $0xFFFF8000  }
0x1a7: {  	[tilespmem:s7], [sflag:$0x1] =	stream.indirect.gather [hbm4b:s6+s8], $0x80, s17, s8, $0xb8;
	[tilespmem:$0x11A00] =	vst v63  }
0x1a8: {  	_ =	swait.ge [sflag:s10], $0x8000  }
0x1a9: {  	[sflag:s10] =	ssyncset.done $0x0  }
0x1aa: {  	s0 =	rddreg [dreg:$0x15];
	[sflag:s10] =	ssyncadd.s32 $0xFFFF8000  }
0x1ab: {  	[hbm4b:s0+s2] =	stream.linear.scatter [tilespmem:s4], [sflag:$0x4], $0x8000, $0x38;
	[tilespmem:$0x11A00] =	vst v63  }
0x1ac: {  	_ =	swait.ge [sflag:s11], $0x8000  }
0x1ad: {  	[sflag:s11] =	ssyncset.done $0x0  }
0x1ae: {  	[sflag:s11] =	ssyncadd.s32 $0xFFFF8000  }
0x1af: {  	[tilespmem:s4], [sflag:$0x2] =	stream.indirect.gather [hbm4b:s6+s8], $0x80, s16, s8, $0xb8;
	[tilespmem:$0x11A00] =	vst v63  }
0x1b0: {  	_ =	swait.ge [sflag:s9], $0x8000  }
0x1b1: {  	[sflag:s9] =	ssyncset.done $0x0  }
0x1b2: {  	s0 =	rddreg [dreg:$0x16];
	[sflag:s9] =	ssyncadd.s32 $0xFFFF8000  }
0x1b3: {  	[hbm4b:s0+s2] =	stream.linear.scatter [tilespmem:s7], [sflag:$0x3], $0x8000, $0x38;
	[tilespmem:$0x11A00] =	vst v63  }
0x1b4: {  	_ =	swait.ge [sflag:s5], $0x8000  }
0x1b5: {  	[sflag:s5] =	ssyncset.done $0x0  }
0x1b6: {  	[sflag:s5] =	ssyncadd.s32 $0xFFFF8000  }
0x1b7: {  	[tilespmem:s7], [sflag:$0x1] =	stream.indirect.gather [hbm4b:s6+s8], $0x80, s15, s8, $0xb8;
	[tilespmem:$0x11A00] =	vst v63  }
0x1b8: {  	_ =	swait.ge [sflag:s10], $0x8000  }
0x1b9: {  	[sflag:s10] =	ssyncset.done $0x0  }
0x1ba: {  	s0 =	rddreg [dreg:$0x17];
	[sflag:s10] =	ssyncadd.s32 $0xFFFF8000  }
0x1bb: {  	[hbm4b:s0+s2] =	stream.linear.scatter [tilespmem:s4], [sflag:$0x4], $0x8000, $0x38;
	[tilespmem:$0x11A00] =	vst v63  }
0x1bc: {  	_ =	swait.ge [sflag:s11], $0x8000  }
0x1bd: {  	[sflag:s11] =	ssyncset.done $0x0  }
0x1be: {  	[sflag:s11] =	ssyncadd.s32 $0xFFFF8000  }
0x1bf: {  	[tilespmem:s4], [sflag:$0x2] =	stream.indirect.gather [hbm4b:s6+s8], $0x80, s14, s8, $0xb8;
	[tilespmem:$0x11A00] =	vst v63  }
0x1c0: {  	_ =	swait.ge [sflag:s9], $0x8000  }
0x1c1: {  	[sflag:s9] =	ssyncset.done $0x0  }
0x1c2: {  	s0 =	rddreg [dreg:$0x18];
	[sflag:s9] =	ssyncadd.s32 $0xFFFF8000  }
0x1c3: {  	[hbm4b:s0+s2] =	stream.linear.scatter [tilespmem:s7], [sflag:$0x3], $0x8000, $0x38;
	[tilespmem:$0x11A00] =	vst v63  }
0x1c4: {  	_ =	swait.ge [sflag:s5], $0x8000  }
0x1c5: {  	[sflag:s5] =	ssyncset.done $0x0  }
0x1c6: {  	[sflag:s5] =	ssyncadd.s32 $0xFFFF8000  }
0x1c7: {  	[tilespmem:s7], [sflag:$0x1] =	stream.indirect.gather [hbm4b:s6+s8], $0x80, s13, s8, $0xb8;
	[tilespmem:$0x11A00] =	vst v63  }
0x1c8: {  	_ =	swait.ge [sflag:s10], $0x8000  }
0x1c9: {  	[sflag:s10] =	ssyncset.done $0x0  }
0x1ca: {  	s0 =	rddreg [dreg:$0x19];
	[sflag:s10] =	ssyncadd.s32 $0xFFFF8000  }
0x1cb: {  	[hbm4b:s0+s2] =	stream.linear.scatter [tilespmem:s4], [sflag:$0x4], $0x8000, $0x38;
	[tilespmem:$0x11A00] =	vst v63  }
0x1cc: {  	_ =	swait.ge [sflag:s11], $0x8000  }
0x1cd: {  	[sflag:s11] =	ssyncset.done $0x0  }
0x1ce: {  	[sflag:s11] =	ssyncadd.s32 $0xFFFF8000  }
0x1cf: {  	[tilespmem:s4], [sflag:$0x2] =	stream.indirect.gather [hbm4b:s6+s8], $0x80, s12, s8, $0xb8;
	[tilespmem:$0x11A00] =	vst v63  }
0x1d0: {  	_ =	swait.ge [sflag:s9], $0x8000  }
0x1d1: {  	[sflag:s9] =	ssyncset.done $0x0  }
0x1d2: {  	s0 =	rddreg [dreg:$0x1a];
	[sflag:s9] =	ssyncadd.s32 $0xFFFF8000  }
0x1d3: {  	[hbm4b:s0+s2] =	stream.linear.scatter [tilespmem:s7], [sflag:$0x3], $0x8000, $0x38;
	[tilespmem:$0x11A00] =	vst v63  }
0x1d4: {  	_ =	swait.ge [sflag:s10], $0x8000  }
0x1d5: {  	[sflag:s10] =	ssyncset.done $0x0  }
0x1d6: {  	p1 =	sne.s32 s1, $0x1;
	s0 =	rddreg [dreg:$0x1b];
	[sflag:s10] =	ssyncadd.s32 $0xFFFF8000  }
0x1d7: {  	[hbm4b:s0+s2] =	stream.linear.scatter [tilespmem:s4], [sflag:$0x5], $0x8000, $0x38;
	[tilespmem:$0x11A00] =	vst v63  }
.Ltmp2:
0x1d8: {  	_ =	swait.ge [sflag:s3], $0x8000;
	(pc) =	sbr.rel @p1 .LBB2_2-.Ltmp2, $4  }
0x1d9: {  	[sflag:s3] =	ssyncset.done $0x0  }
0x1da: {  	[sflag:s3] =	ssyncadd.s32 $0xFFFF8000  }
0x1db: {  	_ =	swait.ge [sflag:s5], $0x8000  }
0x1dc: {  	s1 =	sadd.s32 $0xFFFFFFFF, s1;
	s0 =	rddreg [dreg:$0x2];
	[sflag:s5] =	ssyncset.done $0x0  }
.LBB2_3:
0x1dd: {  	[sflag:s5] =	ssyncadd.s32 @p0 $0xFFFF8000  }
0x1de: {  	[tilespmem:s2], [sflag:$0x5] =	stream.linear.gather [hbm4b:s0+s2], $0x1A00, $0x38;
	[tilespmem:$0x11A00] =	vst v63  }
0x1df: {  	_ =	swait.ge [sflag:s3], $0x1A00  }
0x1e0: {  	[sflag:s3] =	ssyncset.done $0x0  }
0x1e1: {  	[sflag:s3] =	ssyncadd.s32 $0xFFFFE600  }
0x1e2: {  	[tilespmem:s7], [sflag:$0x1] =	stream.indirect.gather [hbm4b:s6+s8], $0x80, s2, s8, $0xb8;
	[tilespmem:$0x11A00] =	vst v63  }
0x1e3: {  	_ = 	snop  }
0x1e4: {  	[tilespmem:s4], [sflag:$0x2] =	stream.indirect.gather [hbm4b:s6+s8], $0x80, s8, s8, $0xb8;
	[tilespmem:$0x11A00] =	vst v63  }
0x1e5: {  	_ =	swait.ge [sflag:s9], $0x8000  }
0x1e6: {  	[sflag:s9] =	ssyncset.done $0x0  }
0x1e7: {  	[sflag:s9] =	ssyncadd.s32 $0xFFFF8000  }
0x1e8: {  	[hbm4b:s29+s2] =	stream.linear.scatter [tilespmem:s7], [sflag:$0x3], $0x8000, $0x38;
	[tilespmem:$0x11A00] =	vst v63  }
0x1e9: {  	_ =	swait.ge [sflag:s5], $0x8000  }
0x1ea: {  	[sflag:s5] =	ssyncset.done $0x0  }
0x1eb: {  	s29 =	rddreg [dreg:$0x1c];
	[sflag:s5] =	ssyncadd.s32 $0xFFFF8000  }
0x1ec: {  	[tilespmem:s7], [sflag:$0x1] =	stream.indirect.gather [hbm4b:s6+s8], $0x80, s29, s8, $0xb8;
	[tilespmem:$0x11A00] =	vst v63  }
0x1ed: {  	_ =	swait.ge [sflag:s10], $0x8000  }
0x1ee: {  	[sflag:s10] =	ssyncset.done $0x0  }
0x1ef: {  	s1 =	rddreg [dreg:$0x3];
	[sflag:s10] =	ssyncadd.s32 $0xFFFF8000  }
0x1f0: {  	[hbm4b:s1+s2] =	stream.linear.scatter [tilespmem:s4], [sflag:$0x4], $0x8000, $0x38;
	[tilespmem:$0x11A00] =	vst v63  }
0x1f1: {  	_ =	swait.ge [sflag:s11], $0x8000  }
0x1f2: {  	[sflag:s11] =	ssyncset.done $0x0  }
0x1f3: {  	s29 =	rddreg [dreg:$0x1d];
	[sflag:s11] =	ssyncadd.s32 $0xFFFF8000  }
0x1f4: {  	[tilespmem:s4], [sflag:$0x2] =	stream.indirect.gather [hbm4b:s6+s8], $0x80, s29, s8, $0xb8;
	[tilespmem:$0x11A00] =	vst v63  }
0x1f5: {  	_ =	swait.ge [sflag:s9], $0x8000  }
0x1f6: {  	[sflag:s9] =	ssyncset.done $0x0  }
0x1f7: {  	s1 =	rddreg [dreg:$0x4];
	[sflag:s9] =	ssyncadd.s32 $0xFFFF8000  }
0x1f8: {  	[hbm4b:s1+s2] =	stream.linear.scatter [tilespmem:s7], [sflag:$0x3], $0x8000, $0x38;
	[tilespmem:$0x11A00] =	vst v63  }
0x1f9: {  	_ =	swait.ge [sflag:s5], $0x8000  }
0x1fa: {  	[sflag:s5] =	ssyncset.done $0x0  }
0x1fb: {  	s29 =	rddreg [dreg:$0x1e];
	[sflag:s5] =	ssyncadd.s32 $0xFFFF8000  }
0x1fc: {  	[tilespmem:s7], [sflag:$0x1] =	stream.indirect.gather [hbm4b:s6+s8], $0x80, s29, s8, $0xb8;
	[tilespmem:$0x11A00] =	vst v63  }
0x1fd: {  	_ =	swait.ge [sflag:s10], $0x8000  }
0x1fe: {  	[sflag:s10] =	ssyncset.done $0x0  }
0x1ff: {  	s1 =	rddreg [dreg:$0x5];
	[sflag:s10] =	ssyncadd.s32 $0xFFFF8000  }
0x200: {  	[hbm4b:s1+s2] =	stream.linear.scatter [tilespmem:s4], [sflag:$0x4], $0x8000, $0x38;
	[tilespmem:$0x11A00] =	vst v63  }
0x201: {  	_ =	swait.ge [sflag:s11], $0x8000  }
0x202: {  	[sflag:s11] =	ssyncset.done $0x0  }
0x203: {  	s29 =	rddreg [dreg:$0x1f];
	[sflag:s11] =	ssyncadd.s32 $0xFFFF8000  }
0x204: {  	[tilespmem:s4], [sflag:$0x2] =	stream.indirect.gather [hbm4b:s6+s8], $0x80, s29, s8, $0xb8;
	[tilespmem:$0x11A00] =	vst v63  }
0x205: {  	_ =	swait.ge [sflag:s9], $0x8000  }
0x206: {  	[sflag:s9] =	ssyncset.done $0x0  }
0x207: {  	s1 =	rddreg [dreg:$0x6];
	[sflag:s9] =	ssyncadd.s32 $0xFFFF8000  }
0x208: {  	[hbm4b:s1+s2] =	stream.linear.scatter [tilespmem:s7], [sflag:$0x3], $0x8000, $0x38;
	[tilespmem:$0x11A00] =	vst v63  }
0x209: {  	_ =	swait.ge [sflag:s5], $0x8000  }
0x20a: {  	s29 =	sld [smem:$0x7FC]  }
0x20b: {  	[sflag:s5] =	ssyncset.done $0x0  }
0x20c: {  	[sflag:s5] =	ssyncadd.s32 $0xFFFF8000  }
0x20d: {  	[tilespmem:s7], [sflag:$0x1] =	stream.indirect.gather [hbm4b:s6+s8], $0x80, s29, s8, $0xb8;
	[tilespmem:$0x11A00] =	vst v63  }
0x20e: {  	_ =	swait.ge [sflag:s10], $0x8000  }
0x20f: {  	[sflag:s10] =	ssyncset.done $0x0  }
0x210: {  	s1 =	rddreg [dreg:$0x7];
	[sflag:s10] =	ssyncadd.s32 $0xFFFF8000  }
0x211: {  	[hbm4b:s1+s2] =	stream.linear.scatter [tilespmem:s4], [sflag:$0x4], $0x8000, $0x38;
	[tilespmem:$0x11A00] =	vst v63  }
0x212: {  	_ =	swait.ge [sflag:s11], $0x8000  }
0x213: {  	s29 =	sld [smem:$0x7FD]  }
0x214: {  	[sflag:s11] =	ssyncset.done $0x0  }
0x215: {  	[sflag:s11] =	ssyncadd.s32 $0xFFFF8000  }
0x216: {  	[tilespmem:s4], [sflag:$0x2] =	stream.indirect.gather [hbm4b:s6+s8], $0x80, s29, s8, $0xb8;
	[tilespmem:$0x11A00] =	vst v63  }
0x217: {  	_ =	swait.ge [sflag:s9], $0x8000  }
0x218: {  	[sflag:s9] =	ssyncset.done $0x0  }
0x219: {  	s1 =	rddreg [dreg:$0x8];
	[sflag:s9] =	ssyncadd.s32 $0xFFFF8000  }
0x21a: {  	[hbm4b:s1+s2] =	stream.linear.scatter [tilespmem:s7], [sflag:$0x3], $0x8000, $0x38;
	[tilespmem:$0x11A00] =	vst v63  }
0x21b: {  	_ =	swait.ge [sflag:s5], $0x8000  }
0x21c: {  	[sflag:s5] =	ssyncset.done $0x0  }
0x21d: {  	[sflag:s5] =	ssyncadd.s32 $0xFFFF8000  }
0x21e: {  	[tilespmem:s7], [sflag:$0x1] =	stream.indirect.gather [hbm4b:s6+s8], $0x80, s31, s8, $0xb8;
	[tilespmem:$0x11A00] =	vst v63  }
0x21f: {  	_ =	swait.ge [sflag:s10], $0x8000  }
0x220: {  	[sflag:s10] =	ssyncset.done $0x0  }
0x221: {  	s29 =	rddreg [dreg:$0x9];
	[sflag:s10] =	ssyncadd.s32 $0xFFFF8000  }
0x222: {  	[hbm4b:s29+s2] =	stream.linear.scatter [tilespmem:s4], [sflag:$0x4], $0x8000, $0x38;
	[tilespmem:$0x11A00] =	vst v63  }
0x223: {  	_ =	swait.ge [sflag:s11], $0x8000  }
0x224: {  	[sflag:s11] =	ssyncset.done $0x0  }
0x225: {  	[sflag:s11] =	ssyncadd.s32 $0xFFFF8000  }
0x226: {  	[tilespmem:s4], [sflag:$0x2] =	stream.indirect.gather [hbm4b:s6+s8], $0x80, s30, s8, $0xb8;
	[tilespmem:$0x11A00] =	vst v63  }
0x227: {  	_ =	swait.ge [sflag:s9], $0x8000  }
0x228: {  	[sflag:s9] =	ssyncset.done $0x0  }
0x229: {  	s31 =	rddreg [dreg:$0xa];
	[sflag:s9] =	ssyncadd.s32 $0xFFFF8000  }
0x22a: {  	[hbm4b:s31+s2] =	stream.linear.scatter [tilespmem:s7], [sflag:$0x3], $0x8000, $0x38;
	[tilespmem:$0x11A00] =	vst v63  }
0x22b: {  	_ =	swait.ge [sflag:s5], $0x8000  }
0x22c: {  	[sflag:s5] =	ssyncset.done $0x0  }
0x22d: {  	[sflag:s5] =	ssyncadd.s32 $0xFFFF8000  }
0x22e: {  	[tilespmem:s7], [sflag:$0x1] =	stream.indirect.gather [hbm4b:s6+s8], $0x80, s28, s8, $0xb8;
	[tilespmem:$0x11A00] =	vst v63  }
0x22f: {  	_ =	swait.ge [sflag:s10], $0x8000  }
0x230: {  	[sflag:s10] =	ssyncset.done $0x0  }
0x231: {  	s1 =	rddreg [dreg:$0xb];
	[sflag:s10] =	ssyncadd.s32 $0xFFFF8000  }
0x232: {  	[hbm4b:s1+s2] =	stream.linear.scatter [tilespmem:s4], [sflag:$0x4], $0x8000, $0x38;
	[tilespmem:$0x11A00] =	vst v63  }
0x233: {  	_ =	swait.ge [sflag:s11], $0x8000  }
0x234: {  	[sflag:s11] =	ssyncset.done $0x0  }
0x235: {  	[sflag:s11] =	ssyncadd.s32 $0xFFFF8000  }
0x236: {  	[tilespmem:s4], [sflag:$0x2] =	stream.indirect.gather [hbm4b:s6+s8], $0x80, s26, s8, $0xb8;
	[tilespmem:$0x11A00] =	vst v63  }
0x237: {  	_ =	swait.ge [sflag:s9], $0x8000  }
0x238: {  	[sflag:s9] =	ssyncset.done $0x0  }
0x239: {  	s26 =	rddreg [dreg:$0xc];
	[sflag:s9] =	ssyncadd.s32 $0xFFFF8000  }
0x23a: {  	[hbm4b:s26+s2] =	stream.linear.scatter [tilespmem:s7], [sflag:$0x3], $0x8000, $0x38;
	[tilespmem:$0x11A00] =	vst v63  }
0x23b: {  	_ =	swait.ge [sflag:s5], $0x8000  }
0x23c: {  	[sflag:s5] =	ssyncset.done $0x0  }
0x23d: {  	[sflag:s5] =	ssyncadd.s32 $0xFFFF8000  }
0x23e: {  	[tilespmem:s7], [sflag:$0x1] =	stream.indirect.gather [hbm4b:s6+s8], $0x80, s25, s8, $0xb8;
	[tilespmem:$0x11A00] =	vst v63  }
0x23f: {  	_ =	swait.ge [sflag:s10], $0x8000  }
0x240: {  	[sflag:s10] =	ssyncset.done $0x0  }
0x241: {  	s28 =	rddreg [dreg:$0xd];
	[sflag:s10] =	ssyncadd.s32 $0xFFFF8000  }
0x242: {  	[hbm4b:s28+s2] =	stream.linear.scatter [tilespmem:s4], [sflag:$0x4], $0x8000, $0x38;
	[tilespmem:$0x11A00] =	vst v63  }
0x243: {  	_ =	swait.ge [sflag:s11], $0x8000  }
0x244: {  	[sflag:s11] =	ssyncset.done $0x0  }
0x245: {  	[sflag:s11] =	ssyncadd.s32 $0xFFFF8000  }
0x246: {  	[tilespmem:s4], [sflag:$0x2] =	stream.indirect.gather [hbm4b:s6+s8], $0x80, s24, s8, $0xb8;
	[tilespmem:$0x11A00] =	vst v63  }
0x247: {  	_ =	swait.ge [sflag:s9], $0x8000  }
0x248: {  	[sflag:s9] =	ssyncset.done $0x0  }
0x249: {  	s29 =	rddreg [dreg:$0xe];
	[sflag:s9] =	ssyncadd.s32 $0xFFFF8000  }
0x24a: {  	[hbm4b:s29+s2] =	stream.linear.scatter [tilespmem:s7], [sflag:$0x3], $0x8000, $0x38;
	[tilespmem:$0x11A00] =	vst v63  }
0x24b: {  	_ =	swait.ge [sflag:s5], $0x8000  }
0x24c: {  	[sflag:s5] =	ssyncset.done $0x0  }
0x24d: {  	[sflag:s5] =	ssyncadd.s32 $0xFFFF8000  }
0x24e: {  	[tilespmem:s7], [sflag:$0x1] =	stream.indirect.gather [hbm4b:s6+s8], $0x80, s23, s8, $0xb8;
	[tilespmem:$0x11A00] =	vst v63  }
0x24f: {  	_ =	swait.ge [sflag:s10], $0x8000  }
0x250: {  	[sflag:s10] =	ssyncset.done $0x0  }
0x251: {  	s30 =	rddreg [dreg:$0xf];
	[sflag:s10] =	ssyncadd.s32 $0xFFFF8000  }
0x252: {  	[hbm4b:s30+s2] =	stream.linear.scatter [tilespmem:s4], [sflag:$0x4], $0x8000, $0x38;
	[tilespmem:$0x11A00] =	vst v63  }
0x253: {  	_ =	swait.ge [sflag:s11], $0x8000  }
0x254: {  	[sflag:s11] =	ssyncset.done $0x0  }
0x255: {  	[sflag:s11] =	ssyncadd.s32 $0xFFFF8000  }
0x256: {  	[tilespmem:s4], [sflag:$0x2] =	stream.indirect.gather [hbm4b:s6+s8], $0x80, s22, s8, $0xb8;
	[tilespmem:$0x11A00] =	vst v63  }
0x257: {  	_ =	swait.ge [sflag:s9], $0x8000  }
0x258: {  	[sflag:s9] =	ssyncset.done $0x0  }
0x259: {  	s31 =	rddreg [dreg:$0x10];
	[sflag:s9] =	ssyncadd.s32 $0xFFFF8000  }
0x25a: {  	[hbm4b:s31+s2] =	stream.linear.scatter [tilespmem:s7], [sflag:$0x3], $0x8000, $0x38;
	[tilespmem:$0x11A00] =	vst v63  }
0x25b: {  	_ =	swait.ge [sflag:s5], $0x8000  }
0x25c: {  	[sflag:s5] =	ssyncset.done $0x0  }
0x25d: {  	[sflag:s5] =	ssyncadd.s32 $0xFFFF8000  }
0x25e: {  	[tilespmem:s7], [sflag:$0x1] =	stream.indirect.gather [hbm4b:s6+s8], $0x80, s21, s8, $0xb8;
	[tilespmem:$0x11A00] =	vst v63  }
0x25f: {  	_ =	swait.ge [sflag:s10], $0x8000  }
0x260: {  	[sflag:s10] =	ssyncset.done $0x0  }
0x261: {  	s1 =	rddreg [dreg:$0x11];
	[sflag:s10] =	ssyncadd.s32 $0xFFFF8000  }
0x262: {  	[hbm4b:s1+s2] =	stream.linear.scatter [tilespmem:s4], [sflag:$0x4], $0x8000, $0x38;
	[tilespmem:$0x11A00] =	vst v63  }
0x263: {  	_ =	swait.ge [sflag:s11], $0x8000  }
0x264: {  	[sflag:s11] =	ssyncset.done $0x0  }
0x265: {  	[sflag:s11] =	ssyncadd.s32 $0xFFFF8000  }
0x266: {  	[tilespmem:s4], [sflag:$0x2] =	stream.indirect.gather [hbm4b:s6+s8], $0x80, s20, s8, $0xb8;
	[tilespmem:$0x11A00] =	vst v63  }
0x267: {  	_ =	swait.ge [sflag:s9], $0x8000  }
0x268: {  	[sflag:s9] =	ssyncset.done $0x0  }
0x269: {  	s20 =	rddreg [dreg:$0x12];
	[sflag:s9] =	ssyncadd.s32 $0xFFFF8000  }
0x26a: {  	[hbm4b:s20+s2] =	stream.linear.scatter [tilespmem:s7], [sflag:$0x3], $0x8000, $0x38;
	[tilespmem:$0x11A00] =	vst v63  }
0x26b: {  	_ =	swait.ge [sflag:s5], $0x8000  }
0x26c: {  	[sflag:s5] =	ssyncset.done $0x0  }
0x26d: {  	[sflag:s5] =	ssyncadd.s32 $0xFFFF8000  }
0x26e: {  	[tilespmem:s7], [sflag:$0x1] =	stream.indirect.gather [hbm4b:s6+s8], $0x80, s19, s8, $0xb8;
	[tilespmem:$0x11A00] =	vst v63  }
0x26f: {  	_ =	swait.ge [sflag:s10], $0x8000  }
0x270: {  	[sflag:s10] =	ssyncset.done $0x0  }
0x271: {  	s21 =	rddreg [dreg:$0x13];
	[sflag:s10] =	ssyncadd.s32 $0xFFFF8000  }
0x272: {  	[hbm4b:s21+s2] =	stream.linear.scatter [tilespmem:s4], [sflag:$0x4], $0x8000, $0x38;
	[tilespmem:$0x11A00] =	vst v63  }
0x273: {  	_ =	swait.ge [sflag:s11], $0x8000  }
0x274: {  	[sflag:s11] =	ssyncset.done $0x0  }
0x275: {  	[sflag:s11] =	ssyncadd.s32 $0xFFFF8000  }
0x276: {  	[tilespmem:s4], [sflag:$0x2] =	stream.indirect.gather [hbm4b:s6+s8], $0x80, s18, s8, $0xb8;
	[tilespmem:$0x11A00] =	vst v63  }
0x277: {  	_ =	swait.ge [sflag:s9], $0x8000  }
0x278: {  	[sflag:s9] =	ssyncset.done $0x0  }
0x279: {  	s22 =	rddreg [dreg:$0x14];
	[sflag:s9] =	ssyncadd.s32 $0xFFFF8000  }
0x27a: {  	[hbm4b:s22+s2] =	stream.linear.scatter [tilespmem:s7], [sflag:$0x3], $0x8000, $0x38;
	[tilespmem:$0x11A00] =	vst v63  }
0x27b: {  	_ =	swait.ge [sflag:s5], $0x8000  }
0x27c: {  	[sflag:s5] =	ssyncset.done $0x0  }
0x27d: {  	[sflag:s5] =	ssyncadd.s32 $0xFFFF8000  }
0x27e: {  	[tilespmem:s7], [sflag:$0x1] =	stream.indirect.gather [hbm4b:s6+s8], $0x80, s17, s8, $0xb8;
	[tilespmem:$0x11A00] =	vst v63  }
0x27f: {  	_ =	swait.ge [sflag:s10], $0x8000  }
0x280: {  	[sflag:s10] =	ssyncset.done $0x0  }
0x281: {  	s23 =	rddreg [dreg:$0x15];
	[sflag:s10] =	ssyncadd.s32 $0xFFFF8000  }
0x282: {  	[hbm4b:s23+s2] =	stream.linear.scatter [tilespmem:s4], [sflag:$0x4], $0x8000, $0x38;
	[tilespmem:$0x11A00] =	vst v63  }
0x283: {  	_ =	swait.ge [sflag:s11], $0x8000  }
0x284: {  	[sflag:s11] =	ssyncset.done $0x0  }
0x285: {  	[sflag:s11] =	ssyncadd.s32 $0xFFFF8000  }
0x286: {  	[tilespmem:s4], [sflag:$0x2] =	stream.indirect.gather [hbm4b:s6+s8], $0x80, s16, s8, $0xb8;
	[tilespmem:$0x11A00] =	vst v63  }
0x287: {  	_ =	swait.ge [sflag:s9], $0x8000  }
0x288: {  	[sflag:s9] =	ssyncset.done $0x0  }
0x289: {  	s24 =	rddreg [dreg:$0x16];
	[sflag:s9] =	ssyncadd.s32 $0xFFFF8000  }
0x28a: {  	[hbm4b:s24+s2] =	stream.linear.scatter [tilespmem:s7], [sflag:$0x3], $0x8000, $0x38;
	[tilespmem:$0x11A00] =	vst v63  }
0x28b: {  	_ =	swait.ge [sflag:s5], $0x8000  }
0x28c: {  	[sflag:s5] =	ssyncset.done $0x0  }
0x28d: {  	[sflag:s5] =	ssyncadd.s32 $0xFFFF8000  }
0x28e: {  	[tilespmem:s7], [sflag:$0x1] =	stream.indirect.gather [hbm4b:s6+s8], $0x80, s15, s8, $0xb8;
	[tilespmem:$0x11A00] =	vst v63  }
0x28f: {  	_ =	swait.ge [sflag:s10], $0x8000  }
0x290: {  	[sflag:s10] =	ssyncset.done $0x0  }
0x291: {  	s25 =	rddreg [dreg:$0x17];
	[sflag:s10] =	ssyncadd.s32 $0xFFFF8000  }
0x292: {  	[hbm4b:s25+s2] =	stream.linear.scatter [tilespmem:s4], [sflag:$0x4], $0x8000, $0x38;
	[tilespmem:$0x11A00] =	vst v63  }
0x293: {  	_ =	swait.ge [sflag:s11], $0x8000  }
0x294: {  	[sflag:s11] =	ssyncset.done $0x0  }
0x295: {  	[sflag:s11] =	ssyncadd.s32 $0xFFFF8000  }
0x296: {  	[tilespmem:s4], [sflag:$0x2] =	stream.indirect.gather [hbm4b:s6+s8], $0x80, s14, s8, $0xb8;
	[tilespmem:$0x11A00] =	vst v63  }
0x297: {  	_ =	swait.ge [sflag:s9], $0x8000  }
0x298: {  	[sflag:s9] =	ssyncset.done $0x0  }
0x299: {  	s26 =	rddreg [dreg:$0x18];
	[sflag:s9] =	ssyncadd.s32 $0xFFFF8000  }
0x29a: {  	[hbm4b:s26+s2] =	stream.linear.scatter [tilespmem:s7], [sflag:$0x3], $0x8000, $0x38;
	[tilespmem:$0x11A00] =	vst v63  }
0x29b: {  	_ =	swait.ge [sflag:s5], $0x8000  }
0x29c: {  	[sflag:s5] =	ssyncset.done $0x0  }
0x29d: {  	[sflag:s5] =	ssyncadd.s32 $0xFFFF8000  }
0x29e: {  	[tilespmem:s7], [sflag:$0x1] =	stream.indirect.gather [hbm4b:s6+s8], $0x80, s13, s8, $0xb8;
	[tilespmem:$0x11A00] =	vst v63  }
0x29f: {  	_ =	swait.ge [sflag:s10], $0x8000  }
0x2a0: {  	[sflag:s10] =	ssyncset.done $0x0  }
0x2a1: {  	s28 =	rddreg [dreg:$0x19];
	[sflag:s10] =	ssyncadd.s32 $0xFFFF8000  }
0x2a2: {  	[hbm4b:s28+s2] =	stream.linear.scatter [tilespmem:s4], [sflag:$0x4], $0x8000, $0x38;
	[tilespmem:$0x11A00] =	vst v63  }
0x2a3: {  	_ =	swait.ge [sflag:s11], $0x8000  }
0x2a4: {  	[sflag:s11] =	ssyncset.done $0x0  }
0x2a5: {  	[sflag:s11] =	ssyncadd.s32 $0xFFFF8000  }
0x2a6: {  	[tilespmem:s4], [sflag:$0x2] =	stream.indirect.gather [hbm4b:s6+s8], $0x80, s12, s8, $0xb8;
	[tilespmem:$0x11A00] =	vst v63  }
0x2a7: {  	_ =	swait.ge [sflag:s9], $0x8000  }
0x2a8: {  	[sflag:s9] =	ssyncset.done $0x0  }
0x2a9: {  	s29 =	rddreg [dreg:$0x1a];
	[sflag:s9] =	ssyncadd.s32 $0xFFFF8000  }
0x2aa: {  	[hbm4b:s29+s2] =	stream.linear.scatter [tilespmem:s7], [sflag:$0x3], $0x8000, $0x38;
	[tilespmem:$0x11A00] =	vst v63  }
0x2ab: {  	_ =	swait.ge [sflag:s10], $0x8000  }
0x2ac: {  	[sflag:s10] =	ssyncset.done $0x0  }
0x2ad: {  	s30 =	rddreg [dreg:$0x1b];
	[sflag:s10] =	ssyncadd.s32 $0xFFFF8000  }
0x2ae: {  	[hbm4b:s30+s2] =	stream.linear.scatter [tilespmem:s4], [sflag:$0x5], $0x8000, $0x38;
	[tilespmem:$0x11A00] =	vst v63  }
0x2af: {  	_ =	swait.ge [sflag:s3], $0x8000  }
0x2b0: {  	[sflag:s3] =	ssyncset.done $0x0  }
0x2b1: {  	[sflag:s3] =	ssyncadd.s32 $0xFFFF8000  }
0x2b2: {  	_ =	swait.ge [sflag:s5], $0x8000  }
0x2b3: {  	[sflag:s5] =	ssyncset.done $0x0  }
0x2b4: {  	[sflag:s5] =	ssyncadd.s32 $0xFFFF8000  }
0x2b5: {  	_ =	sfence.sel $0x180000  }
0x2b6: {  	[bflag:$0x0] =	sbarrier.arrive $0xFFFF  }
0x2b7: {  	_ =	strace $0x9000004A  }
0x2b8: {  	s31 =	stileid.u32;
	[bflag:$0x2] =	sbarrier.arrive $0xFFFF  }
0x2b9: {  	p0 =	sne.s32 s31, $0x0;
	s0 =	rddreg [dreg:$0x1]  }
0x2ba: {  	s0 =	sadd.s32 @!p0 $0x100000, s0  }
0x2bb: {  	[sflag:s0] =	ssyncadd.tile.s32 @!p0 $0x1;
	_ =	shalt  }
.Lfunc_end2:
_tile_overlayer_lowered:
.L_overlay_start_2:
0x2bc: {  	(tag) =	ssettag $0x2  }
0x2bd: {  	s0 =	rddreg [dreg:$0x0];
	s2 =	stileid.u32  }
0x2be: {  	s1 =	rddreg [dreg:$0x1];
	p0 =	sne.s32 s2, $0x0  }
0x2bf: {  	s3 =	rddreg [dreg:$0x2];
	[bflag:$0x3] =	sbarrier.arrive $0xFFFF;
	s2 =	simm.s32 @!p0 $0x1C05  }
0x2c0: {  	[timem:s3], [sflag:s2] =	dma.local @!p0 [hbm:s0], s1  }
0x2c1: {  	s0 =	simm.s32 @!p0 $0x5  }
0x2c2: {  	_ =	swait.ge @!p0 [sflag:s0], s1  }
0x2c3: {  	s1 =	ssub.s32 @!p0 $0x0, s1;
	[sflag:s0] =	ssyncset.done @!p0 $0x0  }
0x2c4: {  	[sflag:s0] =	ssyncadd.s32 @!p0 s1  }
0x2c5: {  	[bflag:$0x3] =	sbarrier.arrive $0xFFFF  }
0x2c6: {  	_ =	shalt  }

// kernel: kernel.7.cloned.1.call-start
scs
__scs_entry_jumppad:
0x0: {  	(pc) =	sbr.rel $0x88, $3  }
0x1: {  	(tag) =	ssettag $0x0;
	lr =	simm.s32 $0x1  }
0x2: {  	[smem:$0x3F9D] =	sst lr;
	_ =	strace $0xD0000000  }
0x3: {  	_ = 	snop  }
0x4: {  	_ = 	snop  }
0x5: {  	_ = 	snop  }
0x6: {  	_ = 	snop  }
0x7: {  	_ = 	snop  }
__scs_overlays_trampoline_lowered:
0x8: {  	[smem:$0x3FAC] =	sst s0  }
0x9: {  	[smem:$0x3FAD] =	sst s1  }
0xa: {  	[smem:$0x3FAE] =	sst s2  }
0xb: {  	[smem:$0x3FAF] =	sst s3  }
0xc: {  	[smem:$0x3FB0] =	sst s4  }
0xd: {  	[smem:$0x3FB1] =	sst s5  }
0xe: {  	[smem:$0x3FB2] =	sst s6  }
0xf: {  	[smem:$0x3FB3] =	sst s7  }
0x10: {  	[smem:$0x3FB4] =	sst s8  }
0x11: {  	[smem:$0x3FB5] =	sst s9;
	s0 =	simm.s32 @!p0 $0x0  }
0x12: {  	s1 =	sld [smem:$0x3F9B];
	s0 =	simm.s32 @p0 $0x1  }
0x13: {  	[smem:$0x3FB6] =	sst s0;
	s0 =	simm.s32 @!p1 $0x0  }
0x14: {  	s2 =	sld [smem:$0x3F9A];
	s0 =	simm.s32 @p1 $0x1  }
0x15: {  	[smem:$0x3FB7] =	sst s0;
	s0 =	simm.s32 @!p2 $0x0  }
0x16: {  	s3 =	sld [smem:$0x3FDB];
	s0 =	simm.s32 @p2 $0x1  }
0x17: {  	s4 =	simm.s32 $0x1BF5;
	[smem:$0x3FB9] =	sst s0  }
0x18: {  	s0 =	sld [smem:$0x3F9C];
	_ =	swait.ge [sflag:s4], $0x0  }
0x19: {  	s7 =	sld [smem:$0x3F9D]  }
0x1a: {  	s8 =	sadd.s32 $0xFFFFE003, lr  }
0x1b: {  	s9 =	sadd.s32 $0xFFFFFEF7, lr;
	s5 =	simm.s32 $0xFFFFFFFF;
	p2 =	slt.u32 s8, $0xFFFFF086  }
0x1c: {  	p1 =	slt.u32 s9, $0xF7A;
	s5 =	simm.s32 @!p2 $0x0  }
0x1d: {  	s5 =	simm.s32 @p1 $0x1;
	p0 =	seq.s32 s7, s2  }
0x1e: {  	s7 =	smul.u32 @!p0 $0xF7A, s2;
	p2 =	seq.s32 @!p0 s5, $0x0  }
0x1f: {  	s9 =	smul.u32 $0xF7A, s1;
	s8 =	simm.s32 @!p0 $0x1BF5;
	p2 =	por !p2, p0  }
0x20: {  	[sflag:s8] =	ssyncset.s32 @!p0 $0xFFFFF086;
	s6 =	sadd.s32 @!p0 s3, s7;
	s7 =	simm.s32 @!p0 $0x108  }
0x21: {  	s3 =	sadd.s32 s3, s9;
	s6 =	sadd.s32 @!p0 $0x88, s6;
	s7 =	simm.s32 @p2 $0x1082  }
0x22: {  	[simem:s7], [sflag:s8] =	dma.local @!p0 [hbm:s6], $0xF7A  }
0x23: {  	s9 =	sor.u32 $0xD0000000, s2;
	s6 =	simm.s32 $0x108;
	_ =	swait.ge @!p0 [sflag:s8], $0x0  }
0x24: {  	s3 =	sadd.s32 $0x88, s3;
	s6 =	simm.s32 @!p1 $0x1082;
	[sflag:s4] =	ssyncset.s32 $0xFFFFF086  }
0x25: {  	[simem:s6], [sflag:s4] =	dma.local [hbm:s3], $0xF7A  }
0x26: {  	[smem:$0x3F9D] =	sst s1;
	(tag) =	ssettag s2;
	_ =	strace s9  }
0x27: {  	s1 =	sld [smem:$0x3FAD]  }
0x28: {  	s2 =	sld [smem:$0x3FAE]  }
0x29: {  	s4 =	sld [smem:$0x3FB0]  }
0x2a: {  	p0 =	seq.s32 s5, $0x0;
	s5 =	sld [smem:$0x3FB1]  }
0x2b: {  	s6 =	sld [smem:$0x3FB2]  }
0x2c: {  	s7 =	sld [smem:$0x3FB3]  }
0x2d: {  	s3 =	simm.s32 $0x108;
	s8 =	sld [smem:$0x3FB4]  }
0x2e: {  	s3 =	simm.s32 @!p0 $0x1082;
	s9 =	sld [smem:$0x3FB5]  }
0x2f: {  	lr =	sadd.s32 s0, s3;
	s0 =	sld [smem:$0x3FAC]  }
0x30: {  	s3 =	sld [smem:$0x3FAF]  }
0x31: {  	[smem:$0x3FB8] =	sst s10  }
0x32: {  	s10 =	sld [smem:$0x3FB6];
	_ =	sdelay $0x3  }
0x33: {  	p0 =	seq.s32 s10, $0x1;
	s10 =	sld [smem:$0x3FB8];
	_ =	sdelay $0x3  }
0x34: {  	[smem:$0x3FB8] =	sst s10  }
0x35: {  	s10 =	sld [smem:$0x3FB7];
	_ =	sdelay $0x3  }
0x36: {  	p1 =	seq.s32 s10, $0x1;
	s10 =	sld [smem:$0x3FB8];
	_ =	sdelay $0x3  }
0x37: {  	[smem:$0x3FB8] =	sst s10  }
0x38: {  	s10 =	sld [smem:$0x3FB9]  }
0x39: {  	_ = 	snop;
	(pc) =	sbr.ind lr, $3  }
0x3a: {  	_ = 	snop  }
0x3b: {  	_ = 	snop  }
0x3c: {  	p2 =	seq.s32 s10, $0x1;
	s10 =	sld [smem:$0x3FB8]  }
0x3d: {  	_ =	shalt  }
0x3e: {  	_ =	shalt  }
0x3f: {  	_ =	shalt  }
0x40: {  	_ =	shalt  }
0x41: {  	_ =	shalt  }
0x42: {  	_ =	shalt  }
0x43: {  	_ =	shalt  }
0x44: {  	_ =	shalt  }
0x45: {  	_ =	shalt  }
0x46: {  	_ =	shalt  }
0x47: {  	_ =	shalt  }
0x48: {  	_ =	shalt  }
0x49: {  	_ =	shalt  }
0x4a: {  	_ =	shalt  }
0x4b: {  	_ =	shalt  }
0x4c: {  	_ =	shalt  }
0x4d: {  	_ =	shalt  }
0x4e: {  	_ =	shalt  }
0x4f: {  	_ =	shalt  }
0x50: {  	_ =	shalt  }
0x51: {  	_ =	shalt  }
0x52: {  	_ =	shalt  }
0x53: {  	_ =	shalt  }
0x54: {  	_ =	shalt  }
0x55: {  	_ =	shalt  }
0x56: {  	_ =	shalt  }
0x57: {  	_ =	shalt  }
0x58: {  	_ =	shalt  }
0x59: {  	_ =	shalt  }
0x5a: {  	_ =	shalt  }
0x5b: {  	_ =	shalt  }
0x5c: {  	_ =	shalt  }
0x5d: {  	_ =	shalt  }
0x5e: {  	_ =	shalt  }
0x5f: {  	_ =	shalt  }
0x60: {  	_ =	shalt  }
0x61: {  	_ =	shalt  }
0x62: {  	_ =	shalt  }
0x63: {  	_ =	shalt  }
0x64: {  	_ =	shalt  }
0x65: {  	_ =	shalt  }
0x66: {  	_ =	shalt  }
0x67: {  	_ =	shalt  }
0x68: {  	_ =	shalt  }
0x69: {  	_ =	shalt  }
0x6a: {  	_ =	shalt  }
0x6b: {  	_ =	shalt  }
0x6c: {  	_ =	shalt  }
0x6d: {  	_ =	shalt  }
0x6e: {  	_ =	shalt  }
0x6f: {  	_ =	shalt  }
0x70: {  	_ =	shalt  }
0x71: {  	_ =	shalt  }
0x72: {  	_ =	shalt  }
0x73: {  	_ =	shalt  }
0x74: {  	_ =	shalt  }
0x75: {  	_ =	shalt  }
0x76: {  	_ =	shalt  }
0x77: {  	_ =	shalt  }
0x78: {  	_ =	shalt  }
0x79: {  	_ =	shalt  }
0x7a: {  	_ =	shalt  }
0x7b: {  	_ =	shalt  }
0x7c: {  	_ =	shalt  }
0x7d: {  	_ =	shalt  }
0x7e: {  	_ =	shalt  }
0x7f: {  	_ =	shalt  }
0x80: {  	_ =	shalt  }
0x81: {  	_ =	shalt  }
0x82: {  	_ =	shalt  }
0x83: {  	_ =	shalt  }
0x84: {  	_ =	shalt  }
0x85: {  	_ =	shalt  }
0x86: {  	_ =	shalt  }
0x87: {  	_ =	shalt  }
.Lfunc_end0:
.L_simem_size_0:
called_computation_lowered:
.L_overlay_start_0:
0x88: {  	s2 =	sld [smem:$0x3FD9]  }
0x89: {  	s3 =	sld [smem:$0x3FFE];
	_ =	sdelay $0x1  }
0x8a: {  	s1 =	srdreg.scid  }
0x8b: {  	s0 =	sand.u32 $0x1, s1  }
0x8c: {  	s17 =	sshll.u32 s0, $0xA;
	s2 =	sadd.s32 s3, s2  }
0x8d: {  	s2 =	sadd.s32 s2, s17  }
0x8e: {  	[smem:$0x3FC4] =	sst s2  }
0x8f: {  	_ = 	snop  }
0x90: {  	s2 =	sld [smem:$0x3FD0];
	(tm) =	ssettm $0x1  }
0x91: {  	s18 =	sld [smem:$0x3FFB];
	_ =	sdelay $0x3  }
0x92: {  	_ =	strace s18  }
0x93: {  	s3 =	sld [smem:$0x3FFC];
	_ =	sdelay $0x3  }
0x94: {  	_ =	strace s3  }
0x95: {  	s3 =	sld [smem:$0x3FFD];
	_ =	sdelay $0x3  }
0x96: {  	_ =	strace s3  }
0x97: {  	_ =	strace $0x8FFFFFFF  }
0x98: {  	s19 =	sld [smem:$0x3FDB];
	_ =	sdelay $0x1  }
0x99: {  	s4 =	simm.s32 $_scs_section_size  }
0x9a: {  	s5 =	simm.s32 $_size__tile_overlayer_lowered;
	s6 =	simm.s32 $_tile_overlayer_lowered  }
0x9b: {  	s22 =	simm.s32 $0x1BFF;
	s21 =	sshll.u32 s6, $0x1;
	s3 =	sadd.s32 s4, s19  }
0x9c: {  	s7 =	simm.s32 $0x0;
	s20 =	sshll.u32 s5, $0x1;
	s5 =	sadd.s32 s21, s3  }
0x9d: {  	[timem:s7], [sflag:s22] =	dma.local [hbm:s5], s20  }
0x9e: {  	_ =	swait.ge [sflag:s22], s20  }
0x9f: {  	s4 =	ssub.s32 $0x0, s20;
	[sflag:s22] =	ssyncset.done $0x0  }
0xa0: {  	[sflag:s22] =	ssyncadd.s32 s4;
	_ =	sdelay $0x1  }
0xa1: {  	s23 =	simm.s32 $0x1B8B  }
0xa2: {  	_ =	swait.ge [sflag:s23], $0x1  }
0xa3: {  	[sflag:s23] =	ssyncset.done $0x0  }
0xa4: {  	s25 =	simm.s32 $0x1B8E;
	s24 =	sld [smem:$0x3FFE];
	[sflag:s23] =	ssyncadd.s32 $0xFFFFFFFF  }
0xa5: {  	s26 =	simm.s32 $execute0_lowered;
	[smem:$0x3FD2] =	sst s25  }
0xa6: {  	s5 =	sshll.u32 s26, $0x1;
	_ =	strace $0x80000046;
	[dreg:$0x1] =	wrdreg $0xFFFFFFFF  }
0xa7: {  	s28 =	simm.s32 $_size_execute0_lowered;
	s3 =	sadd.s32 s3, s5;
	[dreg:$0x0] =	wrdreg $0x0  }
0xa8: {  	s5 =	sshll.u32 s28, $0x1;
	[dreg:$0x2] =	wrdreg s3  }
0xa9: {  	[dreg:$0x3] =	wrdreg s5  }
0xaa: {  	[dreg:$0x4] =	wrdreg $0xC0  }
0xab: {  	_ =	task [dreg:s7], $0x5FFFF  }
0xac: {  	[dreg:$0x1] =	wrdreg $0xFFFFFFFF  }
0xad: {  	[dreg:$0x0] =	wrdreg $0x60  }
0xae: {  	[dreg:$0x2] =	wrdreg s2  }
0xaf: {  	[dreg:$0x3] =	wrdreg s24  }
0xb0: {  	[dreg:$0x4] =	wrdreg $0x9  }
0xb1: {  	_ =	task.clear_ibuf [dreg:s7], $0x5FFFF;
	_ =	strace $0x90000046  }
0xb2: {  	s29 =	simm.s32 $0x9;
	_ =	strace $0x80000048  }
0xb3: {  	_ =	swait.ge [sflag:s29], $0x1  }
0xb4: {  	[sflag:s29] =	ssyncadd.s32 $0xFFFFFFFF  }
0xb5: {  	_ =	strace $0x90000048  }
0xb6: {  	_ =	sfence  }
0xb7: {  	s30 =	sld [smem:$0x0];
	_ =	sdelay $0x2  }
0xb8: {  	s31 =	sshll.u32 s1, $0xD;
	s1 =	sshrl.u32 s1, $0x2  }
0xb9: {  	s3 =	sand.u32 $0x4000, s31;
	s1 =	sadd.s32 s1, s30  }
0xba: {  	s0 =	sor.u32 s3, s0;
	s1 =	sshll.u32 s1, $0x11  }
0xbb: {  	s0 =	sor.u32 s1, s0  }
0xbc: {  	s0 =	sadd.s32 $0x8F2B, s0  }
0xbd: {  	[sflag:s0] =	ssyncadd.remote.s32 $0x1  }
0xbe: {  	_ =	sfence.sel $0xFFFF  }
0xbf: {  	[dreg:$0x0] =	wrdreg $0xFFFFFFFF;
	(pc) =	sbr.abs _section_cstart, $3  }
0xc0: {  	[dreg:$0x1] =	wrdreg $0xFFFFFFFF  }
0xc1: {  	_ =	task.clear_ibuf [dreg:s7], $0x2FFFF;
	_ =	strace $0x9FFFFFFF  }
0xc2: {  	(tm) =	ssettm $0x7FFFFFFF  }
0xc3: {  	_ =	shalt  }
tec
execute0_lowered:
.L_overlay_start_1:
0x0: {  	(tag) =	ssettag $0x1  }
0x1: {  	s0 =	srdreg.scid;
	s1 =	stileid.u32  }
0x2: {  	s0 =	sand.u32 $0x1, s0;
	s1 =	sshll.u32 s1, $0x1  }
0x3: {  	s4 =	sor.u32 s0, s1  }
0x4: {  	s2 =	simm.s32 $0x0;
	s5 =	smul.u32 $0x340, s4  }
0x5: {  	[smem:$0x7FF] =	sst s2;
	s6 =	smul.u32 $0x1A000, s4  }
0x6: {  	s1 =	rddreg [dreg:$0x1];
	s4 =	smul.u32 $0xD0000, s4  }
0x7: {  	s3 =	rddreg [dreg:$0x0];
	_ =	strace $0x80000047;
	s7 =	sadd.s32 $0xF43200, s1  }
0x8: {  	s3 =	sadd.s32 s3, s5;
	s29 =	sadd.s32 s7, s6;
	s4 =	sshrl.u32 s4, $0x3  }
0x9: {  	[dreg:$0x3] =	wrdreg s3;
	s17 =	sadd.s32 $0x1000, s29;
	s4 =	sadd.s32 s7, s4  }
0xa: {  	[dreg:$0x4] =	wrdreg s17;
	s18 =	sadd.s32 $0x2000, s4  }
0xb: {  	s19 =	sadd.s32 $0x3000, s4;
	[dreg:$0x5] =	wrdreg s18  }
0xc: {  	s20 =	sadd.s32 $0x4000, s4;
	[dreg:$0x6] =	wrdreg s19  }
0xd: {  	s21 =	sadd.s32 $0x5000, s4;
	[dreg:$0x7] =	wrdreg s20  }
0xe: {  	s22 =	sadd.s32 $0x6000, s4;
	[dreg:$0x8] =	wrdreg s21  }
0xf: {  	s23 =	sadd.s32 $0x7000, s4;
	[dreg:$0x9] =	wrdreg s22  }
0x10: {  	s24 =	sadd.s32 $0x8000, s4;
	[dreg:$0xa] =	wrdreg s23  }
0x11: {  	s25 =	sadd.s32 $0x9000, s4;
	[dreg:$0xb] =	wrdreg s24  }
0x12: {  	s26 =	sadd.s32 $0xA000, s4;
	[dreg:$0xc] =	wrdreg s25  }
0x13: {  	s5 =	sadd.s32 $0xB000, s4;
	[dreg:$0xd] =	wrdreg s26  }
0x14: {  	s6 =	sadd.s32 $0xC000, s4;
	[dreg:$0xe] =	wrdreg s5  }
0x15: {  	s7 =	sadd.s32 $0xD000, s4;
	[dreg:$0xf] =	wrdreg s6  }
0x16: {  	s8 =	sadd.s32 $0xE000, s4;
	[dreg:$0x10] =	wrdreg s7  }
0x17: {  	s9 =	sadd.s32 $0xF000, s4;
	[dreg:$0x11] =	wrdreg s8  }
0x18: {  	s10 =	sadd.s32 $0x10000, s4;
	[dreg:$0x12] =	wrdreg s9  }
0x19: {  	s11 =	sadd.s32 $0x11000, s4;
	[dreg:$0x13] =	wrdreg s10  }
0x1a: {  	s12 =	sadd.s32 $0x12000, s4;
	[dreg:$0x14] =	wrdreg s11  }
0x1b: {  	s31 =	simm.s32 $0x800;
	s13 =	sadd.s32 $0x13000, s4;
	[dreg:$0x15] =	wrdreg s12  }
0x1c: {  	s30 =	simm.s32 $0x900;
	s14 =	sadd.s32 $0x14000, s4;
	[dreg:$0x16] =	wrdreg s13  }
0x1d: {  	s28 =	simm.s32 $0xA00;
	s15 =	sadd.s32 $0x15000, s4;
	[dreg:$0x17] =	wrdreg s14  }
0x1e: {  	p0 =	por $0x0, $0x0;
	s16 =	sadd.s32 $0x16000, s4;
	[dreg:$0x18] =	wrdreg s15  }
0x1f: {  	s0 =	ssub.s32 $0x2, s0;
	s17 =	sadd.s32 $0x17000, s4;
	[dreg:$0x19] =	wrdreg s16  }
0x20: {  	s3 =	simm.s32 $0x5;
	s18 =	sshrl.u32 s0, $0x1;
	[dreg:$0x1a] =	wrdreg s17  }
0x21: {  	s19 =	sadd.s32 $0x18000, s4;
	s20 =	sadd.s32 $0x19000, s4;
	s6 =	sadd.s32 $0xE00, s1  }
0x22: {  	s8 =	simm.s32 $0x100;
	s21 =	simm.s32 $0x200;
	s7 =	simm.s32 $0x1A00  }
0x23: {  	s22 =	simm.s32 $0x300;
	s4 =	simm.s32 $0x9A00;
	s23 =	simm.s32 $0x400  }
0x24: {  	s9 =	simm.s32 $0x1;
	s24 =	simm.s32 $0x500;
	s5 =	simm.s32 $0x3  }
0x25: {  	s25 =	simm.s32 $0x600;
	s10 =	simm.s32 $0x2;
	[dreg:$0x1b] =	wrdreg s19  }
0x26: {  	s26 =	simm.s32 $0x700;
	s11 =	simm.s32 $0x4;
	[dreg:$0x1c] =	wrdreg s20  }
0x27: {  	s17 =	simm.s32 $0x1400;
	s16 =	simm.s32 $0x1500;
	[dreg:$0x1d] =	wrdreg s21  }
0x28: {  	s15 =	simm.s32 $0x1600;
	s0 =	ssub.s32 s0, s18;
	[dreg:$0x1e] =	wrdreg s22  }
0x29: {  	s14 =	simm.s32 $0x1700;
	[dreg:$0x1f] =	wrdreg s23;
	s0 =	smax.u32 s0, $0x1  }
0x2a: {  	s13 =	simm.s32 $0x1800;
	[smem:$0x7FB] =	sst s24;
	p1 =	sne.s32 s0, $0x1  }
.Ltmp0:
0x2b: {  	s12 =	simm.s32 $0x1900;
	[smem:$0x7FC] =	sst s25;
	(pc) =	sbr.rel @!p1 .LBB2_3-.Ltmp0, $4  }
0x2c: {  	[smem:$0x7FD] =	sst s26;
	s26 =	simm.s32 $0xB00;
	s25 =	simm.s32 $0xC00  }
0x2d: {  	s24 =	simm.s32 $0xD00;
	s23 =	simm.s32 $0xE00;
	s22 =	simm.s32 $0xF00  }
0x2e: {  	s21 =	simm.s32 $0x1000;
	s20 =	simm.s32 $0x1100;
	s19 =	simm.s32 $0x1200  }
0x2f: {  	s18 =	simm.s32 $0x1300;
	s1 =	sadd.s32 $0xFFFFFFFF, s0;
	s0 =	rddreg [dreg:$0x3]  }
0x30: {  	[tilespmem:s2], [sflag:$0x5] =	stream.linear.gather [hbm4b:s0+s2], $0x1A00, $0x38;
	[tilespmem:$0x11A00] =	vst v63  }
0x31: {  	_ =	swait.ge [sflag:s3], $0x1A00  }
0x32: {  	[sflag:s3] =	ssyncset.done $0x0  }
0x33: {  	[sflag:s3] =	ssyncadd.s32 $0xFFFFE600  }
0x34: {  	[tilespmem:s7], [sflag:$0x1] =	stream.indirect.gather [hbm4b:s6+s8], $0x80, s2, s8, $0xb8;
	[tilespmem:$0x11A00] =	vst v63  }
0x35: {  	_ = 	snop  }
0x36: {  	[tilespmem:s4], [sflag:$0x2] =	stream.indirect.gather [hbm4b:s6+s8], $0x80, s8, s8, $0xb8;
	[tilespmem:$0x11A00] =	vst v63  }
0x37: {  	_ =	swait.ge [sflag:s9], $0x8000  }
0x38: {  	[sflag:s9] =	ssyncset.done $0x0  }
0x39: {  	[sflag:s9] =	ssyncadd.s32 $0xFFFF8000  }
0x3a: {  	[hbm4b:s29+s2] =	stream.linear.scatter [tilespmem:s7], [sflag:$0x3], $0x8000, $0x38;
	[tilespmem:$0x11A00] =	vst v63  }
0x3b: {  	_ =	swait.ge [sflag:s5], $0x8000  }
0x3c: {  	[sflag:s5] =	ssyncset.done $0x0  }
0x3d: {  	s0 =	rddreg [dreg:$0x1d];
	[sflag:s5] =	ssyncadd.s32 $0xFFFF8000  }
0x3e: {  	[tilespmem:s7], [sflag:$0x1] =	stream.indirect.gather [hbm4b:s6+s8], $0x80, s0, s8, $0xb8;
	[tilespmem:$0x11A00] =	vst v63  }
0x3f: {  	_ =	swait.ge [sflag:s10], $0x8000  }
0x40: {  	[sflag:s10] =	ssyncset.done $0x0  }
0x41: {  	s0 =	rddreg [dreg:$0x4];
	[sflag:s10] =	ssyncadd.s32 $0xFFFF8000  }
0x42: {  	[hbm4b:s0+s2] =	stream.linear.scatter [tilespmem:s4], [sflag:$0x4], $0x8000, $0x38;
	[tilespmem:$0x11A00] =	vst v63  }
0x43: {  	_ =	swait.ge [sflag:s11], $0x8000  }
0x44: {  	[sflag:s11] =	ssyncset.done $0x0  }
0x45: {  	s0 =	rddreg [dreg:$0x1e];
	[sflag:s11] =	ssyncadd.s32 $0xFFFF8000  }
0x46: {  	[tilespmem:s4], [sflag:$0x2] =	stream.indirect.gather [hbm4b:s6+s8], $0x80, s0, s8, $0xb8;
	[tilespmem:$0x11A00] =	vst v63  }
0x47: {  	_ =	swait.ge [sflag:s9], $0x8000  }
0x48: {  	[sflag:s9] =	ssyncset.done $0x0  }
0x49: {  	s0 =	rddreg [dreg:$0x5];
	[sflag:s9] =	ssyncadd.s32 $0xFFFF8000  }
0x4a: {  	[hbm4b:s0+s2] =	stream.linear.scatter [tilespmem:s7], [sflag:$0x3], $0x8000, $0x38;
	[tilespmem:$0x11A00] =	vst v63  }
0x4b: {  	_ =	swait.ge [sflag:s5], $0x8000  }
0x4c: {  	[sflag:s5] =	ssyncset.done $0x0  }
0x4d: {  	s0 =	rddreg [dreg:$0x1f];
	[sflag:s5] =	ssyncadd.s32 $0xFFFF8000  }
0x4e: {  	[tilespmem:s7], [sflag:$0x1] =	stream.indirect.gather [hbm4b:s6+s8], $0x80, s0, s8, $0xb8;
	[tilespmem:$0x11A00] =	vst v63  }
0x4f: {  	_ =	swait.ge [sflag:s10], $0x8000  }
0x50: {  	[sflag:s10] =	ssyncset.done $0x0  }
0x51: {  	s0 =	rddreg [dreg:$0x6];
	[sflag:s10] =	ssyncadd.s32 $0xFFFF8000  }
0x52: {  	[hbm4b:s0+s2] =	stream.linear.scatter [tilespmem:s4], [sflag:$0x4], $0x8000, $0x38;
	[tilespmem:$0x11A00] =	vst v63  }
0x53: {  	_ =	swait.ge [sflag:s11], $0x8000  }
0x54: {  	s0 =	sld [smem:$0x7FB]  }
0x55: {  	[sflag:s11] =	ssyncset.done $0x0  }
0x56: {  	[sflag:s11] =	ssyncadd.s32 $0xFFFF8000  }
0x57: {  	[tilespmem:s4], [sflag:$0x2] =	stream.indirect.gather [hbm4b:s6+s8], $0x80, s0, s8, $0xb8;
	[tilespmem:$0x11A00] =	vst v63  }
0x58: {  	_ =	swait.ge [sflag:s9], $0x8000  }
0x59: {  	[sflag:s9] =	ssyncset.done $0x0  }
0x5a: {  	s0 =	rddreg [dreg:$0x7];
	[sflag:s9] =	ssyncadd.s32 $0xFFFF8000  }
0x5b: {  	[hbm4b:s0+s2] =	stream.linear.scatter [tilespmem:s7], [sflag:$0x3], $0x8000, $0x38;
	[tilespmem:$0x11A00] =	vst v63  }
0x5c: {  	_ =	swait.ge [sflag:s5], $0x8000  }
0x5d: {  	s0 =	sld [smem:$0x7FC]  }
0x5e: {  	[sflag:s5] =	ssyncset.done $0x0  }
0x5f: {  	[sflag:s5] =	ssyncadd.s32 $0xFFFF8000  }
0x60: {  	[tilespmem:s7], [sflag:$0x1] =	stream.indirect.gather [hbm4b:s6+s8], $0x80, s0, s8, $0xb8;
	[tilespmem:$0x11A00] =	vst v63  }
0x61: {  	_ =	swait.ge [sflag:s10], $0x8000  }
0x62: {  	[sflag:s10] =	ssyncset.done $0x0  }
0x63: {  	s0 =	rddreg [dreg:$0x8];
	[sflag:s10] =	ssyncadd.s32 $0xFFFF8000  }
0x64: {  	[hbm4b:s0+s2] =	stream.linear.scatter [tilespmem:s4], [sflag:$0x4], $0x8000, $0x38;
	[tilespmem:$0x11A00] =	vst v63  }
0x65: {  	_ =	swait.ge [sflag:s11], $0x8000  }
0x66: {  	s0 =	sld [smem:$0x7FD]  }
0x67: {  	[sflag:s11] =	ssyncset.done $0x0  }
0x68: {  	[sflag:s11] =	ssyncadd.s32 $0xFFFF8000  }
0x69: {  	[tilespmem:s4], [sflag:$0x2] =	stream.indirect.gather [hbm4b:s6+s8], $0x80, s0, s8, $0xb8;
	[tilespmem:$0x11A00] =	vst v63  }
0x6a: {  	_ =	swait.ge [sflag:s9], $0x8000  }
0x6b: {  	[sflag:s9] =	ssyncset.done $0x0  }
0x6c: {  	s0 =	rddreg [dreg:$0x9];
	[sflag:s9] =	ssyncadd.s32 $0xFFFF8000  }
0x6d: {  	[hbm4b:s0+s2] =	stream.linear.scatter [tilespmem:s7], [sflag:$0x3], $0x8000, $0x38;
	[tilespmem:$0x11A00] =	vst v63  }
0x6e: {  	_ =	swait.ge [sflag:s5], $0x8000  }
0x6f: {  	[sflag:s5] =	ssyncset.done $0x0  }
0x70: {  	[sflag:s5] =	ssyncadd.s32 $0xFFFF8000  }
0x71: {  	[tilespmem:s7], [sflag:$0x1] =	stream.indirect.gather [hbm4b:s6+s8], $0x80, s31, s8, $0xb8;
	[tilespmem:$0x11A00] =	vst v63  }
0x72: {  	_ =	swait.ge [sflag:s10], $0x8000  }
0x73: {  	[sflag:s10] =	ssyncset.done $0x0  }
0x74: {  	s0 =	rddreg [dreg:$0xa];
	[sflag:s10] =	ssyncadd.s32 $0xFFFF8000  }
0x75: {  	[hbm4b:s0+s2] =	stream.linear.scatter [tilespmem:s4], [sflag:$0x4], $0x8000, $0x38;
	[tilespmem:$0x11A00] =	vst v63  }
0x76: {  	_ =	swait.ge [sflag:s11], $0x8000  }
0x77: {  	[sflag:s11] =	ssyncset.done $0x0  }
0x78: {  	[sflag:s11] =	ssyncadd.s32 $0xFFFF8000  }
0x79: {  	[tilespmem:s4], [sflag:$0x2] =	stream.indirect.gather [hbm4b:s6+s8], $0x80, s30, s8, $0xb8;
	[tilespmem:$0x11A00] =	vst v63  }
0x7a: {  	_ =	swait.ge [sflag:s9], $0x8000  }
0x7b: {  	[sflag:s9] =	ssyncset.done $0x0  }
0x7c: {  	s0 =	rddreg [dreg:$0xb];
	[sflag:s9] =	ssyncadd.s32 $0xFFFF8000  }
0x7d: {  	[hbm4b:s0+s2] =	stream.linear.scatter [tilespmem:s7], [sflag:$0x3], $0x8000, $0x38;
	[tilespmem:$0x11A00] =	vst v63  }
0x7e: {  	_ =	swait.ge [sflag:s5], $0x8000  }
0x7f: {  	[sflag:s5] =	ssyncset.done $0x0  }
0x80: {  	[sflag:s5] =	ssyncadd.s32 $0xFFFF8000  }
0x81: {  	[tilespmem:s7], [sflag:$0x1] =	stream.indirect.gather [hbm4b:s6+s8], $0x80, s28, s8, $0xb8;
	[tilespmem:$0x11A00] =	vst v63  }
0x82: {  	_ =	swait.ge [sflag:s10], $0x8000  }
0x83: {  	[sflag:s10] =	ssyncset.done $0x0  }
0x84: {  	s0 =	rddreg [dreg:$0xc];
	[sflag:s10] =	ssyncadd.s32 $0xFFFF8000  }
0x85: {  	[hbm4b:s0+s2] =	stream.linear.scatter [tilespmem:s4], [sflag:$0x4], $0x8000, $0x38;
	[tilespmem:$0x11A00] =	vst v63  }
0x86: {  	_ =	swait.ge [sflag:s11], $0x8000  }
0x87: {  	[sflag:s11] =	ssyncset.done $0x0  }
0x88: {  	[sflag:s11] =	ssyncadd.s32 $0xFFFF8000  }
0x89: {  	[tilespmem:s4], [sflag:$0x2] =	stream.indirect.gather [hbm4b:s6+s8], $0x80, s26, s8, $0xb8;
	[tilespmem:$0x11A00] =	vst v63  }
0x8a: {  	_ =	swait.ge [sflag:s9], $0x8000  }
0x8b: {  	[sflag:s9] =	ssyncset.done $0x0  }
0x8c: {  	s0 =	rddreg [dreg:$0xd];
	[sflag:s9] =	ssyncadd.s32 $0xFFFF8000  }
0x8d: {  	[hbm4b:s0+s2] =	stream.linear.scatter [tilespmem:s7], [sflag:$0x3], $0x8000, $0x38;
	[tilespmem:$0x11A00] =	vst v63  }
0x8e: {  	_ =	swait.ge [sflag:s5], $0x8000  }
0x8f: {  	[sflag:s5] =	ssyncset.done $0x0  }
0x90: {  	[sflag:s5] =	ssyncadd.s32 $0xFFFF8000  }
0x91: {  	[tilespmem:s7], [sflag:$0x1] =	stream.indirect.gather [hbm4b:s6+s8], $0x80, s25, s8, $0xb8;
	[tilespmem:$0x11A00] =	vst v63  }
0x92: {  	_ =	swait.ge [sflag:s10], $0x8000  }
0x93: {  	[sflag:s10] =	ssyncset.done $0x0  }
0x94: {  	s0 =	rddreg [dreg:$0xe];
	[sflag:s10] =	ssyncadd.s32 $0xFFFF8000  }
0x95: {  	[hbm4b:s0+s2] =	stream.linear.scatter [tilespmem:s4], [sflag:$0x4], $0x8000, $0x38;
	[tilespmem:$0x11A00] =	vst v63  }
0x96: {  	_ =	swait.ge [sflag:s11], $0x8000  }
0x97: {  	[sflag:s11] =	ssyncset.done $0x0  }
0x98: {  	[sflag:s11] =	ssyncadd.s32 $0xFFFF8000  }
0x99: {  	[tilespmem:s4], [sflag:$0x2] =	stream.indirect.gather [hbm4b:s6+s8], $0x80, s24, s8, $0xb8;
	[tilespmem:$0x11A00] =	vst v63  }
0x9a: {  	_ =	swait.ge [sflag:s9], $0x8000  }
0x9b: {  	[sflag:s9] =	ssyncset.done $0x0  }
0x9c: {  	s0 =	rddreg [dreg:$0xf];
	[sflag:s9] =	ssyncadd.s32 $0xFFFF8000  }
0x9d: {  	[hbm4b:s0+s2] =	stream.linear.scatter [tilespmem:s7], [sflag:$0x3], $0x8000, $0x38;
	[tilespmem:$0x11A00] =	vst v63  }
0x9e: {  	_ =	swait.ge [sflag:s5], $0x8000  }
0x9f: {  	[sflag:s5] =	ssyncset.done $0x0  }
0xa0: {  	[sflag:s5] =	ssyncadd.s32 $0xFFFF8000  }
0xa1: {  	[tilespmem:s7], [sflag:$0x1] =	stream.indirect.gather [hbm4b:s6+s8], $0x80, s23, s8, $0xb8;
	[tilespmem:$0x11A00] =	vst v63  }
0xa2: {  	_ =	swait.ge [sflag:s10], $0x8000  }
0xa3: {  	[sflag:s10] =	ssyncset.done $0x0  }
0xa4: {  	s0 =	rddreg [dreg:$0x10];
	[sflag:s10] =	ssyncadd.s32 $0xFFFF8000  }
0xa5: {  	[hbm4b:s0+s2] =	stream.linear.scatter [tilespmem:s4], [sflag:$0x4], $0x8000, $0x38;
	[tilespmem:$0x11A00] =	vst v63  }
0xa6: {  	_ =	swait.ge [sflag:s11], $0x8000  }
0xa7: {  	[sflag:s11] =	ssyncset.done $0x0  }
0xa8: {  	[sflag:s11] =	ssyncadd.s32 $0xFFFF8000  }
0xa9: {  	[tilespmem:s4], [sflag:$0x2] =	stream.indirect.gather [hbm4b:s6+s8], $0x80, s22, s8, $0xb8;
	[tilespmem:$0x11A00] =	vst v63  }
0xaa: {  	_ =	swait.ge [sflag:s9], $0x8000  }
0xab: {  	[sflag:s9] =	ssyncset.done $0x0  }
0xac: {  	s0 =	rddreg [dreg:$0x11];
	[sflag:s9] =	ssyncadd.s32 $0xFFFF8000  }
0xad: {  	[hbm4b:s0+s2] =	stream.linear.scatter [tilespmem:s7], [sflag:$0x3], $0x8000, $0x38;
	[tilespmem:$0x11A00] =	vst v63  }
0xae: {  	_ =	swait.ge [sflag:s5], $0x8000  }
0xaf: {  	[sflag:s5] =	ssyncset.done $0x0  }
0xb0: {  	[sflag:s5] =	ssyncadd.s32 $0xFFFF8000  }
0xb1: {  	[tilespmem:s7], [sflag:$0x1] =	stream.indirect.gather [hbm4b:s6+s8], $0x80, s21, s8, $0xb8;
	[tilespmem:$0x11A00] =	vst v63  }
0xb2: {  	_ =	swait.ge [sflag:s10], $0x8000  }
0xb3: {  	[sflag:s10] =	ssyncset.done $0x0  }
0xb4: {  	s0 =	rddreg [dreg:$0x12];
	[sflag:s10] =	ssyncadd.s32 $0xFFFF8000  }
0xb5: {  	[hbm4b:s0+s2] =	stream.linear.scatter [tilespmem:s4], [sflag:$0x4], $0x8000, $0x38;
	[tilespmem:$0x11A00] =	vst v63  }
0xb6: {  	_ =	swait.ge [sflag:s11], $0x8000  }
0xb7: {  	[sflag:s11] =	ssyncset.done $0x0  }
0xb8: {  	[sflag:s11] =	ssyncadd.s32 $0xFFFF8000  }
0xb9: {  	[tilespmem:s4], [sflag:$0x2] =	stream.indirect.gather [hbm4b:s6+s8], $0x80, s20, s8, $0xb8;
	[tilespmem:$0x11A00] =	vst v63  }
0xba: {  	_ =	swait.ge [sflag:s9], $0x8000  }
0xbb: {  	[sflag:s9] =	ssyncset.done $0x0  }
0xbc: {  	s0 =	rddreg [dreg:$0x13];
	[sflag:s9] =	ssyncadd.s32 $0xFFFF8000  }
0xbd: {  	[hbm4b:s0+s2] =	stream.linear.scatter [tilespmem:s7], [sflag:$0x3], $0x8000, $0x38;
	[tilespmem:$0x11A00] =	vst v63  }
0xbe: {  	_ =	swait.ge [sflag:s5], $0x8000  }
0xbf: {  	[sflag:s5] =	ssyncset.done $0x0  }
0xc0: {  	[sflag:s5] =	ssyncadd.s32 $0xFFFF8000  }
0xc1: {  	[tilespmem:s7], [sflag:$0x1] =	stream.indirect.gather [hbm4b:s6+s8], $0x80, s19, s8, $0xb8;
	[tilespmem:$0x11A00] =	vst v63  }
0xc2: {  	_ =	swait.ge [sflag:s10], $0x8000  }
0xc3: {  	[sflag:s10] =	ssyncset.done $0x0  }
0xc4: {  	s0 =	rddreg [dreg:$0x14];
	[sflag:s10] =	ssyncadd.s32 $0xFFFF8000  }
0xc5: {  	[hbm4b:s0+s2] =	stream.linear.scatter [tilespmem:s4], [sflag:$0x4], $0x8000, $0x38;
	[tilespmem:$0x11A00] =	vst v63  }
0xc6: {  	_ =	swait.ge [sflag:s11], $0x8000  }
0xc7: {  	[sflag:s11] =	ssyncset.done $0x0  }
0xc8: {  	[sflag:s11] =	ssyncadd.s32 $0xFFFF8000  }
0xc9: {  	[tilespmem:s4], [sflag:$0x2] =	stream.indirect.gather [hbm4b:s6+s8], $0x80, s18, s8, $0xb8;
	[tilespmem:$0x11A00] =	vst v63  }
0xca: {  	_ =	swait.ge [sflag:s9], $0x8000  }
0xcb: {  	[sflag:s9] =	ssyncset.done $0x0  }
0xcc: {  	s0 =	rddreg [dreg:$0x15];
	[sflag:s9] =	ssyncadd.s32 $0xFFFF8000  }
0xcd: {  	[hbm4b:s0+s2] =	stream.linear.scatter [tilespmem:s7], [sflag:$0x3], $0x8000, $0x38;
	[tilespmem:$0x11A00] =	vst v63  }
0xce: {  	_ =	swait.ge [sflag:s5], $0x8000  }
0xcf: {  	[sflag:s5] =	ssyncset.done $0x0  }
0xd0: {  	[sflag:s5] =	ssyncadd.s32 $0xFFFF8000  }
0xd1: {  	[tilespmem:s7], [sflag:$0x1] =	stream.indirect.gather [hbm4b:s6+s8], $0x80, s17, s8, $0xb8;
	[tilespmem:$0x11A00] =	vst v63  }
0xd2: {  	_ =	swait.ge [sflag:s10], $0x8000  }
0xd3: {  	[sflag:s10] =	ssyncset.done $0x0  }
0xd4: {  	s0 =	rddreg [dreg:$0x16];
	[sflag:s10] =	ssyncadd.s32 $0xFFFF8000  }
0xd5: {  	[hbm4b:s0+s2] =	stream.linear.scatter [tilespmem:s4], [sflag:$0x4], $0x8000, $0x38;
	[tilespmem:$0x11A00] =	vst v63  }
0xd6: {  	_ =	swait.ge [sflag:s11], $0x8000  }
0xd7: {  	[sflag:s11] =	ssyncset.done $0x0  }
0xd8: {  	[sflag:s11] =	ssyncadd.s32 $0xFFFF8000  }
0xd9: {  	[tilespmem:s4], [sflag:$0x2] =	stream.indirect.gather [hbm4b:s6+s8], $0x80, s16, s8, $0xb8;
	[tilespmem:$0x11A00] =	vst v63  }
0xda: {  	_ =	swait.ge [sflag:s9], $0x8000  }
0xdb: {  	[sflag:s9] =	ssyncset.done $0x0  }
0xdc: {  	s0 =	rddreg [dreg:$0x17];
	[sflag:s9] =	ssyncadd.s32 $0xFFFF8000  }
0xdd: {  	[hbm4b:s0+s2] =	stream.linear.scatter [tilespmem:s7], [sflag:$0x3], $0x8000, $0x38;
	[tilespmem:$0x11A00] =	vst v63  }
0xde: {  	_ =	swait.ge [sflag:s5], $0x8000  }
0xdf: {  	[sflag:s5] =	ssyncset.done $0x0  }
0xe0: {  	[sflag:s5] =	ssyncadd.s32 $0xFFFF8000  }
0xe1: {  	[tilespmem:s7], [sflag:$0x1] =	stream.indirect.gather [hbm4b:s6+s8], $0x80, s15, s8, $0xb8;
	[tilespmem:$0x11A00] =	vst v63  }
0xe2: {  	_ =	swait.ge [sflag:s10], $0x8000  }
0xe3: {  	[sflag:s10] =	ssyncset.done $0x0  }
0xe4: {  	s0 =	rddreg [dreg:$0x18];
	[sflag:s10] =	ssyncadd.s32 $0xFFFF8000  }
0xe5: {  	[hbm4b:s0+s2] =	stream.linear.scatter [tilespmem:s4], [sflag:$0x4], $0x8000, $0x38;
	[tilespmem:$0x11A00] =	vst v63  }
0xe6: {  	_ =	swait.ge [sflag:s11], $0x8000  }
0xe7: {  	[sflag:s11] =	ssyncset.done $0x0  }
0xe8: {  	[sflag:s11] =	ssyncadd.s32 $0xFFFF8000  }
0xe9: {  	[tilespmem:s4], [sflag:$0x2] =	stream.indirect.gather [hbm4b:s6+s8], $0x80, s14, s8, $0xb8;
	[tilespmem:$0x11A00] =	vst v63  }
0xea: {  	_ =	swait.ge [sflag:s9], $0x8000  }
0xeb: {  	[sflag:s9] =	ssyncset.done $0x0  }
0xec: {  	s0 =	rddreg [dreg:$0x19];
	[sflag:s9] =	ssyncadd.s32 $0xFFFF8000  }
0xed: {  	[hbm4b:s0+s2] =	stream.linear.scatter [tilespmem:s7], [sflag:$0x3], $0x8000, $0x38;
	[tilespmem:$0x11A00] =	vst v63  }
0xee: {  	_ =	swait.ge [sflag:s5], $0x8000  }
0xef: {  	[sflag:s5] =	ssyncset.done $0x0  }
0xf0: {  	[sflag:s5] =	ssyncadd.s32 $0xFFFF8000  }
0xf1: {  	[tilespmem:s7], [sflag:$0x1] =	stream.indirect.gather [hbm4b:s6+s8], $0x80, s13, s8, $0xb8;
	[tilespmem:$0x11A00] =	vst v63  }
0xf2: {  	_ =	swait.ge [sflag:s10], $0x8000  }
0xf3: {  	[sflag:s10] =	ssyncset.done $0x0  }
0xf4: {  	s0 =	rddreg [dreg:$0x1a];
	[sflag:s10] =	ssyncadd.s32 $0xFFFF8000  }
0xf5: {  	[hbm4b:s0+s2] =	stream.linear.scatter [tilespmem:s4], [sflag:$0x4], $0x8000, $0x38;
	[tilespmem:$0x11A00] =	vst v63  }
0xf6: {  	_ =	swait.ge [sflag:s11], $0x8000  }
0xf7: {  	[sflag:s11] =	ssyncset.done $0x0  }
0xf8: {  	[sflag:s11] =	ssyncadd.s32 $0xFFFF8000  }
0xf9: {  	[tilespmem:s4], [sflag:$0x2] =	stream.indirect.gather [hbm4b:s6+s8], $0x80, s12, s8, $0xb8;
	[tilespmem:$0x11A00] =	vst v63  }
0xfa: {  	_ =	swait.ge [sflag:s9], $0x8000  }
0xfb: {  	[sflag:s9] =	ssyncset.done $0x0  }
0xfc: {  	s0 =	rddreg [dreg:$0x1b];
	[sflag:s9] =	ssyncadd.s32 $0xFFFF8000  }
0xfd: {  	[hbm4b:s0+s2] =	stream.linear.scatter [tilespmem:s7], [sflag:$0x3], $0x8000, $0x38;
	[tilespmem:$0x11A00] =	vst v63  }
0xfe: {  	_ =	swait.ge [sflag:s10], $0x8000  }
0xff: {  	[sflag:s10] =	ssyncset.done $0x0  }
0x100: {  	p1 =	sne.s32 s1, $0x1;
	s0 =	rddreg [dreg:$0x1c];
	[sflag:s10] =	ssyncadd.s32 $0xFFFF8000  }
0x101: {  	[hbm4b:s0+s2] =	stream.linear.scatter [tilespmem:s4], [sflag:$0x5], $0x8000, $0x38;
	[tilespmem:$0x11A00] =	vst v63  }
.Ltmp1:
0x102: {  	_ =	swait.ge [sflag:s3], $0x8000;
	(pc) =	sbr.rel @!p1 .LBB2_3-.Ltmp1, $4  }
0x103: {  	[sflag:s3] =	ssyncset.done $0x0  }
0x104: {  	[sflag:s3] =	ssyncadd.s32 $0xFFFF8000  }
0x105: {  	s1 =	sadd.s32 $0xFFFFFFFF, s1;
	_ =	swait.ge [sflag:s5], $0x8000  }
0x106: {  	p0 =	por $0x1, $0x1;
	s0 =	rddreg [dreg:$0x3];
	[sflag:s5] =	ssyncset.done $0x0  }
.LBB2_2:
0x107: {  	[sflag:s5] =	ssyncadd.s32 $0xFFFF8000  }
0x108: {  	[tilespmem:s2], [sflag:$0x5] =	stream.linear.gather [hbm4b:s0+s2], $0x1A00, $0x38;
	[tilespmem:$0x11A00] =	vst v63  }
0x109: {  	_ =	swait.ge [sflag:s3], $0x1A00  }
0x10a: {  	[sflag:s3] =	ssyncset.done $0x0  }
0x10b: {  	[sflag:s3] =	ssyncadd.s32 $0xFFFFE600  }
0x10c: {  	[tilespmem:s7], [sflag:$0x1] =	stream.indirect.gather [hbm4b:s6+s8], $0x80, s2, s8, $0xb8;
	[tilespmem:$0x11A00] =	vst v63  }
0x10d: {  	_ = 	snop  }
0x10e: {  	[tilespmem:s4], [sflag:$0x2] =	stream.indirect.gather [hbm4b:s6+s8], $0x80, s8, s8, $0xb8;
	[tilespmem:$0x11A00] =	vst v63  }
0x10f: {  	_ =	swait.ge [sflag:s9], $0x8000  }
0x110: {  	[sflag:s9] =	ssyncset.done $0x0  }
0x111: {  	[sflag:s9] =	ssyncadd.s32 $0xFFFF8000  }
0x112: {  	[hbm4b:s29+s2] =	stream.linear.scatter [tilespmem:s7], [sflag:$0x3], $0x8000, $0x38;
	[tilespmem:$0x11A00] =	vst v63  }
0x113: {  	_ =	swait.ge [sflag:s5], $0x8000  }
0x114: {  	[sflag:s5] =	ssyncset.done $0x0  }
0x115: {  	s0 =	rddreg [dreg:$0x1d];
	[sflag:s5] =	ssyncadd.s32 $0xFFFF8000  }
0x116: {  	[tilespmem:s7], [sflag:$0x1] =	stream.indirect.gather [hbm4b:s6+s8], $0x80, s0, s8, $0xb8;
	[tilespmem:$0x11A00] =	vst v63  }
0x117: {  	_ =	swait.ge [sflag:s10], $0x8000  }
0x118: {  	[sflag:s10] =	ssyncset.done $0x0  }
0x119: {  	s0 =	rddreg [dreg:$0x4];
	[sflag:s10] =	ssyncadd.s32 $0xFFFF8000  }
0x11a: {  	[hbm4b:s0+s2] =	stream.linear.scatter [tilespmem:s4], [sflag:$0x4], $0x8000, $0x38;
	[tilespmem:$0x11A00] =	vst v63  }
0x11b: {  	_ =	swait.ge [sflag:s11], $0x8000  }
0x11c: {  	[sflag:s11] =	ssyncset.done $0x0  }
0x11d: {  	s0 =	rddreg [dreg:$0x1e];
	[sflag:s11] =	ssyncadd.s32 $0xFFFF8000  }
0x11e: {  	[tilespmem:s4], [sflag:$0x2] =	stream.indirect.gather [hbm4b:s6+s8], $0x80, s0, s8, $0xb8;
	[tilespmem:$0x11A00] =	vst v63  }
0x11f: {  	_ =	swait.ge [sflag:s9], $0x8000  }
0x120: {  	[sflag:s9] =	ssyncset.done $0x0  }
0x121: {  	s0 =	rddreg [dreg:$0x5];
	[sflag:s9] =	ssyncadd.s32 $0xFFFF8000  }
0x122: {  	[hbm4b:s0+s2] =	stream.linear.scatter [tilespmem:s7], [sflag:$0x3], $0x8000, $0x38;
	[tilespmem:$0x11A00] =	vst v63  }
0x123: {  	_ =	swait.ge [sflag:s5], $0x8000  }
0x124: {  	[sflag:s5] =	ssyncset.done $0x0  }
0x125: {  	s0 =	rddreg [dreg:$0x1f];
	[sflag:s5] =	ssyncadd.s32 $0xFFFF8000  }
0x126: {  	[tilespmem:s7], [sflag:$0x1] =	stream.indirect.gather [hbm4b:s6+s8], $0x80, s0, s8, $0xb8;
	[tilespmem:$0x11A00] =	vst v63  }
0x127: {  	_ =	swait.ge [sflag:s10], $0x8000  }
0x128: {  	[sflag:s10] =	ssyncset.done $0x0  }
0x129: {  	s0 =	rddreg [dreg:$0x6];
	[sflag:s10] =	ssyncadd.s32 $0xFFFF8000  }
0x12a: {  	[hbm4b:s0+s2] =	stream.linear.scatter [tilespmem:s4], [sflag:$0x4], $0x8000, $0x38;
	[tilespmem:$0x11A00] =	vst v63  }
0x12b: {  	_ =	swait.ge [sflag:s11], $0x8000  }
0x12c: {  	s0 =	sld [smem:$0x7FB]  }
0x12d: {  	[sflag:s11] =	ssyncset.done $0x0  }
0x12e: {  	[sflag:s11] =	ssyncadd.s32 $0xFFFF8000  }
0x12f: {  	[tilespmem:s4], [sflag:$0x2] =	stream.indirect.gather [hbm4b:s6+s8], $0x80, s0, s8, $0xb8;
	[tilespmem:$0x11A00] =	vst v63  }
0x130: {  	_ =	swait.ge [sflag:s9], $0x8000  }
0x131: {  	[sflag:s9] =	ssyncset.done $0x0  }
0x132: {  	s0 =	rddreg [dreg:$0x7];
	[sflag:s9] =	ssyncadd.s32 $0xFFFF8000  }
0x133: {  	[hbm4b:s0+s2] =	stream.linear.scatter [tilespmem:s7], [sflag:$0x3], $0x8000, $0x38;
	[tilespmem:$0x11A00] =	vst v63  }
0x134: {  	_ =	swait.ge [sflag:s5], $0x8000  }
0x135: {  	s0 =	sld [smem:$0x7FC]  }
0x136: {  	[sflag:s5] =	ssyncset.done $0x0  }
0x137: {  	[sflag:s5] =	ssyncadd.s32 $0xFFFF8000  }
0x138: {  	[tilespmem:s7], [sflag:$0x1] =	stream.indirect.gather [hbm4b:s6+s8], $0x80, s0, s8, $0xb8;
	[tilespmem:$0x11A00] =	vst v63  }
0x139: {  	_ =	swait.ge [sflag:s10], $0x8000  }
0x13a: {  	[sflag:s10] =	ssyncset.done $0x0  }
0x13b: {  	s0 =	rddreg [dreg:$0x8];
	[sflag:s10] =	ssyncadd.s32 $0xFFFF8000  }
0x13c: {  	[hbm4b:s0+s2] =	stream.linear.scatter [tilespmem:s4], [sflag:$0x4], $0x8000, $0x38;
	[tilespmem:$0x11A00] =	vst v63  }
0x13d: {  	_ =	swait.ge [sflag:s11], $0x8000  }
0x13e: {  	s0 =	sld [smem:$0x7FD]  }
0x13f: {  	[sflag:s11] =	ssyncset.done $0x0  }
0x140: {  	[sflag:s11] =	ssyncadd.s32 $0xFFFF8000  }
0x141: {  	[tilespmem:s4], [sflag:$0x2] =	stream.indirect.gather [hbm4b:s6+s8], $0x80, s0, s8, $0xb8;
	[tilespmem:$0x11A00] =	vst v63  }
0x142: {  	_ =	swait.ge [sflag:s9], $0x8000  }
0x143: {  	[sflag:s9] =	ssyncset.done $0x0  }
0x144: {  	s0 =	rddreg [dreg:$0x9];
	[sflag:s9] =	ssyncadd.s32 $0xFFFF8000  }
0x145: {  	[hbm4b:s0+s2] =	stream.linear.scatter [tilespmem:s7], [sflag:$0x3], $0x8000, $0x38;
	[tilespmem:$0x11A00] =	vst v63  }
0x146: {  	_ =	swait.ge [sflag:s5], $0x8000  }
0x147: {  	[sflag:s5] =	ssyncset.done $0x0  }
0x148: {  	[sflag:s5] =	ssyncadd.s32 $0xFFFF8000  }
0x149: {  	[tilespmem:s7], [sflag:$0x1] =	stream.indirect.gather [hbm4b:s6+s8], $0x80, s31, s8, $0xb8;
	[tilespmem:$0x11A00] =	vst v63  }
0x14a: {  	_ =	swait.ge [sflag:s10], $0x8000  }
0x14b: {  	[sflag:s10] =	ssyncset.done $0x0  }
0x14c: {  	s0 =	rddreg [dreg:$0xa];
	[sflag:s10] =	ssyncadd.s32 $0xFFFF8000  }
0x14d: {  	[hbm4b:s0+s2] =	stream.linear.scatter [tilespmem:s4], [sflag:$0x4], $0x8000, $0x38;
	[tilespmem:$0x11A00] =	vst v63  }
0x14e: {  	_ =	swait.ge [sflag:s11], $0x8000  }
0x14f: {  	[sflag:s11] =	ssyncset.done $0x0  }
0x150: {  	[sflag:s11] =	ssyncadd.s32 $0xFFFF8000  }
0x151: {  	[tilespmem:s4], [sflag:$0x2] =	stream.indirect.gather [hbm4b:s6+s8], $0x80, s30, s8, $0xb8;
	[tilespmem:$0x11A00] =	vst v63  }
0x152: {  	_ =	swait.ge [sflag:s9], $0x8000  }
0x153: {  	[sflag:s9] =	ssyncset.done $0x0  }
0x154: {  	s0 =	rddreg [dreg:$0xb];
	[sflag:s9] =	ssyncadd.s32 $0xFFFF8000  }
0x155: {  	[hbm4b:s0+s2] =	stream.linear.scatter [tilespmem:s7], [sflag:$0x3], $0x8000, $0x38;
	[tilespmem:$0x11A00] =	vst v63  }
0x156: {  	_ =	swait.ge [sflag:s5], $0x8000  }
0x157: {  	[sflag:s5] =	ssyncset.done $0x0  }
0x158: {  	[sflag:s5] =	ssyncadd.s32 $0xFFFF8000  }
0x159: {  	[tilespmem:s7], [sflag:$0x1] =	stream.indirect.gather [hbm4b:s6+s8], $0x80, s28, s8, $0xb8;
	[tilespmem:$0x11A00] =	vst v63  }
0x15a: {  	_ =	swait.ge [sflag:s10], $0x8000  }
0x15b: {  	[sflag:s10] =	ssyncset.done $0x0  }
0x15c: {  	s0 =	rddreg [dreg:$0xc];
	[sflag:s10] =	ssyncadd.s32 $0xFFFF8000  }
0x15d: {  	[hbm4b:s0+s2] =	stream.linear.scatter [tilespmem:s4], [sflag:$0x4], $0x8000, $0x38;
	[tilespmem:$0x11A00] =	vst v63  }
0x15e: {  	_ =	swait.ge [sflag:s11], $0x8000  }
0x15f: {  	[sflag:s11] =	ssyncset.done $0x0  }
0x160: {  	[sflag:s11] =	ssyncadd.s32 $0xFFFF8000  }
0x161: {  	[tilespmem:s4], [sflag:$0x2] =	stream.indirect.gather [hbm4b:s6+s8], $0x80, s26, s8, $0xb8;
	[tilespmem:$0x11A00] =	vst v63  }
0x162: {  	_ =	swait.ge [sflag:s9], $0x8000  }
0x163: {  	[sflag:s9] =	ssyncset.done $0x0  }
0x164: {  	s0 =	rddreg [dreg:$0xd];
	[sflag:s9] =	ssyncadd.s32 $0xFFFF8000  }
0x165: {  	[hbm4b:s0+s2] =	stream.linear.scatter [tilespmem:s7], [sflag:$0x3], $0x8000, $0x38;
	[tilespmem:$0x11A00] =	vst v63  }
0x166: {  	_ =	swait.ge [sflag:s5], $0x8000  }
0x167: {  	[sflag:s5] =	ssyncset.done $0x0  }
0x168: {  	[sflag:s5] =	ssyncadd.s32 $0xFFFF8000  }
0x169: {  	[tilespmem:s7], [sflag:$0x1] =	stream.indirect.gather [hbm4b:s6+s8], $0x80, s25, s8, $0xb8;
	[tilespmem:$0x11A00] =	vst v63  }
0x16a: {  	_ =	swait.ge [sflag:s10], $0x8000  }
0x16b: {  	[sflag:s10] =	ssyncset.done $0x0  }
0x16c: {  	s0 =	rddreg [dreg:$0xe];
	[sflag:s10] =	ssyncadd.s32 $0xFFFF8000  }
0x16d: {  	[hbm4b:s0+s2] =	stream.linear.scatter [tilespmem:s4], [sflag:$0x4], $0x8000, $0x38;
	[tilespmem:$0x11A00] =	vst v63  }
0x16e: {  	_ =	swait.ge [sflag:s11], $0x8000  }
0x16f: {  	[sflag:s11] =	ssyncset.done $0x0  }
0x170: {  	[sflag:s11] =	ssyncadd.s32 $0xFFFF8000  }
0x171: {  	[tilespmem:s4], [sflag:$0x2] =	stream.indirect.gather [hbm4b:s6+s8], $0x80, s24, s8, $0xb8;
	[tilespmem:$0x11A00] =	vst v63  }
0x172: {  	_ =	swait.ge [sflag:s9], $0x8000  }
0x173: {  	[sflag:s9] =	ssyncset.done $0x0  }
0x174: {  	s0 =	rddreg [dreg:$0xf];
	[sflag:s9] =	ssyncadd.s32 $0xFFFF8000  }
0x175: {  	[hbm4b:s0+s2] =	stream.linear.scatter [tilespmem:s7], [sflag:$0x3], $0x8000, $0x38;
	[tilespmem:$0x11A00] =	vst v63  }
0x176: {  	_ =	swait.ge [sflag:s5], $0x8000  }
0x177: {  	[sflag:s5] =	ssyncset.done $0x0  }
0x178: {  	[sflag:s5] =	ssyncadd.s32 $0xFFFF8000  }
0x179: {  	[tilespmem:s7], [sflag:$0x1] =	stream.indirect.gather [hbm4b:s6+s8], $0x80, s23, s8, $0xb8;
	[tilespmem:$0x11A00] =	vst v63  }
0x17a: {  	_ =	swait.ge [sflag:s10], $0x8000  }
0x17b: {  	[sflag:s10] =	ssyncset.done $0x0  }
0x17c: {  	s0 =	rddreg [dreg:$0x10];
	[sflag:s10] =	ssyncadd.s32 $0xFFFF8000  }
0x17d: {  	[hbm4b:s0+s2] =	stream.linear.scatter [tilespmem:s4], [sflag:$0x4], $0x8000, $0x38;
	[tilespmem:$0x11A00] =	vst v63  }
0x17e: {  	_ =	swait.ge [sflag:s11], $0x8000  }
0x17f: {  	[sflag:s11] =	ssyncset.done $0x0  }
0x180: {  	[sflag:s11] =	ssyncadd.s32 $0xFFFF8000  }
0x181: {  	[tilespmem:s4], [sflag:$0x2] =	stream.indirect.gather [hbm4b:s6+s8], $0x80, s22, s8, $0xb8;
	[tilespmem:$0x11A00] =	vst v63  }
0x182: {  	_ =	swait.ge [sflag:s9], $0x8000  }
0x183: {  	[sflag:s9] =	ssyncset.done $0x0  }
0x184: {  	s0 =	rddreg [dreg:$0x11];
	[sflag:s9] =	ssyncadd.s32 $0xFFFF8000  }
0x185: {  	[hbm4b:s0+s2] =	stream.linear.scatter [tilespmem:s7], [sflag:$0x3], $0x8000, $0x38;
	[tilespmem:$0x11A00] =	vst v63  }
0x186: {  	_ =	swait.ge [sflag:s5], $0x8000  }
0x187: {  	[sflag:s5] =	ssyncset.done $0x0  }
0x188: {  	[sflag:s5] =	ssyncadd.s32 $0xFFFF8000  }
0x189: {  	[tilespmem:s7], [sflag:$0x1] =	stream.indirect.gather [hbm4b:s6+s8], $0x80, s21, s8, $0xb8;
	[tilespmem:$0x11A00] =	vst v63  }
0x18a: {  	_ =	swait.ge [sflag:s10], $0x8000  }
0x18b: {  	[sflag:s10] =	ssyncset.done $0x0  }
0x18c: {  	s0 =	rddreg [dreg:$0x12];
	[sflag:s10] =	ssyncadd.s32 $0xFFFF8000  }
0x18d: {  	[hbm4b:s0+s2] =	stream.linear.scatter [tilespmem:s4], [sflag:$0x4], $0x8000, $0x38;
	[tilespmem:$0x11A00] =	vst v63  }
0x18e: {  	_ =	swait.ge [sflag:s11], $0x8000  }
0x18f: {  	[sflag:s11] =	ssyncset.done $0x0  }
0x190: {  	[sflag:s11] =	ssyncadd.s32 $0xFFFF8000  }
0x191: {  	[tilespmem:s4], [sflag:$0x2] =	stream.indirect.gather [hbm4b:s6+s8], $0x80, s20, s8, $0xb8;
	[tilespmem:$0x11A00] =	vst v63  }
0x192: {  	_ =	swait.ge [sflag:s9], $0x8000  }
0x193: {  	[sflag:s9] =	ssyncset.done $0x0  }
0x194: {  	s0 =	rddreg [dreg:$0x13];
	[sflag:s9] =	ssyncadd.s32 $0xFFFF8000  }
0x195: {  	[hbm4b:s0+s2] =	stream.linear.scatter [tilespmem:s7], [sflag:$0x3], $0x8000, $0x38;
	[tilespmem:$0x11A00] =	vst v63  }
0x196: {  	_ =	swait.ge [sflag:s5], $0x8000  }
0x197: {  	[sflag:s5] =	ssyncset.done $0x0  }
0x198: {  	[sflag:s5] =	ssyncadd.s32 $0xFFFF8000  }
0x199: {  	[tilespmem:s7], [sflag:$0x1] =	stream.indirect.gather [hbm4b:s6+s8], $0x80, s19, s8, $0xb8;
	[tilespmem:$0x11A00] =	vst v63  }
0x19a: {  	_ =	swait.ge [sflag:s10], $0x8000  }
0x19b: {  	[sflag:s10] =	ssyncset.done $0x0  }
0x19c: {  	s0 =	rddreg [dreg:$0x14];
	[sflag:s10] =	ssyncadd.s32 $0xFFFF8000  }
0x19d: {  	[hbm4b:s0+s2] =	stream.linear.scatter [tilespmem:s4], [sflag:$0x4], $0x8000, $0x38;
	[tilespmem:$0x11A00] =	vst v63  }
0x19e: {  	_ =	swait.ge [sflag:s11], $0x8000  }
0x19f: {  	[sflag:s11] =	ssyncset.done $0x0  }
0x1a0: {  	[sflag:s11] =	ssyncadd.s32 $0xFFFF8000  }
0x1a1: {  	[tilespmem:s4], [sflag:$0x2] =	stream.indirect.gather [hbm4b:s6+s8], $0x80, s18, s8, $0xb8;
	[tilespmem:$0x11A00] =	vst v63  }
0x1a2: {  	_ =	swait.ge [sflag:s9], $0x8000  }
0x1a3: {  	[sflag:s9] =	ssyncset.done $0x0  }
0x1a4: {  	s0 =	rddreg [dreg:$0x15];
	[sflag:s9] =	ssyncadd.s32 $0xFFFF8000  }
0x1a5: {  	[hbm4b:s0+s2] =	stream.linear.scatter [tilespmem:s7], [sflag:$0x3], $0x8000, $0x38;
	[tilespmem:$0x11A00] =	vst v63  }
0x1a6: {  	_ =	swait.ge [sflag:s5], $0x8000  }
0x1a7: {  	[sflag:s5] =	ssyncset.done $0x0  }
0x1a8: {  	[sflag:s5] =	ssyncadd.s32 $0xFFFF8000  }
0x1a9: {  	[tilespmem:s7], [sflag:$0x1] =	stream.indirect.gather [hbm4b:s6+s8], $0x80, s17, s8, $0xb8;
	[tilespmem:$0x11A00] =	vst v63  }
0x1aa: {  	_ =	swait.ge [sflag:s10], $0x8000  }
0x1ab: {  	[sflag:s10] =	ssyncset.done $0x0  }
0x1ac: {  	s0 =	rddreg [dreg:$0x16];
	[sflag:s10] =	ssyncadd.s32 $0xFFFF8000  }
0x1ad: {  	[hbm4b:s0+s2] =	stream.linear.scatter [tilespmem:s4], [sflag:$0x4], $0x8000, $0x38;
	[tilespmem:$0x11A00] =	vst v63  }
0x1ae: {  	_ =	swait.ge [sflag:s11], $0x8000  }
0x1af: {  	[sflag:s11] =	ssyncset.done $0x0  }
0x1b0: {  	[sflag:s11] =	ssyncadd.s32 $0xFFFF8000  }
0x1b1: {  	[tilespmem:s4], [sflag:$0x2] =	stream.indirect.gather [hbm4b:s6+s8], $0x80, s16, s8, $0xb8;
	[tilespmem:$0x11A00] =	vst v63  }
0x1b2: {  	_ =	swait.ge [sflag:s9], $0x8000  }
0x1b3: {  	[sflag:s9] =	ssyncset.done $0x0  }
0x1b4: {  	s0 =	rddreg [dreg:$0x17];
	[sflag:s9] =	ssyncadd.s32 $0xFFFF8000  }
0x1b5: {  	[hbm4b:s0+s2] =	stream.linear.scatter [tilespmem:s7], [sflag:$0x3], $0x8000, $0x38;
	[tilespmem:$0x11A00] =	vst v63  }
0x1b6: {  	_ =	swait.ge [sflag:s5], $0x8000  }
0x1b7: {  	[sflag:s5] =	ssyncset.done $0x0  }
0x1b8: {  	[sflag:s5] =	ssyncadd.s32 $0xFFFF8000  }
0x1b9: {  	[tilespmem:s7], [sflag:$0x1] =	stream.indirect.gather [hbm4b:s6+s8], $0x80, s15, s8, $0xb8;
	[tilespmem:$0x11A00] =	vst v63  }
0x1ba: {  	_ =	swait.ge [sflag:s10], $0x8000  }
0x1bb: {  	[sflag:s10] =	ssyncset.done $0x0  }
0x1bc: {  	s0 =	rddreg [dreg:$0x18];
	[sflag:s10] =	ssyncadd.s32 $0xFFFF8000  }
0x1bd: {  	[hbm4b:s0+s2] =	stream.linear.scatter [tilespmem:s4], [sflag:$0x4], $0x8000, $0x38;
	[tilespmem:$0x11A00] =	vst v63  }
0x1be: {  	_ =	swait.ge [sflag:s11], $0x8000  }
0x1bf: {  	[sflag:s11] =	ssyncset.done $0x0  }
0x1c0: {  	[sflag:s11] =	ssyncadd.s32 $0xFFFF8000  }
0x1c1: {  	[tilespmem:s4], [sflag:$0x2] =	stream.indirect.gather [hbm4b:s6+s8], $0x80, s14, s8, $0xb8;
	[tilespmem:$0x11A00] =	vst v63  }
0x1c2: {  	_ =	swait.ge [sflag:s9], $0x8000  }
0x1c3: {  	[sflag:s9] =	ssyncset.done $0x0  }
0x1c4: {  	s0 =	rddreg [dreg:$0x19];
	[sflag:s9] =	ssyncadd.s32 $0xFFFF8000  }
0x1c5: {  	[hbm4b:s0+s2] =	stream.linear.scatter [tilespmem:s7], [sflag:$0x3], $0x8000, $0x38;
	[tilespmem:$0x11A00] =	vst v63  }
0x1c6: {  	_ =	swait.ge [sflag:s5], $0x8000  }
0x1c7: {  	[sflag:s5] =	ssyncset.done $0x0  }
0x1c8: {  	[sflag:s5] =	ssyncadd.s32 $0xFFFF8000  }
0x1c9: {  	[tilespmem:s7], [sflag:$0x1] =	stream.indirect.gather [hbm4b:s6+s8], $0x80, s13, s8, $0xb8;
	[tilespmem:$0x11A00] =	vst v63  }
0x1ca: {  	_ =	swait.ge [sflag:s10], $0x8000  }
0x1cb: {  	[sflag:s10] =	ssyncset.done $0x0  }
0x1cc: {  	s0 =	rddreg [dreg:$0x1a];
	[sflag:s10] =	ssyncadd.s32 $0xFFFF8000  }
0x1cd: {  	[hbm4b:s0+s2] =	stream.linear.scatter [tilespmem:s4], [sflag:$0x4], $0x8000, $0x38;
	[tilespmem:$0x11A00] =	vst v63  }
0x1ce: {  	_ =	swait.ge [sflag:s11], $0x8000  }
0x1cf: {  	[sflag:s11] =	ssyncset.done $0x0  }
0x1d0: {  	[sflag:s11] =	ssyncadd.s32 $0xFFFF8000  }
0x1d1: {  	[tilespmem:s4], [sflag:$0x2] =	stream.indirect.gather [hbm4b:s6+s8], $0x80, s12, s8, $0xb8;
	[tilespmem:$0x11A00] =	vst v63  }
0x1d2: {  	_ =	swait.ge [sflag:s9], $0x8000  }
0x1d3: {  	[sflag:s9] =	ssyncset.done $0x0  }
0x1d4: {  	s0 =	rddreg [dreg:$0x1b];
	[sflag:s9] =	ssyncadd.s32 $0xFFFF8000  }
0x1d5: {  	[hbm4b:s0+s2] =	stream.linear.scatter [tilespmem:s7], [sflag:$0x3], $0x8000, $0x38;
	[tilespmem:$0x11A00] =	vst v63  }
0x1d6: {  	_ =	swait.ge [sflag:s10], $0x8000  }
0x1d7: {  	[sflag:s10] =	ssyncset.done $0x0  }
0x1d8: {  	p1 =	sne.s32 s1, $0x1;
	s0 =	rddreg [dreg:$0x1c];
	[sflag:s10] =	ssyncadd.s32 $0xFFFF8000  }
0x1d9: {  	[hbm4b:s0+s2] =	stream.linear.scatter [tilespmem:s4], [sflag:$0x5], $0x8000, $0x38;
	[tilespmem:$0x11A00] =	vst v63  }
.Ltmp2:
0x1da: {  	_ =	swait.ge [sflag:s3], $0x8000;
	(pc) =	sbr.rel @p1 .LBB2_2-.Ltmp2, $4  }
0x1db: {  	[sflag:s3] =	ssyncset.done $0x0  }
0x1dc: {  	[sflag:s3] =	ssyncadd.s32 $0xFFFF8000  }
0x1dd: {  	_ =	swait.ge [sflag:s5], $0x8000  }
0x1de: {  	s1 =	sadd.s32 $0xFFFFFFFF, s1;
	s0 =	rddreg [dreg:$0x3];
	[sflag:s5] =	ssyncset.done $0x0  }
.LBB2_3:
0x1df: {  	[sflag:s5] =	ssyncadd.s32 @p0 $0xFFFF8000  }
0x1e0: {  	[tilespmem:s2], [sflag:$0x5] =	stream.linear.gather [hbm4b:s0+s2], $0x1A00, $0x38;
	[tilespmem:$0x11A00] =	vst v63  }
0x1e1: {  	_ =	swait.ge [sflag:s3], $0x1A00  }
0x1e2: {  	[sflag:s3] =	ssyncset.done $0x0  }
0x1e3: {  	[sflag:s3] =	ssyncadd.s32 $0xFFFFE600  }
0x1e4: {  	[tilespmem:s7], [sflag:$0x1] =	stream.indirect.gather [hbm4b:s6+s8], $0x80, s2, s8, $0xb8;
	[tilespmem:$0x11A00] =	vst v63  }
0x1e5: {  	_ = 	snop  }
0x1e6: {  	[tilespmem:s4], [sflag:$0x2] =	stream.indirect.gather [hbm4b:s6+s8], $0x80, s8, s8, $0xb8;
	[tilespmem:$0x11A00] =	vst v63  }
0x1e7: {  	_ =	swait.ge [sflag:s9], $0x8000  }
0x1e8: {  	[sflag:s9] =	ssyncset.done $0x0  }
0x1e9: {  	[sflag:s9] =	ssyncadd.s32 $0xFFFF8000  }
0x1ea: {  	[hbm4b:s29+s2] =	stream.linear.scatter [tilespmem:s7], [sflag:$0x3], $0x8000, $0x38;
	[tilespmem:$0x11A00] =	vst v63  }
0x1eb: {  	_ =	swait.ge [sflag:s5], $0x8000  }
0x1ec: {  	[sflag:s5] =	ssyncset.done $0x0  }
0x1ed: {  	s29 =	rddreg [dreg:$0x1d];
	[sflag:s5] =	ssyncadd.s32 $0xFFFF8000  }
0x1ee: {  	[tilespmem:s7], [sflag:$0x1] =	stream.indirect.gather [hbm4b:s6+s8], $0x80, s29, s8, $0xb8;
	[tilespmem:$0x11A00] =	vst v63  }
0x1ef: {  	_ =	swait.ge [sflag:s10], $0x8000  }
0x1f0: {  	[sflag:s10] =	ssyncset.done $0x0  }
0x1f1: {  	s1 =	rddreg [dreg:$0x4];
	[sflag:s10] =	ssyncadd.s32 $0xFFFF8000  }
0x1f2: {  	[hbm4b:s1+s2] =	stream.linear.scatter [tilespmem:s4], [sflag:$0x4], $0x8000, $0x38;
	[tilespmem:$0x11A00] =	vst v63  }
0x1f3: {  	_ =	swait.ge [sflag:s11], $0x8000  }
0x1f4: {  	[sflag:s11] =	ssyncset.done $0x0  }
0x1f5: {  	s29 =	rddreg [dreg:$0x1e];
	[sflag:s11] =	ssyncadd.s32 $0xFFFF8000  }
0x1f6: {  	[tilespmem:s4], [sflag:$0x2] =	stream.indirect.gather [hbm4b:s6+s8], $0x80, s29, s8, $0xb8;
	[tilespmem:$0x11A00] =	vst v63  }
0x1f7: {  	_ =	swait.ge [sflag:s9], $0x8000  }
0x1f8: {  	[sflag:s9] =	ssyncset.done $0x0  }
0x1f9: {  	s1 =	rddreg [dreg:$0x5];
	[sflag:s9] =	ssyncadd.s32 $0xFFFF8000  }
0x1fa: {  	[hbm4b:s1+s2] =	stream.linear.scatter [tilespmem:s7], [sflag:$0x3], $0x8000, $0x38;
	[tilespmem:$0x11A00] =	vst v63  }
0x1fb: {  	_ =	swait.ge [sflag:s5], $0x8000  }
0x1fc: {  	[sflag:s5] =	ssyncset.done $0x0  }
0x1fd: {  	s29 =	rddreg [dreg:$0x1f];
	[sflag:s5] =	ssyncadd.s32 $0xFFFF8000  }
0x1fe: {  	[tilespmem:s7], [sflag:$0x1] =	stream.indirect.gather [hbm4b:s6+s8], $0x80, s29, s8, $0xb8;
	[tilespmem:$0x11A00] =	vst v63  }
0x1ff: {  	_ =	swait.ge [sflag:s10], $0x8000  }
0x200: {  	[sflag:s10] =	ssyncset.done $0x0  }
0x201: {  	s1 =	rddreg [dreg:$0x6];
	[sflag:s10] =	ssyncadd.s32 $0xFFFF8000  }
0x202: {  	[hbm4b:s1+s2] =	stream.linear.scatter [tilespmem:s4], [sflag:$0x4], $0x8000, $0x38;
	[tilespmem:$0x11A00] =	vst v63  }
0x203: {  	_ =	swait.ge [sflag:s11], $0x8000  }
0x204: {  	s29 =	sld [smem:$0x7FB]  }
0x205: {  	[sflag:s11] =	ssyncset.done $0x0  }
0x206: {  	[sflag:s11] =	ssyncadd.s32 $0xFFFF8000  }
0x207: {  	[tilespmem:s4], [sflag:$0x2] =	stream.indirect.gather [hbm4b:s6+s8], $0x80, s29, s8, $0xb8;
	[tilespmem:$0x11A00] =	vst v63  }
0x208: {  	_ =	swait.ge [sflag:s9], $0x8000  }
0x209: {  	[sflag:s9] =	ssyncset.done $0x0  }
0x20a: {  	s1 =	rddreg [dreg:$0x7];
	[sflag:s9] =	ssyncadd.s32 $0xFFFF8000  }
0x20b: {  	[hbm4b:s1+s2] =	stream.linear.scatter [tilespmem:s7], [sflag:$0x3], $0x8000, $0x38;
	[tilespmem:$0x11A00] =	vst v63  }
0x20c: {  	_ =	swait.ge [sflag:s5], $0x8000  }
0x20d: {  	s29 =	sld [smem:$0x7FC]  }
0x20e: {  	[sflag:s5] =	ssyncset.done $0x0  }
0x20f: {  	[sflag:s5] =	ssyncadd.s32 $0xFFFF8000  }
0x210: {  	[tilespmem:s7], [sflag:$0x1] =	stream.indirect.gather [hbm4b:s6+s8], $0x80, s29, s8, $0xb8;
	[tilespmem:$0x11A00] =	vst v63  }
0x211: {  	_ =	swait.ge [sflag:s10], $0x8000  }
0x212: {  	[sflag:s10] =	ssyncset.done $0x0  }
0x213: {  	s1 =	rddreg [dreg:$0x8];
	[sflag:s10] =	ssyncadd.s32 $0xFFFF8000  }
0x214: {  	[hbm4b:s1+s2] =	stream.linear.scatter [tilespmem:s4], [sflag:$0x4], $0x8000, $0x38;
	[tilespmem:$0x11A00] =	vst v63  }
0x215: {  	_ =	swait.ge [sflag:s11], $0x8000  }
0x216: {  	s29 =	sld [smem:$0x7FD]  }
0x217: {  	[sflag:s11] =	ssyncset.done $0x0  }
0x218: {  	[sflag:s11] =	ssyncadd.s32 $0xFFFF8000  }
0x219: {  	[tilespmem:s4], [sflag:$0x2] =	stream.indirect.gather [hbm4b:s6+s8], $0x80, s29, s8, $0xb8;
	[tilespmem:$0x11A00] =	vst v63  }
0x21a: {  	_ =	swait.ge [sflag:s9], $0x8000  }
0x21b: {  	[sflag:s9] =	ssyncset.done $0x0  }
0x21c: {  	s1 =	rddreg [dreg:$0x9];
	[sflag:s9] =	ssyncadd.s32 $0xFFFF8000  }
0x21d: {  	[hbm4b:s1+s2] =	stream.linear.scatter [tilespmem:s7], [sflag:$0x3], $0x8000, $0x38;
	[tilespmem:$0x11A00] =	vst v63  }
0x21e: {  	_ =	swait.ge [sflag:s5], $0x8000  }
0x21f: {  	[sflag:s5] =	ssyncset.done $0x0  }
0x220: {  	[sflag:s5] =	ssyncadd.s32 $0xFFFF8000  }
0x221: {  	[tilespmem:s7], [sflag:$0x1] =	stream.indirect.gather [hbm4b:s6+s8], $0x80, s31, s8, $0xb8;
	[tilespmem:$0x11A00] =	vst v63  }
0x222: {  	_ =	swait.ge [sflag:s10], $0x8000  }
0x223: {  	[sflag:s10] =	ssyncset.done $0x0  }
0x224: {  	s29 =	rddreg [dreg:$0xa];
	[sflag:s10] =	ssyncadd.s32 $0xFFFF8000  }
0x225: {  	[hbm4b:s29+s2] =	stream.linear.scatter [tilespmem:s4], [sflag:$0x4], $0x8000, $0x38;
	[tilespmem:$0x11A00] =	vst v63  }
0x226: {  	_ =	swait.ge [sflag:s11], $0x8000  }
0x227: {  	[sflag:s11] =	ssyncset.done $0x0  }
0x228: {  	[sflag:s11] =	ssyncadd.s32 $0xFFFF8000  }
0x229: {  	[tilespmem:s4], [sflag:$0x2] =	stream.indirect.gather [hbm4b:s6+s8], $0x80, s30, s8, $0xb8;
	[tilespmem:$0x11A00] =	vst v63  }
0x22a: {  	_ =	swait.ge [sflag:s9], $0x8000  }
0x22b: {  	[sflag:s9] =	ssyncset.done $0x0  }
0x22c: {  	s31 =	rddreg [dreg:$0xb];
	[sflag:s9] =	ssyncadd.s32 $0xFFFF8000  }
0x22d: {  	[hbm4b:s31+s2] =	stream.linear.scatter [tilespmem:s7], [sflag:$0x3], $0x8000, $0x38;
	[tilespmem:$0x11A00] =	vst v63  }
0x22e: {  	_ =	swait.ge [sflag:s5], $0x8000  }
0x22f: {  	[sflag:s5] =	ssyncset.done $0x0  }
0x230: {  	[sflag:s5] =	ssyncadd.s32 $0xFFFF8000  }
0x231: {  	[tilespmem:s7], [sflag:$0x1] =	stream.indirect.gather [hbm4b:s6+s8], $0x80, s28, s8, $0xb8;
	[tilespmem:$0x11A00] =	vst v63  }
0x232: {  	_ =	swait.ge [sflag:s10], $0x8000  }
0x233: {  	[sflag:s10] =	ssyncset.done $0x0  }
0x234: {  	s1 =	rddreg [dreg:$0xc];
	[sflag:s10] =	ssyncadd.s32 $0xFFFF8000  }
0x235: {  	[hbm4b:s1+s2] =	stream.linear.scatter [tilespmem:s4], [sflag:$0x4], $0x8000, $0x38;
	[tilespmem:$0x11A00] =	vst v63  }
0x236: {  	_ =	swait.ge [sflag:s11], $0x8000  }
0x237: {  	[sflag:s11] =	ssyncset.done $0x0  }
0x238: {  	[sflag:s11] =	ssyncadd.s32 $0xFFFF8000  }
0x239: {  	[tilespmem:s4], [sflag:$0x2] =	stream.indirect.gather [hbm4b:s6+s8], $0x80, s26, s8, $0xb8;
	[tilespmem:$0x11A00] =	vst v63  }
0x23a: {  	_ =	swait.ge [sflag:s9], $0x8000  }
0x23b: {  	[sflag:s9] =	ssyncset.done $0x0  }
0x23c: {  	s26 =	rddreg [dreg:$0xd];
	[sflag:s9] =	ssyncadd.s32 $0xFFFF8000  }
0x23d: {  	[hbm4b:s26+s2] =	stream.linear.scatter [tilespmem:s7], [sflag:$0x3], $0x8000, $0x38;
	[tilespmem:$0x11A00] =	vst v63  }
0x23e: {  	_ =	swait.ge [sflag:s5], $0x8000  }
0x23f: {  	[sflag:s5] =	ssyncset.done $0x0  }
0x240: {  	[sflag:s5] =	ssyncadd.s32 $0xFFFF8000  }
0x241: {  	[tilespmem:s7], [sflag:$0x1] =	stream.indirect.gather [hbm4b:s6+s8], $0x80, s25, s8, $0xb8;
	[tilespmem:$0x11A00] =	vst v63  }
0x242: {  	_ =	swait.ge [sflag:s10], $0x8000  }
0x243: {  	[sflag:s10] =	ssyncset.done $0x0  }
0x244: {  	s28 =	rddreg [dreg:$0xe];
	[sflag:s10] =	ssyncadd.s32 $0xFFFF8000  }
0x245: {  	[hbm4b:s28+s2] =	stream.linear.scatter [tilespmem:s4], [sflag:$0x4], $0x8000, $0x38;
	[tilespmem:$0x11A00] =	vst v63  }
0x246: {  	_ =	swait.ge [sflag:s11], $0x8000  }
0x247: {  	[sflag:s11] =	ssyncset.done $0x0  }
0x248: {  	[sflag:s11] =	ssyncadd.s32 $0xFFFF8000  }
0x249: {  	[tilespmem:s4], [sflag:$0x2] =	stream.indirect.gather [hbm4b:s6+s8], $0x80, s24, s8, $0xb8;
	[tilespmem:$0x11A00] =	vst v63  }
0x24a: {  	_ =	swait.ge [sflag:s9], $0x8000  }
0x24b: {  	[sflag:s9] =	ssyncset.done $0x0  }
0x24c: {  	s29 =	rddreg [dreg:$0xf];
	[sflag:s9] =	ssyncadd.s32 $0xFFFF8000  }
0x24d: {  	[hbm4b:s29+s2] =	stream.linear.scatter [tilespmem:s7], [sflag:$0x3], $0x8000, $0x38;
	[tilespmem:$0x11A00] =	vst v63  }
0x24e: {  	_ =	swait.ge [sflag:s5], $0x8000  }
0x24f: {  	[sflag:s5] =	ssyncset.done $0x0  }
0x250: {  	[sflag:s5] =	ssyncadd.s32 $0xFFFF8000  }
0x251: {  	[tilespmem:s7], [sflag:$0x1] =	stream.indirect.gather [hbm4b:s6+s8], $0x80, s23, s8, $0xb8;
	[tilespmem:$0x11A00] =	vst v63  }
0x252: {  	_ =	swait.ge [sflag:s10], $0x8000  }
0x253: {  	[sflag:s10] =	ssyncset.done $0x0  }
0x254: {  	s30 =	rddreg [dreg:$0x10];
	[sflag:s10] =	ssyncadd.s32 $0xFFFF8000  }
0x255: {  	[hbm4b:s30+s2] =	stream.linear.scatter [tilespmem:s4], [sflag:$0x4], $0x8000, $0x38;
	[tilespmem:$0x11A00] =	vst v63  }
0x256: {  	_ =	swait.ge [sflag:s11], $0x8000  }
0x257: {  	[sflag:s11] =	ssyncset.done $0x0  }
0x258: {  	[sflag:s11] =	ssyncadd.s32 $0xFFFF8000  }
0x259: {  	[tilespmem:s4], [sflag:$0x2] =	stream.indirect.gather [hbm4b:s6+s8], $0x80, s22, s8, $0xb8;
	[tilespmem:$0x11A00] =	vst v63  }
0x25a: {  	_ =	swait.ge [sflag:s9], $0x8000  }
0x25b: {  	[sflag:s9] =	ssyncset.done $0x0  }
0x25c: {  	s31 =	rddreg [dreg:$0x11];
	[sflag:s9] =	ssyncadd.s32 $0xFFFF8000  }
0x25d: {  	[hbm4b:s31+s2] =	stream.linear.scatter [tilespmem:s7], [sflag:$0x3], $0x8000, $0x38;
	[tilespmem:$0x11A00] =	vst v63  }
0x25e: {  	_ =	swait.ge [sflag:s5], $0x8000  }
0x25f: {  	[sflag:s5] =	ssyncset.done $0x0  }
0x260: {  	[sflag:s5] =	ssyncadd.s32 $0xFFFF8000  }
0x261: {  	[tilespmem:s7], [sflag:$0x1] =	stream.indirect.gather [hbm4b:s6+s8], $0x80, s21, s8, $0xb8;
	[tilespmem:$0x11A00] =	vst v63  }
0x262: {  	_ =	swait.ge [sflag:s10], $0x8000  }
0x263: {  	[sflag:s10] =	ssyncset.done $0x0  }
0x264: {  	s1 =	rddreg [dreg:$0x12];
	[sflag:s10] =	ssyncadd.s32 $0xFFFF8000  }
0x265: {  	[hbm4b:s1+s2] =	stream.linear.scatter [tilespmem:s4], [sflag:$0x4], $0x8000, $0x38;
	[tilespmem:$0x11A00] =	vst v63  }
0x266: {  	_ =	swait.ge [sflag:s11], $0x8000  }
0x267: {  	[sflag:s11] =	ssyncset.done $0x0  }
0x268: {  	[sflag:s11] =	ssyncadd.s32 $0xFFFF8000  }
0x269: {  	[tilespmem:s4], [sflag:$0x2] =	stream.indirect.gather [hbm4b:s6+s8], $0x80, s20, s8, $0xb8;
	[tilespmem:$0x11A00] =	vst v63  }
0x26a: {  	_ =	swait.ge [sflag:s9], $0x8000  }
0x26b: {  	[sflag:s9] =	ssyncset.done $0x0  }
0x26c: {  	s20 =	rddreg [dreg:$0x13];
	[sflag:s9] =	ssyncadd.s32 $0xFFFF8000  }
0x26d: {  	[hbm4b:s20+s2] =	stream.linear.scatter [tilespmem:s7], [sflag:$0x3], $0x8000, $0x38;
	[tilespmem:$0x11A00] =	vst v63  }
0x26e: {  	_ =	swait.ge [sflag:s5], $0x8000  }
0x26f: {  	[sflag:s5] =	ssyncset.done $0x0  }
0x270: {  	[sflag:s5] =	ssyncadd.s32 $0xFFFF8000  }
0x271: {  	[tilespmem:s7], [sflag:$0x1] =	stream.indirect.gather [hbm4b:s6+s8], $0x80, s19, s8, $0xb8;
	[tilespmem:$0x11A00] =	vst v63  }
0x272: {  	_ =	swait.ge [sflag:s10], $0x8000  }
0x273: {  	[sflag:s10] =	ssyncset.done $0x0  }
0x274: {  	s21 =	rddreg [dreg:$0x14];
	[sflag:s10] =	ssyncadd.s32 $0xFFFF8000  }
0x275: {  	[hbm4b:s21+s2] =	stream.linear.scatter [tilespmem:s4], [sflag:$0x4], $0x8000, $0x38;
	[tilespmem:$0x11A00] =	vst v63  }
0x276: {  	_ =	swait.ge [sflag:s11], $0x8000  }
0x277: {  	[sflag:s11] =	ssyncset.done $0x0  }
0x278: {  	[sflag:s11] =	ssyncadd.s32 $0xFFFF8000  }
0x279: {  	[tilespmem:s4], [sflag:$0x2] =	stream.indirect.gather [hbm4b:s6+s8], $0x80, s18, s8, $0xb8;
	[tilespmem:$0x11A00] =	vst v63  }
0x27a: {  	_ =	swait.ge [sflag:s9], $0x8000  }
0x27b: {  	[sflag:s9] =	ssyncset.done $0x0  }
0x27c: {  	s22 =	rddreg [dreg:$0x15];
	[sflag:s9] =	ssyncadd.s32 $0xFFFF8000  }
0x27d: {  	[hbm4b:s22+s2] =	stream.linear.scatter [tilespmem:s7], [sflag:$0x3], $0x8000, $0x38;
	[tilespmem:$0x11A00] =	vst v63  }
0x27e: {  	_ =	swait.ge [sflag:s5], $0x8000  }
0x27f: {  	[sflag:s5] =	ssyncset.done $0x0  }
0x280: {  	[sflag:s5] =	ssyncadd.s32 $0xFFFF8000  }
0x281: {  	[tilespmem:s7], [sflag:$0x1] =	stream.indirect.gather [hbm4b:s6+s8], $0x80, s17, s8, $0xb8;
	[tilespmem:$0x11A00] =	vst v63  }
0x282: {  	_ =	swait.ge [sflag:s10], $0x8000  }
0x283: {  	[sflag:s10] =	ssyncset.done $0x0  }
0x284: {  	s23 =	rddreg [dreg:$0x16];
	[sflag:s10] =	ssyncadd.s32 $0xFFFF8000  }
0x285: {  	[hbm4b:s23+s2] =	stream.linear.scatter [tilespmem:s4], [sflag:$0x4], $0x8000, $0x38;
	[tilespmem:$0x11A00] =	vst v63  }
0x286: {  	_ =	swait.ge [sflag:s11], $0x8000  }
0x287: {  	[sflag:s11] =	ssyncset.done $0x0  }
0x288: {  	[sflag:s11] =	ssyncadd.s32 $0xFFFF8000  }
0x289: {  	[tilespmem:s4], [sflag:$0x2] =	stream.indirect.gather [hbm4b:s6+s8], $0x80, s16, s8, $0xb8;
	[tilespmem:$0x11A00] =	vst v63  }
0x28a: {  	_ =	swait.ge [sflag:s9], $0x8000  }
0x28b: {  	[sflag:s9] =	ssyncset.done $0x0  }
0x28c: {  	s24 =	rddreg [dreg:$0x17];
	[sflag:s9] =	ssyncadd.s32 $0xFFFF8000  }
0x28d: {  	[hbm4b:s24+s2] =	stream.linear.scatter [tilespmem:s7], [sflag:$0x3], $0x8000, $0x38;
	[tilespmem:$0x11A00] =	vst v63  }
0x28e: {  	_ =	swait.ge [sflag:s5], $0x8000  }
0x28f: {  	[sflag:s5] =	ssyncset.done $0x0  }
0x290: {  	[sflag:s5] =	ssyncadd.s32 $0xFFFF8000  }
0x291: {  	[tilespmem:s7], [sflag:$0x1] =	stream.indirect.gather [hbm4b:s6+s8], $0x80, s15, s8, $0xb8;
	[tilespmem:$0x11A00] =	vst v63  }
0x292: {  	_ =	swait.ge [sflag:s10], $0x8000  }
0x293: {  	[sflag:s10] =	ssyncset.done $0x0  }
0x294: {  	s25 =	rddreg [dreg:$0x18];
	[sflag:s10] =	ssyncadd.s32 $0xFFFF8000  }
0x295: {  	[hbm4b:s25+s2] =	stream.linear.scatter [tilespmem:s4], [sflag:$0x4], $0x8000, $0x38;
	[tilespmem:$0x11A00] =	vst v63  }
0x296: {  	_ =	swait.ge [sflag:s11], $0x8000  }
0x297: {  	[sflag:s11] =	ssyncset.done $0x0  }
0x298: {  	[sflag:s11] =	ssyncadd.s32 $0xFFFF8000  }
0x299: {  	[tilespmem:s4], [sflag:$0x2] =	stream.indirect.gather [hbm4b:s6+s8], $0x80, s14, s8, $0xb8;
	[tilespmem:$0x11A00] =	vst v63  }
0x29a: {  	_ =	swait.ge [sflag:s9], $0x8000  }
0x29b: {  	[sflag:s9] =	ssyncset.done $0x0  }
0x29c: {  	s26 =	rddreg [dreg:$0x19];
	[sflag:s9] =	ssyncadd.s32 $0xFFFF8000  }
0x29d: {  	[hbm4b:s26+s2] =	stream.linear.scatter [tilespmem:s7], [sflag:$0x3], $0x8000, $0x38;
	[tilespmem:$0x11A00] =	vst v63  }
0x29e: {  	_ =	swait.ge [sflag:s5], $0x8000  }
0x29f: {  	[sflag:s5] =	ssyncset.done $0x0  }
0x2a0: {  	[sflag:s5] =	ssyncadd.s32 $0xFFFF8000  }
0x2a1: {  	[tilespmem:s7], [sflag:$0x1] =	stream.indirect.gather [hbm4b:s6+s8], $0x80, s13, s8, $0xb8;
	[tilespmem:$0x11A00] =	vst v63  }
0x2a2: {  	_ =	swait.ge [sflag:s10], $0x8000  }
0x2a3: {  	[sflag:s10] =	ssyncset.done $0x0  }
0x2a4: {  	s28 =	rddreg [dreg:$0x1a];
	[sflag:s10] =	ssyncadd.s32 $0xFFFF8000  }
0x2a5: {  	[hbm4b:s28+s2] =	stream.linear.scatter [tilespmem:s4], [sflag:$0x4], $0x8000, $0x38;
	[tilespmem:$0x11A00] =	vst v63  }
0x2a6: {  	_ =	swait.ge [sflag:s11], $0x8000  }
0x2a7: {  	[sflag:s11] =	ssyncset.done $0x0  }
0x2a8: {  	[sflag:s11] =	ssyncadd.s32 $0xFFFF8000  }
0x2a9: {  	[tilespmem:s4], [sflag:$0x2] =	stream.indirect.gather [hbm4b:s6+s8], $0x80, s12, s8, $0xb8;
	[tilespmem:$0x11A00] =	vst v63  }
0x2aa: {  	_ =	swait.ge [sflag:s9], $0x8000  }
0x2ab: {  	[sflag:s9] =	ssyncset.done $0x0  }
0x2ac: {  	s29 =	rddreg [dreg:$0x1b];
	[sflag:s9] =	ssyncadd.s32 $0xFFFF8000  }
0x2ad: {  	[hbm4b:s29+s2] =	stream.linear.scatter [tilespmem:s7], [sflag:$0x3], $0x8000, $0x38;
	[tilespmem:$0x11A00] =	vst v63  }
0x2ae: {  	_ =	swait.ge [sflag:s10], $0x8000  }
0x2af: {  	[sflag:s10] =	ssyncset.done $0x0  }
0x2b0: {  	s30 =	rddreg [dreg:$0x1c];
	[sflag:s10] =	ssyncadd.s32 $0xFFFF8000  }
0x2b1: {  	[hbm4b:s30+s2] =	stream.linear.scatter [tilespmem:s4], [sflag:$0x5], $0x8000, $0x38;
	[tilespmem:$0x11A00] =	vst v63  }
0x2b2: {  	_ =	swait.ge [sflag:s3], $0x8000  }
0x2b3: {  	[sflag:s3] =	ssyncset.done $0x0  }
0x2b4: {  	[sflag:s3] =	ssyncadd.s32 $0xFFFF8000  }
0x2b5: {  	_ =	swait.ge [sflag:s5], $0x8000  }
0x2b6: {  	[sflag:s5] =	ssyncset.done $0x0  }
0x2b7: {  	[sflag:s5] =	ssyncadd.s32 $0xFFFF8000  }
0x2b8: {  	_ =	sfence.sel $0x180000  }
0x2b9: {  	[bflag:$0x0] =	sbarrier.arrive $0xFFFF  }
0x2ba: {  	_ =	strace $0x90000047  }
0x2bb: {  	s31 =	stileid.u32;
	[bflag:$0x2] =	sbarrier.arrive $0xFFFF  }
0x2bc: {  	p0 =	sne.s32 s31, $0x0;
	s0 =	rddreg [dreg:$0x2]  }
0x2bd: {  	s0 =	sadd.s32 @!p0 $0x100000, s0  }
0x2be: {  	[sflag:s0] =	ssyncadd.tile.s32 @!p0 $0x1;
	_ =	shalt  }
.Lfunc_end2:
_tile_overlayer_lowered:
.L_overlay_start_2:
0x2bf: {  	(tag) =	ssettag $0x2  }
0x2c0: {  	s0 =	rddreg [dreg:$0x0];
	s2 =	stileid.u32  }
0x2c1: {  	s1 =	rddreg [dreg:$0x1];
	p0 =	sne.s32 s2, $0x0  }
0x2c2: {  	s3 =	rddreg [dreg:$0x2];
	[bflag:$0x3] =	sbarrier.arrive $0xFFFF;
	s2 =	simm.s32 @!p0 $0x1C05  }
0x2c3: {  	[timem:s3], [sflag:s2] =	dma.local @!p0 [hbm:s0], s1  }
0x2c4: {  	s0 =	simm.s32 @!p0 $0x5  }
0x2c5: {  	_ =	swait.ge @!p0 [sflag:s0], s1  }
0x2c6: {  	s1 =	ssub.s32 @!p0 $0x0, s1;
	[sflag:s0] =	ssyncset.done @!p0 $0x0  }
0x2c7: {  	[sflag:s0] =	ssyncadd.s32 @!p0 s1  }
0x2c8: {  	[bflag:$0x3] =	sbarrier.arrive $0xFFFF  }
0x2c9: {  	_ =	shalt  }

</sc_bundles>
